<compile_context>
chip_gen: v7x
topology: tpu7x:2x2x1
jax: 0.10.2.dev20260603
libtpu: 0.0.44.dev20260713+nightly
codegen_flags: <defaults>
</compile_context>

<pallas_src>
import functools

import jax
import jax.numpy as jnp
from jax import lax
from jax.experimental import pallas as pl
from jax.experimental.pallas import tpu as pltpu
from jax.experimental.pallas import tpu_sc as plsc

N = 10000
NP = 10240
E_TRAIN = 640000
E_PAD = 655360
E_DEC = 100000
ED_PAD = 102400
HID = 768
NC = 5
CH = 128
NCHUNK = E_PAD // CH
NCHUNK_HALF = NCHUNK // 2
TCH = NCHUNK_HALF // 16
NDCH = ED_PAD // CH
DCH_W = NDCH // 32
NSUB = 16
SLC = NP // NSUB

_mesh = plsc.VectorSubcoreMesh(core_axis_name="c", subcore_axis_name="s")
_sc_params = pltpu.CompilerParams(needs_layout_passes=False,
                                  use_tc_tiling_on_sc=False)


def _fill_const(ref, n16, value):
    @pl.loop(0, n16)
    def _(i):
        ref[pl.ds(i * 16, 16)] = jnp.full((16,), value, jnp.float32)


@functools.partial(
    pl.kernel,
    out_type=jax.ShapeDtypeStruct((2, NP), jnp.float32),
    mesh=_mesh,
    compiler_params=_sc_params,
    scratch_types=[
        pltpu.VMEM((8, CH), jnp.int32),
        pltpu.VMEM((CH,), jnp.float32),
        pltpu.VMEM((SLC,), jnp.float32),
        pltpu.VMEM_SHARED((NP,), jnp.float32),
        pltpu.SemaphoreType.DMA,
    ],
)
def _sc_deg(td2d, deg_out, idx2, ones_v, fill_v, deg_s, sem):
    c = lax.axis_index("c")
    s = lax.axis_index("s")
    base = s * SLC
    start = c * NCHUNK_HALF + s * TCH

    _fill_const(fill_v, SLC // 16, 0.0)
    pltpu.sync_copy(fill_v, deg_s.at[pl.ds(base, SLC)])
    _fill_const(ones_v, CH // 16, 1.0)
    plsc.subcore_barrier()

    @pl.loop(0, TCH // 8)
    def _(b):
        cb = start + b * 8
        pltpu.sync_copy(td2d.at[pl.ds(cb, 8)], idx2)
        descs = [pltpu.async_copy(ones_v, deg_s.at[idx2.at[j]], sem, add=True)
                 for j in range(8)]
        for d in descs:
            d.wait()

    plsc.subcore_barrier()
    pltpu.sync_copy(deg_s.at[pl.ds(base, SLC)], deg_out.at[c, pl.ds(base, SLC)])


@functools.partial(
    pl.kernel,
    out_type=jax.ShapeDtypeStruct((2, NP), jnp.float32),
    mesh=_mesh,
    compiler_params=_sc_params,
    scratch_types=[
        pltpu.VMEM((8, CH), jnp.int32),
        pltpu.VMEM((8, CH), jnp.int32),
        pltpu.VMEM((8, CH), jnp.float32),
        pltpu.VMEM((SLC,), jnp.float32),
        pltpu.VMEM((NP,), jnp.float32),
        pltpu.VMEM_SHARED((NP,), jnp.float32),
        pltpu.SemaphoreType.DMA,
    ],
)
def _sc_g1(ts2d, td2d, u_hbm, g1_out, idxa2, idxb2, valb, fill_v, tab, g1_s,
           sem):
    c = lax.axis_index("c")
    s = lax.axis_index("s")
    base = s * SLC
    start = c * NCHUNK_HALF + s * TCH

    _fill_const(fill_v, SLC // 16, 0.0)
    pltpu.sync_copy(fill_v, g1_s.at[pl.ds(base, SLC)])
    pltpu.sync_copy(u_hbm, tab)
    plsc.subcore_barrier()

    @pl.loop(0, TCH // 8)
    def _(b):
        cb = start + b * 8
        pltpu.sync_copy(ts2d.at[pl.ds(cb, 8)], idxa2)
        pltpu.sync_copy(td2d.at[pl.ds(cb, 8)], idxb2)

        @pl.loop(0, 8)
        def _(r):
            for k in range(CH // 16):
                sl = pl.ds(k * 16, 16)
                valb[r, sl] = plsc.load_gather(tab, [idxa2[r, sl]])

        descs = [pltpu.async_copy(valb.at[j], g1_s.at[idxb2.at[j]], sem,
                                  add=True)
                 for j in range(8)]
        for d in descs:
            d.wait()

    plsc.subcore_barrier()
    pltpu.sync_copy(g1_s.at[pl.ds(base, SLC)], g1_out.at[c, pl.ds(base, SLC)])


@functools.partial(
    pl.kernel,
    out_type=jax.ShapeDtypeStruct((2, NP, 64), jnp.float32),
    mesh=_mesh,
    compiler_params=_sc_params,
    scratch_types=[
        pltpu.VMEM((8, CH), jnp.int32),
        pltpu.VMEM((8, CH), jnp.int32),
        pltpu.VMEM((8, CH, 64), jnp.float32),
        pltpu.VMEM_SHARED((NP, 64), jnp.float32),
        pltpu.SemaphoreType.DMA,
        pltpu.SemaphoreType.DMA,
        pltpu.SemaphoreType.DMA,
        pltpu.SemaphoreType.DMA,
    ],
)
def _sc_stage2(ts2d, td2d, u2_hbm, g2_out, idxa, idxb, rows, acc_s,
               gsemA, gsemB, ssemA, ssemB):
    c = lax.axis_index("c")
    s = lax.axis_index("s")
    start = c * NCHUNK_HALF + s * TCH

    @pl.loop(0, CH)
    def _(r):
        for j in range(4):
            rows[0, r, pl.ds(j * 16, 16)] = jnp.zeros((16,), jnp.float32)

    for k in range(SLC // CH):
        pltpu.sync_copy(rows.at[0], acc_s.at[pl.ds(s * SLC + k * CH, CH)])
    plsc.subcore_barrier()

    gsems = (gsemA, gsemB)
    ssems = (ssemA, ssemB)

    def fire_gathers(st):
        for j in range(4):
            pltpu.async_copy(u2_hbm.at[idxa.at[st * 4 + j]],
                             rows.at[st * 4 + j], gsems[st])

    def fire_scatters(st):
        for j in range(4):
            pltpu.async_copy(rows.at[st * 4 + j],
                             acc_s.at[idxb.at[st * 4 + j]],
                             ssems[st], add=True)

    def wait_gathers(st):
        for j in range(4):
            pltpu.make_async_copy(u2_hbm.at[idxa.at[j]],
                                  rows.at[st * 4 + j], gsems[st]).wait()

    def wait_scatters(st):
        for j in range(4):
            pltpu.make_async_copy(rows.at[st * 4 + j],
                                  acc_s.at[idxb.at[j]], ssems[st]).wait()

    nb2 = TCH // 8

    @pl.loop(0, nb2)
    def _(b):
        cb = start + b * 8
        pltpu.sync_copy(ts2d.at[pl.ds(cb, 8)], idxa)
        pltpu.sync_copy(td2d.at[pl.ds(cb, 8)], idxb)
        fire_gathers(0)
        fire_gathers(1)
        for st in range(2):
            wait_gathers(st)
            fire_scatters(st)
        for st in range(2):
            wait_scatters(st)

    plsc.subcore_barrier()
    pltpu.sync_copy(acc_s.at[pl.ds(s * SLC, SLC)],
                    g2_out.at[c, pl.ds(s * SLC, SLC)])


@functools.partial(
    pl.kernel,
    out_type=jax.ShapeDtypeStruct((ED_PAD, 64), jnp.float32),
    mesh=_mesh,
    compiler_params=_sc_params,
    scratch_types=[
        pltpu.VMEM((DCH_W, CH), jnp.int32),
        pltpu.VMEM((DCH_W, CH), jnp.int32),
        pltpu.VMEM((5, CH, 64), jnp.float32),
        pltpu.VMEM((5, CH, 64), jnp.float32),
        pltpu.SemaphoreType.DMA,
        pltpu.SemaphoreType.DMA,
        pltpu.SemaphoreType.DMA,
    ],
)
def _sc_stage3(e0_2d, e1_2d, z2_hbm, nr_out, idxa, idxb, rows0, rows1,
               g0sem, g1sem, stsem):
    c = lax.axis_index("c")
    s = lax.axis_index("s")
    wid = s * 2 + c
    start = wid * DCH_W
    nb = DCH_W // 5

    pltpu.sync_copy(e0_2d.at[pl.ds(start, DCH_W)], idxa)
    pltpu.sync_copy(e1_2d.at[pl.ds(start, DCH_W)], idxb)

    def fire_gathers(batch):
        for j in range(5):
            pltpu.async_copy(z2_hbm.at[idxa.at[batch * 5 + j]],
                             rows0.at[j], g0sem)
            pltpu.async_copy(z2_hbm.at[idxb.at[batch * 5 + j]],
                             rows1.at[j], g1sem)

    def wait_gathers():
        for j in range(5):
            pltpu.make_async_copy(z2_hbm.at[idxa.at[j]], rows0.at[j],
                                  g0sem).wait()
            pltpu.make_async_copy(z2_hbm.at[idxb.at[j]], rows1.at[j],
                                  g1sem).wait()

    fire_gathers(0)

    @pl.loop(0, nb)
    def _(b):
        wait_gathers()

        @pl.loop(0, CH)
        def _(r):
            for j in range(5):
                for k in range(4):
                    sl = pl.ds(k * 16, 16)
                    rows0[j, r, sl] = rows0[j, r, sl] * rows1[j, r, sl]

        for j in range(5):
            pltpu.async_copy(
                rows0.at[j],
                nr_out.at[pl.ds((start + b * 5 + j) * CH, CH)], stsem)

        for j in range(5):
            pltpu.make_async_copy(rows0.at[j], nr_out.at[pl.ds(0, CH)],
                                  stsem).wait()

        @pl.when(b < nb - 1)
        def _():
            fire_gathers(b + 1)


def _tc_prep_body(dega_ref, degb_ref, x_ref, dinv_ref, u_ref):
    deg = dega_ref[...] + degb_ref[...] + 1.0
    dinv = lax.rsqrt(jnp.maximum(deg, 1e-12))
    dinv_ref[...] = dinv
    u_ref[...] = x_ref[...] * dinv


def _tc_mid_body(dinv_ref, u_ref, g1a_ref, g1b_ref, W1_ref, b1_ref, W2_ref,
                 u2_ref):
    dinv = dinv_ref[...]
    u = u_ref[...]
    s1 = dinv * (g1a_ref[...] + g1b_ref[...] + u)
    z1 = jnp.maximum(s1 * W1_ref[...] + b1_ref[...], 0.0)
    h2 = jnp.dot(z1, W2_ref[...], preferred_element_type=jnp.float32)
    u2_ref[...] = h2 * dinv


def _tc_z2_body(dinv_ref, g2a_ref, g2b_ref, u2_ref, b2_ref, z2_ref):
    dinv = dinv_ref[...]
    agg = dinv * (g2a_ref[...] + g2b_ref[...] + u2_ref[...])
    z2_ref[...] = jnp.maximum(agg + b2_ref[...], 0.0)


def _tc_attr_body(ea_ref, L1a_ref, a1_ref):
    a1_ref[...] = jnp.dot(ea_ref[...], L1a_ref[...],
                          preferred_element_type=jnp.float32)


def _tc_dec_body(nr_ref, a1_ref, L1n_ref, L1b_ref, L2w_ref,
                 L2b_ref, out_ref):
    a = jnp.dot(nr_ref[...], L1n_ref[...], preferred_element_type=jnp.float32)
    a += a1_ref[...]
    h = jnp.maximum(a + L1b_ref[...], 0.0)
    logits = jnp.dot(h, L2w_ref[...], preferred_element_type=jnp.float32)
    logits += L2b_ref[...]
    m = jnp.max(logits, axis=-1, keepdims=True)
    e = jnp.exp(logits - m)
    out_ref[...] = e / jnp.sum(e, axis=-1, keepdims=True)


_EB = 2048


def kernel(x, train_edge_index, edge_index, edge_attr,
           W1, b1, W2, b2, L1w, L1b, L2w, L2b):
    f32 = jnp.float32
    npad = E_PAD - E_TRAIN
    ts2d = jnp.concatenate(
        [train_edge_index[0],
         jnp.zeros((npad,), jnp.int32)]).reshape(NCHUNK, CH)
    td2d = jnp.concatenate(
        [train_edge_index[1],
         jnp.full((npad,), NP - 1, jnp.int32)]).reshape(NCHUNK, CH)
    e0_2d = jnp.pad(edge_index[0], (0, ED_PAD - E_DEC)).reshape(NDCH, CH)
    e1_2d = jnp.pad(edge_index[1], (0, ED_PAD - E_DEC)).reshape(NDCH, CH)
    xp = jnp.pad(x[:, 0], (0, NP - N))

    grid = (E_DEC + _EB - 1) // _EB
    a1 = pl.pallas_call(
        _tc_attr_body,
        grid=(grid,),
        in_specs=[
            pl.BlockSpec((_EB, HID), lambda i: (i, 0)),
            pl.BlockSpec((HID, 128), lambda i: (0, 0)),
        ],
        out_specs=pl.BlockSpec((_EB, 128), lambda i: (i, 0)),
        out_shape=jax.ShapeDtypeStruct((E_DEC, 128), f32),
    )(edge_attr, L1w[64:])

    deg = _sc_deg(td2d)

    dinv2, u = pl.pallas_call(
        _tc_prep_body,
        out_shape=(jax.ShapeDtypeStruct((NP, 1), f32),
                   jax.ShapeDtypeStruct((NP, 1), f32)),
    )(deg[0].reshape(NP, 1), deg[1].reshape(NP, 1), xp.reshape(NP, 1))

    g1 = _sc_g1(ts2d, td2d, u.reshape(NP))

    u2 = pl.pallas_call(
        _tc_mid_body,
        out_shape=jax.ShapeDtypeStruct((NP, 64), f32),
    )(dinv2, u, g1[0].reshape(NP, 1), g1[1].reshape(NP, 1),
      W1, b1.reshape(1, 128), W2)

    g2 = _sc_stage2(ts2d, td2d, u2)

    z2 = pl.pallas_call(
        _tc_z2_body,
        out_shape=jax.ShapeDtypeStruct((NP, 64), f32),
    )(dinv2, g2[0], g2[1], u2, b2.reshape(1, 64))

    nr = _sc_stage3(e0_2d, e1_2d, z2)

    out = pl.pallas_call(
        _tc_dec_body,
        grid=(grid,),
        in_specs=[
            pl.BlockSpec((_EB, 64), lambda i: (i, 0)),
            pl.BlockSpec((_EB, 128), lambda i: (i, 0)),
            pl.BlockSpec((64, 128), lambda i: (0, 0)),
            pl.BlockSpec((1, 128), lambda i: (0, 0)),
            pl.BlockSpec((128, NC), lambda i: (0, 0)),
            pl.BlockSpec((1, NC), lambda i: (0, 0)),
        ],
        out_specs=pl.BlockSpec((_EB, NC), lambda i: (i, 0)),
        out_shape=jax.ShapeDtypeStruct((E_DEC, NC), f32),
    )(nr, a1, L1w[:64], L1b.reshape(1, 128), L2w, L2b.reshape(1, NC))

    return out

# --- scband reference (transcript-rebuilt; emitter-appended) ---
"""Pipeline reference for scband-gcnjoint-representation-11089605558797 (READ-ONLY COPY).

The authoritative reference and input builder live on the scoring server;
editing this copy changes nothing except your own understanding.
"""

import jax, jax.numpy as jnp
import numpy as np

N = 10000
E_TRAIN = 640000
E_DEC = 100000
HID = 768
NC = 5


def gcn_layer(x, src, dst, W, b, n):
    loop = jnp.arange(n, dtype=src.dtype)
    s = jnp.concatenate([src, loop])
    d = jnp.concatenate([dst, loop])
    deg = jax.ops.segment_sum(jnp.ones_like(s, dtype=x.dtype), d, num_segments=n)
    dinv = 1.0 / jnp.sqrt(jnp.maximum(deg, 1e-12))
    norm = dinv[s] * dinv[d]
    h = x @ W
    agg = jax.ops.segment_sum(h[s] * norm[:, None], d, num_segments=n)
    return agg + b


def setup_inputs(seed: int = 0) -> dict:
    key = jax.random.key(seed)
    ks = jax.random.split(key, 12)
    inp = {}
    inp["x"] = jax.random.normal(ks[0], (N, 1), dtype=jnp.float32)
    inp["train_edge_index"] = jax.random.randint(ks[1], (2, E_TRAIN), 0, N, dtype=jnp.int32)
    inp["edge_index"] = jax.random.randint(ks[2], (2, E_DEC), 0, N, dtype=jnp.int32)
    inp["edge_attr"] = jax.random.normal(ks[3], (E_DEC, HID), dtype=jnp.float32)
    # parameters
    inp["W1"] = jax.random.normal(ks[4], (1, 128), dtype=jnp.float32) * 0.1
    inp["b1"] = jnp.zeros((128,), dtype=jnp.float32)
    inp["W2"] = jax.random.normal(ks[5], (128, 64), dtype=jnp.float32) * (1.0 / np.sqrt(128))
    inp["b2"] = jnp.zeros((64,), dtype=jnp.float32)
    inp["L1w"] = jax.random.normal(ks[6], (HID + 64, 128), dtype=jnp.float32) * (1.0 / np.sqrt(HID + 64))
    inp["L1b"] = jnp.zeros((128,), dtype=jnp.float32)
    inp["L2w"] = jax.random.normal(ks[7], (128, NC), dtype=jnp.float32) * (1.0 / np.sqrt(128))
    inp["L2b"] = jnp.zeros((NC,), dtype=jnp.float32)
    return inp


def reference(x, train_edge_index, edge_index, edge_attr, W1, b1, W2, b2, L1w, L1b, L2w, L2b):
    ts, td = train_edge_index[0], train_edge_index[1]
    # encode: two GCN layers with relu
    z = jax.nn.relu(gcn_layer(x, ts, td, W1, b1, N))
    z = jax.nn.relu(gcn_layer(z, ts, td, W2, b2, N))
    # decode
    node_rep = z[edge_index[0]] * z[edge_index[1]]
    joint = jnp.concatenate([node_rep, edge_attr], axis=-1)
    h = jax.nn.relu(joint @ L1w + L1b)
    logits = h @ L2w + L2b
    return jax.nn.softmax(logits, axis=-1)

if __name__ == "__main__":
    import jax
    _d = setup_inputs()
    print(jax.jit(kernel)(*tuple(_d.values())))

</pallas_src>

<mosaic_0001>
#map = affine_map<(d0, d1) -> (0, 0)>
#map1 = affine_map<(d0, d1) -> (0)>
module attributes {stable_mosaic.version = 14 : i64} {
  func.func @_sc_g1(%arg0: i32, %arg1: i32, %arg2: memref<5120x128xi32, #tpu.memory_space<hbm>>, %arg3: memref<5120x128xi32, #tpu.memory_space<hbm>>, %arg4: memref<10240xf32, #tpu.memory_space<hbm>>, %arg5: memref<2x10240xf32, #tpu.memory_space<hbm>>, %arg6: memref<8x128xi32, #tpu.memory_space<vmem>>, %arg7: memref<8x128xi32, #tpu.memory_space<vmem>>, %arg8: memref<8x128xf32, #tpu.memory_space<vmem>>, %arg9: memref<640xf32, #tpu.memory_space<vmem>>, %arg10: memref<10240xf32, #tpu.memory_space<vmem>>, %arg11: memref<10240xf32, #tpu.memory_space<vmem_shared>>, %arg12: memref<!tpu.dma_semaphore, #tpu.memory_space<semaphore_mem>>) attributes {dimension_semantics = [#tpu.dimension_semantics<core_parallel>, #tpu.dimension_semantics<subcore_parallel>], iteration_bounds = array<i64: 2, 16>, scalar_prefetch = 0 : i64, scratch_operands = 7 : i64, tpu.core_type = #tpu.core_type<sc_vector_subcore>, window_params = [{transform_indices = #map}, {transform_indices = #map}, {transform_indices = #map1}, {transform_indices = #map}]} {
    %mul3A = arith.constant 640 : i32
    %mul3A_0 = arith.muli %arg1, %mul3A : i32
    %mul3A_1 = arith.constant 2560 : i32
    %mul3A_2 = arith.muli %arg0, %mul3A_1 : i32
    %mul3A_3 = arith.constant 160 : i32
    %mul3A_4 = arith.muli %arg1, %mul3A_3 : i32
    %add3A = arith.addi %mul3A_2, %mul3A_4 : i32
    %scan3A = arith.constant 0 : i32
    %scan3A_5 = arith.constant 40 : i32
    %scan3A_6 = arith.addi %scan3A, %scan3A_5 : i32
    %scan3A_7 = arith.constant 1 : i32
    scf.for %scan3A_15 = %scan3A to %scan3A_6 step %scan3A_7  : i32 {
      %mul3A_16 = arith.constant 1 : i32
      %mul3A_17 = arith.muli %scan3A_15, %mul3A_16 : i32
      %add3A_18 = arith.constant 0 : i32
      %add3A_19 = arith.addi %add3A_18, %mul3A_17 : i32
      %broadcast_in_dim3A = arith.constant 0.000000e+00 : f32
      %broadcast_in_dim3A_20 = vector.broadcast %broadcast_in_dim3A : f32 to vector<16xf32>
      %mul3A_21 = arith.constant 16 : i32
      %mul3A_22 = arith.muli %add3A_19, %mul3A_21 : i32
      %swap3A = arith.index_cast %mul3A_22 : i32 to index
      %swap3A_23 = tpu.vector_load %arg9[%swap3A] {strides = array<i32>} : memref<640xf32, #tpu.memory_space<vmem>>, vector<16xf32>,
      tpu.vector_store %arg9[%swap3A], %broadcast_in_dim3A_20 {strides = array<i32>} : memref<640xf32, #tpu.memory_space<vmem>>, vector<16xf32>,
    }
    %scan3A_8 = arith.constant 40 : i32
    "tpu.region"() ({
      %run_scoped3A = tpu.sem_alloc : memref<!tpu.dma_semaphore, #tpu.memory_space<semaphore_mem>>
      %dma_start3A = tpu.memref_slice %arg11[%mul3A_0] : memref<10240xf32, #tpu.memory_space<vmem_shared>> -> memref<640xf32, #tpu.memory_space<vmem_shared>>
      %dma_start3A_15 = tpu.memref_slice %arg11[%mul3A_0] : memref<10240xf32, #tpu.memory_space<vmem_shared>> -> memref<640xf32, #tpu.memory_space<vmem_shared>>
      tpu.enqueue_dma source(%arg9 : memref<640xf32, #tpu.memory_space<vmem>>) target(%dma_start3A_15 : memref<640xf32, #tpu.memory_space<vmem_shared>>) target_semaphore(%run_scoped3A : memref<!tpu.dma_semaphore, #tpu.memory_space<semaphore_mem>>)
      %dma_wait3A = tpu.memref_slice %arg11[%mul3A_0] : memref<10240xf32, #tpu.memory_space<vmem_shared>> -> memref<640xf32, #tpu.memory_space<vmem_shared>>
      %dma_wait3A_16 = tpu.memref_slice %arg11[%mul3A_0] : memref<10240xf32, #tpu.memory_space<vmem_shared>> -> memref<640xf32, #tpu.memory_space<vmem_shared>>
      tpu.wait_dma2 semaphore(%run_scoped3A : memref<!tpu.dma_semaphore, #tpu.memory_space<semaphore_mem>>) src(%arg9 : memref<640xf32, #tpu.memory_space<vmem>>) dst(%dma_wait3A_16 : memref<640xf32, #tpu.memory_space<vmem_shared>>)
      tpu.yield
    }) : () -> ()
    "tpu.region"() ({
      %run_scoped3A = tpu.sem_alloc : memref<!tpu.dma_semaphore, #tpu.memory_space<semaphore_mem>>
      tpu.enqueue_dma source(%arg4 : memref<10240xf32, #tpu.memory_space<hbm>>) target(%arg10 : memref<10240xf32, #tpu.memory_space<vmem>>) target_semaphore(%run_scoped3A : memref<!tpu.dma_semaphore, #tpu.memory_space<semaphore_mem>>)
      tpu.wait_dma2 semaphore(%run_scoped3A : memref<!tpu.dma_semaphore, #tpu.memory_space<semaphore_mem>>) src(%arg4 : memref<10240xf32, #tpu.memory_space<hbm>>) dst(%arg10 : memref<10240xf32, #tpu.memory_space<vmem>>)
      tpu.yield
    }) : () -> ()
    %barrier3A = arith.constant 0 : index
    tpu.barrier barrier_id(%barrier3A)
    %scan3A_9 = arith.constant 0 : i32
    %scan3A_10 = arith.constant 20 : i32
    %scan3A_11 = arith.addi %scan3A_9, %scan3A_10 : i32
    %scan3A_12 = arith.constant 1 : i32
    scf.for %scan3A_15 = %scan3A_9 to %scan3A_11 step %scan3A_12  : i32 {
      %mul3A_16 = arith.constant 1 : i32
      %mul3A_17 = arith.muli %scan3A_15, %mul3A_16 : i32
      %add3A_18 = arith.constant 0 : i32
      %add3A_19 = arith.addi %add3A_18, %mul3A_17 : i32
      %mul3A_20 = arith.constant 8 : i32
      %mul3A_21 = arith.muli %add3A_19, %mul3A_20 : i32
      %add3A_22 = arith.addi %add3A, %mul3A_21 : i32
      "tpu.region"() ({
        %run_scoped3A = tpu.sem_alloc : memref<!tpu.dma_semaphore, #tpu.memory_space<semaphore_mem>>
        %dma_start3A_186 = arith.constant 0 : i32
        %dma_start3A_187 = tpu.memref_slice %arg2[%add3A_22, %dma_start3A_186] : memref<5120x128xi32, #tpu.memory_space<hbm>> -> memref<8x128xi32, #tpu.memory_space<hbm>>
        %dma_start3A_188 = arith.constant 0 : i32
        %dma_start3A_189 = tpu.memref_slice %arg2[%add3A_22, %dma_start3A_188] : memref<5120x128xi32, #tpu.memory_space<hbm>> -> memref<8x128xi32, #tpu.memory_space<hbm>>
        tpu.enqueue_dma source(%dma_start3A_189 : memref<8x128xi32, #tpu.memory_space<hbm>>) target(%arg6 : memref<8x128xi32, #tpu.memory_space<vmem>>) target_semaphore(%run_scoped3A : memref<!tpu.dma_semaphore, #tpu.memory_space<semaphore_mem>>)
        %dma_wait3A_190 = arith.constant 0 : i32
        %dma_wait3A_191 = tpu.memref_slice %arg2[%add3A_22, %dma_wait3A_190] : memref<5120x128xi32, #tpu.memory_space<hbm>> -> memref<8x128xi32, #tpu.memory_space<hbm>>
        %dma_wait3A_192 = arith.constant 0 : i32
        %dma_wait3A_193 = tpu.memref_slice %arg2[%add3A_22, %dma_wait3A_192] : memref<5120x128xi32, #tpu.memory_space<hbm>> -> memref<8x128xi32, #tpu.memory_space<hbm>>
        tpu.wait_dma2 semaphore(%run_scoped3A : memref<!tpu.dma_semaphore, #tpu.memory_space<semaphore_mem>>) src(%dma_wait3A_193 : memref<8x128xi32, #tpu.memory_space<hbm>>) dst(%arg6 : memref<8x128xi32, #tpu.memory_space<vmem>>)
        tpu.yield
      }) : () -> ()
      "tpu.region"() ({
        %run_scoped3A = tpu.sem_alloc : memref<!tpu.dma_semaphore, #tpu.memory_space<semaphore_mem>>
        %dma_start3A_186 = arith.constant 0 : i32
        %dma_start3A_187 = tpu.memref_slice %arg3[%add3A_22, %dma_start3A_186] : memref<5120x128xi32, #tpu.memory_space<hbm>> -> memref<8x128xi32, #tpu.memory_space<hbm>>
        %dma_start3A_188 = arith.constant 0 : i32
        %dma_start3A_189 = tpu.memref_slice %arg3[%add3A_22, %dma_start3A_188] : memref<5120x128xi32, #tpu.memory_space<hbm>> -> memref<8x128xi32, #tpu.memory_space<hbm>>
        tpu.enqueue_dma source(%dma_start3A_189 : memref<8x128xi32, #tpu.memory_space<hbm>>) target(%arg7 : memref<8x128xi32, #tpu.memory_space<vmem>>) target_semaphore(%run_scoped3A : memref<!tpu.dma_semaphore, #tpu.memory_space<semaphore_mem>>)
        %dma_wait3A_190 = arith.constant 0 : i32
        %dma_wait3A_191 = tpu.memref_slice %arg3[%add3A_22, %dma_wait3A_190] : memref<5120x128xi32, #tpu.memory_space<hbm>> -> memref<8x128xi32, #tpu.memory_space<hbm>>
        %dma_wait3A_192 = arith.constant 0 : i32
        %dma_wait3A_193 = tpu.memref_slice %arg3[%add3A_22, %dma_wait3A_192] : memref<5120x128xi32, #tpu.memory_space<hbm>> -> memref<8x128xi32, #tpu.memory_space<hbm>>
        tpu.wait_dma2 semaphore(%run_scoped3A : memref<!tpu.dma_semaphore, #tpu.memory_space<semaphore_mem>>) src(%dma_wait3A_193 : memref<8x128xi32, #tpu.memory_space<hbm>>) dst(%arg7 : memref<8x128xi32, #tpu.memory_space<vmem>>)
        tpu.yield
      }) : () -> ()
      %scan3A_23 = arith.constant 0 : i32
      %scan3A_24 = arith.constant 8 : i32
      %scan3A_25 = arith.addi %scan3A_23, %scan3A_24 : i32
      %scan3A_26 = arith.constant 1 : i32
      scf.for %scan3A_186 = %scan3A_23 to %scan3A_25 step %scan3A_26  : i32 {
        %mul3A_187 = arith.constant 1 : i32
        %mul3A_188 = arith.muli %scan3A_186, %mul3A_187 : i32
        %add3A_189 = arith.constant 0 : i32
        %add3A_190 = arith.addi %add3A_189, %mul3A_188 : i32
        %get3A = arith.index_cast %add3A_190 : i32 to index
        %get3A_191 = arith.constant 0 : index
        %get3A_192 = tpu.vector_load %arg6[%get3A, %get3A_191] {strides = array<i32>} : memref<8x128xi32, #tpu.memory_space<vmem>>, vector<16xi32>,
        %gather3A = tpu.vector_load_idx %arg10[%get3A_192] : memref<10240xf32, #tpu.memory_space<vmem>>[vector<16xi32>], vector<16xf32>,
        %swap3A = arith.index_cast %add3A_190 : i32 to index
        %swap3A_193 = arith.constant 0 : index
        %swap3A_194 = tpu.vector_load %arg8[%swap3A, %swap3A_193] {strides = array<i32>} : memref<8x128xf32, #tpu.memory_space<vmem>>, vector<16xf32>,
        tpu.vector_store %arg8[%swap3A, %swap3A_193], %gather3A {strides = array<i32>} : memref<8x128xf32, #tpu.memory_space<vmem>>, vector<16xf32>,
        %get3A_195 = arith.index_cast %add3A_190 : i32 to index
        %get3A_196 = arith.constant 16 : index
        %get3A_197 = tpu.vector_load %arg6[%get3A_195, %get3A_196] {strides = array<i32>} : memref<8x128xi32, #tpu.memory_space<vmem>>, vector<16xi32>,
        %gather3A_198 = tpu.vector_load_idx %arg10[%get3A_197] : memref<10240xf32, #tpu.memory_space<vmem>>[vector<16xi32>], vector<16xf32>,
        %swap3A_199 = arith.index_cast %add3A_190 : i32 to index
        %swap3A_200 = arith.constant 16 : index
        %swap3A_201 = tpu.vector_load %arg8[%swap3A_199, %swap3A_200] {strides = array<i32>} : memref<8x128xf32, #tpu.memory_space<vmem>>, vector<16xf32>,
        tpu.vector_store %arg8[%swap3A_199, %swap3A_200], %gather3A_198 {strides = array<i32>} : memref<8x128xf32, #tpu.memory_space<vmem>>, vector<16xf32>,
        %get3A_202 = arith.index_cast %add3A_190 : i32 to index
        %get3A_203 = arith.constant 32 : index
        %get3A_204 = tpu.vector_load %arg6[%get3A_202, %get3A_203] {strides = array<i32>} : memref<8x128xi32, #tpu.memory_space<vmem>>, vector<16xi32>,
        %gather3A_205 = tpu.vector_load_idx %arg10[%get3A_204] : memref<10240xf32, #tpu.memory_space<vmem>>[vector<16xi32>], vector<16xf32>,
        %swap3A_206 = arith.index_cast %add3A_190 : i32 to index
        %swap3A_207 = arith.constant 32 : index
        %swap3A_208 = tpu.vector_load %arg8[%swap3A_206, %swap3A_207] {strides = array<i32>} : memref<8x128xf32, #tpu.memory_space<vmem>>, vector<16xf32>,
        tpu.vector_store %arg8[%swap3A_206, %swap3A_207], %gather3A_205 {strides = array<i32>} : memref<8x128xf32, #tpu.memory_space<vmem>>, vector<16xf32>,
        %get3A_209 = arith.index_cast %add3A_190 : i32 to index
        %get3A_210 = arith.constant 48 : index
        %get3A_211 = tpu.vector_load %arg6[%get3A_209, %get3A_210] {strides = array<i32>} : memref<8x128xi32, #tpu.memory_space<vmem>>, vector<16xi32>,
        %gather3A_212 = tpu.vector_load_idx %arg10[%get3A_211] : memref<10240xf32, #tpu.memory_space<vmem>>[vector<16xi32>], vector<16xf32>,
        %swap3A_213 = arith.index_cast %add3A_190 : i32 to index
        %swap3A_214 = arith.constant 48 : index
        %swap3A_215 = tpu.vector_load %arg8[%swap3A_213, %swap3A_214] {strides = array<i32>} : memref<8x128xf32, #tpu.memory_space<vmem>>, vector<16xf32>,
        tpu.vector_store %arg8[%swap3A_213, %swap3A_214], %gather3A_212 {strides = array<i32>} : memref<8x128xf32, #tpu.memory_space<vmem>>, vector<16xf32>,
        %get3A_216 = arith.index_cast %add3A_190 : i32 to index
        %get3A_217 = arith.constant 64 : index
        %get3A_218 = tpu.vector_load %arg6[%get3A_216, %get3A_217] {strides = array<i32>} : memref<8x128xi32, #tpu.memory_space<vmem>>, vector<16xi32>,
        %gather3A_219 = tpu.vector_load_idx %arg10[%get3A_218] : memref<10240xf32, #tpu.memory_space<vmem>>[vector<16xi32>], vector<16xf32>,
        %swap3A_220 = arith.index_cast %add3A_190 : i32 to index
        %swap3A_221 = arith.constant 64 : index
        %swap3A_222 = tpu.vector_load %arg8[%swap3A_220, %swap3A_221] {strides = array<i32>} : memref<8x128xf32, #tpu.memory_space<vmem>>, vector<16xf32>,
        tpu.vector_store %arg8[%swap3A_220, %swap3A_221], %gather3A_219 {strides = array<i32>} : memref<8x128xf32, #tpu.memory_space<vmem>>, vector<16xf32>,
        %get3A_223 = arith.index_cast %add3A_190 : i32 to index
        %get3A_224 = arith.constant 80 : index
        %get3A_225 = tpu.vector_load %arg6[%get3A_223, %get3A_224] {strides = array<i32>} : memref<8x128xi32, #tpu.memory_space<vmem>>, vector<16xi32>,
        %gather3A_226 = tpu.vector_load_idx %arg10[%get3A_225] : memref<10240xf32, #tpu.memory_space<vmem>>[vector<16xi32>], vector<16xf32>,
        %swap3A_227 = arith.index_cast %add3A_190 : i32 to index
        %swap3A_228 = arith.constant 80 : index
        %swap3A_229 = tpu.vector_load %arg8[%swap3A_227, %swap3A_228] {strides = array<i32>} : memref<8x128xf32, #tpu.memory_space<vmem>>, vector<16xf32>,
        tpu.vector_store %arg8[%swap3A_227, %swap3A_228], %gather3A_226 {strides = array<i32>} : memref<8x128xf32, #tpu.memory_space<vmem>>, vector<16xf32>,
        %get3A_230 = arith.index_cast %add3A_190 : i32 to index
        %get3A_231 = arith.constant 96 : index
        %get3A_232 = tpu.vector_load %arg6[%get3A_230, %get3A_231] {strides = array<i32>} : memref<8x128xi32, #tpu.memory_space<vmem>>, vector<16xi32>,
        %gather3A_233 = tpu.vector_load_idx %arg10[%get3A_232] : memref<10240xf32, #tpu.memory_space<vmem>>[vector<16xi32>], vector<16xf32>,
        %swap3A_234 = arith.index_cast %add3A_190 : i32 to index
        %swap3A_235 = arith.constant 96 : index
        %swap3A_236 = tpu.vector_load %arg8[%swap3A_234, %swap3A_235] {strides = array<i32>} : memref<8x128xf32, #tpu.memory_space<vmem>>, vector<16xf32>,
        tpu.vector_store %arg8[%swap3A_234, %swap3A_235], %gather3A_233 {strides = array<i32>} : memref<8x128xf32, #tpu.memory_space<vmem>>, vector<16xf32>,
        %get3A_237 = arith.index_cast %add3A_190 : i32 to index
        %get3A_238 = arith.constant 112 : index
        %get3A_239 = tpu.vector_load %arg6[%get3A_237, %get3A_238] {strides = array<i32>} : memref<8x128xi32, #tpu.memory_space<vmem>>, vector<16xi32>,
        %gather3A_240 = tpu.vector_load_idx %arg10[%get3A_239] : memref<10240xf32, #tpu.memory_space<vmem>>[vector<16xi32>], vector<16xf32>,
        %swap3A_241 = arith.index_cast %add3A_190 : i32 to index
        %swap3A_242 = arith.constant 112 : index
        %swap3A_243 = tpu.vector_load %arg8[%swap3A_241, %swap3A_242] {strides = array<i32>} : memref<8x128xf32, #tpu.memory_space<vmem>>, vector<16xf32>,
        tpu.vector_store %arg8[%swap3A_241, %swap3A_242], %gather3A_240 {strides = array<i32>} : memref<8x128xf32, #tpu.memory_space<vmem>>, vector<16xf32>,
      }
      %scan3A_27 = arith.constant 8 : i32
      %dma_start3A = arith.constant 0 : i32
      %dma_start3A_28 = arith.constant 0 : i32
      %dma_start3A_29 = arith.constant 0 : i32
      %dma_start3A_30 = tpu.memref_slice %arg8[%dma_start3A, %dma_start3A_29] : memref<8x128xf32, #tpu.memory_space<vmem>> -> memref<1x128xf32, #tpu.memory_space<vmem>>
      %dma_start3A_31 = tpu.memref_squeeze %dma_start3A_30 : memref<1x128xf32, #tpu.memory_space<vmem>> -> memref<128xf32, #tpu.memory_space<vmem>>
      %dma_start3A_32 = arith.constant 0 : i32
      %dma_start3A_33 = tpu.memref_slice %arg7[%dma_start3A_28, %dma_start3A_32] : memref<8x128xi32, #tpu.memory_space<vmem>> -> memref<1x128xi32, #tpu.memory_space<vmem>>
      %dma_start3A_34 = tpu.memref_squeeze %dma_start3A_33 : memref<1x128xi32, #tpu.memory_space<vmem>> -> memref<128xi32, #tpu.memory_space<vmem>>
      %dma_start3A_35 = arith.constant 0 : i32
      %dma_start3A_36 = tpu.memref_slice %arg11[%dma_start3A_35] : memref<10240xf32, #tpu.memory_space<vmem_shared>> -> memref<10240xf32, #tpu.memory_space<vmem_shared>>
      tpu.enqueue_indirect_dma source(%dma_start3A_31 : memref<128xf32, #tpu.memory_space<vmem>>) target(%dma_start3A_36 : memref<10240xf32, #tpu.memory_space<vmem_shared>>) offsets(%dma_start3A_34 : memref<128xi32, #tpu.memory_space<vmem>>) semaphore(%arg12 : memref<!tpu.dma_semaphore, #tpu.memory_space<semaphore_mem>>) {add = true}
      %dma_start3A_37 = arith.constant 1 : i32
      %dma_start3A_38 = arith.constant 1 : i32
      %dma_start3A_39 = arith.constant 0 : i32
      %dma_start3A_40 = tpu.memref_slice %arg8[%dma_start3A_37, %dma_start3A_39] : memref<8x128xf32, #tpu.memory_space<vmem>> -> memref<1x128xf32, #tpu.memory_space<vmem>>
      %dma_start3A_41 = tpu.memref_squeeze %dma_start3A_40 : memref<1x128xf32, #tpu.memory_space<vmem>> -> memref<128xf32, #tpu.memory_space<vmem>>
      %dma_start3A_42 = arith.constant 0 : i32
      %dma_start3A_43 = tpu.memref_slice %arg7[%dma_start3A_38, %dma_start3A_42] : memref<8x128xi32, #tpu.memory_space<vmem>> -> memref<1x128xi32, #tpu.memory_space<vmem>>
      %dma_start3A_44 = tpu.memref_squeeze %dma_start3A_43 : memref<1x128xi32, #tpu.memory_space<vmem>> -> memref<128xi32, #tpu.memory_space<vmem>>
      %dma_start3A_45 = arith.constant 0 : i32
      %dma_start3A_46 = tpu.memref_slice %arg11[%dma_start3A_45] : memref<10240xf32, #tpu.memory_space<vmem_shared>> -> memref<10240xf32, #tpu.memory_space<vmem_shared>>
      tpu.enqueue_indirect_dma source(%dma_start3A_41 : memref<128xf32, #tpu.memory_space<vmem>>) target(%dma_start3A_46 : memref<10240xf32, #tpu.memory_space<vmem_shared>>) offsets(%dma_start3A_44 : memref<128xi32, #tpu.memory_space<vmem>>) semaphore(%arg12 : memref<!tpu.dma_semaphore, #tpu.memory_space<semaphore_mem>>) {add = true}
      %dma_start3A_47 = arith.constant 2 : i32
      %dma_start3A_48 = arith.constant 2 : i32
      %dma_start3A_49 = arith.constant 0 : i32
      %dma_start3A_50 = tpu.memref_slice %arg8[%dma_start3A_47, %dma_start3A_49] : memref<8x128xf32, #tpu.memory_space<vmem>> -> memref<1x128xf32, #tpu.memory_space<vmem>>
      %dma_start3A_51 = tpu.memref_squeeze %dma_start3A_50 : memref<1x128xf32, #tpu.memory_space<vmem>> -> memref<128xf32, #tpu.memory_space<vmem>>
      %dma_start3A_52 = arith.constant 0 : i32
      %dma_start3A_53 = tpu.memref_slice %arg7[%dma_start3A_48, %dma_start3A_52] : memref<8x128xi32, #tpu.memory_space<vmem>> -> memref<1x128xi32, #tpu.memory_space<vmem>>
      %dma_start3A_54 = tpu.memref_squeeze %dma_start3A_53 : memref<1x128xi32, #tpu.memory_space<vmem>> -> memref<128xi32, #tpu.memory_space<vmem>>
      %dma_start3A_55 = arith.constant 0 : i32
      %dma_start3A_56 = tpu.memref_slice %arg11[%dma_start3A_55] : memref<10240xf32, #tpu.memory_space<vmem_shared>> -> memref<10240xf32, #tpu.memory_space<vmem_shared>>
      tpu.enqueue_indirect_dma source(%dma_start3A_51 : memref<128xf32, #tpu.memory_space<vmem>>) target(%dma_start3A_56 : memref<10240xf32, #tpu.memory_space<vmem_shared>>) offsets(%dma_start3A_54 : memref<128xi32, #tpu.memory_space<vmem>>) semaphore(%arg12 : memref<!tpu.dma_semaphore, #tpu.memory_space<semaphore_mem>>) {add = true}
      %dma_start3A_57 = arith.constant 3 : i32
      %dma_start3A_58 = arith.constant 3 : i32
      %dma_start3A_59 = arith.constant 0 : i32
      %dma_start3A_60 = tpu.memref_slice %arg8[%dma_start3A_57, %dma_start3A_59] : memref<8x128xf32, #tpu.memory_space<vmem>> -> memref<1x128xf32, #tpu.memory_space<vmem>>
      %dma_start3A_61 = tpu.memref_squeeze %dma_start3A_60 : memref<1x128xf32, #tpu.memory_space<vmem>> -> memref<128xf32, #tpu.memory_space<vmem>>
      %dma_start3A_62 = arith.constant 0 : i32
      %dma_start3A_63 = tpu.memref_slice %arg7[%dma_start3A_58, %dma_start3A_62] : memref<8x128xi32, #tpu.memory_space<vmem>> -> memref<1x128xi32, #tpu.memory_space<vmem>>
      %dma_start3A_64 = tpu.memref_squeeze %dma_start3A_63 : memref<1x128xi32, #tpu.memory_space<vmem>> -> memref<128xi32, #tpu.memory_space<vmem>>
      %dma_start3A_65 = arith.constant 0 : i32
      %dma_start3A_66 = tpu.memref_slice %arg11[%dma_start3A_65] : memref<10240xf32, #tpu.memory_space<vmem_shared>> -> memref<10240xf32, #tpu.memory_space<vmem_shared>>
      tpu.enqueue_indirect_dma source(%dma_start3A_61 : memref<128xf32, #tpu.memory_space<vmem>>) target(%dma_start3A_66 : memref<10240xf32, #tpu.memory_space<vmem_shared>>) offsets(%dma_start3A_64 : memref<128xi32, #tpu.memory_space<vmem>>) semaphore(%arg12 : memref<!tpu.dma_semaphore, #tpu.memory_space<semaphore_mem>>) {add = true}
      %dma_start3A_67 = arith.constant 4 : i32
      %dma_start3A_68 = arith.constant 4 : i32
      %dma_start3A_69 = arith.constant 0 : i32
      %dma_start3A_70 = tpu.memref_slice %arg8[%dma_start3A_67, %dma_start3A_69] : memref<8x128xf32, #tpu.memory_space<vmem>> -> memref<1x128xf32, #tpu.memory_space<vmem>>
      %dma_start3A_71 = tpu.memref_squeeze %dma_start3A_70 : memref<1x128xf32, #tpu.memory_space<vmem>> -> memref<128xf32, #tpu.memory_space<vmem>>
      %dma_start3A_72 = arith.constant 0 : i32
      %dma_start3A_73 = tpu.memref_slice %arg7[%dma_start3A_68, %dma_start3A_72] : memref<8x128xi32, #tpu.memory_space<vmem>> -> memref<1x128xi32, #tpu.memory_space<vmem>>
      %dma_start3A_74 = tpu.memref_squeeze %dma_start3A_73 : memref<1x128xi32, #tpu.memory_space<vmem>> -> memref<128xi32, #tpu.memory_space<vmem>>
      %dma_start3A_75 = arith.constant 0 : i32
      %dma_start3A_76 = tpu.memref_slice %arg11[%dma_start3A_75] : memref<10240xf32, #tpu.memory_space<vmem_shared>> -> memref<10240xf32, #tpu.memory_space<vmem_shared>>
      tpu.enqueue_indirect_dma source(%dma_start3A_71 : memref<128xf32, #tpu.memory_space<vmem>>) target(%dma_start3A_76 : memref<10240xf32, #tpu.memory_space<vmem_shared>>) offsets(%dma_start3A_74 : memref<128xi32, #tpu.memory_space<vmem>>) semaphore(%arg12 : memref<!tpu.dma_semaphore, #tpu.memory_space<semaphore_mem>>) {add = true}
      %dma_start3A_77 = arith.constant 5 : i32
      %dma_start3A_78 = arith.constant 5 : i32
      %dma_start3A_79 = arith.constant 0 : i32
      %dma_start3A_80 = tpu.memref_slice %arg8[%dma_start3A_77, %dma_start3A_79] : memref<8x128xf32, #tpu.memory_space<vmem>> -> memref<1x128xf32, #tpu.memory_space<vmem>>
      %dma_start3A_81 = tpu.memref_squeeze %dma_start3A_80 : memref<1x128xf32, #tpu.memory_space<vmem>> -> memref<128xf32, #tpu.memory_space<vmem>>
      %dma_start3A_82 = arith.constant 0 : i32
      %dma_start3A_83 = tpu.memref_slice %arg7[%dma_start3A_78, %dma_start3A_82] : memref<8x128xi32, #tpu.memory_space<vmem>> -> memref<1x128xi32, #tpu.memory_space<vmem>>
      %dma_start3A_84 = tpu.memref_squeeze %dma_start3A_83 : memref<1x128xi32, #tpu.memory_space<vmem>> -> memref<128xi32, #tpu.memory_space<vmem>>
      %dma_start3A_85 = arith.constant 0 : i32
      %dma_start3A_86 = tpu.memref_slice %arg11[%dma_start3A_85] : memref<10240xf32, #tpu.memory_space<vmem_shared>> -> memref<10240xf32, #tpu.memory_space<vmem_shared>>
      tpu.enqueue_indirect_dma source(%dma_start3A_81 : memref<128xf32, #tpu.memory_space<vmem>>) target(%dma_start3A_86 : memref<10240xf32, #tpu.memory_space<vmem_shared>>) offsets(%dma_start3A_84 : memref<128xi32, #tpu.memory_space<vmem>>) semaphore(%arg12 : memref<!tpu.dma_semaphore, #tpu.memory_space<semaphore_mem>>) {add = true}
      %dma_start3A_87 = arith.constant 6 : i32
      %dma_start3A_88 = arith.constant 6 : i32
      %dma_start3A_89 = arith.constant 0 : i32
      %dma_start3A_90 = tpu.memref_slice %arg8[%dma_start3A_87, %dma_start3A_89] : memref<8x128xf32, #tpu.memory_space<vmem>> -> memref<1x128xf32, #tpu.memory_space<vmem>>
      %dma_start3A_91 = tpu.memref_squeeze %dma_start3A_90 : memref<1x128xf32, #tpu.memory_space<vmem>> -> memref<128xf32, #tpu.memory_space<vmem>>
      %dma_start3A_92 = arith.constant 0 : i32
      %dma_start3A_93 = tpu.memref_slice %arg7[%dma_start3A_88, %dma_start3A_92] : memref<8x128xi32, #tpu.memory_space<vmem>> -> memref<1x128xi32, #tpu.memory_space<vmem>>
      %dma_start3A_94 = tpu.memref_squeeze %dma_start3A_93 : memref<1x128xi32, #tpu.memory_space<vmem>> -> memref<128xi32, #tpu.memory_space<vmem>>
      %dma_start3A_95 = arith.constant 0 : i32
      %dma_start3A_96 = tpu.memref_slice %arg11[%dma_start3A_95] : memref<10240xf32, #tpu.memory_space<vmem_shared>> -> memref<10240xf32, #tpu.memory_space<vmem_shared>>
      tpu.enqueue_indirect_dma source(%dma_start3A_91 : memref<128xf32, #tpu.memory_space<vmem>>) target(%dma_start3A_96 : memref<10240xf32, #tpu.memory_space<vmem_shared>>) offsets(%dma_start3A_94 : memref<128xi32, #tpu.memory_space<vmem>>) semaphore(%arg12 : memref<!tpu.dma_semaphore, #tpu.memory_space<semaphore_mem>>) {add = true}
      %dma_start3A_97 = arith.constant 7 : i32
      %dma_start3A_98 = arith.constant 7 : i32
      %dma_start3A_99 = arith.constant 0 : i32
      %dma_start3A_100 = tpu.memref_slice %arg8[%dma_start3A_97, %dma_start3A_99] : memref<8x128xf32, #tpu.memory_space<vmem>> -> memref<1x128xf32, #tpu.memory_space<vmem>>
      %dma_start3A_101 = tpu.memref_squeeze %dma_start3A_100 : memref<1x128xf32, #tpu.memory_space<vmem>> -> memref<128xf32, #tpu.memory_space<vmem>>
      %dma_start3A_102 = arith.constant 0 : i32
      %dma_start3A_103 = tpu.memref_slice %arg7[%dma_start3A_98, %dma_start3A_102] : memref<8x128xi32, #tpu.memory_space<vmem>> -> memref<1x128xi32, #tpu.memory_space<vmem>>
      %dma_start3A_104 = tpu.memref_squeeze %dma_start3A_103 : memref<1x128xi32, #tpu.memory_space<vmem>> -> memref<128xi32, #tpu.memory_space<vmem>>
      %dma_start3A_105 = arith.constant 0 : i32
      %dma_start3A_106 = tpu.memref_slice %arg11[%dma_start3A_105] : memref<10240xf32, #tpu.memory_space<vmem_shared>> -> memref<10240xf32, #tpu.memory_space<vmem_shared>>
      tpu.enqueue_indirect_dma source(%dma_start3A_101 : memref<128xf32, #tpu.memory_space<vmem>>) target(%dma_start3A_106 : memref<10240xf32, #tpu.memory_space<vmem_shared>>) offsets(%dma_start3A_104 : memref<128xi32, #tpu.memory_space<vmem>>) semaphore(%arg12 : memref<!tpu.dma_semaphore, #tpu.memory_space<semaphore_mem>>) {add = true}
      %dma_wait3A = arith.constant 0 : i32
      %dma_wait3A_107 = arith.constant 0 : i32
      %dma_wait3A_108 = arith.constant 0 : i32
      %dma_wait3A_109 = tpu.memref_slice %arg8[%dma_wait3A, %dma_wait3A_108] : memref<8x128xf32, #tpu.memory_space<vmem>> -> memref<1x128xf32, #tpu.memory_space<vmem>>
      %dma_wait3A_110 = tpu.memref_squeeze %dma_wait3A_109 : memref<1x128xf32, #tpu.memory_space<vmem>> -> memref<128xf32, #tpu.memory_space<vmem>>
      %dma_wait3A_111 = arith.constant 0 : i32
      %dma_wait3A_112 = tpu.memref_slice %arg7[%dma_wait3A_107, %dma_wait3A_111] : memref<8x128xi32, #tpu.memory_space<vmem>> -> memref<1x128xi32, #tpu.memory_space<vmem>>
      %dma_wait3A_113 = tpu.memref_squeeze %dma_wait3A_112 : memref<1x128xi32, #tpu.memory_space<vmem>> -> memref<128xi32, #tpu.memory_space<vmem>>
      %dma_wait3A_114 = arith.constant 0 : i32
      %dma_wait3A_115 = tpu.memref_slice %arg11[%dma_wait3A_114] : memref<10240xf32, #tpu.memory_space<vmem_shared>> -> memref<10240xf32, #tpu.memory_space<vmem_shared>>
      tpu.wait_indirect_dma semaphore(%arg12 : memref<!tpu.dma_semaphore, #tpu.memory_space<semaphore_mem>>) src(%dma_wait3A_110 : memref<128xf32, #tpu.memory_space<vmem>>) dst(%dma_wait3A_115 : memref<10240xf32, #tpu.memory_space<vmem_shared>>)
      %dma_wait3A_116 = arith.constant 1 : i32
      %dma_wait3A_117 = arith.constant 1 : i32
      %dma_wait3A_118 = arith.constant 0 : i32
      %dma_wait3A_119 = tpu.memref_slice %arg8[%dma_wait3A_116, %dma_wait3A_118] : memref<8x128xf32, #tpu.memory_space<vmem>> -> memref<1x128xf32, #tpu.memory_space<vmem>>
      %dma_wait3A_120 = tpu.memref_squeeze %dma_wait3A_119 : memref<1x128xf32, #tpu.memory_space<vmem>> -> memref<128xf32, #tpu.memory_space<vmem>>
      %dma_wait3A_121 = arith.constant 0 : i32
      %dma_wait3A_122 = tpu.memref_slice %arg7[%dma_wait3A_117, %dma_wait3A_121] : memref<8x128xi32, #tpu.memory_space<vmem>> -> memref<1x128xi32, #tpu.memory_space<vmem>>
      %dma_wait3A_123 = tpu.memref_squeeze %dma_wait3A_122 : memref<1x128xi32, #tpu.memory_space<vmem>> -> memref<128xi32, #tpu.memory_space<vmem>>
      %dma_wait3A_124 = arith.constant 0 : i32
      %dma_wait3A_125 = tpu.memref_slice %arg11[%dma_wait3A_124] : memref<10240xf32, #tpu.memory_space<vmem_shared>> -> memref<10240xf32, #tpu.memory_space<vmem_shared>>
      tpu.wait_indirect_dma semaphore(%arg12 : memref<!tpu.dma_semaphore, #tpu.memory_space<semaphore_mem>>) src(%dma_wait3A_120 : memref<128xf32, #tpu.memory_space<vmem>>) dst(%dma_wait3A_125 : memref<10240xf32, #tpu.memory_space<vmem_shared>>)
      %dma_wait3A_126 = arith.constant 2 : i32
      %dma_wait3A_127 = arith.constant 2 : i32
      %dma_wait3A_128 = arith.constant 0 : i32
      %dma_wait3A_129 = tpu.memref_slice %arg8[%dma_wait3A_126, %dma_wait3A_128] : memref<8x128xf32, #tpu.memory_space<vmem>> -> memref<1x128xf32, #tpu.memory_space<vmem>>
      %dma_wait3A_130 = tpu.memref_squeeze %dma_wait3A_129 : memref<1x128xf32, #tpu.memory_space<vmem>> -> memref<128xf32, #tpu.memory_space<vmem>>
      %dma_wait3A_131 = arith.constant 0 : i32
      %dma_wait3A_132 = tpu.memref_slice %arg7[%dma_wait3A_127, %dma_wait3A_131] : memref<8x128xi32, #tpu.memory_space<vmem>> -> memref<1x128xi32, #tpu.memory_space<vmem>>
      %dma_wait3A_133 = tpu.memref_squeeze %dma_wait3A_132 : memref<1x128xi32, #tpu.memory_space<vmem>> -> memref<128xi32, #tpu.memory_space<vmem>>
      %dma_wait3A_134 = arith.constant 0 : i32
      %dma_wait3A_135 = tpu.memref_slice %arg11[%dma_wait3A_134] : memref<10240xf32, #tpu.memory_space<vmem_shared>> -> memref<10240xf32, #tpu.memory_space<vmem_shared>>
      tpu.wait_indirect_dma semaphore(%arg12 : memref<!tpu.dma_semaphore, #tpu.memory_space<semaphore_mem>>) src(%dma_wait3A_130 : memref<128xf32, #tpu.memory_space<vmem>>) dst(%dma_wait3A_135 : memref<10240xf32, #tpu.memory_space<vmem_shared>>)
      %dma_wait3A_136 = arith.constant 3 : i32
      %dma_wait3A_137 = arith.constant 3 : i32
      %dma_wait3A_138 = arith.constant 0 : i32
      %dma_wait3A_139 = tpu.memref_slice %arg8[%dma_wait3A_136, %dma_wait3A_138] : memref<8x128xf32, #tpu.memory_space<vmem>> -> memref<1x128xf32, #tpu.memory_space<vmem>>
      %dma_wait3A_140 = tpu.memref_squeeze %dma_wait3A_139 : memref<1x128xf32, #tpu.memory_space<vmem>> -> memref<128xf32, #tpu.memory_space<vmem>>
      %dma_wait3A_141 = arith.constant 0 : i32
      %dma_wait3A_142 = tpu.memref_slice %arg7[%dma_wait3A_137, %dma_wait3A_141] : memref<8x128xi32, #tpu.memory_space<vmem>> -> memref<1x128xi32, #tpu.memory_space<vmem>>
      %dma_wait3A_143 = tpu.memref_squeeze %dma_wait3A_142 : memref<1x128xi32, #tpu.memory_space<vmem>> -> memref<128xi32, #tpu.memory_space<vmem>>
      %dma_wait3A_144 = arith.constant 0 : i32
      %dma_wait3A_145 = tpu.memref_slice %arg11[%dma_wait3A_144] : memref<10240xf32, #tpu.memory_space<vmem_shared>> -> memref<10240xf32, #tpu.memory_space<vmem_shared>>
      tpu.wait_indirect_dma semaphore(%arg12 : memref<!tpu.dma_semaphore, #tpu.memory_space<semaphore_mem>>) src(%dma_wait3A_140 : memref<128xf32, #tpu.memory_space<vmem>>) dst(%dma_wait3A_145 : memref<10240xf32, #tpu.memory_space<vmem_shared>>)
      %dma_wait3A_146 = arith.constant 4 : i32
      %dma_wait3A_147 = arith.constant 4 : i32
      %dma_wait3A_148 = arith.constant 0 : i32
      %dma_wait3A_149 = tpu.memref_slice %arg8[%dma_wait3A_146, %dma_wait3A_148] : memref<8x128xf32, #tpu.memory_space<vmem>> -> memref<1x128xf32, #tpu.memory_space<vmem>>
      %dma_wait3A_150 = tpu.memref_squeeze %dma_wait3A_149 : memref<1x128xf32, #tpu.memory_space<vmem>> -> memref<128xf32, #tpu.memory_space<vmem>>
      %dma_wait3A_151 = arith.constant 0 : i32
      %dma_wait3A_152 = tpu.memref_slice %arg7[%dma_wait3A_147, %dma_wait3A_151] : memref<8x128xi32, #tpu.memory_space<vmem>> -> memref<1x128xi32, #tpu.memory_space<vmem>>
      %dma_wait3A_153 = tpu.memref_squeeze %dma_wait3A_152 : memref<1x128xi32, #tpu.memory_space<vmem>> -> memref<128xi32, #tpu.memory_space<vmem>>
      %dma_wait3A_154 = arith.constant 0 : i32
      %dma_wait3A_155 = tpu.memref_slice %arg11[%dma_wait3A_154] : memref<10240xf32, #tpu.memory_space<vmem_shared>> -> memref<10240xf32, #tpu.memory_space<vmem_shared>>
      tpu.wait_indirect_dma semaphore(%arg12 : memref<!tpu.dma_semaphore, #tpu.memory_space<semaphore_mem>>) src(%dma_wait3A_150 : memref<128xf32, #tpu.memory_space<vmem>>) dst(%dma_wait3A_155 : memref<10240xf32, #tpu.memory_space<vmem_shared>>)
      %dma_wait3A_156 = arith.constant 5 : i32
      %dma_wait3A_157 = arith.constant 5 : i32
      %dma_wait3A_158 = arith.constant 0 : i32
      %dma_wait3A_159 = tpu.memref_slice %arg8[%dma_wait3A_156, %dma_wait3A_158] : memref<8x128xf32, #tpu.memory_space<vmem>> -> memref<1x128xf32, #tpu.memory_space<vmem>>
      %dma_wait3A_160 = tpu.memref_squeeze %dma_wait3A_159 : memref<1x128xf32, #tpu.memory_space<vmem>> -> memref<128xf32, #tpu.memory_space<vmem>>
      %dma_wait3A_161 = arith.constant 0 : i32
      %dma_wait3A_162 = tpu.memref_slice %arg7[%dma_wait3A_157, %dma_wait3A_161] : memref<8x128xi32, #tpu.memory_space<vmem>> -> memref<1x128xi32, #tpu.memory_space<vmem>>
      %dma_wait3A_163 = tpu.memref_squeeze %dma_wait3A_162 : memref<1x128xi32, #tpu.memory_space<vmem>> -> memref<128xi32, #tpu.memory_space<vmem>>
      %dma_wait3A_164 = arith.constant 0 : i32
      %dma_wait3A_165 = tpu.memref_slice %arg11[%dma_wait3A_164] : memref<10240xf32, #tpu.memory_space<vmem_shared>> -> memref<10240xf32, #tpu.memory_space<vmem_shared>>
      tpu.wait_indirect_dma semaphore(%arg12 : memref<!tpu.dma_semaphore, #tpu.memory_space<semaphore_mem>>) src(%dma_wait3A_160 : memref<128xf32, #tpu.memory_space<vmem>>) dst(%dma_wait3A_165 : memref<10240xf32, #tpu.memory_space<vmem_shared>>)
      %dma_wait3A_166 = arith.constant 6 : i32
      %dma_wait3A_167 = arith.constant 6 : i32
      %dma_wait3A_168 = arith.constant 0 : i32
      %dma_wait3A_169 = tpu.memref_slice %arg8[%dma_wait3A_166, %dma_wait3A_168] : memref<8x128xf32, #tpu.memory_space<vmem>> -> memref<1x128xf32, #tpu.memory_space<vmem>>
      %dma_wait3A_170 = tpu.memref_squeeze %dma_wait3A_169 : memref<1x128xf32, #tpu.memory_space<vmem>> -> memref<128xf32, #tpu.memory_space<vmem>>
      %dma_wait3A_171 = arith.constant 0 : i32
      %dma_wait3A_172 = tpu.memref_slice %arg7[%dma_wait3A_167, %dma_wait3A_171] : memref<8x128xi32, #tpu.memory_space<vmem>> -> memref<1x128xi32, #tpu.memory_space<vmem>>
      %dma_wait3A_173 = tpu.memref_squeeze %dma_wait3A_172 : memref<1x128xi32, #tpu.memory_space<vmem>> -> memref<128xi32, #tpu.memory_space<vmem>>
      %dma_wait3A_174 = arith.constant 0 : i32
      %dma_wait3A_175 = tpu.memref_slice %arg11[%dma_wait3A_174] : memref<10240xf32, #tpu.memory_space<vmem_shared>> -> memref<10240xf32, #tpu.memory_space<vmem_shared>>
      tpu.wait_indirect_dma semaphore(%arg12 : memref<!tpu.dma_semaphore, #tpu.memory_space<semaphore_mem>>) src(%dma_wait3A_170 : memref<128xf32, #tpu.memory_space<vmem>>) dst(%dma_wait3A_175 : memref<10240xf32, #tpu.memory_space<vmem_shared>>)
      %dma_wait3A_176 = arith.constant 7 : i32
      %dma_wait3A_177 = arith.constant 7 : i32
      %dma_wait3A_178 = arith.constant 0 : i32
      %dma_wait3A_179 = tpu.memref_slice %arg8[%dma_wait3A_176, %dma_wait3A_178] : memref<8x128xf32, #tpu.memory_space<vmem>> -> memref<1x128xf32, #tpu.memory_space<vmem>>
      %dma_wait3A_180 = tpu.memref_squeeze %dma_wait3A_179 : memref<1x128xf32, #tpu.memory_space<vmem>> -> memref<128xf32, #tpu.memory_space<vmem>>
      %dma_wait3A_181 = arith.constant 0 : i32
      %dma_wait3A_182 = tpu.memref_slice %arg7[%dma_wait3A_177, %dma_wait3A_181] : memref<8x128xi32, #tpu.memory_space<vmem>> -> memref<1x128xi32, #tpu.memory_space<vmem>>
      %dma_wait3A_183 = tpu.memref_squeeze %dma_wait3A_182 : memref<1x128xi32, #tpu.memory_space<vmem>> -> memref<128xi32, #tpu.memory_space<vmem>>
      %dma_wait3A_184 = arith.constant 0 : i32
      %dma_wait3A_185 = tpu.memref_slice %arg11[%dma_wait3A_184] : memref<10240xf32, #tpu.memory_space<vmem_shared>> -> memref<10240xf32, #tpu.memory_space<vmem_shared>>
      tpu.wait_indirect_dma semaphore(%arg12 : memref<!tpu.dma_semaphore, #tpu.memory_space<semaphore_mem>>) src(%dma_wait3A_180 : memref<128xf32, #tpu.memory_space<vmem>>) dst(%dma_wait3A_185 : memref<10240xf32, #tpu.memory_space<vmem_shared>>)
    }
    %scan3A_13 = arith.constant 20 : i32
    %barrier3A_14 = arith.constant 0 : index
    tpu.barrier barrier_id(%barrier3A_14)
    "tpu.region"() ({
      %run_scoped3A = tpu.sem_alloc : memref<!tpu.dma_semaphore, #tpu.memory_space<semaphore_mem>>
      %dma_start3A = tpu.memref_slice %arg5[%arg0, %mul3A_0] : memref<2x10240xf32, #tpu.memory_space<hbm>> -> memref<1x640xf32, #tpu.memory_space<hbm>>
      %dma_start3A_15 = tpu.memref_squeeze %dma_start3A : memref<1x640xf32, #tpu.memory_space<hbm>> -> memref<640xf32, #tpu.memory_space<hbm>>
      %dma_start3A_16 = tpu.memref_slice %arg11[%mul3A_0] : memref<10240xf32, #tpu.memory_space<vmem_shared>> -> memref<640xf32, #tpu.memory_space<vmem_shared>>
      tpu.enqueue_dma source(%dma_start3A_16 : memref<640xf32, #tpu.memory_space<vmem_shared>>) target(%dma_start3A_15 : memref<640xf32, #tpu.memory_space<hbm>>) target_semaphore(%run_scoped3A : memref<!tpu.dma_semaphore, #tpu.memory_space<semaphore_mem>>)
      %dma_wait3A = tpu.memref_slice %arg5[%arg0, %mul3A_0] : memref<2x10240xf32, #tpu.memory_space<hbm>> -> memref<1x640xf32, #tpu.memory_space<hbm>>
      %dma_wait3A_17 = tpu.memref_squeeze %dma_wait3A : memref<1x640xf32, #tpu.memory_space<hbm>> -> memref<640xf32, #tpu.memory_space<hbm>>
      %dma_wait3A_18 = tpu.memref_slice %arg11[%mul3A_0] : memref<10240xf32, #tpu.memory_space<vmem_shared>> -> memref<640xf32, #tpu.memory_space<vmem_shared>>
      tpu.wait_dma2 semaphore(%run_scoped3A : memref<!tpu.dma_semaphore, #tpu.memory_space<semaphore_mem>>) src(%dma_wait3A_18 : memref<640xf32, #tpu.memory_space<vmem_shared>>) dst(%dma_wait3A_17 : memref<640xf32, #tpu.memory_space<hbm>>)
      tpu.yield
    }) : () -> ()
    return
  }
}

#map = affine_map<(d0, d1) -> (0, 0)>
#map1 = affine_map<(d0, d1) -> (0, 0, 0)>
module attributes {stable_mosaic.version = 14 : i64} {
  func.func @_sc_stage2(%arg0: i32, %arg1: i32, %arg2: memref<5120x128xi32, #tpu.memory_space<hbm>>, %arg3: memref<5120x128xi32, #tpu.memory_space<hbm>>, %arg4: memref<10240x64xf32, #tpu.memory_space<hbm>>, %arg5: memref<2x10240x64xf32, #tpu.memory_space<hbm>>, %arg6: memref<8x128xi32, #tpu.memory_space<vmem>>, %arg7: memref<8x128xi32, #tpu.memory_space<vmem>>, %arg8: memref<8x128x64xf32, #tpu.memory_space<vmem>>, %arg9: memref<10240x64xf32, #tpu.memory_space<vmem_shared>>, %arg10: memref<!tpu.dma_semaphore, #tpu.memory_space<semaphore_mem>>, %arg11: memref<!tpu.dma_semaphore, #tpu.memory_space<semaphore_mem>>, %arg12: memref<!tpu.dma_semaphore, #tpu.memory_space<semaphore_mem>>, %arg13: memref<!tpu.dma_semaphore, #tpu.memory_space<semaphore_mem>>) attributes {dimension_semantics = [#tpu.dimension_semantics<core_parallel>, #tpu.dimension_semantics<subcore_parallel>], iteration_bounds = array<i64: 2, 16>, scalar_prefetch = 0 : i64, scratch_operands = 8 : i64, tpu.core_type = #tpu.core_type<sc_vector_subcore>, window_params = [{transform_indices = #map}, {transform_indices = #map}, {transform_indices = #map}, {transform_indices = #map1}]} {
    %mul3A = arith.constant 2560 : i32
    %mul3A_0 = arith.muli %arg0, %mul3A : i32
    %mul3A_1 = arith.constant 160 : i32
    %mul3A_2 = arith.muli %arg1, %mul3A_1 : i32
    %add3A = arith.addi %mul3A_0, %mul3A_2 : i32
    %scan3A = arith.constant 0 : i32
    %scan3A_3 = arith.constant 128 : i32
    %scan3A_4 = arith.addi %scan3A, %scan3A_3 : i32
    %scan3A_5 = arith.constant 1 : i32
    scf.for %scan3A_41 = %scan3A to %scan3A_4 step %scan3A_5  : i32 {
      %mul3A_42 = arith.constant 1 : i32
      %mul3A_43 = arith.muli %scan3A_41, %mul3A_42 : i32
      %add3A_44 = arith.constant 0 : i32
      %add3A_45 = arith.addi %add3A_44, %mul3A_43 : i32
      %broadcast_in_dim3A = arith.constant 0.000000e+00 : f32
      %broadcast_in_dim3A_46 = vector.broadcast %broadcast_in_dim3A : f32 to vector<16xf32>
      %swap3A = arith.constant 0 : i32
      %swap3A_47 = arith.index_cast %swap3A : i32 to index
      %swap3A_48 = arith.index_cast %add3A_45 : i32 to index
      %swap3A_49 = arith.constant 0 : index
      %swap3A_50 = tpu.vector_load %arg8[%swap3A_47, %swap3A_48, %swap3A_49] {strides = array<i32>} : memref<8x128x64xf32, #tpu.memory_space<vmem>>, vector<16xf32>,
      tpu.vector_store %arg8[%swap3A_47, %swap3A_48, %swap3A_49], %broadcast_in_dim3A_46 {strides = array<i32>} : memref<8x128x64xf32, #tpu.memory_space<vmem>>, vector<16xf32>,
      %broadcast_in_dim3A_51 = arith.constant 0.000000e+00 : f32
      %broadcast_in_dim3A_52 = vector.broadcast %broadcast_in_dim3A_51 : f32 to vector<16xf32>
      %swap3A_53 = arith.constant 0 : i32
      %swap3A_54 = arith.index_cast %swap3A_53 : i32 to index
      %swap3A_55 = arith.index_cast %add3A_45 : i32 to index
      %swap3A_56 = arith.constant 16 : index
      %swap3A_57 = tpu.vector_load %arg8[%swap3A_54, %swap3A_55, %swap3A_56] {strides = array<i32>} : memref<8x128x64xf32, #tpu.memory_space<vmem>>, vector<16xf32>,
      tpu.vector_store %arg8[%swap3A_54, %swap3A_55, %swap3A_56], %broadcast_in_dim3A_52 {strides = array<i32>} : memref<8x128x64xf32, #tpu.memory_space<vmem>>, vector<16xf32>,
      %broadcast_in_dim3A_58 = arith.constant 0.000000e+00 : f32
      %broadcast_in_dim3A_59 = vector.broadcast %broadcast_in_dim3A_58 : f32 to vector<16xf32>
      %swap3A_60 = arith.constant 0 : i32
      %swap3A_61 = arith.index_cast %swap3A_60 : i32 to index
      %swap3A_62 = arith.index_cast %add3A_45 : i32 to index
      %swap3A_63 = arith.constant 32 : index
      %swap3A_64 = tpu.vector_load %arg8[%swap3A_61, %swap3A_62, %swap3A_63] {strides = array<i32>} : memref<8x128x64xf32, #tpu.memory_space<vmem>>, vector<16xf32>,
      tpu.vector_store %arg8[%swap3A_61, %swap3A_62, %swap3A_63], %broadcast_in_dim3A_59 {strides = array<i32>} : memref<8x128x64xf32, #tpu.memory_space<vmem>>, vector<16xf32>,
      %broadcast_in_dim3A_65 = arith.constant 0.000000e+00 : f32
      %broadcast_in_dim3A_66 = vector.broadcast %broadcast_in_dim3A_65 : f32 to vector<16xf32>
      %swap3A_67 = arith.constant 0 : i32
      %swap3A_68 = arith.index_cast %swap3A_67 : i32 to index
      %swap3A_69 = arith.index_cast %add3A_45 : i32 to index
      %swap3A_70 = arith.constant 48 : index
      %swap3A_71 = tpu.vector_load %arg8[%swap3A_68, %swap3A_69, %swap3A_70] {strides = array<i32>} : memref<8x128x64xf32, #tpu.memory_space<vmem>>, vector<16xf32>,
      tpu.vector_store %arg8[%swap3A_68, %swap3A_69, %swap3A_70], %broadcast_in_dim3A_66 {strides = array<i32>} : memref<8x128x64xf32, #tpu.memory_space<vmem>>, vector<16xf32>,
    }
    %scan3A_6 = arith.constant 128 : i32
    %mul3A_7 = arith.constant 640 : i32
    %mul3A_8 = arith.muli %arg1, %mul3A_7 : i32
    %add3A_9 = arith.constant 0 : i32
    %add3A_10 = arith.addi %mul3A_8, %add3A_9 : i32
    %run_scoped3A = arith.constant 0 : i32
    "tpu.region"() ({
      %run_scoped3A_41 = tpu.sem_alloc : memref<!tpu.dma_semaphore, #tpu.memory_space<semaphore_mem>>
      %dma_start3A = arith.constant 0 : i32
      %dma_start3A_42 = arith.constant 0 : i32
      %dma_start3A_43 = tpu.memref_slice %arg8[%run_scoped3A, %dma_start3A, %dma_start3A_42] : memref<8x128x64xf32, #tpu.memory_space<vmem>> -> memref<1x128x64xf32, #tpu.memory_space<vmem>>
      %dma_start3A_44 = tpu.memref_squeeze %dma_start3A_43 : memref<1x128x64xf32, #tpu.memory_space<vmem>> -> memref<128x64xf32, #tpu.memory_space<vmem>>
      %dma_start3A_45 = arith.constant 0 : i32
      %dma_start3A_46 = tpu.memref_slice %arg9[%add3A_10, %dma_start3A_45] : memref<10240x64xf32, #tpu.memory_space<vmem_shared>> -> memref<128x64xf32, #tpu.memory_space<vmem_shared>>
      %dma_start3A_47 = arith.constant 0 : i32
      %dma_start3A_48 = tpu.memref_slice %arg9[%add3A_10, %dma_start3A_47] : memref<10240x64xf32, #tpu.memory_space<vmem_shared>> -> memref<128x64xf32, #tpu.memory_space<vmem_shared>>
      %dma_start3A_49 = arith.constant 0 : i32
      %dma_start3A_50 = arith.constant 0 : i32
      %dma_start3A_51 = tpu.memref_slice %arg8[%run_scoped3A, %dma_start3A_49, %dma_start3A_50] : memref<8x128x64xf32, #tpu.memory_space<vmem>> -> memref<1x128x64xf32, #tpu.memory_space<vmem>>
      %dma_start3A_52 = tpu.memref_squeeze %dma_start3A_51 : memref<1x128x64xf32, #tpu.memory_space<vmem>> -> memref<128x64xf32, #tpu.memory_space<vmem>>
      tpu.enqueue_dma source(%dma_start3A_52 : memref<128x64xf32, #tpu.memory_space<vmem>>) target(%dma_start3A_48 : memref<128x64xf32, #tpu.memory_space<vmem_shared>>) target_semaphore(%run_scoped3A_41 : memref<!tpu.dma_semaphore, #tpu.memory_space<semaphore_mem>>)
      %dma_wait3A = arith.constant 0 : i32
      %dma_wait3A_53 = arith.constant 0 : i32
      %dma_wait3A_54 = tpu.memref_slice %arg8[%run_scoped3A, %dma_wait3A, %dma_wait3A_53] : memref<8x128x64xf32, #tpu.memory_space<vmem>> -> memref<1x128x64xf32, #tpu.memory_space<vmem>>
      %dma_wait3A_55 = tpu.memref_squeeze %dma_wait3A_54 : memref<1x128x64xf32, #tpu.memory_space<vmem>> -> memref<128x64xf32, #tpu.memory_space<vmem>>
      %dma_wait3A_56 = arith.constant 0 : i32
      %dma_wait3A_57 = tpu.memref_slice %arg9[%add3A_10, %dma_wait3A_56] : memref<10240x64xf32, #tpu.memory_space<vmem_shared>> -> memref<128x64xf32, #tpu.memory_space<vmem_shared>>
      %dma_wait3A_58 = arith.constant 0 : i32
      %dma_wait3A_59 = tpu.memref_slice %arg9[%add3A_10, %dma_wait3A_58] : memref<10240x64xf32, #tpu.memory_space<vmem_shared>> -> memref<128x64xf32, #tpu.memory_space<vmem_shared>>
      %dma_wait3A_60 = arith.constant 0 : i32
      %dma_wait3A_61 = arith.constant 0 : i32
      %dma_wait3A_62 = tpu.memref_slice %arg8[%run_scoped3A, %dma_wait3A_60, %dma_wait3A_61] : memref<8x128x64xf32, #tpu.memory_space<vmem>> -> memref<1x128x64xf32, #tpu.memory_space<vmem>>
      %dma_wait3A_63 = tpu.memref_squeeze %dma_wait3A_62 : memref<1x128x64xf32, #tpu.memory_space<vmem>> -> memref<128x64xf32, #tpu.memory_space<vmem>>
      tpu.wait_dma2 semaphore(%run_scoped3A_41 : memref<!tpu.dma_semaphore, #tpu.memory_space<semaphore_mem>>) src(%dma_wait3A_63 : memref<128x64xf32, #tpu.memory_space<vmem>>) dst(%dma_wait3A_59 : memref<128x64xf32, #tpu.memory_space<vmem_shared>>)
      tpu.yield
    }) : () -> ()
    %mul3A_11 = arith.constant 640 : i32
    %mul3A_12 = arith.muli %arg1, %mul3A_11 : i32
    %add3A_13 = arith.constant 128 : i32
    %add3A_14 = arith.addi %mul3A_12, %add3A_13 : i32
    %run_scoped3A_15 = arith.constant 0 : i32
    "tpu.region"() ({
      %run_scoped3A_41 = tpu.sem_alloc : memref<!tpu.dma_semaphore, #tpu.memory_space<semaphore_mem>>
      %dma_start3A = arith.constant 0 : i32
      %dma_start3A_42 = arith.constant 0 : i32
      %dma_start3A_43 = tpu.memref_slice %arg8[%run_scoped3A_15, %dma_start3A, %dma_start3A_42] : memref<8x128x64xf32, #tpu.memory_space<vmem>> -> memref<1x128x64xf32, #tpu.memory_space<vmem>>
      %dma_start3A_44 = tpu.memref_squeeze %dma_start3A_43 : memref<1x128x64xf32, #tpu.memory_space<vmem>> -> memref<128x64xf32, #tpu.memory_space<vmem>>
      %dma_start3A_45 = arith.constant 0 : i32
      %dma_start3A_46 = tpu.memref_slice %arg9[%add3A_14, %dma_start3A_45] : memref<10240x64xf32, #tpu.memory_space<vmem_shared>> -> memref<128x64xf32, #tpu.memory_space<vmem_shared>>
      %dma_start3A_47 = arith.constant 0 : i32
      %dma_start3A_48 = tpu.memref_slice %arg9[%add3A_14, %dma_start3A_47] : memref<10240x64xf32, #tpu.memory_space<vmem_shared>> -> memref<128x64xf32, #tpu.memory_space<vmem_shared>>
      %dma_start3A_49 = arith.constant 0 : i32
      %dma_start3A_50 = arith.constant 0 : i32
      %dma_start3A_51 = tpu.memref_slice %arg8[%run_scoped3A_15, %dma_start3A_49, %dma_start3A_50] : memref<8x128x64xf32, #tpu.memory_space<vmem>> -> memref<1x128x64xf32, #tpu.memory_space<vmem>>
      %dma_start3A_52 = tpu.memref_squeeze %dma_start3A_51 : memref<1x128x64xf32, #tpu.memory_space<vmem>> -> memref<128x64xf32, #tpu.memory_space<vmem>>
      tpu.enqueue_dma source(%dma_start3A_52 : memref<128x64xf32, #tpu.memory_space<vmem>>) target(%dma_start3A_48 : memref<128x64xf32, #tpu.memory_space<vmem_shared>>) target_semaphore(%run_scoped3A_41 : memref<!tpu.dma_semaphore, #tpu.memory_space<semaphore_mem>>)
      %dma_wait3A = arith.constant 0 : i32
      %dma_wait3A_53 = arith.constant 0 : i32
      %dma_wait3A_54 = tpu.memref_slice %arg8[%run_scoped3A_15, %dma_wait3A, %dma_wait3A_53] : memref<8x128x64xf32, #tpu.memory_space<vmem>> -> memref<1x128x64xf32, #tpu.memory_space<vmem>>
      %dma_wait3A_55 = tpu.memref_squeeze %dma_wait3A_54 : memref<1x128x64xf32, #tpu.memory_space<vmem>> -> memref<128x64xf32, #tpu.memory_space<vmem>>
      %dma_wait3A_56 = arith.constant 0 : i32
      %dma_wait3A_57 = tpu.memref_slice %arg9[%add3A_14, %dma_wait3A_56] : memref<10240x64xf32, #tpu.memory_space<vmem_shared>> -> memref<128x64xf32, #tpu.memory_space<vmem_shared>>
      %dma_wait3A_58 = arith.constant 0 : i32
      %dma_wait3A_59 = tpu.memref_slice %arg9[%add3A_14, %dma_wait3A_58] : memref<10240x64xf32, #tpu.memory_space<vmem_shared>> -> memref<128x64xf32, #tpu.memory_space<vmem_shared>>
      %dma_wait3A_60 = arith.constant 0 : i32
      %dma_wait3A_61 = arith.constant 0 : i32
      %dma_wait3A_62 = tpu.memref_slice %arg8[%run_scoped3A_15, %dma_wait3A_60, %dma_wait3A_61] : memref<8x128x64xf32, #tpu.memory_space<vmem>> -> memref<1x128x64xf32, #tpu.memory_space<vmem>>
      %dma_wait3A_63 = tpu.memref_squeeze %dma_wait3A_62 : memref<1x128x64xf32, #tpu.memory_space<vmem>> -> memref<128x64xf32, #tpu.memory_space<vmem>>
      tpu.wait_dma2 semaphore(%run_scoped3A_41 : memref<!tpu.dma_semaphore, #tpu.memory_space<semaphore_mem>>) src(%dma_wait3A_63 : memref<128x64xf32, #tpu.memory_space<vmem>>) dst(%dma_wait3A_59 : memref<128x64xf32, #tpu.memory_space<vmem_shared>>)
      tpu.yield
    }) : () -> ()
    %mul3A_16 = arith.constant 640 : i32
    %mul3A_17 = arith.muli %arg1, %mul3A_16 : i32
    %add3A_18 = arith.constant 256 : i32
    %add3A_19 = arith.addi %mul3A_17, %add3A_18 : i32
    %run_scoped3A_20 = arith.constant 0 : i32
    "tpu.region"() ({
      %run_scoped3A_41 = tpu.sem_alloc : memref<!tpu.dma_semaphore, #tpu.memory_space<semaphore_mem>>
      %dma_start3A = arith.constant 0 : i32
      %dma_start3A_42 = arith.constant 0 : i32
      %dma_start3A_43 = tpu.memref_slice %arg8[%run_scoped3A_20, %dma_start3A, %dma_start3A_42] : memref<8x128x64xf32, #tpu.memory_space<vmem>> -> memref<1x128x64xf32, #tpu.memory_space<vmem>>
      %dma_start3A_44 = tpu.memref_squeeze %dma_start3A_43 : memref<1x128x64xf32, #tpu.memory_space<vmem>> -> memref<128x64xf32, #tpu.memory_space<vmem>>
      %dma_start3A_45 = arith.constant 0 : i32
      %dma_start3A_46 = tpu.memref_slice %arg9[%add3A_19, %dma_start3A_45] : memref<10240x64xf32, #tpu.memory_space<vmem_shared>> -> memref<128x64xf32, #tpu.memory_space<vmem_shared>>
      %dma_start3A_47 = arith.constant 0 : i32
      %dma_start3A_48 = tpu.memref_slice %arg9[%add3A_19, %dma_start3A_47] : memref<10240x64xf32, #tpu.memory_space<vmem_shared>> -> memref<128x64xf32, #tpu.memory_space<vmem_shared>>
      %dma_start3A_49 = arith.constant 0 : i32
      %dma_start3A_50 = arith.constant 0 : i32
      %dma_start3A_51 = tpu.memref_slice %arg8[%run_scoped3A_20, %dma_start3A_49, %dma_start3A_50] : memref<8x128x64xf32, #tpu.memory_space<vmem>> -> memref<1x128x64xf32, #tpu.memory_space<vmem>>
      %dma_start3A_52 = tpu.memref_squeeze %dma_start3A_51 : memref<1x128x64xf32, #tpu.memory_space<vmem>> -> memref<128x64xf32, #tpu.memory_space<vmem>>
      tpu.enqueue_dma source(%dma_start3A_52 : memref<128x64xf32, #tpu.memory_space<vmem>>) target(%dma_start3A_48 : memref<128x64xf32, #tpu.memory_space<vmem_shared>>) target_semaphore(%run_scoped3A_41 : memref<!tpu.dma_semaphore, #tpu.memory_space<semaphore_mem>>)
      %dma_wait3A = arith.constant 0 : i32
      %dma_wait3A_53 = arith.constant 0 : i32
      %dma_wait3A_54 = tpu.memref_slice %arg8[%run_scoped3A_20, %dma_wait3A, %dma_wait3A_53] : memref<8x128x64xf32, #tpu.memory_space<vmem>> -> memref<1x128x64xf32, #tpu.memory_space<vmem>>
      %dma_wait3A_55 = tpu.memref_squeeze %dma_wait3A_54 : memref<1x128x64xf32, #tpu.memory_space<vmem>> -> memref<128x64xf32, #tpu.memory_space<vmem>>
      %dma_wait3A_56 = arith.constant 0 : i32
      %dma_wait3A_57 = tpu.memref_slice %arg9[%add3A_19, %dma_wait3A_56] : memref<10240x64xf32, #tpu.memory_space<vmem_shared>> -> memref<128x64xf32, #tpu.memory_space<vmem_shared>>
      %dma_wait3A_58 = arith.constant 0 : i32
      %dma_wait3A_59 = tpu.memref_slice %arg9[%add3A_19, %dma_wait3A_58] : memref<10240x64xf32, #tpu.memory_space<vmem_shared>> -> memref<128x64xf32, #tpu.memory_space<vmem_shared>>
      %dma_wait3A_60 = arith.constant 0 : i32
      %dma_wait3A_61 = arith.constant 0 : i32
      %dma_wait3A_62 = tpu.memref_slice %arg8[%run_scoped3A_20, %dma_wait3A_60, %dma_wait3A_61] : memref<8x128x64xf32, #tpu.memory_space<vmem>> -> memref<1x128x64xf32, #tpu.memory_space<vmem>>
      %dma_wait3A_63 = tpu.memref_squeeze %dma_wait3A_62 : memref<1x128x64xf32, #tpu.memory_space<vmem>> -> memref<128x64xf32, #tpu.memory_space<vmem>>
      tpu.wait_dma2 semaphore(%run_scoped3A_41 : memref<!tpu.dma_semaphore, #tpu.memory_space<semaphore_mem>>) src(%dma_wait3A_63 : memref<128x64xf32, #tpu.memory_space<vmem>>) dst(%dma_wait3A_59 : memref<128x64xf32, #tpu.memory_space<vmem_shared>>)
      tpu.yield
    }) : () -> ()
    %mul3A_21 = arith.constant 640 : i32
    %mul3A_22 = arith.muli %arg1, %mul3A_21 : i32
    %add3A_23 = arith.constant 384 : i32
    %add3A_24 = arith.addi %mul3A_22, %add3A_23 : i32
    %run_scoped3A_25 = arith.constant 0 : i32
    "tpu.region"() ({
      %run_scoped3A_41 = tpu.sem_alloc : memref<!tpu.dma_semaphore, #tpu.memory_space<semaphore_mem>>
      %dma_start3A = arith.constant 0 : i32
      %dma_start3A_42 = arith.constant 0 : i32
      %dma_start3A_43 = tpu.memref_slice %arg8[%run_scoped3A_25, %dma_start3A, %dma_start3A_42] : memref<8x128x64xf32, #tpu.memory_space<vmem>> -> memref<1x128x64xf32, #tpu.memory_space<vmem>>
      %dma_start3A_44 = tpu.memref_squeeze %dma_start3A_43 : memref<1x128x64xf32, #tpu.memory_space<vmem>> -> memref<128x64xf32, #tpu.memory_space<vmem>>
      %dma_start3A_45 = arith.constant 0 : i32
      %dma_start3A_46 = tpu.memref_slice %arg9[%add3A_24, %dma_start3A_45] : memref<10240x64xf32, #tpu.memory_space<vmem_shared>> -> memref<128x64xf32, #tpu.memory_space<vmem_shared>>
      %dma_start3A_47 = arith.constant 0 : i32
      %dma_start3A_48 = tpu.memref_slice %arg9[%add3A_24, %dma_start3A_47] : memref<10240x64xf32, #tpu.memory_space<vmem_shared>> -> memref<128x64xf32, #tpu.memory_space<vmem_shared>>
      %dma_start3A_49 = arith.constant 0 : i32
      %dma_start3A_50 = arith.constant 0 : i32
      %dma_start3A_51 = tpu.memref_slice %arg8[%run_scoped3A_25, %dma_start3A_49, %dma_start3A_50] : memref<8x128x64xf32, #tpu.memory_space<vmem>> -> memref<1x128x64xf32, #tpu.memory_space<vmem>>
      %dma_start3A_52 = tpu.memref_squeeze %dma_start3A_51 : memref<1x128x64xf32, #tpu.memory_space<vmem>> -> memref<128x64xf32, #tpu.memory_space<vmem>>
      tpu.enqueue_dma source(%dma_start3A_52 : memref<128x64xf32, #tpu.memory_space<vmem>>) target(%dma_start3A_48 : memref<128x64xf32, #tpu.memory_space<vmem_shared>>) target_semaphore(%run_scoped3A_41 : memref<!tpu.dma_semaphore, #tpu.memory_space<semaphore_mem>>)
      %dma_wait3A = arith.constant 0 : i32
      %dma_wait3A_53 = arith.constant 0 : i32
      %dma_wait3A_54 = tpu.memref_slice %arg8[%run_scoped3A_25, %dma_wait3A, %dma_wait3A_53] : memref<8x128x64xf32, #tpu.memory_space<vmem>> -> memref<1x128x64xf32, #tpu.memory_space<vmem>>
      %dma_wait3A_55 = tpu.memref_squeeze %dma_wait3A_54 : memref<1x128x64xf32, #tpu.memory_space<vmem>> -> memref<128x64xf32, #tpu.memory_space<vmem>>
      %dma_wait3A_56 = arith.constant 0 : i32
      %dma_wait3A_57 = tpu.memref_slice %arg9[%add3A_24, %dma_wait3A_56] : memref<10240x64xf32, #tpu.memory_space<vmem_shared>> -> memref<128x64xf32, #tpu.memory_space<vmem_shared>>
      %dma_wait3A_58 = arith.constant 0 : i32
      %dma_wait3A_59 = tpu.memref_slice %arg9[%add3A_24, %dma_wait3A_58] : memref<10240x64xf32, #tpu.memory_space<vmem_shared>> -> memref<128x64xf32, #tpu.memory_space<vmem_shared>>
      %dma_wait3A_60 = arith.constant 0 : i32
      %dma_wait3A_61 = arith.constant 0 : i32
      %dma_wait3A_62 = tpu.memref_slice %arg8[%run_scoped3A_25, %dma_wait3A_60, %dma_wait3A_61] : memref<8x128x64xf32, #tpu.memory_space<vmem>> -> memref<1x128x64xf32, #tpu.memory_space<vmem>>
      %dma_wait3A_63 = tpu.memref_squeeze %dma_wait3A_62 : memref<1x128x64xf32, #tpu.memory_space<vmem>> -> memref<128x64xf32, #tpu.memory_space<vmem>>
      tpu.wait_dma2 semaphore(%run_scoped3A_41 : memref<!tpu.dma_semaphore, #tpu.memory_space<semaphore_mem>>) src(%dma_wait3A_63 : memref<128x64xf32, #tpu.memory_space<vmem>>) dst(%dma_wait3A_59 : memref<128x64xf32, #tpu.memory_space<vmem_shared>>)
      tpu.yield
    }) : () -> ()
    %mul3A_26 = arith.constant 640 : i32
    %mul3A_27 = arith.muli %arg1, %mul3A_26 : i32
    %add3A_28 = arith.constant 512 : i32
    %add3A_29 = arith.addi %mul3A_27, %add3A_28 : i32
    %run_scoped3A_30 = arith.constant 0 : i32
    "tpu.region"() ({
      %run_scoped3A_41 = tpu.sem_alloc : memref<!tpu.dma_semaphore, #tpu.memory_space<semaphore_mem>>
      %dma_start3A = arith.constant 0 : i32
      %dma_start3A_42 = arith.constant 0 : i32
      %dma_start3A_43 = tpu.memref_slice %arg8[%run_scoped3A_30, %dma_start3A, %dma_start3A_42] : memref<8x128x64xf32, #tpu.memory_space<vmem>> -> memref<1x128x64xf32, #tpu.memory_space<vmem>>
      %dma_start3A_44 = tpu.memref_squeeze %dma_start3A_43 : memref<1x128x64xf32, #tpu.memory_space<vmem>> -> memref<128x64xf32, #tpu.memory_space<vmem>>
      %dma_start3A_45 = arith.constant 0 : i32
      %dma_start3A_46 = tpu.memref_slice %arg9[%add3A_29, %dma_start3A_45] : memref<10240x64xf32, #tpu.memory_space<vmem_shared>> -> memref<128x64xf32, #tpu.memory_space<vmem_shared>>
      %dma_start3A_47 = arith.constant 0 : i32
      %dma_start3A_48 = tpu.memref_slice %arg9[%add3A_29, %dma_start3A_47] : memref<10240x64xf32, #tpu.memory_space<vmem_shared>> -> memref<128x64xf32, #tpu.memory_space<vmem_shared>>
      %dma_start3A_49 = arith.constant 0 : i32
      %dma_start3A_50 = arith.constant 0 : i32
      %dma_start3A_51 = tpu.memref_slice %arg8[%run_scoped3A_30, %dma_start3A_49, %dma_start3A_50] : memref<8x128x64xf32, #tpu.memory_space<vmem>> -> memref<1x128x64xf32, #tpu.memory_space<vmem>>
      %dma_start3A_52 = tpu.memref_squeeze %dma_start3A_51 : memref<1x128x64xf32, #tpu.memory_space<vmem>> -> memref<128x64xf32, #tpu.memory_space<vmem>>
      tpu.enqueue_dma source(%dma_start3A_52 : memref<128x64xf32, #tpu.memory_space<vmem>>) target(%dma_start3A_48 : memref<128x64xf32, #tpu.memory_space<vmem_shared>>) target_semaphore(%run_scoped3A_41 : memref<!tpu.dma_semaphore, #tpu.memory_space<semaphore_mem>>)
      %dma_wait3A = arith.constant 0 : i32
      %dma_wait3A_53 = arith.constant 0 : i32
      %dma_wait3A_54 = tpu.memref_slice %arg8[%run_scoped3A_30, %dma_wait3A, %dma_wait3A_53] : memref<8x128x64xf32, #tpu.memory_space<vmem>> -> memref<1x128x64xf32, #tpu.memory_space<vmem>>
      %dma_wait3A_55 = tpu.memref_squeeze %dma_wait3A_54 : memref<1x128x64xf32, #tpu.memory_space<vmem>> -> memref<128x64xf32, #tpu.memory_space<vmem>>
      %dma_wait3A_56 = arith.constant 0 : i32
      %dma_wait3A_57 = tpu.memref_slice %arg9[%add3A_29, %dma_wait3A_56] : memref<10240x64xf32, #tpu.memory_space<vmem_shared>> -> memref<128x64xf32, #tpu.memory_space<vmem_shared>>
      %dma_wait3A_58 = arith.constant 0 : i32
      %dma_wait3A_59 = tpu.memref_slice %arg9[%add3A_29, %dma_wait3A_58] : memref<10240x64xf32, #tpu.memory_space<vmem_shared>> -> memref<128x64xf32, #tpu.memory_space<vmem_shared>>
      %dma_wait3A_60 = arith.constant 0 : i32
      %dma_wait3A_61 = arith.constant 0 : i32
      %dma_wait3A_62 = tpu.memref_slice %arg8[%run_scoped3A_30, %dma_wait3A_60, %dma_wait3A_61] : memref<8x128x64xf32, #tpu.memory_space<vmem>> -> memref<1x128x64xf32, #tpu.memory_space<vmem>>
      %dma_wait3A_63 = tpu.memref_squeeze %dma_wait3A_62 : memref<1x128x64xf32, #tpu.memory_space<vmem>> -> memref<128x64xf32, #tpu.memory_space<vmem>>
      tpu.wait_dma2 semaphore(%run_scoped3A_41 : memref<!tpu.dma_semaphore, #tpu.memory_space<semaphore_mem>>) src(%dma_wait3A_63 : memref<128x64xf32, #tpu.memory_space<vmem>>) dst(%dma_wait3A_59 : memref<128x64xf32, #tpu.memory_space<vmem_shared>>)
      tpu.yield
    }) : () -> ()
    %barrier3A = arith.constant 0 : index
    tpu.barrier barrier_id(%barrier3A)
    %scan3A_31 = arith.constant 0 : i32
    %scan3A_32 = arith.constant 20 : i32
    %scan3A_33 = arith.addi %scan3A_31, %scan3A_32 : i32
    %scan3A_34 = arith.constant 1 : i32
    scf.for %scan3A_41 = %scan3A_31 to %scan3A_33 step %scan3A_34  : i32 {
      %mul3A_42 = arith.constant 1 : i32
      %mul3A_43 = arith.muli %scan3A_41, %mul3A_42 : i32
      %add3A_44 = arith.constant 0 : i32
      %add3A_45 = arith.addi %add3A_44, %mul3A_43 : i32
      %mul3A_46 = arith.constant 8 : i32
      %mul3A_47 = arith.muli %add3A_45, %mul3A_46 : i32
      %add3A_48 = arith.addi %add3A, %mul3A_47 : i32
      "tpu.region"() ({
        %run_scoped3A_431 = tpu.sem_alloc : memref<!tpu.dma_semaphore, #tpu.memory_space<semaphore_mem>>
        %dma_start3A_432 = arith.constant 0 : i32
        %dma_start3A_433 = tpu.memref_slice %arg2[%add3A_48, %dma_start3A_432] : memref<5120x128xi32, #tpu.memory_space<hbm>> -> memref<8x128xi32, #tpu.memory_space<hbm>>
        %dma_start3A_434 = arith.constant 0 : i32
        %dma_start3A_435 = tpu.memref_slice %arg2[%add3A_48, %dma_start3A_434] : memref<5120x128xi32, #tpu.memory_space<hbm>> -> memref<8x128xi32, #tpu.memory_space<hbm>>
        tpu.enqueue_dma source(%dma_start3A_435 : memref<8x128xi32, #tpu.memory_space<hbm>>) target(%arg6 : memref<8x128xi32, #tpu.memory_space<vmem>>) target_semaphore(%run_scoped3A_431 : memref<!tpu.dma_semaphore, #tpu.memory_space<semaphore_mem>>)
        %dma_wait3A_436 = arith.constant 0 : i32
        %dma_wait3A_437 = tpu.memref_slice %arg2[%add3A_48, %dma_wait3A_436] : memref<5120x128xi32, #tpu.memory_space<hbm>> -> memref<8x128xi32, #tpu.memory_space<hbm>>
        %dma_wait3A_438 = arith.constant 0 : i32
        %dma_wait3A_439 = tpu.memref_slice %arg2[%add3A_48, %dma_wait3A_438] : memref<5120x128xi32, #tpu.memory_space<hbm>> -> memref<8x128xi32, #tpu.memory_space<hbm>>
        tpu.wait_dma2 semaphore(%run_scoped3A_431 : memref<!tpu.dma_semaphore, #tpu.memory_space<semaphore_mem>>) src(%dma_wait3A_439 : memref<8x128xi32, #tpu.memory_space<hbm>>) dst(%arg6 : memref<8x128xi32, #tpu.memory_space<vmem>>)
        tpu.yield
      }) : () -> ()
      "tpu.region"() ({
        %run_scoped3A_431 = tpu.sem_alloc : memref<!tpu.dma_semaphore, #tpu.memory_space<semaphore_mem>>
        %dma_start3A_432 = arith.constant 0 : i32
        %dma_start3A_433 = tpu.memref_slice %arg3[%add3A_48, %dma_start3A_432] : memref<5120x128xi32, #tpu.memory_space<hbm>> -> memref<8x128xi32, #tpu.memory_space<hbm>>
        %dma_start3A_434 = arith.constant 0 : i32
        %dma_start3A_435 = tpu.memref_slice %arg3[%add3A_48, %dma_start3A_434] : memref<5120x128xi32, #tpu.memory_space<hbm>> -> memref<8x128xi32, #tpu.memory_space<hbm>>
        tpu.enqueue_dma source(%dma_start3A_435 : memref<8x128xi32, #tpu.memory_space<hbm>>) target(%arg7 : memref<8x128xi32, #tpu.memory_space<vmem>>) target_semaphore(%run_scoped3A_431 : memref<!tpu.dma_semaphore, #tpu.memory_space<semaphore_mem>>)
        %dma_wait3A_436 = arith.constant 0 : i32
        %dma_wait3A_437 = tpu.memref_slice %arg3[%add3A_48, %dma_wait3A_436] : memref<5120x128xi32, #tpu.memory_space<hbm>> -> memref<8x128xi32, #tpu.memory_space<hbm>>
        %dma_wait3A_438 = arith.constant 0 : i32
        %dma_wait3A_439 = tpu.memref_slice %arg3[%add3A_48, %dma_wait3A_438] : memref<5120x128xi32, #tpu.memory_space<hbm>> -> memref<8x128xi32, #tpu.memory_space<hbm>>
        tpu.wait_dma2 semaphore(%run_scoped3A_431 : memref<!tpu.dma_semaphore, #tpu.memory_space<semaphore_mem>>) src(%dma_wait3A_439 : memref<8x128xi32, #tpu.memory_space<hbm>>) dst(%arg7 : memref<8x128xi32, #tpu.memory_space<vmem>>)
        tpu.yield
      }) : () -> ()
      %dma_start3A = arith.constant 0 : i32
      %dma_start3A_49 = arith.constant 0 : i32
      %dma_start3A_50 = arith.constant 0 : i32
      %dma_start3A_51 = arith.constant 0 : i32
      %dma_start3A_52 = tpu.memref_slice %arg8[%dma_start3A_49, %dma_start3A_50, %dma_start3A_51] : memref<8x128x64xf32, #tpu.memory_space<vmem>> -> memref<1x128x64xf32, #tpu.memory_space<vmem>>
      %dma_start3A_53 = tpu.memref_squeeze %dma_start3A_52 : memref<1x128x64xf32, #tpu.memory_space<vmem>> -> memref<128x64xf32, #tpu.memory_space<vmem>>
      %dma_start3A_54 = arith.constant 0 : i32
      %dma_start3A_55 = tpu.memref_slice %arg6[%dma_start3A, %dma_start3A_54] : memref<8x128xi32, #tpu.memory_space<vmem>> -> memref<1x128xi32, #tpu.memory_space<vmem>>
      %dma_start3A_56 = tpu.memref_squeeze %dma_start3A_55 : memref<1x128xi32, #tpu.memory_space<vmem>> -> memref<128xi32, #tpu.memory_space<vmem>>
      %dma_start3A_57 = arith.constant 0 : i32
      %dma_start3A_58 = arith.constant 0 : i32
      %dma_start3A_59 = tpu.memref_slice %arg4[%dma_start3A_57, %dma_start3A_58] : memref<10240x64xf32, #tpu.memory_space<hbm>> -> memref<10240x64xf32, #tpu.memory_space<hbm>>
      tpu.enqueue_indirect_dma source(%dma_start3A_59 : memref<10240x64xf32, #tpu.memory_space<hbm>>) target(%dma_start3A_53 : memref<128x64xf32, #tpu.memory_space<vmem>>) offsets(%dma_start3A_56 : memref<128xi32, #tpu.memory_space<vmem>>) semaphore(%arg10 : memref<!tpu.dma_semaphore, #tpu.memory_space<semaphore_mem>>)
      %dma_start3A_60 = arith.constant 1 : i32
      %dma_start3A_61 = arith.constant 1 : i32
      %dma_start3A_62 = arith.constant 0 : i32
      %dma_start3A_63 = arith.constant 0 : i32
      %dma_start3A_64 = tpu.memref_slice %arg8[%dma_start3A_61, %dma_start3A_62, %dma_start3A_63] : memref<8x128x64xf32, #tpu.memory_space<vmem>> -> memref<1x128x64xf32, #tpu.memory_space<vmem>>
      %dma_start3A_65 = tpu.memref_squeeze %dma_start3A_64 : memref<1x128x64xf32, #tpu.memory_space<vmem>> -> memref<128x64xf32, #tpu.memory_space<vmem>>
      %dma_start3A_66 = arith.constant 0 : i32
      %dma_start3A_67 = tpu.memref_slice %arg6[%dma_start3A_60, %dma_start3A_66] : memref<8x128xi32, #tpu.memory_space<vmem>> -> memref<1x128xi32, #tpu.memory_space<vmem>>
      %dma_start3A_68 = tpu.memref_squeeze %dma_start3A_67 : memref<1x128xi32, #tpu.memory_space<vmem>> -> memref<128xi32, #tpu.memory_space<vmem>>
      %dma_start3A_69 = arith.constant 0 : i32
      %dma_start3A_70 = arith.constant 0 : i32
      %dma_start3A_71 = tpu.memref_slice %arg4[%dma_start3A_69, %dma_start3A_70] : memref<10240x64xf32, #tpu.memory_space<hbm>> -> memref<10240x64xf32, #tpu.memory_space<hbm>>
      tpu.enqueue_indirect_dma source(%dma_start3A_71 : memref<10240x64xf32, #tpu.memory_space<hbm>>) target(%dma_start3A_65 : memref<128x64xf32, #tpu.memory_space<vmem>>) offsets(%dma_start3A_68 : memref<128xi32, #tpu.memory_space<vmem>>) semaphore(%arg10 : memref<!tpu.dma_semaphore, #tpu.memory_space<semaphore_mem>>)
      %dma_start3A_72 = arith.constant 2 : i32
      %dma_start3A_73 = arith.constant 2 : i32
      %dma_start3A_74 = arith.constant 0 : i32
      %dma_start3A_75 = arith.constant 0 : i32
      %dma_start3A_76 = tpu.memref_slice %arg8[%dma_start3A_73, %dma_start3A_74, %dma_start3A_75] : memref<8x128x64xf32, #tpu.memory_space<vmem>> -> memref<1x128x64xf32, #tpu.memory_space<vmem>>
      %dma_start3A_77 = tpu.memref_squeeze %dma_start3A_76 : memref<1x128x64xf32, #tpu.memory_space<vmem>> -> memref<128x64xf32, #tpu.memory_space<vmem>>
      %dma_start3A_78 = arith.constant 0 : i32
      %dma_start3A_79 = tpu.memref_slice %arg6[%dma_start3A_72, %dma_start3A_78] : memref<8x128xi32, #tpu.memory_space<vmem>> -> memref<1x128xi32, #tpu.memory_space<vmem>>
      %dma_start3A_80 = tpu.memref_squeeze %dma_start3A_79 : memref<1x128xi32, #tpu.memory_space<vmem>> -> memref<128xi32, #tpu.memory_space<vmem>>
      %dma_start3A_81 = arith.constant 0 : i32
      %dma_start3A_82 = arith.constant 0 : i32
      %dma_start3A_83 = tpu.memref_slice %arg4[%dma_start3A_81, %dma_start3A_82] : memref<10240x64xf32, #tpu.memory_space<hbm>> -> memref<10240x64xf32, #tpu.memory_space<hbm>>
      tpu.enqueue_indirect_dma source(%dma_start3A_83 : memref<10240x64xf32, #tpu.memory_space<hbm>>) target(%dma_start3A_77 : memref<128x64xf32, #tpu.memory_space<vmem>>) offsets(%dma_start3A_80 : memref<128xi32, #tpu.memory_space<vmem>>) semaphore(%arg10 : memref<!tpu.dma_semaphore, #tpu.memory_space<semaphore_mem>>)
      %dma_start3A_84 = arith.constant 3 : i32
      %dma_start3A_85 = arith.constant 3 : i32
      %dma_start3A_86 = arith.constant 0 : i32
      %dma_start3A_87 = arith.constant 0 : i32
      %dma_start3A_88 = tpu.memref_slice %arg8[%dma_start3A_85, %dma_start3A_86, %dma_start3A_87] : memref<8x128x64xf32, #tpu.memory_space<vmem>> -> memref<1x128x64xf32, #tpu.memory_space<vmem>>
      %dma_start3A_89 = tpu.memref_squeeze %dma_start3A_88 : memref<1x128x64xf32, #tpu.memory_space<vmem>> -> memref<128x64xf32, #tpu.memory_space<vmem>>
      %dma_start3A_90 = arith.constant 0 : i32
      %dma_start3A_91 = tpu.memref_slice %arg6[%dma_start3A_84, %dma_start3A_90] : memref<8x128xi32, #tpu.memory_space<vmem>> -> memref<1x128xi32, #tpu.memory_space<vmem>>
      %dma_start3A_92 = tpu.memref_squeeze %dma_start3A_91 : memref<1x128xi32, #tpu.memory_space<vmem>> -> memref<128xi32, #tpu.memory_space<vmem>>
      %dma_start3A_93 = arith.constant 0 : i32
      %dma_start3A_94 = arith.constant 0 : i32
      %dma_start3A_95 = tpu.memref_slice %arg4[%dma_start3A_93, %dma_start3A_94] : memref<10240x64xf32, #tpu.memory_space<hbm>> -> memref<10240x64xf32, #tpu.memory_space<hbm>>
      tpu.enqueue_indirect_dma source(%dma_start3A_95 : memref<10240x64xf32, #tpu.memory_space<hbm>>) target(%dma_start3A_89 : memref<128x64xf32, #tpu.memory_space<vmem>>) offsets(%dma_start3A_92 : memref<128xi32, #tpu.memory_space<vmem>>) semaphore(%arg10 : memref<!tpu.dma_semaphore, #tpu.memory_space<semaphore_mem>>)
      %dma_start3A_96 = arith.constant 4 : i32
      %dma_start3A_97 = arith.constant 4 : i32
      %dma_start3A_98 = arith.constant 0 : i32
      %dma_start3A_99 = arith.constant 0 : i32
      %dma_start3A_100 = tpu.memref_slice %arg8[%dma_start3A_97, %dma_start3A_98, %dma_start3A_99] : memref<8x128x64xf32, #tpu.memory_space<vmem>> -> memref<1x128x64xf32, #tpu.memory_space<vmem>>
      %dma_start3A_101 = tpu.memref_squeeze %dma_start3A_100 : memref<1x128x64xf32, #tpu.memory_space<vmem>> -> memref<128x64xf32, #tpu.memory_space<vmem>>
      %dma_start3A_102 = arith.constant 0 : i32
      %dma_start3A_103 = tpu.memref_slice %arg6[%dma_start3A_96, %dma_start3A_102] : memref<8x128xi32, #tpu.memory_space<vmem>> -> memref<1x128xi32, #tpu.memory_space<vmem>>
      %dma_start3A_104 = tpu.memref_squeeze %dma_start3A_103 : memref<1x128xi32, #tpu.memory_space<vmem>> -> memref<128xi32, #tpu.memory_space<vmem>>
      %dma_start3A_105 = arith.constant 0 : i32
      %dma_start3A_106 = arith.constant 0 : i32
      %dma_start3A_107 = tpu.memref_slice %arg4[%dma_start3A_105, %dma_start3A_106] : memref<10240x64xf32, #tpu.memory_space<hbm>> -> memref<10240x64xf32, #tpu.memory_space<hbm>>
      tpu.enqueue_indirect_dma source(%dma_start3A_107 : memref<10240x64xf32, #tpu.memory_space<hbm>>) target(%dma_start3A_101 : memref<128x64xf32, #tpu.memory_space<vmem>>) offsets(%dma_start3A_104 : memref<128xi32, #tpu.memory_space<vmem>>) semaphore(%arg11 : memref<!tpu.dma_semaphore, #tpu.memory_space<semaphore_mem>>)
      %dma_start3A_108 = arith.constant 5 : i32
      %dma_start3A_109 = arith.constant 5 : i32
      %dma_start3A_110 = arith.constant 0 : i32
      %dma_start3A_111 = arith.constant 0 : i32
      %dma_start3A_112 = tpu.memref_slice %arg8[%dma_start3A_109, %dma_start3A_110, %dma_start3A_111] : memref<8x128x64xf32, #tpu.memory_space<vmem>> -> memref<1x128x64xf32, #tpu.memory_space<vmem>>
      %dma_start3A_113 = tpu.memref_squeeze %dma_start3A_112 : memref<1x128x64xf32, #tpu.memory_space<vmem>> -> memref<128x64xf32, #tpu.memory_space<vmem>>
      %dma_start3A_114 = arith.constant 0 : i32
      %dma_start3A_115 = tpu.memref_slice %arg6[%dma_start3A_108, %dma_start3A_114] : memref<8x128xi32, #tpu.memory_space<vmem>> -> memref<1x128xi32, #tpu.memory_space<vmem>>
      %dma_start3A_116 = tpu.memref_squeeze %dma_start3A_115 : memref<1x128xi32, #tpu.memory_space<vmem>> -> memref<128xi32, #tpu.memory_space<vmem>>
      %dma_start3A_117 = arith.constant 0 : i32
      %dma_start3A_118 = arith.constant 0 : i32
      %dma_start3A_119 = tpu.memref_slice %arg4[%dma_start3A_117, %dma_start3A_118] : memref<10240x64xf32, #tpu.memory_space<hbm>> -> memref<10240x64xf32, #tpu.memory_space<hbm>>
      tpu.enqueue_indirect_dma source(%dma_start3A_119 : memref<10240x64xf32, #tpu.memory_space<hbm>>) target(%dma_start3A_113 : memref<128x64xf32, #tpu.memory_space<vmem>>) offsets(%dma_start3A_116 : memref<128xi32, #tpu.memory_space<vmem>>) semaphore(%arg11 : memref<!tpu.dma_semaphore, #tpu.memory_space<semaphore_mem>>)
      %dma_start3A_120 = arith.constant 6 : i32
      %dma_start3A_121 = arith.constant 6 : i32
      %dma_start3A_122 = arith.constant 0 : i32
      %dma_start3A_123 = arith.constant 0 : i32
      %dma_start3A_124 = tpu.memref_slice %arg8[%dma_start3A_121, %dma_start3A_122, %dma_start3A_123] : memref<8x128x64xf32, #tpu.memory_space<vmem>> -> memref<1x128x64xf32, #tpu.memory_space<vmem>>
      %dma_start3A_125 = tpu.memref_squeeze %dma_start3A_124 : memref<1x128x64xf32, #tpu.memory_space<vmem>> -> memref<128x64xf32, #tpu.memory_space<vmem>>
      %dma_start3A_126 = arith.constant 0 : i32
      %dma_start3A_127 = tpu.memref_slice %arg6[%dma_start3A_120, %dma_start3A_126] : memref<8x128xi32, #tpu.memory_space<vmem>> -> memref<1x128xi32, #tpu.memory_space<vmem>>
      %dma_start3A_128 = tpu.memref_squeeze %dma_start3A_127 : memref<1x128xi32, #tpu.memory_space<vmem>> -> memref<128xi32, #tpu.memory_space<vmem>>
      %dma_start3A_129 = arith.constant 0 : i32
      %dma_start3A_130 = arith.constant 0 : i32
      %dma_start3A_131 = tpu.memref_slice %arg4[%dma_start3A_129, %dma_start3A_130] : memref<10240x64xf32, #tpu.memory_space<hbm>> -> memref<10240x64xf32, #tpu.memory_space<hbm>>
      tpu.enqueue_indirect_dma source(%dma_start3A_131 : memref<10240x64xf32, #tpu.memory_space<hbm>>) target(%dma_start3A_125 : memref<128x64xf32, #tpu.memory_space<vmem>>) offsets(%dma_start3A_128 : memref<128xi32, #tpu.memory_space<vmem>>) semaphore(%arg11 : memref<!tpu.dma_semaphore, #tpu.memory_space<semaphore_mem>>)
      %dma_start3A_132 = arith.constant 7 : i32
      %dma_start3A_133 = arith.constant 7 : i32
      %dma_start3A_134 = arith.constant 0 : i32
      %dma_start3A_135 = arith.constant 0 : i32
      %dma_start3A_136 = tpu.memref_slice %arg8[%dma_start3A_133, %dma_start3A_134, %dma_start3A_135] : memref<8x128x64xf32, #tpu.memory_space<vmem>> -> memref<1x128x64xf32, #tpu.memory_space<vmem>>
      %dma_start3A_137 = tpu.memref_squeeze %dma_start3A_136 : memref<1x128x64xf32, #tpu.memory_space<vmem>> -> memref<128x64xf32, #tpu.memory_space<vmem>>
      %dma_start3A_138 = arith.constant 0 : i32
      %dma_start3A_139 = tpu.memref_slice %arg6[%dma_start3A_132, %dma_start3A_138] : memref<8x128xi32, #tpu.memory_space<vmem>> -> memref<1x128xi32, #tpu.memory_space<vmem>>
      %dma_start3A_140 = tpu.memref_squeeze %dma_start3A_139 : memref<1x128xi32, #tpu.memory_space<vmem>> -> memref<128xi32, #tpu.memory_space<vmem>>
      %dma_start3A_141 = arith.constant 0 : i32
      %dma_start3A_142 = arith.constant 0 : i32
      %dma_start3A_143 = tpu.memref_slice %arg4[%dma_start3A_141, %dma_start3A_142] : memref<10240x64xf32, #tpu.memory_space<hbm>> -> memref<10240x64xf32, #tpu.memory_space<hbm>>
      tpu.enqueue_indirect_dma source(%dma_start3A_143 : memref<10240x64xf32, #tpu.memory_space<hbm>>) target(%dma_start3A_137 : memref<128x64xf32, #tpu.memory_space<vmem>>) offsets(%dma_start3A_140 : memref<128xi32, #tpu.memory_space<vmem>>) semaphore(%arg11 : memref<!tpu.dma_semaphore, #tpu.memory_space<semaphore_mem>>)
      %dma_wait3A = arith.constant 0 : i32
      %dma_wait3A_144 = arith.constant 0 : i32
      %dma_wait3A_145 = arith.constant 0 : i32
      %dma_wait3A_146 = arith.constant 0 : i32
      %dma_wait3A_147 = tpu.memref_slice %arg8[%dma_wait3A_144, %dma_wait3A_145, %dma_wait3A_146] : memref<8x128x64xf32, #tpu.memory_space<vmem>> -> memref<1x128x64xf32, #tpu.memory_space<vmem>>
      %dma_wait3A_148 = tpu.memref_squeeze %dma_wait3A_147 : memref<1x128x64xf32, #tpu.memory_space<vmem>> -> memref<128x64xf32, #tpu.memory_space<vmem>>
      %dma_wait3A_149 = arith.constant 0 : i32
      %dma_wait3A_150 = tpu.memref_slice %arg6[%dma_wait3A, %dma_wait3A_149] : memref<8x128xi32, #tpu.memory_space<vmem>> -> memref<1x128xi32, #tpu.memory_space<vmem>>
      %dma_wait3A_151 = tpu.memref_squeeze %dma_wait3A_150 : memref<1x128xi32, #tpu.memory_space<vmem>> -> memref<128xi32, #tpu.memory_space<vmem>>
      %dma_wait3A_152 = arith.constant 0 : i32
      %dma_wait3A_153 = arith.constant 0 : i32
      %dma_wait3A_154 = tpu.memref_slice %arg4[%dma_wait3A_152, %dma_wait3A_153] : memref<10240x64xf32, #tpu.memory_space<hbm>> -> memref<10240x64xf32, #tpu.memory_space<hbm>>
      tpu.wait_indirect_dma semaphore(%arg10 : memref<!tpu.dma_semaphore, #tpu.memory_space<semaphore_mem>>) src(%dma_wait3A_154 : memref<10240x64xf32, #tpu.memory_space<hbm>>) dst(%dma_wait3A_148 : memref<128x64xf32, #tpu.memory_space<vmem>>)
      %dma_wait3A_155 = arith.constant 1 : i32
      %dma_wait3A_156 = arith.constant 1 : i32
      %dma_wait3A_157 = arith.constant 0 : i32
      %dma_wait3A_158 = arith.constant 0 : i32
      %dma_wait3A_159 = tpu.memref_slice %arg8[%dma_wait3A_156, %dma_wait3A_157, %dma_wait3A_158] : memref<8x128x64xf32, #tpu.memory_space<vmem>> -> memref<1x128x64xf32, #tpu.memory_space<vmem>>
      %dma_wait3A_160 = tpu.memref_squeeze %dma_wait3A_159 : memref<1x128x64xf32, #tpu.memory_space<vmem>> -> memref<128x64xf32, #tpu.memory_space<vmem>>
      %dma_wait3A_161 = arith.constant 0 : i32
      %dma_wait3A_162 = tpu.memref_slice %arg6[%dma_wait3A_155, %dma_wait3A_161] : memref<8x128xi32, #tpu.memory_space<vmem>> -> memref<1x128xi32, #tpu.memory_space<vmem>>
      %dma_wait3A_163 = tpu.memref_squeeze %dma_wait3A_162 : memref<1x128xi32, #tpu.memory_space<vmem>> -> memref<128xi32, #tpu.memory_space<vmem>>
      %dma_wait3A_164 = arith.constant 0 : i32
      %dma_wait3A_165 = arith.constant 0 : i32
      %dma_wait3A_166 = tpu.memref_slice %arg4[%dma_wait3A_164, %dma_wait3A_165] : memref<10240x64xf32, #tpu.memory_space<hbm>> -> memref<10240x64xf32, #tpu.memory_space<hbm>>
      tpu.wait_indirect_dma semaphore(%arg10 : memref<!tpu.dma_semaphore, #tpu.memory_space<semaphore_mem>>) src(%dma_wait3A_166 : memref<10240x64xf32, #tpu.memory_space<hbm>>) dst(%dma_wait3A_160 : memref<128x64xf32, #tpu.memory_space<vmem>>)
      %dma_wait3A_167 = arith.constant 2 : i32
      %dma_wait3A_168 = arith.constant 2 : i32
      %dma_wait3A_169 = arith.constant 0 : i32
      %dma_wait3A_170 = arith.constant 0 : i32
      %dma_wait3A_171 = tpu.memref_slice %arg8[%dma_wait3A_168, %dma_wait3A_169, %dma_wait3A_170] : memref<8x128x64xf32, #tpu.memory_space<vmem>> -> memref<1x128x64xf32, #tpu.memory_space<vmem>>
      %dma_wait3A_172 = tpu.memref_squeeze %dma_wait3A_171 : memref<1x128x64xf32, #tpu.memory_space<vmem>> -> memref<128x64xf32, #tpu.memory_space<vmem>>
      %dma_wait3A_173 = arith.constant 0 : i32
      %dma_wait3A_174 = tpu.memref_slice %arg6[%dma_wait3A_167, %dma_wait3A_173] : memref<8x128xi32, #tpu.memory_space<vmem>> -> memref<1x128xi32, #tpu.memory_space<vmem>>
      %dma_wait3A_175 = tpu.memref_squeeze %dma_wait3A_174 : memref<1x128xi32, #tpu.memory_space<vmem>> -> memref<128xi32, #tpu.memory_space<vmem>>
      %dma_wait3A_176 = arith.constant 0 : i32
      %dma_wait3A_177 = arith.constant 0 : i32
      %dma_wait3A_178 = tpu.memref_slice %arg4[%dma_wait3A_176, %dma_wait3A_177] : memref<10240x64xf32, #tpu.memory_space<hbm>> -> memref<10240x64xf32, #tpu.memory_space<hbm>>
      tpu.wait_indirect_dma semaphore(%arg10 : memref<!tpu.dma_semaphore, #tpu.memory_space<semaphore_mem>>) src(%dma_wait3A_178 : memref<10240x64xf32, #tpu.memory_space<hbm>>) dst(%dma_wait3A_172 : memref<128x64xf32, #tpu.memory_space<vmem>>)
      %dma_wait3A_179 = arith.constant 3 : i32
      %dma_wait3A_180 = arith.constant 3 : i32
      %dma_wait3A_181 = arith.constant 0 : i32
      %dma_wait3A_182 = arith.constant 0 : i32
      %dma_wait3A_183 = tpu.memref_slice %arg8[%dma_wait3A_180, %dma_wait3A_181, %dma_wait3A_182] : memref<8x128x64xf32, #tpu.memory_space<vmem>> -> memref<1x128x64xf32, #tpu.memory_space<vmem>>
      %dma_wait3A_184 = tpu.memref_squeeze %dma_wait3A_183 : memref<1x128x64xf32, #tpu.memory_space<vmem>> -> memref<128x64xf32, #tpu.memory_space<vmem>>
      %dma_wait3A_185 = arith.constant 0 : i32
      %dma_wait3A_186 = tpu.memref_slice %arg6[%dma_wait3A_179, %dma_wait3A_185] : memref<8x128xi32, #tpu.memory_space<vmem>> -> memref<1x128xi32, #tpu.memory_space<vmem>>
      %dma_wait3A_187 = tpu.memref_squeeze %dma_wait3A_186 : memref<1x128xi32, #tpu.memory_space<vmem>> -> memref<128xi32, #tpu.memory_space<vmem>>
      %dma_wait3A_188 = arith.constant 0 : i32
      %dma_wait3A_189 = arith.constant 0 : i32
      %dma_wait3A_190 = tpu.memref_slice %arg4[%dma_wait3A_188, %dma_wait3A_189] : memref<10240x64xf32, #tpu.memory_space<hbm>> -> memref<10240x64xf32, #tpu.memory_space<hbm>>
      tpu.wait_indirect_dma semaphore(%arg10 : memref<!tpu.dma_semaphore, #tpu.memory_space<semaphore_mem>>) src(%dma_wait3A_190 : memref<10240x64xf32, #tpu.memory_space<hbm>>) dst(%dma_wait3A_184 : memref<128x64xf32, #tpu.memory_space<vmem>>)
      %dma_start3A_191 = arith.constant 0 : i32
      %dma_start3A_192 = arith.constant 0 : i32
      %dma_start3A_193 = arith.constant 0 : i32
      %dma_start3A_194 = arith.constant 0 : i32
      %dma_start3A_195 = tpu.memref_slice %arg8[%dma_start3A_191, %dma_start3A_193, %dma_start3A_194] : memref<8x128x64xf32, #tpu.memory_space<vmem>> -> memref<1x128x64xf32, #tpu.memory_space<vmem>>
      %dma_start3A_196 = tpu.memref_squeeze %dma_start3A_195 : memref<1x128x64xf32, #tpu.memory_space<vmem>> -> memref<128x64xf32, #tpu.memory_space<vmem>>
      %dma_start3A_197 = arith.constant 0 : i32
      %dma_start3A_198 = tpu.memref_slice %arg7[%dma_start3A_192, %dma_start3A_197] : memref<8x128xi32, #tpu.memory_space<vmem>> -> memref<1x128xi32, #tpu.memory_space<vmem>>
      %dma_start3A_199 = tpu.memref_squeeze %dma_start3A_198 : memref<1x128xi32, #tpu.memory_space<vmem>> -> memref<128xi32, #tpu.memory_space<vmem>>
      %dma_start3A_200 = arith.constant 0 : i32
      %dma_start3A_201 = arith.constant 0 : i32
      %dma_start3A_202 = tpu.memref_slice %arg9[%dma_start3A_200, %dma_start3A_201] : memref<10240x64xf32, #tpu.memory_space<vmem_shared>> -> memref<10240x64xf32, #tpu.memory_space<vmem_shared>>
      tpu.enqueue_indirect_dma source(%dma_start3A_196 : memref<128x64xf32, #tpu.memory_space<vmem>>) target(%dma_start3A_202 : memref<10240x64xf32, #tpu.memory_space<vmem_shared>>) offsets(%dma_start3A_199 : memref<128xi32, #tpu.memory_space<vmem>>) semaphore(%arg12 : memref<!tpu.dma_semaphore, #tpu.memory_space<semaphore_mem>>) {add = true}
      %dma_start3A_203 = arith.constant 1 : i32
      %dma_start3A_204 = arith.constant 1 : i32
      %dma_start3A_205 = arith.constant 0 : i32
      %dma_start3A_206 = arith.constant 0 : i32
      %dma_start3A_207 = tpu.memref_slice %arg8[%dma_start3A_203, %dma_start3A_205, %dma_start3A_206] : memref<8x128x64xf32, #tpu.memory_space<vmem>> -> memref<1x128x64xf32, #tpu.memory_space<vmem>>
      %dma_start3A_208 = tpu.memref_squeeze %dma_start3A_207 : memref<1x128x64xf32, #tpu.memory_space<vmem>> -> memref<128x64xf32, #tpu.memory_space<vmem>>
      %dma_start3A_209 = arith.constant 0 : i32
      %dma_start3A_210 = tpu.memref_slice %arg7[%dma_start3A_204, %dma_start3A_209] : memref<8x128xi32, #tpu.memory_space<vmem>> -> memref<1x128xi32, #tpu.memory_space<vmem>>
      %dma_start3A_211 = tpu.memref_squeeze %dma_start3A_210 : memref<1x128xi32, #tpu.memory_space<vmem>> -> memref<128xi32, #tpu.memory_space<vmem>>
      %dma_start3A_212 = arith.constant 0 : i32
      %dma_start3A_213 = arith.constant 0 : i32
      %dma_start3A_214 = tpu.memref_slice %arg9[%dma_start3A_212, %dma_start3A_213] : memref<10240x64xf32, #tpu.memory_space<vmem_shared>> -> memref<10240x64xf32, #tpu.memory_space<vmem_shared>>
      tpu.enqueue_indirect_dma source(%dma_start3A_208 : memref<128x64xf32, #tpu.memory_space<vmem>>) target(%dma_start3A_214 : memref<10240x64xf32, #tpu.memory_space<vmem_shared>>) offsets(%dma_start3A_211 : memref<128xi32, #tpu.memory_space<vmem>>) semaphore(%arg12 : memref<!tpu.dma_semaphore, #tpu.memory_space<semaphore_mem>>) {add = true}
      %dma_start3A_215 = arith.constant 2 : i32
      %dma_start3A_216 = arith.constant 2 : i32
      %dma_start3A_217 = arith.constant 0 : i32
      %dma_start3A_218 = arith.constant 0 : i32
      %dma_start3A_219 = tpu.memref_slice %arg8[%dma_start3A_215, %dma_start3A_217, %dma_start3A_218] : memref<8x128x64xf32, #tpu.memory_space<vmem>> -> memref<1x128x64xf32, #tpu.memory_space<vmem>>
      %dma_start3A_220 = tpu.memref_squeeze %dma_start3A_219 : memref<1x128x64xf32, #tpu.memory_space<vmem>> -> memref<128x64xf32, #tpu.memory_space<vmem>>
      %dma_start3A_221 = arith.constant 0 : i32
      %dma_start3A_222 = tpu.memref_slice %arg7[%dma_start3A_216, %dma_start3A_221] : memref<8x128xi32, #tpu.memory_space<vmem>> -> memref<1x128xi32, #tpu.memory_space<vmem>>
      %dma_start3A_223 = tpu.memref_squeeze %dma_start3A_222 : memref<1x128xi32, #tpu.memory_space<vmem>> -> memref<128xi32, #tpu.memory_space<vmem>>
      %dma_start3A_224 = arith.constant 0 : i32
      %dma_start3A_225 = arith.constant 0 : i32
      %dma_start3A_226 = tpu.memref_slice %arg9[%dma_start3A_224, %dma_start3A_225] : memref<10240x64xf32, #tpu.memory_space<vmem_shared>> -> memref<10240x64xf32, #tpu.memory_space<vmem_shared>>
      tpu.enqueue_indirect_dma source(%dma_start3A_220 : memref<128x64xf32, #tpu.memory_space<vmem>>) target(%dma_start3A_226 : memref<10240x64xf32, #tpu.memory_space<vmem_shared>>) offsets(%dma_start3A_223 : memref<128xi32, #tpu.memory_space<vmem>>) semaphore(%arg12 : memref<!tpu.dma_semaphore, #tpu.memory_space<semaphore_mem>>) {add = true}
      %dma_start3A_227 = arith.constant 3 : i32
      %dma_start3A_228 = arith.constant 3 : i32
      %dma_start3A_229 = arith.constant 0 : i32
      %dma_start3A_230 = arith.constant 0 : i32
      %dma_start3A_231 = tpu.memref_slice %arg8[%dma_start3A_227, %dma_start3A_229, %dma_start3A_230] : memref<8x128x64xf32, #tpu.memory_space<vmem>> -> memref<1x128x64xf32, #tpu.memory_space<vmem>>
      %dma_start3A_232 = tpu.memref_squeeze %dma_start3A_231 : memref<1x128x64xf32, #tpu.memory_space<vmem>> -> memref<128x64xf32, #tpu.memory_space<vmem>>
      %dma_start3A_233 = arith.constant 0 : i32
      %dma_start3A_234 = tpu.memref_slice %arg7[%dma_start3A_228, %dma_start3A_233] : memref<8x128xi32, #tpu.memory_space<vmem>> -> memref<1x128xi32, #tpu.memory_space<vmem>>
      %dma_start3A_235 = tpu.memref_squeeze %dma_start3A_234 : memref<1x128xi32, #tpu.memory_space<vmem>> -> memref<128xi32, #tpu.memory_space<vmem>>
      %dma_start3A_236 = arith.constant 0 : i32
      %dma_start3A_237 = arith.constant 0 : i32
      %dma_start3A_238 = tpu.memref_slice %arg9[%dma_start3A_236, %dma_start3A_237] : memref<10240x64xf32, #tpu.memory_space<vmem_shared>> -> memref<10240x64xf32, #tpu.memory_space<vmem_shared>>
      tpu.enqueue_indirect_dma source(%dma_start3A_232 : memref<128x64xf32, #tpu.memory_space<vmem>>) target(%dma_start3A_238 : memref<10240x64xf32, #tpu.memory_space<vmem_shared>>) offsets(%dma_start3A_235 : memref<128xi32, #tpu.memory_space<vmem>>) semaphore(%arg12 : memref<!tpu.dma_semaphore, #tpu.memory_space<semaphore_mem>>) {add = true}
      %dma_wait3A_239 = arith.constant 0 : i32
      %dma_wait3A_240 = arith.constant 4 : i32
      %dma_wait3A_241 = arith.constant 0 : i32
      %dma_wait3A_242 = arith.constant 0 : i32
      %dma_wait3A_243 = tpu.memref_slice %arg8[%dma_wait3A_240, %dma_wait3A_241, %dma_wait3A_242] : memref<8x128x64xf32, #tpu.memory_space<vmem>> -> memref<1x128x64xf32, #tpu.memory_space<vmem>>
      %dma_wait3A_244 = tpu.memref_squeeze %dma_wait3A_243 : memref<1x128x64xf32, #tpu.memory_space<vmem>> -> memref<128x64xf32, #tpu.memory_space<vmem>>
      %dma_wait3A_245 = arith.constant 0 : i32
      %dma_wait3A_246 = tpu.memref_slice %arg6[%dma_wait3A_239, %dma_wait3A_245] : memref<8x128xi32, #tpu.memory_space<vmem>> -> memref<1x128xi32, #tpu.memory_space<vmem>>
      %dma_wait3A_247 = tpu.memref_squeeze %dma_wait3A_246 : memref<1x128xi32, #tpu.memory_space<vmem>> -> memref<128xi32, #tpu.memory_space<vmem>>
      %dma_wait3A_248 = arith.constant 0 : i32
      %dma_wait3A_249 = arith.constant 0 : i32
      %dma_wait3A_250 = tpu.memref_slice %arg4[%dma_wait3A_248, %dma_wait3A_249] : memref<10240x64xf32, #tpu.memory_space<hbm>> -> memref<10240x64xf32, #tpu.memory_space<hbm>>
      tpu.wait_indirect_dma semaphore(%arg11 : memref<!tpu.dma_semaphore, #tpu.memory_space<semaphore_mem>>) src(%dma_wait3A_250 : memref<10240x64xf32, #tpu.memory_space<hbm>>) dst(%dma_wait3A_244 : memref<128x64xf32, #tpu.memory_space<vmem>>)
      %dma_wait3A_251 = arith.constant 1 : i32
      %dma_wait3A_252 = arith.constant 5 : i32
      %dma_wait3A_253 = arith.constant 0 : i32
      %dma_wait3A_254 = arith.constant 0 : i32
      %dma_wait3A_255 = tpu.memref_slice %arg8[%dma_wait3A_252, %dma_wait3A_253, %dma_wait3A_254] : memref<8x128x64xf32, #tpu.memory_space<vmem>> -> memref<1x128x64xf32, #tpu.memory_space<vmem>>
      %dma_wait3A_256 = tpu.memref_squeeze %dma_wait3A_255 : memref<1x128x64xf32, #tpu.memory_space<vmem>> -> memref<128x64xf32, #tpu.memory_space<vmem>>
      %dma_wait3A_257 = arith.constant 0 : i32
      %dma_wait3A_258 = tpu.memref_slice %arg6[%dma_wait3A_251, %dma_wait3A_257] : memref<8x128xi32, #tpu.memory_space<vmem>> -> memref<1x128xi32, #tpu.memory_space<vmem>>
      %dma_wait3A_259 = tpu.memref_squeeze %dma_wait3A_258 : memref<1x128xi32, #tpu.memory_space<vmem>> -> memref<128xi32, #tpu.memory_space<vmem>>
      %dma_wait3A_260 = arith.constant 0 : i32
      %dma_wait3A_261 = arith.constant 0 : i32
      %dma_wait3A_262 = tpu.memref_slice %arg4[%dma_wait3A_260, %dma_wait3A_261] : memref<10240x64xf32, #tpu.memory_space<hbm>> -> memref<10240x64xf32, #tpu.memory_space<hbm>>
      tpu.wait_indirect_dma semaphore(%arg11 : memref<!tpu.dma_semaphore, #tpu.memory_space<semaphore_mem>>) src(%dma_wait3A_262 : memref<10240x64xf32, #tpu.memory_space<hbm>>) dst(%dma_wait3A_256 : memref<128x64xf32, #tpu.memory_space<vmem>>)
      %dma_wait3A_263 = arith.constant 2 : i32
      %dma_wait3A_264 = arith.constant 6 : i32
      %dma_wait3A_265 = arith.constant 0 : i32
      %dma_wait3A_266 = arith.constant 0 : i32
      %dma_wait3A_267 = tpu.memref_slice %arg8[%dma_wait3A_264, %dma_wait3A_265, %dma_wait3A_266] : memref<8x128x64xf32, #tpu.memory_space<vmem>> -> memref<1x128x64xf32, #tpu.memory_space<vmem>>
      %dma_wait3A_268 = tpu.memref_squeeze %dma_wait3A_267 : memref<1x128x64xf32, #tpu.memory_space<vmem>> -> memref<128x64xf32, #tpu.memory_space<vmem>>
      %dma_wait3A_269 = arith.constant 0 : i32
      %dma_wait3A_270 = tpu.memref_slice %arg6[%dma_wait3A_263, %dma_wait3A_269] : memref<8x128xi32, #tpu.memory_space<vmem>> -> memref<1x128xi32, #tpu.memory_space<vmem>>
      %dma_wait3A_271 = tpu.memref_squeeze %dma_wait3A_270 : memref<1x128xi32, #tpu.memory_space<vmem>> -> memref<128xi32, #tpu.memory_space<vmem>>
      %dma_wait3A_272 = arith.constant 0 : i32
      %dma_wait3A_273 = arith.constant 0 : i32
      %dma_wait3A_274 = tpu.memref_slice %arg4[%dma_wait3A_272, %dma_wait3A_273] : memref<10240x64xf32, #tpu.memory_space<hbm>> -> memref<10240x64xf32, #tpu.memory_space<hbm>>
      tpu.wait_indirect_dma semaphore(%arg11 : memref<!tpu.dma_semaphore, #tpu.memory_space<semaphore_mem>>) src(%dma_wait3A_274 : memref<10240x64xf32, #tpu.memory_space<hbm>>) dst(%dma_wait3A_268 : memref<128x64xf32, #tpu.memory_space<vmem>>)
      %dma_wait3A_275 = arith.constant 3 : i32
      %dma_wait3A_276 = arith.constant 7 : i32
      %dma_wait3A_277 = arith.constant 0 : i32
      %dma_wait3A_278 = arith.constant 0 : i32
      %dma_wait3A_279 = tpu.memref_slice %arg8[%dma_wait3A_276, %dma_wait3A_277, %dma_wait3A_278] : memref<8x128x64xf32, #tpu.memory_space<vmem>> -> memref<1x128x64xf32, #tpu.memory_space<vmem>>
      %dma_wait3A_280 = tpu.memref_squeeze %dma_wait3A_279 : memref<1x128x64xf32, #tpu.memory_space<vmem>> -> memref<128x64xf32, #tpu.memory_space<vmem>>
      %dma_wait3A_281 = arith.constant 0 : i32
      %dma_wait3A_282 = tpu.memref_slice %arg6[%dma_wait3A_275, %dma_wait3A_281] : memref<8x128xi32, #tpu.memory_space<vmem>> -> memref<1x128xi32, #tpu.memory_space<vmem>>
      %dma_wait3A_283 = tpu.memref_squeeze %dma_wait3A_282 : memref<1x128xi32, #tpu.memory_space<vmem>> -> memref<128xi32, #tpu.memory_space<vmem>>
      %dma_wait3A_284 = arith.constant 0 : i32
      %dma_wait3A_285 = arith.constant 0 : i32
      %dma_wait3A_286 = tpu.memref_slice %arg4[%dma_wait3A_284, %dma_wait3A_285] : memref<10240x64xf32, #tpu.memory_space<hbm>> -> memref<10240x64xf32, #tpu.memory_space<hbm>>
      tpu.wait_indirect_dma semaphore(%arg11 : memref<!tpu.dma_semaphore, #tpu.memory_space<semaphore_mem>>) src(%dma_wait3A_286 : memref<10240x64xf32, #tpu.memory_space<hbm>>) dst(%dma_wait3A_280 : memref<128x64xf32, #tpu.memory_space<vmem>>)
      %dma_start3A_287 = arith.constant 4 : i32
      %dma_start3A_288 = arith.constant 4 : i32
      %dma_start3A_289 = arith.constant 0 : i32
      %dma_start3A_290 = arith.constant 0 : i32
      %dma_start3A_291 = tpu.memref_slice %arg8[%dma_start3A_287, %dma_start3A_289, %dma_start3A_290] : memref<8x128x64xf32, #tpu.memory_space<vmem>> -> memref<1x128x64xf32, #tpu.memory_space<vmem>>
      %dma_start3A_292 = tpu.memref_squeeze %dma_start3A_291 : memref<1x128x64xf32, #tpu.memory_space<vmem>> -> memref<128x64xf32, #tpu.memory_space<vmem>>
      %dma_start3A_293 = arith.constant 0 : i32
      %dma_start3A_294 = tpu.memref_slice %arg7[%dma_start3A_288, %dma_start3A_293] : memref<8x128xi32, #tpu.memory_space<vmem>> -> memref<1x128xi32, #tpu.memory_space<vmem>>
      %dma_start3A_295 = tpu.memref_squeeze %dma_start3A_294 : memref<1x128xi32, #tpu.memory_space<vmem>> -> memref<128xi32, #tpu.memory_space<vmem>>
      %dma_start3A_296 = arith.constant 0 : i32
      %dma_start3A_297 = arith.constant 0 : i32
      %dma_start3A_298 = tpu.memref_slice %arg9[%dma_start3A_296, %dma_start3A_297] : memref<10240x64xf32, #tpu.memory_space<vmem_shared>> -> memref<10240x64xf32, #tpu.memory_space<vmem_shared>>
      tpu.enqueue_indirect_dma source(%dma_start3A_292 : memref<128x64xf32, #tpu.memory_space<vmem>>) target(%dma_start3A_298 : memref<10240x64xf32, #tpu.memory_space<vmem_shared>>) offsets(%dma_start3A_295 : memref<128xi32, #tpu.memory_space<vmem>>) semaphore(%arg13 : memref<!tpu.dma_semaphore, #tpu.memory_space<semaphore_mem>>) {add = true}
      %dma_start3A_299 = arith.constant 5 : i32
      %dma_start3A_300 = arith.constant 5 : i32
      %dma_start3A_301 = arith.constant 0 : i32
      %dma_start3A_302 = arith.constant 0 : i32
      %dma_start3A_303 = tpu.memref_slice %arg8[%dma_start3A_299, %dma_start3A_301, %dma_start3A_302] : memref<8x128x64xf32, #tpu.memory_space<vmem>> -> memref<1x128x64xf32, #tpu.memory_space<vmem>>
      %dma_start3A_304 = tpu.memref_squeeze %dma_start3A_303 : memref<1x128x64xf32, #tpu.memory_space<vmem>> -> memref<128x64xf32, #tpu.memory_space<vmem>>
      %dma_start3A_305 = arith.constant 0 : i32
      %dma_start3A_306 = tpu.memref_slice %arg7[%dma_start3A_300, %dma_start3A_305] : memref<8x128xi32, #tpu.memory_space<vmem>> -> memref<1x128xi32, #tpu.memory_space<vmem>>
      %dma_start3A_307 = tpu.memref_squeeze %dma_start3A_306 : memref<1x128xi32, #tpu.memory_space<vmem>> -> memref<128xi32, #tpu.memory_space<vmem>>
      %dma_start3A_308 = arith.constant 0 : i32
      %dma_start3A_309 = arith.constant 0 : i32
      %dma_start3A_310 = tpu.memref_slice %arg9[%dma_start3A_308, %dma_start3A_309] : memref<10240x64xf32, #tpu.memory_space<vmem_shared>> -> memref<10240x64xf32, #tpu.memory_space<vmem_shared>>
      tpu.enqueue_indirect_dma source(%dma_start3A_304 : memref<128x64xf32, #tpu.memory_space<vmem>>) target(%dma_start3A_310 : memref<10240x64xf32, #tpu.memory_space<vmem_shared>>) offsets(%dma_start3A_307 : memref<128xi32, #tpu.memory_space<vmem>>) semaphore(%arg13 : memref<!tpu.dma_semaphore, #tpu.memory_space<semaphore_mem>>) {add = true}
      %dma_start3A_311 = arith.constant 6 : i32
      %dma_start3A_312 = arith.constant 6 : i32
      %dma_start3A_313 = arith.constant 0 : i32
      %dma_start3A_314 = arith.constant 0 : i32
      %dma_start3A_315 = tpu.memref_slice %arg8[%dma_start3A_311, %dma_start3A_313, %dma_start3A_314] : memref<8x128x64xf32, #tpu.memory_space<vmem>> -> memref<1x128x64xf32, #tpu.memory_space<vmem>>
      %dma_start3A_316 = tpu.memref_squeeze %dma_start3A_315 : memref<1x128x64xf32, #tpu.memory_space<vmem>> -> memref<128x64xf32, #tpu.memory_space<vmem>>
      %dma_start3A_317 = arith.constant 0 : i32
      %dma_start3A_318 = tpu.memref_slice %arg7[%dma_start3A_312, %dma_start3A_317] : memref<8x128xi32, #tpu.memory_space<vmem>> -> memref<1x128xi32, #tpu.memory_space<vmem>>
      %dma_start3A_319 = tpu.memref_squeeze %dma_start3A_318 : memref<1x128xi32, #tpu.memory_space<vmem>> -> memref<128xi32, #tpu.memory_space<vmem>>
      %dma_start3A_320 = arith.constant 0 : i32
      %dma_start3A_321 = arith.constant 0 : i32
      %dma_start3A_322 = tpu.memref_slice %arg9[%dma_start3A_320, %dma_start3A_321] : memref<10240x64xf32, #tpu.memory_space<vmem_shared>> -> memref<10240x64xf32, #tpu.memory_space<vmem_shared>>
      tpu.enqueue_indirect_dma source(%dma_start3A_316 : memref<128x64xf32, #tpu.memory_space<vmem>>) target(%dma_start3A_322 : memref<10240x64xf32, #tpu.memory_space<vmem_shared>>) offsets(%dma_start3A_319 : memref<128xi32, #tpu.memory_space<vmem>>) semaphore(%arg13 : memref<!tpu.dma_semaphore, #tpu.memory_space<semaphore_mem>>) {add = true}
      %dma_start3A_323 = arith.constant 7 : i32
      %dma_start3A_324 = arith.constant 7 : i32
      %dma_start3A_325 = arith.constant 0 : i32
      %dma_start3A_326 = arith.constant 0 : i32
      %dma_start3A_327 = tpu.memref_slice %arg8[%dma_start3A_323, %dma_start3A_325, %dma_start3A_326] : memref<8x128x64xf32, #tpu.memory_space<vmem>> -> memref<1x128x64xf32, #tpu.memory_space<vmem>>
      %dma_start3A_328 = tpu.memref_squeeze %dma_start3A_327 : memref<1x128x64xf32, #tpu.memory_space<vmem>> -> memref<128x64xf32, #tpu.memory_space<vmem>>
      %dma_start3A_329 = arith.constant 0 : i32
      %dma_start3A_330 = tpu.memref_slice %arg7[%dma_start3A_324, %dma_start3A_329] : memref<8x128xi32, #tpu.memory_space<vmem>> -> memref<1x128xi32, #tpu.memory_space<vmem>>
      %dma_start3A_331 = tpu.memref_squeeze %dma_start3A_330 : memref<1x128xi32, #tpu.memory_space<vmem>> -> memref<128xi32, #tpu.memory_space<vmem>>
      %dma_start3A_332 = arith.constant 0 : i32
      %dma_start3A_333 = arith.constant 0 : i32
      %dma_start3A_334 = tpu.memref_slice %arg9[%dma_start3A_332, %dma_start3A_333] : memref<10240x64xf32, #tpu.memory_space<vmem_shared>> -> memref<10240x64xf32, #tpu.memory_space<vmem_shared>>
      tpu.enqueue_indirect_dma source(%dma_start3A_328 : memref<128x64xf32, #tpu.memory_space<vmem>>) target(%dma_start3A_334 : memref<10240x64xf32, #tpu.memory_space<vmem_shared>>) offsets(%dma_start3A_331 : memref<128xi32, #tpu.memory_space<vmem>>) semaphore(%arg13 : memref<!tpu.dma_semaphore, #tpu.memory_space<semaphore_mem>>) {add = true}
      %dma_wait3A_335 = arith.constant 0 : i32
      %dma_wait3A_336 = arith.constant 0 : i32
      %dma_wait3A_337 = arith.constant 0 : i32
      %dma_wait3A_338 = arith.constant 0 : i32
      %dma_wait3A_339 = tpu.memref_slice %arg8[%dma_wait3A_335, %dma_wait3A_337, %dma_wait3A_338] : memref<8x128x64xf32, #tpu.memory_space<vmem>> -> memref<1x128x64xf32, #tpu.memory_space<vmem>>
      %dma_wait3A_340 = tpu.memref_squeeze %dma_wait3A_339 : memref<1x128x64xf32, #tpu.memory_space<vmem>> -> memref<128x64xf32, #tpu.memory_space<vmem>>
      %dma_wait3A_341 = arith.constant 0 : i32
      %dma_wait3A_342 = tpu.memref_slice %arg7[%dma_wait3A_336, %dma_wait3A_341] : memref<8x128xi32, #tpu.memory_space<vmem>> -> memref<1x128xi32, #tpu.memory_space<vmem>>
      %dma_wait3A_343 = tpu.memref_squeeze %dma_wait3A_342 : memref<1x128xi32, #tpu.memory_space<vmem>> -> memref<128xi32, #tpu.memory_space<vmem>>
      %dma_wait3A_344 = arith.constant 0 : i32
      %dma_wait3A_345 = arith.constant 0 : i32
      %dma_wait3A_346 = tpu.memref_slice %arg9[%dma_wait3A_344, %dma_wait3A_345] : memref<10240x64xf32, #tpu.memory_space<vmem_shared>> -> memref<10240x64xf32, #tpu.memory_space<vmem_shared>>
      tpu.wait_indirect_dma semaphore(%arg12 : memref<!tpu.dma_semaphore, #tpu.memory_space<semaphore_mem>>) src(%dma_wait3A_340 : memref<128x64xf32, #tpu.memory_space<vmem>>) dst(%dma_wait3A_346 : memref<10240x64xf32, #tpu.memory_space<vmem_shared>>)
      %dma_wait3A_347 = arith.constant 1 : i32
      %dma_wait3A_348 = arith.constant 1 : i32
      %dma_wait3A_349 = arith.constant 0 : i32
      %dma_wait3A_350 = arith.constant 0 : i32
      %dma_wait3A_351 = tpu.memref_slice %arg8[%dma_wait3A_347, %dma_wait3A_349, %dma_wait3A_350] : memref<8x128x64xf32, #tpu.memory_space<vmem>> -> memref<1x128x64xf32, #tpu.memory_space<vmem>>
      %dma_wait3A_352 = tpu.memref_squeeze %dma_wait3A_351 : memref<1x128x64xf32, #tpu.memory_space<vmem>> -> memref<128x64xf32, #tpu.memory_space<vmem>>
      %dma_wait3A_353 = arith.constant 0 : i32
      %dma_wait3A_354 = tpu.memref_slice %arg7[%dma_wait3A_348, %dma_wait3A_353] : memref<8x128xi32, #tpu.memory_space<vmem>> -> memref<1x128xi32, #tpu.memory_space<vmem>>
      %dma_wait3A_355 = tpu.memref_squeeze %dma_wait3A_354 : memref<1x128xi32, #tpu.memory_space<vmem>> -> memref<128xi32, #tpu.memory_space<vmem>>
      %dma_wait3A_356 = arith.constant 0 : i32
      %dma_wait3A_357 = arith.constant 0 : i32
      %dma_wait3A_358 = tpu.memref_slice %arg9[%dma_wait3A_356, %dma_wait3A_357] : memref<10240x64xf32, #tpu.memory_space<vmem_shared>> -> memref<10240x64xf32, #tpu.memory_space<vmem_shared>>
      tpu.wait_indirect_dma semaphore(%arg12 : memref<!tpu.dma_semaphore, #tpu.memory_space<semaphore_mem>>) src(%dma_wait3A_352 : memref<128x64xf32, #tpu.memory_space<vmem>>) dst(%dma_wait3A_358 : memref<10240x64xf32, #tpu.memory_space<vmem_shared>>)
      %dma_wait3A_359 = arith.constant 2 : i32
      %dma_wait3A_360 = arith.constant 2 : i32
      %dma_wait3A_361 = arith.constant 0 : i32
      %dma_wait3A_362 = arith.constant 0 : i32
      %dma_wait3A_363 = tpu.memref_slice %arg8[%dma_wait3A_359, %dma_wait3A_361, %dma_wait3A_362] : memref<8x128x64xf32, #tpu.memory_space<vmem>> -> memref<1x128x64xf32, #tpu.memory_space<vmem>>
      %dma_wait3A_364 = tpu.memref_squeeze %dma_wait3A_363 : memref<1x128x64xf32, #tpu.memory_space<vmem>> -> memref<128x64xf32, #tpu.memory_space<vmem>>
      %dma_wait3A_365 = arith.constant 0 : i32
      %dma_wait3A_366 = tpu.memref_slice %arg7[%dma_wait3A_360, %dma_wait3A_365] : memref<8x128xi32, #tpu.memory_space<vmem>> -> memref<1x128xi32, #tpu.memory_space<vmem>>
      %dma_wait3A_367 = tpu.memref_squeeze %dma_wait3A_366 : memref<1x128xi32, #tpu.memory_space<vmem>> -> memref<128xi32, #tpu.memory_space<vmem>>
      %dma_wait3A_368 = arith.constant 0 : i32
      %dma_wait3A_369 = arith.constant 0 : i32
      %dma_wait3A_370 = tpu.memref_slice %arg9[%dma_wait3A_368, %dma_wait3A_369] : memref<10240x64xf32, #tpu.memory_space<vmem_shared>> -> memref<10240x64xf32, #tpu.memory_space<vmem_shared>>
      tpu.wait_indirect_dma semaphore(%arg12 : memref<!tpu.dma_semaphore, #tpu.memory_space<semaphore_mem>>) src(%dma_wait3A_364 : memref<128x64xf32, #tpu.memory_space<vmem>>) dst(%dma_wait3A_370 : memref<10240x64xf32, #tpu.memory_space<vmem_shared>>)
      %dma_wait3A_371 = arith.constant 3 : i32
      %dma_wait3A_372 = arith.constant 3 : i32
      %dma_wait3A_373 = arith.constant 0 : i32
      %dma_wait3A_374 = arith.constant 0 : i32
      %dma_wait3A_375 = tpu.memref_slice %arg8[%dma_wait3A_371, %dma_wait3A_373, %dma_wait3A_374] : memref<8x128x64xf32, #tpu.memory_space<vmem>> -> memref<1x128x64xf32, #tpu.memory_space<vmem>>
      %dma_wait3A_376 = tpu.memref_squeeze %dma_wait3A_375 : memref<1x128x64xf32, #tpu.memory_space<vmem>> -> memref<128x64xf32, #tpu.memory_space<vmem>>
      %dma_wait3A_377 = arith.constant 0 : i32
      %dma_wait3A_378 = tpu.memref_slice %arg7[%dma_wait3A_372, %dma_wait3A_377] : memref<8x128xi32, #tpu.memory_space<vmem>> -> memref<1x128xi32, #tpu.memory_space<vmem>>
      %dma_wait3A_379 = tpu.memref_squeeze %dma_wait3A_378 : memref<1x128xi32, #tpu.memory_space<vmem>> -> memref<128xi32, #tpu.memory_space<vmem>>
      %dma_wait3A_380 = arith.constant 0 : i32
      %dma_wait3A_381 = arith.constant 0 : i32
      %dma_wait3A_382 = tpu.memref_slice %arg9[%dma_wait3A_380, %dma_wait3A_381] : memref<10240x64xf32, #tpu.memory_space<vmem_shared>> -> memref<10240x64xf32, #tpu.memory_space<vmem_shared>>
      tpu.wait_indirect_dma semaphore(%arg12 : memref<!tpu.dma_semaphore, #tpu.memory_space<semaphore_mem>>) src(%dma_wait3A_376 : memref<128x64xf32, #tpu.memory_space<vmem>>) dst(%dma_wait3A_382 : memref<10240x64xf32, #tpu.memory_space<vmem_shared>>)
      %dma_wait3A_383 = arith.constant 4 : i32
      %dma_wait3A_384 = arith.constant 0 : i32
      %dma_wait3A_385 = arith.constant 0 : i32
      %dma_wait3A_386 = arith.constant 0 : i32
      %dma_wait3A_387 = tpu.memref_slice %arg8[%dma_wait3A_383, %dma_wait3A_385, %dma_wait3A_386] : memref<8x128x64xf32, #tpu.memory_space<vmem>> -> memref<1x128x64xf32, #tpu.memory_space<vmem>>
      %dma_wait3A_388 = tpu.memref_squeeze %dma_wait3A_387 : memref<1x128x64xf32, #tpu.memory_space<vmem>> -> memref<128x64xf32, #tpu.memory_space<vmem>>
      %dma_wait3A_389 = arith.constant 0 : i32
      %dma_wait3A_390 = tpu.memref_slice %arg7[%dma_wait3A_384, %dma_wait3A_389] : memref<8x128xi32, #tpu.memory_space<vmem>> -> memref<1x128xi32, #tpu.memory_space<vmem>>
      %dma_wait3A_391 = tpu.memref_squeeze %dma_wait3A_390 : memref<1x128xi32, #tpu.memory_space<vmem>> -> memref<128xi32, #tpu.memory_space<vmem>>
      %dma_wait3A_392 = arith.constant 0 : i32
      %dma_wait3A_393 = arith.constant 0 : i32
      %dma_wait3A_394 = tpu.memref_slice %arg9[%dma_wait3A_392, %dma_wait3A_393] : memref<10240x64xf32, #tpu.memory_space<vmem_shared>> -> memref<10240x64xf32, #tpu.memory_space<vmem_shared>>
      tpu.wait_indirect_dma semaphore(%arg13 : memref<!tpu.dma_semaphore, #tpu.memory_space<semaphore_mem>>) src(%dma_wait3A_388 : memref<128x64xf32, #tpu.memory_space<vmem>>) dst(%dma_wait3A_394 : memref<10240x64xf32, #tpu.memory_space<vmem_shared>>)
      %dma_wait3A_395 = arith.constant 5 : i32
      %dma_wait3A_396 = arith.constant 1 : i32
      %dma_wait3A_397 = arith.constant 0 : i32
      %dma_wait3A_398 = arith.constant 0 : i32
      %dma_wait3A_399 = tpu.memref_slice %arg8[%dma_wait3A_395, %dma_wait3A_397, %dma_wait3A_398] : memref<8x128x64xf32, #tpu.memory_space<vmem>> -> memref<1x128x64xf32, #tpu.memory_space<vmem>>
      %dma_wait3A_400 = tpu.memref_squeeze %dma_wait3A_399 : memref<1x128x64xf32, #tpu.memory_space<vmem>> -> memref<128x64xf32, #tpu.memory_space<vmem>>
      %dma_wait3A_401 = arith.constant 0 : i32
      %dma_wait3A_402 = tpu.memref_slice %arg7[%dma_wait3A_396, %dma_wait3A_401] : memref<8x128xi32, #tpu.memory_space<vmem>> -> memref<1x128xi32, #tpu.memory_space<vmem>>
      %dma_wait3A_403 = tpu.memref_squeeze %dma_wait3A_402 : memref<1x128xi32, #tpu.memory_space<vmem>> -> memref<128xi32, #tpu.memory_space<vmem>>
      %dma_wait3A_404 = arith.constant 0 : i32
      %dma_wait3A_405 = arith.constant 0 : i32
      %dma_wait3A_406 = tpu.memref_slice %arg9[%dma_wait3A_404, %dma_wait3A_405] : memref<10240x64xf32, #tpu.memory_space<vmem_shared>> -> memref<10240x64xf32, #tpu.memory_space<vmem_shared>>
      tpu.wait_indirect_dma semaphore(%arg13 : memref<!tpu.dma_semaphore, #tpu.memory_space<semaphore_mem>>) src(%dma_wait3A_400 : memref<128x64xf32, #tpu.memory_space<vmem>>) dst(%dma_wait3A_406 : memref<10240x64xf32, #tpu.memory_space<vmem_shared>>)
      %dma_wait3A_407 = arith.constant 6 : i32
      %dma_wait3A_408 = arith.constant 2 : i32
      %dma_wait3A_409 = arith.constant 0 : i32
      %dma_wait3A_410 = arith.constant 0 : i32
      %dma_wait3A_411 = tpu.memref_slice %arg8[%dma_wait3A_407, %dma_wait3A_409, %dma_wait3A_410] : memref<8x128x64xf32, #tpu.memory_space<vmem>> -> memref<1x128x64xf32, #tpu.memory_space<vmem>>
      %dma_wait3A_412 = tpu.memref_squeeze %dma_wait3A_411 : memref<1x128x64xf32, #tpu.memory_space<vmem>> -> memref<128x64xf32, #tpu.memory_space<vmem>>
      %dma_wait3A_413 = arith.constant 0 : i32
      %dma_wait3A_414 = tpu.memref_slice %arg7[%dma_wait3A_408, %dma_wait3A_413] : memref<8x128xi32, #tpu.memory_space<vmem>> -> memref<1x128xi32, #tpu.memory_space<vmem>>
      %dma_wait3A_415 = tpu.memref_squeeze %dma_wait3A_414 : memref<1x128xi32, #tpu.memory_space<vmem>> -> memref<128xi32, #tpu.memory_space<vmem>>
      %dma_wait3A_416 = arith.constant 0 : i32
      %dma_wait3A_417 = arith.constant 0 : i32
      %dma_wait3A_418 = tpu.memref_slice %arg9[%dma_wait3A_416, %dma_wait3A_417] : memref<10240x64xf32, #tpu.memory_space<vmem_shared>> -> memref<10240x64xf32, #tpu.memory_space<vmem_shared>>
      tpu.wait_indirect_dma semaphore(%arg13 : memref<!tpu.dma_semaphore, #tpu.memory_space<semaphore_mem>>) src(%dma_wait3A_412 : memref<128x64xf32, #tpu.memory_space<vmem>>) dst(%dma_wait3A_418 : memref<10240x64xf32, #tpu.memory_space<vmem_shared>>)
      %dma_wait3A_419 = arith.constant 7 : i32
      %dma_wait3A_420 = arith.constant 3 : i32
      %dma_wait3A_421 = arith.constant 0 : i32
      %dma_wait3A_422 = arith.constant 0 : i32
      %dma_wait3A_423 = tpu.memref_slice %arg8[%dma_wait3A_419, %dma_wait3A_421, %dma_wait3A_422] : memref<8x128x64xf32, #tpu.memory_space<vmem>> -> memref<1x128x64xf32, #tpu.memory_space<vmem>>
      %dma_wait3A_424 = tpu.memref_squeeze %dma_wait3A_423 : memref<1x128x64xf32, #tpu.memory_space<vmem>> -> memref<128x64xf32, #tpu.memory_space<vmem>>
      %dma_wait3A_425 = arith.constant 0 : i32
      %dma_wait3A_426 = tpu.memref_slice %arg7[%dma_wait3A_420, %dma_wait3A_425] : memref<8x128xi32, #tpu.memory_space<vmem>> -> memref<1x128xi32, #tpu.memory_space<vmem>>
      %dma_wait3A_427 = tpu.memref_squeeze %dma_wait3A_426 : memref<1x128xi32, #tpu.memory_space<vmem>> -> memref<128xi32, #tpu.memory_space<vmem>>
      %dma_wait3A_428 = arith.constant 0 : i32
      %dma_wait3A_429 = arith.constant 0 : i32
      %dma_wait3A_430 = tpu.memref_slice %arg9[%dma_wait3A_428, %dma_wait3A_429] : memref<10240x64xf32, #tpu.memory_space<vmem_shared>> -> memref<10240x64xf32, #tpu.memory_space<vmem_shared>>
      tpu.wait_indirect_dma semaphore(%arg13 : memref<!tpu.dma_semaphore, #tpu.memory_space<semaphore_mem>>) src(%dma_wait3A_424 : memref<128x64xf32, #tpu.memory_space<vmem>>) dst(%dma_wait3A_430 : memref<10240x64xf32, #tpu.memory_space<vmem_shared>>)
    }
    %scan3A_35 = arith.constant 20 : i32
    %barrier3A_36 = arith.constant 0 : index
    tpu.barrier barrier_id(%barrier3A_36)
    %mul3A_37 = arith.constant 640 : i32
    %mul3A_38 = arith.muli %arg1, %mul3A_37 : i32
    %mul3A_39 = arith.constant 640 : i32
    %mul3A_40 = arith.muli %arg1, %mul3A_39 : i32
    "tpu.region"() ({
      %run_scoped3A_41 = tpu.sem_alloc : memref<!tpu.dma_semaphore, #tpu.memory_space<semaphore_mem>>
      %dma_start3A = arith.constant 0 : i32
      %dma_start3A_42 = tpu.memref_slice %arg5[%arg0, %mul3A_40, %dma_start3A] : memref<2x10240x64xf32, #tpu.memory_space<hbm>> -> memref<1x640x64xf32, #tpu.memory_space<hbm>>
      %dma_start3A_43 = tpu.memref_squeeze %dma_start3A_42 : memref<1x640x64xf32, #tpu.memory_space<hbm>> -> memref<640x64xf32, #tpu.memory_space<hbm>>
      %dma_start3A_44 = arith.constant 0 : i32
      %dma_start3A_45 = tpu.memref_slice %arg9[%mul3A_38, %dma_start3A_44] : memref<10240x64xf32, #tpu.memory_space<vmem_shared>> -> memref<640x64xf32, #tpu.memory_space<vmem_shared>>
      tpu.enqueue_dma source(%dma_start3A_45 : memref<640x64xf32, #tpu.memory_space<vmem_shared>>) target(%dma_start3A_43 : memref<640x64xf32, #tpu.memory_space<hbm>>) target_semaphore(%run_scoped3A_41 : memref<!tpu.dma_semaphore, #tpu.memory_space<semaphore_mem>>)
      %dma_wait3A = arith.constant 0 : i32
      %dma_wait3A_46 = tpu.memref_slice %arg5[%arg0, %mul3A_40, %dma_wait3A] : memref<2x10240x64xf32, #tpu.memory_space<hbm>> -> memref<1x640x64xf32, #tpu.memory_space<hbm>>
      %dma_wait3A_47 = tpu.memref_squeeze %dma_wait3A_46 : memref<1x640x64xf32, #tpu.memory_space<hbm>> -> memref<640x64xf32, #tpu.memory_space<hbm>>
      %dma_wait3A_48 = arith.constant 0 : i32
      %dma_wait3A_49 = tpu.memref_slice %arg9[%mul3A_38, %dma_wait3A_48] : memref<10240x64xf32, #tpu.memory_space<vmem_shared>> -> memref<640x64xf32, #tpu.memory_space<vmem_shared>>
      tpu.wait_dma2 semaphore(%run_scoped3A_41 : memref<!tpu.dma_semaphore, #tpu.memory_space<semaphore_mem>>) src(%dma_wait3A_49 : memref<640x64xf32, #tpu.memory_space<vmem_shared>>) dst(%dma_wait3A_47 : memref<640x64xf32, #tpu.memory_space<hbm>>)
      tpu.yield
    }) : () -> ()
    return
  }
}

#map = affine_map<(d0, d1) -> (0, 0)>
module attributes {stable_mosaic.version = 14 : i64} {
  func.func @_sc_stage3(%arg0: i32, %arg1: i32, %arg2: memref<800x128xi32, #tpu.memory_space<hbm>>, %arg3: memref<800x128xi32, #tpu.memory_space<hbm>>, %arg4: memref<10240x64xf32, #tpu.memory_space<hbm>>, %arg5: memref<102400x64xf32, #tpu.memory_space<hbm>>, %arg6: memref<25x128xi32, #tpu.memory_space<vmem>>, %arg7: memref<25x128xi32, #tpu.memory_space<vmem>>, %arg8: memref<5x128x64xf32, #tpu.memory_space<vmem>>, %arg9: memref<5x128x64xf32, #tpu.memory_space<vmem>>, %arg10: memref<!tpu.dma_semaphore, #tpu.memory_space<semaphore_mem>>, %arg11: memref<!tpu.dma_semaphore, #tpu.memory_space<semaphore_mem>>, %arg12: memref<!tpu.dma_semaphore, #tpu.memory_space<semaphore_mem>>) attributes {dimension_semantics = [#tpu.dimension_semantics<core_parallel>, #tpu.dimension_semantics<subcore_parallel>], iteration_bounds = array<i64: 2, 16>, scalar_prefetch = 0 : i64, scratch_operands = 7 : i64, tpu.core_type = #tpu.core_type<sc_vector_subcore>, window_params = [{transform_indices = #map}, {transform_indices = #map}, {transform_indices = #map}, {transform_indices = #map}]} {
    %mul3A = arith.constant 2 : i32
    %mul3A_0 = arith.muli %arg1, %mul3A : i32
    %add3A = arith.addi %mul3A_0, %arg0 : i32
    %mul3A_1 = arith.constant 25 : i32
    %mul3A_2 = arith.muli %add3A, %mul3A_1 : i32
    "tpu.region"() ({
      %run_scoped3A = tpu.sem_alloc : memref<!tpu.dma_semaphore, #tpu.memory_space<semaphore_mem>>
      %dma_start3A_126 = arith.constant 0 : i32
      %dma_start3A_127 = tpu.memref_slice %arg2[%mul3A_2, %dma_start3A_126] : memref<800x128xi32, #tpu.memory_space<hbm>> -> memref<25x128xi32, #tpu.memory_space<hbm>>
      %dma_start3A_128 = arith.constant 0 : i32
      %dma_start3A_129 = tpu.memref_slice %arg2[%mul3A_2, %dma_start3A_128] : memref<800x128xi32, #tpu.memory_space<hbm>> -> memref<25x128xi32, #tpu.memory_space<hbm>>
      tpu.enqueue_dma source(%dma_start3A_129 : memref<25x128xi32, #tpu.memory_space<hbm>>) target(%arg6 : memref<25x128xi32, #tpu.memory_space<vmem>>) target_semaphore(%run_scoped3A : memref<!tpu.dma_semaphore, #tpu.memory_space<semaphore_mem>>)
      %dma_wait3A = arith.constant 0 : i32
      %dma_wait3A_130 = tpu.memref_slice %arg2[%mul3A_2, %dma_wait3A] : memref<800x128xi32, #tpu.memory_space<hbm>> -> memref<25x128xi32, #tpu.memory_space<hbm>>
      %dma_wait3A_131 = arith.constant 0 : i32
      %dma_wait3A_132 = tpu.memref_slice %arg2[%mul3A_2, %dma_wait3A_131] : memref<800x128xi32, #tpu.memory_space<hbm>> -> memref<25x128xi32, #tpu.memory_space<hbm>>
      tpu.wait_dma2 semaphore(%run_scoped3A : memref<!tpu.dma_semaphore, #tpu.memory_space<semaphore_mem>>) src(%dma_wait3A_132 : memref<25x128xi32, #tpu.memory_space<hbm>>) dst(%arg6 : memref<25x128xi32, #tpu.memory_space<vmem>>)
      tpu.yield
    }) : () -> ()
    "tpu.region"() ({
      %run_scoped3A = tpu.sem_alloc : memref<!tpu.dma_semaphore, #tpu.memory_space<semaphore_mem>>
      %dma_start3A_126 = arith.constant 0 : i32
      %dma_start3A_127 = tpu.memref_slice %arg3[%mul3A_2, %dma_start3A_126] : memref<800x128xi32, #tpu.memory_space<hbm>> -> memref<25x128xi32, #tpu.memory_space<hbm>>
      %dma_start3A_128 = arith.constant 0 : i32
      %dma_start3A_129 = tpu.memref_slice %arg3[%mul3A_2, %dma_start3A_128] : memref<800x128xi32, #tpu.memory_space<hbm>> -> memref<25x128xi32, #tpu.memory_space<hbm>>
      tpu.enqueue_dma source(%dma_start3A_129 : memref<25x128xi32, #tpu.memory_space<hbm>>) target(%arg7 : memref<25x128xi32, #tpu.memory_space<vmem>>) target_semaphore(%run_scoped3A : memref<!tpu.dma_semaphore, #tpu.memory_space<semaphore_mem>>)
      %dma_wait3A = arith.constant 0 : i32
      %dma_wait3A_130 = tpu.memref_slice %arg3[%mul3A_2, %dma_wait3A] : memref<800x128xi32, #tpu.memory_space<hbm>> -> memref<25x128xi32, #tpu.memory_space<hbm>>
      %dma_wait3A_131 = arith.constant 0 : i32
      %dma_wait3A_132 = tpu.memref_slice %arg3[%mul3A_2, %dma_wait3A_131] : memref<800x128xi32, #tpu.memory_space<hbm>> -> memref<25x128xi32, #tpu.memory_space<hbm>>
      tpu.wait_dma2 semaphore(%run_scoped3A : memref<!tpu.dma_semaphore, #tpu.memory_space<semaphore_mem>>) src(%dma_wait3A_132 : memref<25x128xi32, #tpu.memory_space<hbm>>) dst(%arg7 : memref<25x128xi32, #tpu.memory_space<vmem>>)
      tpu.yield
    }) : () -> ()
    %dma_start3A = arith.constant 0 : i32
    %dma_start3A_3 = arith.constant 0 : i32
    %dma_start3A_4 = arith.constant 0 : i32
    %dma_start3A_5 = arith.constant 0 : i32
    %dma_start3A_6 = tpu.memref_slice %arg8[%dma_start3A_3, %dma_start3A_4, %dma_start3A_5] : memref<5x128x64xf32, #tpu.memory_space<vmem>> -> memref<1x128x64xf32, #tpu.memory_space<vmem>>
    %dma_start3A_7 = tpu.memref_squeeze %dma_start3A_6 : memref<1x128x64xf32, #tpu.memory_space<vmem>> -> memref<128x64xf32, #tpu.memory_space<vmem>>
    %dma_start3A_8 = arith.constant 0 : i32
    %dma_start3A_9 = tpu.memref_slice %arg6[%dma_start3A, %dma_start3A_8] : memref<25x128xi32, #tpu.memory_space<vmem>> -> memref<1x128xi32, #tpu.memory_space<vmem>>
    %dma_start3A_10 = tpu.memref_squeeze %dma_start3A_9 : memref<1x128xi32, #tpu.memory_space<vmem>> -> memref<128xi32, #tpu.memory_space<vmem>>
    %dma_start3A_11 = arith.constant 0 : i32
    %dma_start3A_12 = arith.constant 0 : i32
    %dma_start3A_13 = tpu.memref_slice %arg4[%dma_start3A_11, %dma_start3A_12] : memref<10240x64xf32, #tpu.memory_space<hbm>> -> memref<10240x64xf32, #tpu.memory_space<hbm>>
    tpu.enqueue_indirect_dma source(%dma_start3A_13 : memref<10240x64xf32, #tpu.memory_space<hbm>>) target(%dma_start3A_7 : memref<128x64xf32, #tpu.memory_space<vmem>>) offsets(%dma_start3A_10 : memref<128xi32, #tpu.memory_space<vmem>>) semaphore(%arg10 : memref<!tpu.dma_semaphore, #tpu.memory_space<semaphore_mem>>)
    %dma_start3A_14 = arith.constant 0 : i32
    %dma_start3A_15 = arith.constant 0 : i32
    %dma_start3A_16 = arith.constant 0 : i32
    %dma_start3A_17 = arith.constant 0 : i32
    %dma_start3A_18 = tpu.memref_slice %arg9[%dma_start3A_15, %dma_start3A_16, %dma_start3A_17] : memref<5x128x64xf32, #tpu.memory_space<vmem>> -> memref<1x128x64xf32, #tpu.memory_space<vmem>>
    %dma_start3A_19 = tpu.memref_squeeze %dma_start3A_18 : memref<1x128x64xf32, #tpu.memory_space<vmem>> -> memref<128x64xf32, #tpu.memory_space<vmem>>
    %dma_start3A_20 = arith.constant 0 : i32
    %dma_start3A_21 = tpu.memref_slice %arg7[%dma_start3A_14, %dma_start3A_20] : memref<25x128xi32, #tpu.memory_space<vmem>> -> memref<1x128xi32, #tpu.memory_space<vmem>>
    %dma_start3A_22 = tpu.memref_squeeze %dma_start3A_21 : memref<1x128xi32, #tpu.memory_space<vmem>> -> memref<128xi32, #tpu.memory_space<vmem>>
    %dma_start3A_23 = arith.constant 0 : i32
    %dma_start3A_24 = arith.constant 0 : i32
    %dma_start3A_25 = tpu.memref_slice %arg4[%dma_start3A_23, %dma_start3A_24] : memref<10240x64xf32, #tpu.memory_space<hbm>> -> memref<10240x64xf32, #tpu.memory_space<hbm>>
    tpu.enqueue_indirect_dma source(%dma_start3A_25 : memref<10240x64xf32, #tpu.memory_space<hbm>>) target(%dma_start3A_19 : memref<128x64xf32, #tpu.memory_space<vmem>>) offsets(%dma_start3A_22 : memref<128xi32, #tpu.memory_space<vmem>>) semaphore(%arg11 : memref<!tpu.dma_semaphore, #tpu.memory_space<semaphore_mem>>)
    %dma_start3A_26 = arith.constant 1 : i32
    %dma_start3A_27 = arith.constant 1 : i32
    %dma_start3A_28 = arith.constant 0 : i32
    %dma_start3A_29 = arith.constant 0 : i32
    %dma_start3A_30 = tpu.memref_slice %arg8[%dma_start3A_27, %dma_start3A_28, %dma_start3A_29] : memref<5x128x64xf32, #tpu.memory_space<vmem>> -> memref<1x128x64xf32, #tpu.memory_space<vmem>>
    %dma_start3A_31 = tpu.memref_squeeze %dma_start3A_30 : memref<1x128x64xf32, #tpu.memory_space<vmem>> -> memref<128x64xf32, #tpu.memory_space<vmem>>
    %dma_start3A_32 = arith.constant 0 : i32
    %dma_start3A_33 = tpu.memref_slice %arg6[%dma_start3A_26, %dma_start3A_32] : memref<25x128xi32, #tpu.memory_space<vmem>> -> memref<1x128xi32, #tpu.memory_space<vmem>>
    %dma_start3A_34 = tpu.memref_squeeze %dma_start3A_33 : memref<1x128xi32, #tpu.memory_space<vmem>> -> memref<128xi32, #tpu.memory_space<vmem>>
    %dma_start3A_35 = arith.constant 0 : i32
    %dma_start3A_36 = arith.constant 0 : i32
    %dma_start3A_37 = tpu.memref_slice %arg4[%dma_start3A_35, %dma_start3A_36] : memref<10240x64xf32, #tpu.memory_space<hbm>> -> memref<10240x64xf32, #tpu.memory_space<hbm>>
    tpu.enqueue_indirect_dma source(%dma_start3A_37 : memref<10240x64xf32, #tpu.memory_space<hbm>>) target(%dma_start3A_31 : memref<128x64xf32, #tpu.memory_space<vmem>>) offsets(%dma_start3A_34 : memref<128xi32, #tpu.memory_space<vmem>>) semaphore(%arg10 : memref<!tpu.dma_semaphore, #tpu.memory_space<semaphore_mem>>)
    %dma_start3A_38 = arith.constant 1 : i32
    %dma_start3A_39 = arith.constant 1 : i32
    %dma_start3A_40 = arith.constant 0 : i32
    %dma_start3A_41 = arith.constant 0 : i32
    %dma_start3A_42 = tpu.memref_slice %arg9[%dma_start3A_39, %dma_start3A_40, %dma_start3A_41] : memref<5x128x64xf32, #tpu.memory_space<vmem>> -> memref<1x128x64xf32, #tpu.memory_space<vmem>>
    %dma_start3A_43 = tpu.memref_squeeze %dma_start3A_42 : memref<1x128x64xf32, #tpu.memory_space<vmem>> -> memref<128x64xf32, #tpu.memory_space<vmem>>
    %dma_start3A_44 = arith.constant 0 : i32
    %dma_start3A_45 = tpu.memref_slice %arg7[%dma_start3A_38, %dma_start3A_44] : memref<25x128xi32, #tpu.memory_space<vmem>> -> memref<1x128xi32, #tpu.memory_space<vmem>>
    %dma_start3A_46 = tpu.memref_squeeze %dma_start3A_45 : memref<1x128xi32, #tpu.memory_space<vmem>> -> memref<128xi32, #tpu.memory_space<vmem>>
    %dma_start3A_47 = arith.constant 0 : i32
    %dma_start3A_48 = arith.constant 0 : i32
    %dma_start3A_49 = tpu.memref_slice %arg4[%dma_start3A_47, %dma_start3A_48] : memref<10240x64xf32, #tpu.memory_space<hbm>> -> memref<10240x64xf32, #tpu.memory_space<hbm>>
    tpu.enqueue_indirect_dma source(%dma_start3A_49 : memref<10240x64xf32, #tpu.memory_space<hbm>>) target(%dma_start3A_43 : memref<128x64xf32, #tpu.memory_space<vmem>>) offsets(%dma_start3A_46 : memref<128xi32, #tpu.memory_space<vmem>>) semaphore(%arg11 : memref<!tpu.dma_semaphore, #tpu.memory_space<semaphore_mem>>)
    %dma_start3A_50 = arith.constant 2 : i32
    %dma_start3A_51 = arith.constant 2 : i32
    %dma_start3A_52 = arith.constant 0 : i32
    %dma_start3A_53 = arith.constant 0 : i32
    %dma_start3A_54 = tpu.memref_slice %arg8[%dma_start3A_51, %dma_start3A_52, %dma_start3A_53] : memref<5x128x64xf32, #tpu.memory_space<vmem>> -> memref<1x128x64xf32, #tpu.memory_space<vmem>>
    %dma_start3A_55 = tpu.memref_squeeze %dma_start3A_54 : memref<1x128x64xf32, #tpu.memory_space<vmem>> -> memref<128x64xf32, #tpu.memory_space<vmem>>
    %dma_start3A_56 = arith.constant 0 : i32
    %dma_start3A_57 = tpu.memref_slice %arg6[%dma_start3A_50, %dma_start3A_56] : memref<25x128xi32, #tpu.memory_space<vmem>> -> memref<1x128xi32, #tpu.memory_space<vmem>>
    %dma_start3A_58 = tpu.memref_squeeze %dma_start3A_57 : memref<1x128xi32, #tpu.memory_space<vmem>> -> memref<128xi32, #tpu.memory_space<vmem>>
    %dma_start3A_59 = arith.constant 0 : i32
    %dma_start3A_60 = arith.constant 0 : i32
    %dma_start3A_61 = tpu.memref_slice %arg4[%dma_start3A_59, %dma_start3A_60] : memref<10240x64xf32, #tpu.memory_space<hbm>> -> memref<10240x64xf32, #tpu.memory_space<hbm>>
    tpu.enqueue_indirect_dma source(%dma_start3A_61 : memref<10240x64xf32, #tpu.memory_space<hbm>>) target(%dma_start3A_55 : memref<128x64xf32, #tpu.memory_space<vmem>>) offsets(%dma_start3A_58 : memref<128xi32, #tpu.memory_space<vmem>>) semaphore(%arg10 : memref<!tpu.dma_semaphore, #tpu.memory_space<semaphore_mem>>)
    %dma_start3A_62 = arith.constant 2 : i32
    %dma_start3A_63 = arith.constant 2 : i32
    %dma_start3A_64 = arith.constant 0 : i32
    %dma_start3A_65 = arith.constant 0 : i32
    %dma_start3A_66 = tpu.memref_slice %arg9[%dma_start3A_63, %dma_start3A_64, %dma_start3A_65] : memref<5x128x64xf32, #tpu.memory_space<vmem>> -> memref<1x128x64xf32, #tpu.memory_space<vmem>>
    %dma_start3A_67 = tpu.memref_squeeze %dma_start3A_66 : memref<1x128x64xf32, #tpu.memory_space<vmem>> -> memref<128x64xf32, #tpu.memory_space<vmem>>
    %dma_start3A_68 = arith.constant 0 : i32
    %dma_start3A_69 = tpu.memref_slice %arg7[%dma_start3A_62, %dma_start3A_68] : memref<25x128xi32, #tpu.memory_space<vmem>> -> memref<1x128xi32, #tpu.memory_space<vmem>>
    %dma_start3A_70 = tpu.memref_squeeze %dma_start3A_69 : memref<1x128xi32, #tpu.memory_space<vmem>> -> memref<128xi32, #tpu.memory_space<vmem>>
    %dma_start3A_71 = arith.constant 0 : i32
    %dma_start3A_72 = arith.constant 0 : i32
    %dma_start3A_73 = tpu.memref_slice %arg4[%dma_start3A_71, %dma_start3A_72] : memref<10240x64xf32, #tpu.memory_space<hbm>> -> memref<10240x64xf32, #tpu.memory_space<hbm>>
    tpu.enqueue_indirect_dma source(%dma_start3A_73 : memref<10240x64xf32, #tpu.memory_space<hbm>>) target(%dma_start3A_67 : memref<128x64xf32, #tpu.memory_space<vmem>>) offsets(%dma_start3A_70 : memref<128xi32, #tpu.memory_space<vmem>>) semaphore(%arg11 : memref<!tpu.dma_semaphore, #tpu.memory_space<semaphore_mem>>)
    %dma_start3A_74 = arith.constant 3 : i32
    %dma_start3A_75 = arith.constant 3 : i32
    %dma_start3A_76 = arith.constant 0 : i32
    %dma_start3A_77 = arith.constant 0 : i32
    %dma_start3A_78 = tpu.memref_slice %arg8[%dma_start3A_75, %dma_start3A_76, %dma_start3A_77] : memref<5x128x64xf32, #tpu.memory_space<vmem>> -> memref<1x128x64xf32, #tpu.memory_space<vmem>>
    %dma_start3A_79 = tpu.memref_squeeze %dma_start3A_78 : memref<1x128x64xf32, #tpu.memory_space<vmem>> -> memref<128x64xf32, #tpu.memory_space<vmem>>
    %dma_start3A_80 = arith.constant 0 : i32
    %dma_start3A_81 = tpu.memref_slice %arg6[%dma_start3A_74, %dma_start3A_80] : memref<25x128xi32, #tpu.memory_space<vmem>> -> memref<1x128xi32, #tpu.memory_space<vmem>>
    %dma_start3A_82 = tpu.memref_squeeze %dma_start3A_81 : memref<1x128xi32, #tpu.memory_space<vmem>> -> memref<128xi32, #tpu.memory_space<vmem>>
    %dma_start3A_83 = arith.constant 0 : i32
    %dma_start3A_84 = arith.constant 0 : i32
    %dma_start3A_85 = tpu.memref_slice %arg4[%dma_start3A_83, %dma_start3A_84] : memref<10240x64xf32, #tpu.memory_space<hbm>> -> memref<10240x64xf32, #tpu.memory_space<hbm>>
    tpu.enqueue_indirect_dma source(%dma_start3A_85 : memref<10240x64xf32, #tpu.memory_space<hbm>>) target(%dma_start3A_79 : memref<128x64xf32, #tpu.memory_space<vmem>>) offsets(%dma_start3A_82 : memref<128xi32, #tpu.memory_space<vmem>>) semaphore(%arg10 : memref<!tpu.dma_semaphore, #tpu.memory_space<semaphore_mem>>)
    %dma_start3A_86 = arith.constant 3 : i32
    %dma_start3A_87 = arith.constant 3 : i32
    %dma_start3A_88 = arith.constant 0 : i32
    %dma_start3A_89 = arith.constant 0 : i32
    %dma_start3A_90 = tpu.memref_slice %arg9[%dma_start3A_87, %dma_start3A_88, %dma_start3A_89] : memref<5x128x64xf32, #tpu.memory_space<vmem>> -> memref<1x128x64xf32, #tpu.memory_space<vmem>>
    %dma_start3A_91 = tpu.memref_squeeze %dma_start3A_90 : memref<1x128x64xf32, #tpu.memory_space<vmem>> -> memref<128x64xf32, #tpu.memory_space<vmem>>
    %dma_start3A_92 = arith.constant 0 : i32
    %dma_start3A_93 = tpu.memref_slice %arg7[%dma_start3A_86, %dma_start3A_92] : memref<25x128xi32, #tpu.memory_space<vmem>> -> memref<1x128xi32, #tpu.memory_space<vmem>>
    %dma_start3A_94 = tpu.memref_squeeze %dma_start3A_93 : memref<1x128xi32, #tpu.memory_space<vmem>> -> memref<128xi32, #tpu.memory_space<vmem>>
    %dma_start3A_95 = arith.constant 0 : i32
    %dma_start3A_96 = arith.constant 0 : i32
    %dma_start3A_97 = tpu.memref_slice %arg4[%dma_start3A_95, %dma_start3A_96] : memref<10240x64xf32, #tpu.memory_space<hbm>> -> memref<10240x64xf32, #tpu.memory_space<hbm>>
    tpu.enqueue_indirect_dma source(%dma_start3A_97 : memref<10240x64xf32, #tpu.memory_space<hbm>>) target(%dma_start3A_91 : memref<128x64xf32, #tpu.memory_space<vmem>>) offsets(%dma_start3A_94 : memref<128xi32, #tpu.memory_space<vmem>>) semaphore(%arg11 : memref<!tpu.dma_semaphore, #tpu.memory_space<semaphore_mem>>)
    %dma_start3A_98 = arith.constant 4 : i32
    %dma_start3A_99 = arith.constant 4 : i32
    %dma_start3A_100 = arith.constant 0 : i32
    %dma_start3A_101 = arith.constant 0 : i32
    %dma_start3A_102 = tpu.memref_slice %arg8[%dma_start3A_99, %dma_start3A_100, %dma_start3A_101] : memref<5x128x64xf32, #tpu.memory_space<vmem>> -> memref<1x128x64xf32, #tpu.memory_space<vmem>>
    %dma_start3A_103 = tpu.memref_squeeze %dma_start3A_102 : memref<1x128x64xf32, #tpu.memory_space<vmem>> -> memref<128x64xf32, #tpu.memory_space<vmem>>
    %dma_start3A_104 = arith.constant 0 : i32
    %dma_start3A_105 = tpu.memref_slice %arg6[%dma_start3A_98, %dma_start3A_104] : memref<25x128xi32, #tpu.memory_space<vmem>> -> memref<1x128xi32, #tpu.memory_space<vmem>>
    %dma_start3A_106 = tpu.memref_squeeze %dma_start3A_105 : memref<1x128xi32, #tpu.memory_space<vmem>> -> memref<128xi32, #tpu.memory_space<vmem>>
    %dma_start3A_107 = arith.constant 0 : i32
    %dma_start3A_108 = arith.constant 0 : i32
    %dma_start3A_109 = tpu.memref_slice %arg4[%dma_start3A_107, %dma_start3A_108] : memref<10240x64xf32, #tpu.memory_space<hbm>> -> memref<10240x64xf32, #tpu.memory_space<hbm>>
    tpu.enqueue_indirect_dma source(%dma_start3A_109 : memref<10240x64xf32, #tpu.memory_space<hbm>>) target(%dma_start3A_103 : memref<128x64xf32, #tpu.memory_space<vmem>>) offsets(%dma_start3A_106 : memref<128xi32, #tpu.memory_space<vmem>>) semaphore(%arg10 : memref<!tpu.dma_semaphore, #tpu.memory_space<semaphore_mem>>)
    %dma_start3A_110 = arith.constant 4 : i32
    %dma_start3A_111 = arith.constant 4 : i32
    %dma_start3A_112 = arith.constant 0 : i32
    %dma_start3A_113 = arith.constant 0 : i32
    %dma_start3A_114 = tpu.memref_slice %arg9[%dma_start3A_111, %dma_start3A_112, %dma_start3A_113] : memref<5x128x64xf32, #tpu.memory_space<vmem>> -> memref<1x128x64xf32, #tpu.memory_space<vmem>>
    %dma_start3A_115 = tpu.memref_squeeze %dma_start3A_114 : memref<1x128x64xf32, #tpu.memory_space<vmem>> -> memref<128x64xf32, #tpu.memory_space<vmem>>
    %dma_start3A_116 = arith.constant 0 : i32
    %dma_start3A_117 = tpu.memref_slice %arg7[%dma_start3A_110, %dma_start3A_116] : memref<25x128xi32, #tpu.memory_space<vmem>> -> memref<1x128xi32, #tpu.memory_space<vmem>>
    %dma_start3A_118 = tpu.memref_squeeze %dma_start3A_117 : memref<1x128xi32, #tpu.memory_space<vmem>> -> memref<128xi32, #tpu.memory_space<vmem>>
    %dma_start3A_119 = arith.constant 0 : i32
    %dma_start3A_120 = arith.constant 0 : i32
    %dma_start3A_121 = tpu.memref_slice %arg4[%dma_start3A_119, %dma_start3A_120] : memref<10240x64xf32, #tpu.memory_space<hbm>> -> memref<10240x64xf32, #tpu.memory_space<hbm>>
    tpu.enqueue_indirect_dma source(%dma_start3A_121 : memref<10240x64xf32, #tpu.memory_space<hbm>>) target(%dma_start3A_115 : memref<128x64xf32, #tpu.memory_space<vmem>>) offsets(%dma_start3A_118 : memref<128xi32, #tpu.memory_space<vmem>>) semaphore(%arg11 : memref<!tpu.dma_semaphore, #tpu.memory_space<semaphore_mem>>)
    %scan3A = arith.constant 0 : i32
    %scan3A_122 = arith.constant 5 : i32
    %scan3A_123 = arith.addi %scan3A, %scan3A_122 : i32
    %scan3A_124 = arith.constant 1 : i32
    scf.for %scan3A_126 = %scan3A to %scan3A_123 step %scan3A_124  : i32 {
      %mul3A_127 = arith.constant 1 : i32
      %mul3A_128 = arith.muli %scan3A_126, %mul3A_127 : i32
      %add3A_129 = arith.constant 0 : i32
      %add3A_130 = arith.addi %add3A_129, %mul3A_128 : i32
      %dma_wait3A = arith.constant 0 : i32
      %dma_wait3A_131 = arith.constant 0 : i32
      %dma_wait3A_132 = arith.constant 0 : i32
      %dma_wait3A_133 = arith.constant 0 : i32
      %dma_wait3A_134 = tpu.memref_slice %arg8[%dma_wait3A_131, %dma_wait3A_132, %dma_wait3A_133] : memref<5x128x64xf32, #tpu.memory_space<vmem>> -> memref<1x128x64xf32, #tpu.memory_space<vmem>>
      %dma_wait3A_135 = tpu.memref_squeeze %dma_wait3A_134 : memref<1x128x64xf32, #tpu.memory_space<vmem>> -> memref<128x64xf32, #tpu.memory_space<vmem>>
      %dma_wait3A_136 = arith.constant 0 : i32
      %dma_wait3A_137 = tpu.memref_slice %arg6[%dma_wait3A, %dma_wait3A_136] : memref<25x128xi32, #tpu.memory_space<vmem>> -> memref<1x128xi32, #tpu.memory_space<vmem>>
      %dma_wait3A_138 = tpu.memref_squeeze %dma_wait3A_137 : memref<1x128xi32, #tpu.memory_space<vmem>> -> memref<128xi32, #tpu.memory_space<vmem>>
      %dma_wait3A_139 = arith.constant 0 : i32
      %dma_wait3A_140 = arith.constant 0 : i32
      %dma_wait3A_141 = tpu.memref_slice %arg4[%dma_wait3A_139, %dma_wait3A_140] : memref<10240x64xf32, #tpu.memory_space<hbm>> -> memref<10240x64xf32, #tpu.memory_space<hbm>>
      tpu.wait_indirect_dma semaphore(%arg10 : memref<!tpu.dma_semaphore, #tpu.memory_space<semaphore_mem>>) src(%dma_wait3A_141 : memref<10240x64xf32, #tpu.memory_space<hbm>>) dst(%dma_wait3A_135 : memref<128x64xf32, #tpu.memory_space<vmem>>)
      %dma_wait3A_142 = arith.constant 0 : i32
      %dma_wait3A_143 = arith.constant 0 : i32
      %dma_wait3A_144 = arith.constant 0 : i32
      %dma_wait3A_145 = arith.constant 0 : i32
      %dma_wait3A_146 = tpu.memref_slice %arg9[%dma_wait3A_143, %dma_wait3A_144, %dma_wait3A_145] : memref<5x128x64xf32, #tpu.memory_space<vmem>> -> memref<1x128x64xf32, #tpu.memory_space<vmem>>
      %dma_wait3A_147 = tpu.memref_squeeze %dma_wait3A_146 : memref<1x128x64xf32, #tpu.memory_space<vmem>> -> memref<128x64xf32, #tpu.memory_space<vmem>>
      %dma_wait3A_148 = arith.constant 0 : i32
      %dma_wait3A_149 = tpu.memref_slice %arg7[%dma_wait3A_142, %dma_wait3A_148] : memref<25x128xi32, #tpu.memory_space<vmem>> -> memref<1x128xi32, #tpu.memory_space<vmem>>
      %dma_wait3A_150 = tpu.memref_squeeze %dma_wait3A_149 : memref<1x128xi32, #tpu.memory_space<vmem>> -> memref<128xi32, #tpu.memory_space<vmem>>
      %dma_wait3A_151 = arith.constant 0 : i32
      %dma_wait3A_152 = arith.constant 0 : i32
      %dma_wait3A_153 = tpu.memref_slice %arg4[%dma_wait3A_151, %dma_wait3A_152] : memref<10240x64xf32, #tpu.memory_space<hbm>> -> memref<10240x64xf32, #tpu.memory_space<hbm>>
      tpu.wait_indirect_dma semaphore(%arg11 : memref<!tpu.dma_semaphore, #tpu.memory_space<semaphore_mem>>) src(%dma_wait3A_153 : memref<10240x64xf32, #tpu.memory_space<hbm>>) dst(%dma_wait3A_147 : memref<128x64xf32, #tpu.memory_space<vmem>>)
      %dma_wait3A_154 = arith.constant 1 : i32
      %dma_wait3A_155 = arith.constant 1 : i32
      %dma_wait3A_156 = arith.constant 0 : i32
      %dma_wait3A_157 = arith.constant 0 : i32
      %dma_wait3A_158 = tpu.memref_slice %arg8[%dma_wait3A_155, %dma_wait3A_156, %dma_wait3A_157] : memref<5x128x64xf32, #tpu.memory_space<vmem>> -> memref<1x128x64xf32, #tpu.memory_space<vmem>>
      %dma_wait3A_159 = tpu.memref_squeeze %dma_wait3A_158 : memref<1x128x64xf32, #tpu.memory_space<vmem>> -> memref<128x64xf32, #tpu.memory_space<vmem>>
      %dma_wait3A_160 = arith.constant 0 : i32
      %dma_wait3A_161 = tpu.memref_slice %arg6[%dma_wait3A_154, %dma_wait3A_160] : memref<25x128xi32, #tpu.memory_space<vmem>> -> memref<1x128xi32, #tpu.memory_space<vmem>>
      %dma_wait3A_162 = tpu.memref_squeeze %dma_wait3A_161 : memref<1x128xi32, #tpu.memory_space<vmem>> -> memref<128xi32, #tpu.memory_space<vmem>>
      %dma_wait3A_163 = arith.constant 0 : i32
      %dma_wait3A_164 = arith.constant 0 : i32
      %dma_wait3A_165 = tpu.memref_slice %arg4[%dma_wait3A_163, %dma_wait3A_164] : memref<10240x64xf32, #tpu.memory_space<hbm>> -> memref<10240x64xf32, #tpu.memory_space<hbm>>
      tpu.wait_indirect_dma semaphore(%arg10 : memref<!tpu.dma_semaphore, #tpu.memory_space<semaphore_mem>>) src(%dma_wait3A_165 : memref<10240x64xf32, #tpu.memory_space<hbm>>) dst(%dma_wait3A_159 : memref<128x64xf32, #tpu.memory_space<vmem>>)
      %dma_wait3A_166 = arith.constant 1 : i32
      %dma_wait3A_167 = arith.constant 1 : i32
      %dma_wait3A_168 = arith.constant 0 : i32
      %dma_wait3A_169 = arith.constant 0 : i32
      %dma_wait3A_170 = tpu.memref_slice %arg9[%dma_wait3A_167, %dma_wait3A_168, %dma_wait3A_169] : memref<5x128x64xf32, #tpu.memory_space<vmem>> -> memref<1x128x64xf32, #tpu.memory_space<vmem>>
      %dma_wait3A_171 = tpu.memref_squeeze %dma_wait3A_170 : memref<1x128x64xf32, #tpu.memory_space<vmem>> -> memref<128x64xf32, #tpu.memory_space<vmem>>
      %dma_wait3A_172 = arith.constant 0 : i32
      %dma_wait3A_173 = tpu.memref_slice %arg7[%dma_wait3A_166, %dma_wait3A_172] : memref<25x128xi32, #tpu.memory_space<vmem>> -> memref<1x128xi32, #tpu.memory_space<vmem>>
      %dma_wait3A_174 = tpu.memref_squeeze %dma_wait3A_173 : memref<1x128xi32, #tpu.memory_space<vmem>> -> memref<128xi32, #tpu.memory_space<vmem>>
      %dma_wait3A_175 = arith.constant 0 : i32
      %dma_wait3A_176 = arith.constant 0 : i32
      %dma_wait3A_177 = tpu.memref_slice %arg4[%dma_wait3A_175, %dma_wait3A_176] : memref<10240x64xf32, #tpu.memory_space<hbm>> -> memref<10240x64xf32, #tpu.memory_space<hbm>>
      tpu.wait_indirect_dma semaphore(%arg11 : memref<!tpu.dma_semaphore, #tpu.memory_space<semaphore_mem>>) src(%dma_wait3A_177 : memref<10240x64xf32, #tpu.memory_space<hbm>>) dst(%dma_wait3A_171 : memref<128x64xf32, #tpu.memory_space<vmem>>)
      %dma_wait3A_178 = arith.constant 2 : i32
      %dma_wait3A_179 = arith.constant 2 : i32
      %dma_wait3A_180 = arith.constant 0 : i32
      %dma_wait3A_181 = arith.constant 0 : i32
      %dma_wait3A_182 = tpu.memref_slice %arg8[%dma_wait3A_179, %dma_wait3A_180, %dma_wait3A_181] : memref<5x128x64xf32, #tpu.memory_space<vmem>> -> memref<1x128x64xf32, #tpu.memory_space<vmem>>
      %dma_wait3A_183 = tpu.memref_squeeze %dma_wait3A_182 : memref<1x128x64xf32, #tpu.memory_space<vmem>> -> memref<128x64xf32, #tpu.memory_space<vmem>>
      %dma_wait3A_184 = arith.constant 0 : i32
      %dma_wait3A_185 = tpu.memref_slice %arg6[%dma_wait3A_178, %dma_wait3A_184] : memref<25x128xi32, #tpu.memory_space<vmem>> -> memref<1x128xi32, #tpu.memory_space<vmem>>
      %dma_wait3A_186 = tpu.memref_squeeze %dma_wait3A_185 : memref<1x128xi32, #tpu.memory_space<vmem>> -> memref<128xi32, #tpu.memory_space<vmem>>
      %dma_wait3A_187 = arith.constant 0 : i32
      %dma_wait3A_188 = arith.constant 0 : i32
      %dma_wait3A_189 = tpu.memref_slice %arg4[%dma_wait3A_187, %dma_wait3A_188] : memref<10240x64xf32, #tpu.memory_space<hbm>> -> memref<10240x64xf32, #tpu.memory_space<hbm>>
      tpu.wait_indirect_dma semaphore(%arg10 : memref<!tpu.dma_semaphore, #tpu.memory_space<semaphore_mem>>) src(%dma_wait3A_189 : memref<10240x64xf32, #tpu.memory_space<hbm>>) dst(%dma_wait3A_183 : memref<128x64xf32, #tpu.memory_space<vmem>>)
      %dma_wait3A_190 = arith.constant 2 : i32
      %dma_wait3A_191 = arith.constant 2 : i32
      %dma_wait3A_192 = arith.constant 0 : i32
      %dma_wait3A_193 = arith.constant 0 : i32
      %dma_wait3A_194 = tpu.memref_slice %arg9[%dma_wait3A_191, %dma_wait3A_192, %dma_wait3A_193] : memref<5x128x64xf32, #tpu.memory_space<vmem>> -> memref<1x128x64xf32, #tpu.memory_space<vmem>>
      %dma_wait3A_195 = tpu.memref_squeeze %dma_wait3A_194 : memref<1x128x64xf32, #tpu.memory_space<vmem>> -> memref<128x64xf32, #tpu.memory_space<vmem>>
      %dma_wait3A_196 = arith.constant 0 : i32
      %dma_wait3A_197 = tpu.memref_slice %arg7[%dma_wait3A_190, %dma_wait3A_196] : memref<25x128xi32, #tpu.memory_space<vmem>> -> memref<1x128xi32, #tpu.memory_space<vmem>>
      %dma_wait3A_198 = tpu.memref_squeeze %dma_wait3A_197 : memref<1x128xi32, #tpu.memory_space<vmem>> -> memref<128xi32, #tpu.memory_space<vmem>>
      %dma_wait3A_199 = arith.constant 0 : i32
      %dma_wait3A_200 = arith.constant 0 : i32
      %dma_wait3A_201 = tpu.memref_slice %arg4[%dma_wait3A_199, %dma_wait3A_200] : memref<10240x64xf32, #tpu.memory_space<hbm>> -> memref<10240x64xf32, #tpu.memory_space<hbm>>
      tpu.wait_indirect_dma semaphore(%arg11 : memref<!tpu.dma_semaphore, #tpu.memory_space<semaphore_mem>>) src(%dma_wait3A_201 : memref<10240x64xf32, #tpu.memory_space<hbm>>) dst(%dma_wait3A_195 : memref<128x64xf32, #tpu.memory_space<vmem>>)
      %dma_wait3A_202 = arith.constant 3 : i32
      %dma_wait3A_203 = arith.constant 3 : i32
      %dma_wait3A_204 = arith.constant 0 : i32
      %dma_wait3A_205 = arith.constant 0 : i32
      %dma_wait3A_206 = tpu.memref_slice %arg8[%dma_wait3A_203, %dma_wait3A_204, %dma_wait3A_205] : memref<5x128x64xf32, #tpu.memory_space<vmem>> -> memref<1x128x64xf32, #tpu.memory_space<vmem>>
      %dma_wait3A_207 = tpu.memref_squeeze %dma_wait3A_206 : memref<1x128x64xf32, #tpu.memory_space<vmem>> -> memref<128x64xf32, #tpu.memory_space<vmem>>
      %dma_wait3A_208 = arith.constant 0 : i32
      %dma_wait3A_209 = tpu.memref_slice %arg6[%dma_wait3A_202, %dma_wait3A_208] : memref<25x128xi32, #tpu.memory_space<vmem>> -> memref<1x128xi32, #tpu.memory_space<vmem>>
      %dma_wait3A_210 = tpu.memref_squeeze %dma_wait3A_209 : memref<1x128xi32, #tpu.memory_space<vmem>> -> memref<128xi32, #tpu.memory_space<vmem>>
      %dma_wait3A_211 = arith.constant 0 : i32
      %dma_wait3A_212 = arith.constant 0 : i32
      %dma_wait3A_213 = tpu.memref_slice %arg4[%dma_wait3A_211, %dma_wait3A_212] : memref<10240x64xf32, #tpu.memory_space<hbm>> -> memref<10240x64xf32, #tpu.memory_space<hbm>>
      tpu.wait_indirect_dma semaphore(%arg10 : memref<!tpu.dma_semaphore, #tpu.memory_space<semaphore_mem>>) src(%dma_wait3A_213 : memref<10240x64xf32, #tpu.memory_space<hbm>>) dst(%dma_wait3A_207 : memref<128x64xf32, #tpu.memory_space<vmem>>)
      %dma_wait3A_214 = arith.constant 3 : i32
      %dma_wait3A_215 = arith.constant 3 : i32
      %dma_wait3A_216 = arith.constant 0 : i32
      %dma_wait3A_217 = arith.constant 0 : i32
      %dma_wait3A_218 = tpu.memref_slice %arg9[%dma_wait3A_215, %dma_wait3A_216, %dma_wait3A_217] : memref<5x128x64xf32, #tpu.memory_space<vmem>> -> memref<1x128x64xf32, #tpu.memory_space<vmem>>
      %dma_wait3A_219 = tpu.memref_squeeze %dma_wait3A_218 : memref<1x128x64xf32, #tpu.memory_space<vmem>> -> memref<128x64xf32, #tpu.memory_space<vmem>>
      %dma_wait3A_220 = arith.constant 0 : i32
      %dma_wait3A_221 = tpu.memref_slice %arg7[%dma_wait3A_214, %dma_wait3A_220] : memref<25x128xi32, #tpu.memory_space<vmem>> -> memref<1x128xi32, #tpu.memory_space<vmem>>
      %dma_wait3A_222 = tpu.memref_squeeze %dma_wait3A_221 : memref<1x128xi32, #tpu.memory_space<vmem>> -> memref<128xi32, #tpu.memory_space<vmem>>
      %dma_wait3A_223 = arith.constant 0 : i32
      %dma_wait3A_224 = arith.constant 0 : i32
      %dma_wait3A_225 = tpu.memref_slice %arg4[%dma_wait3A_223, %dma_wait3A_224] : memref<10240x64xf32, #tpu.memory_space<hbm>> -> memref<10240x64xf32, #tpu.memory_space<hbm>>
      tpu.wait_indirect_dma semaphore(%arg11 : memref<!tpu.dma_semaphore, #tpu.memory_space<semaphore_mem>>) src(%dma_wait3A_225 : memref<10240x64xf32, #tpu.memory_space<hbm>>) dst(%dma_wait3A_219 : memref<128x64xf32, #tpu.memory_space<vmem>>)
      %dma_wait3A_226 = arith.constant 4 : i32
      %dma_wait3A_227 = arith.constant 4 : i32
      %dma_wait3A_228 = arith.constant 0 : i32
      %dma_wait3A_229 = arith.constant 0 : i32
      %dma_wait3A_230 = tpu.memref_slice %arg8[%dma_wait3A_227, %dma_wait3A_228, %dma_wait3A_229] : memref<5x128x64xf32, #tpu.memory_space<vmem>> -> memref<1x128x64xf32, #tpu.memory_space<vmem>>
      %dma_wait3A_231 = tpu.memref_squeeze %dma_wait3A_230 : memref<1x128x64xf32, #tpu.memory_space<vmem>> -> memref<128x64xf32, #tpu.memory_space<vmem>>
      %dma_wait3A_232 = arith.constant 0 : i32
      %dma_wait3A_233 = tpu.memref_slice %arg6[%dma_wait3A_226, %dma_wait3A_232] : memref<25x128xi32, #tpu.memory_space<vmem>> -> memref<1x128xi32, #tpu.memory_space<vmem>>
      %dma_wait3A_234 = tpu.memref_squeeze %dma_wait3A_233 : memref<1x128xi32, #tpu.memory_space<vmem>> -> memref<128xi32, #tpu.memory_space<vmem>>
      %dma_wait3A_235 = arith.constant 0 : i32
      %dma_wait3A_236 = arith.constant 0 : i32
      %dma_wait3A_237 = tpu.memref_slice %arg4[%dma_wait3A_235, %dma_wait3A_236] : memref<10240x64xf32, #tpu.memory_space<hbm>> -> memref<10240x64xf32, #tpu.memory_space<hbm>>
      tpu.wait_indirect_dma semaphore(%arg10 : memref<!tpu.dma_semaphore, #tpu.memory_space<semaphore_mem>>) src(%dma_wait3A_237 : memref<10240x64xf32, #tpu.memory_space<hbm>>) dst(%dma_wait3A_231 : memref<128x64xf32, #tpu.memory_space<vmem>>)
      %dma_wait3A_238 = arith.constant 4 : i32
      %dma_wait3A_239 = arith.constant 4 : i32
      %dma_wait3A_240 = arith.constant 0 : i32
      %dma_wait3A_241 = arith.constant 0 : i32
      %dma_wait3A_242 = tpu.memref_slice %arg9[%dma_wait3A_239, %dma_wait3A_240, %dma_wait3A_241] : memref<5x128x64xf32, #tpu.memory_space<vmem>> -> memref<1x128x64xf32, #tpu.memory_space<vmem>>
      %dma_wait3A_243 = tpu.memref_squeeze %dma_wait3A_242 : memref<1x128x64xf32, #tpu.memory_space<vmem>> -> memref<128x64xf32, #tpu.memory_space<vmem>>
      %dma_wait3A_244 = arith.constant 0 : i32
      %dma_wait3A_245 = tpu.memref_slice %arg7[%dma_wait3A_238, %dma_wait3A_244] : memref<25x128xi32, #tpu.memory_space<vmem>> -> memref<1x128xi32, #tpu.memory_space<vmem>>
      %dma_wait3A_246 = tpu.memref_squeeze %dma_wait3A_245 : memref<1x128xi32, #tpu.memory_space<vmem>> -> memref<128xi32, #tpu.memory_space<vmem>>
      %dma_wait3A_247 = arith.constant 0 : i32
      %dma_wait3A_248 = arith.constant 0 : i32
      %dma_wait3A_249 = tpu.memref_slice %arg4[%dma_wait3A_247, %dma_wait3A_248] : memref<10240x64xf32, #tpu.memory_space<hbm>> -> memref<10240x64xf32, #tpu.memory_space<hbm>>
      tpu.wait_indirect_dma semaphore(%arg11 : memref<!tpu.dma_semaphore, #tpu.memory_space<semaphore_mem>>) src(%dma_wait3A_249 : memref<10240x64xf32, #tpu.memory_space<hbm>>) dst(%dma_wait3A_243 : memref<128x64xf32, #tpu.memory_space<vmem>>)
      %scan3A_250 = arith.constant 0 : i32
      %scan3A_251 = arith.constant 128 : i32
      %scan3A_252 = arith.addi %scan3A_250, %scan3A_251 : i32
      %scan3A_253 = arith.constant 1 : i32
      scf.for %scan3A_432 = %scan3A_250 to %scan3A_252 step %scan3A_253  : i32 {
        %mul3A_433 = arith.constant 1 : i32
        %mul3A_434 = arith.muli %scan3A_432, %mul3A_433 : i32
        %add3A_435 = arith.constant 0 : i32
        %add3A_436 = arith.addi %add3A_435, %mul3A_434 : i32
        %get3A = arith.constant 0 : i32
        %get3A_437 = arith.index_cast %get3A : i32 to index
        %get3A_438 = arith.index_cast %add3A_436 : i32 to index
        %get3A_439 = arith.constant 0 : index
        %get3A_440 = tpu.vector_load %arg8[%get3A_437, %get3A_438, %get3A_439] {strides = array<i32>} : memref<5x128x64xf32, #tpu.memory_space<vmem>>, vector<16xf32>,
        %get3A_441 = arith.constant 0 : i32
        %get3A_442 = arith.index_cast %get3A_441 : i32 to index
        %get3A_443 = arith.index_cast %add3A_436 : i32 to index
        %get3A_444 = arith.constant 0 : index
        %get3A_445 = tpu.vector_load %arg9[%get3A_442, %get3A_443, %get3A_444] {strides = array<i32>} : memref<5x128x64xf32, #tpu.memory_space<vmem>>, vector<16xf32>,
        %mul3A_446 = arith.mulf %get3A_440, %get3A_445 : vector<16xf32>
        %swap3A = arith.constant 0 : i32
        %swap3A_447 = arith.index_cast %swap3A : i32 to index
        %swap3A_448 = arith.index_cast %add3A_436 : i32 to index
        %swap3A_449 = arith.constant 0 : index
        %swap3A_450 = tpu.vector_load %arg8[%swap3A_447, %swap3A_448, %swap3A_449] {strides = array<i32>} : memref<5x128x64xf32, #tpu.memory_space<vmem>>, vector<16xf32>,
        tpu.vector_store %arg8[%swap3A_447, %swap3A_448, %swap3A_449], %mul3A_446 {strides = array<i32>} : memref<5x128x64xf32, #tpu.memory_space<vmem>>, vector<16xf32>,
        %get3A_451 = arith.constant 0 : i32
        %get3A_452 = arith.index_cast %get3A_451 : i32 to index
        %get3A_453 = arith.index_cast %add3A_436 : i32 to index
        %get3A_454 = arith.constant 16 : index
        %get3A_455 = tpu.vector_load %arg8[%get3A_452, %get3A_453, %get3A_454] {strides = array<i32>} : memref<5x128x64xf32, #tpu.memory_space<vmem>>, vector<16xf32>,
        %get3A_456 = arith.constant 0 : i32
        %get3A_457 = arith.index_cast %get3A_456 : i32 to index
        %get3A_458 = arith.index_cast %add3A_436 : i32 to index
        %get3A_459 = arith.constant 16 : index
        %get3A_460 = tpu.vector_load %arg9[%get3A_457, %get3A_458, %get3A_459] {strides = array<i32>} : memref<5x128x64xf32, #tpu.memory_space<vmem>>, vector<16xf32>,
        %mul3A_461 = arith.mulf %get3A_455, %get3A_460 : vector<16xf32>
        %swap3A_462 = arith.constant 0 : i32
        %swap3A_463 = arith.index_cast %swap3A_462 : i32 to index
        %swap3A_464 = arith.index_cast %add3A_436 : i32 to index
        %swap3A_465 = arith.constant 16 : index
        %swap3A_466 = tpu.vector_load %arg8[%swap3A_463, %swap3A_464, %swap3A_465] {strides = array<i32>} : memref<5x128x64xf32, #tpu.memory_space<vmem>>, vector<16xf32>,
        tpu.vector_store %arg8[%swap3A_463, %swap3A_464, %swap3A_465], %mul3A_461 {strides = array<i32>} : memref<5x128x64xf32, #tpu.memory_space<vmem>>, vector<16xf32>,
        %get3A_467 = arith.constant 0 : i32
        %get3A_468 = arith.index_cast %get3A_467 : i32 to index
        %get3A_469 = arith.index_cast %add3A_436 : i32 to index
        %get3A_470 = arith.constant 32 : index
        %get3A_471 = tpu.vector_load %arg8[%get3A_468, %get3A_469, %get3A_470] {strides = array<i32>} : memref<5x128x64xf32, #tpu.memory_space<vmem>>, vector<16xf32>,
        %get3A_472 = arith.constant 0 : i32
        %get3A_473 = arith.index_cast %get3A_472 : i32 to index
        %get3A_474 = arith.index_cast %add3A_436 : i32 to index
        %get3A_475 = arith.constant 32 : index
        %get3A_476 = tpu.vector_load %arg9[%get3A_473, %get3A_474, %get3A_475] {strides = array<i32>} : memref<5x128x64xf32, #tpu.memory_space<vmem>>, vector<16xf32>,
        %mul3A_477 = arith.mulf %get3A_471, %get3A_476 : vector<16xf32>
        %swap3A_478 = arith.constant 0 : i32
        %swap3A_479 = arith.index_cast %swap3A_478 : i32 to index
        %swap3A_480 = arith.index_cast %add3A_436 : i32 to index
        %swap3A_481 = arith.constant 32 : index
        %swap3A_482 = tpu.vector_load %arg8[%swap3A_479, %swap3A_480, %swap3A_481] {strides = array<i32>} : memref<5x128x64xf32, #tpu.memory_space<vmem>>, vector<16xf32>,
        tpu.vector_store %arg8[%swap3A_479, %swap3A_480, %swap3A_481], %mul3A_477 {strides = array<i32>} : memref<5x128x64xf32, #tpu.memory_space<vmem>>, vector<16xf32>,
        %get3A_483 = arith.constant 0 : i32
        %get3A_484 = arith.index_cast %get3A_483 : i32 to index
        %get3A_485 = arith.index_cast %add3A_436 : i32 to index
        %get3A_486 = arith.constant 48 : index
        %get3A_487 = tpu.vector_load %arg8[%get3A_484, %get3A_485, %get3A_486] {strides = array<i32>} : memref<5x128x64xf32, #tpu.memory_space<vmem>>, vector<16xf32>,
        %get3A_488 = arith.constant 0 : i32
        %get3A_489 = arith.index_cast %get3A_488 : i32 to index
        %get3A_490 = arith.index_cast %add3A_436 : i32 to index
        %get3A_491 = arith.constant 48 : index
        %get3A_492 = tpu.vector_load %arg9[%get3A_489, %get3A_490, %get3A_491] {strides = array<i32>} : memref<5x128x64xf32, #tpu.memory_space<vmem>>, vector<16xf32>,
        %mul3A_493 = arith.mulf %get3A_487, %get3A_492 : vector<16xf32>
        %swap3A_494 = arith.constant 0 : i32
        %swap3A_495 = arith.index_cast %swap3A_494 : i32 to index
        %swap3A_496 = arith.index_cast %add3A_436 : i32 to index
        %swap3A_497 = arith.constant 48 : index
        %swap3A_498 = tpu.vector_load %arg8[%swap3A_495, %swap3A_496, %swap3A_497] {strides = array<i32>} : memref<5x128x64xf32, #tpu.memory_space<vmem>>, vector<16xf32>,
        tpu.vector_store %arg8[%swap3A_495, %swap3A_496, %swap3A_497], %mul3A_493 {strides = array<i32>} : memref<5x128x64xf32, #tpu.memory_space<vmem>>, vector<16xf32>,
        %get3A_499 = arith.constant 1 : i32
        %get3A_500 = arith.index_cast %get3A_499 : i32 to index
        %get3A_501 = arith.index_cast %add3A_436 : i32 to index
        %get3A_502 = arith.constant 0 : index
        %get3A_503 = tpu.vector_load %arg8[%get3A_500, %get3A_501, %get3A_502] {strides = array<i32>} : memref<5x128x64xf32, #tpu.memory_space<vmem>>, vector<16xf32>,
        %get3A_504 = arith.constant 1 : i32
        %get3A_505 = arith.index_cast %get3A_504 : i32 to index
        %get3A_506 = arith.index_cast %add3A_436 : i32 to index
        %get3A_507 = arith.constant 0 : index
        %get3A_508 = tpu.vector_load %arg9[%get3A_505, %get3A_506, %get3A_507] {strides = array<i32>} : memref<5x128x64xf32, #tpu.memory_space<vmem>>, vector<16xf32>,
        %mul3A_509 = arith.mulf %get3A_503, %get3A_508 : vector<16xf32>
        %swap3A_510 = arith.constant 1 : i32
        %swap3A_511 = arith.index_cast %swap3A_510 : i32 to index
        %swap3A_512 = arith.index_cast %add3A_436 : i32 to index
        %swap3A_513 = arith.constant 0 : index
        %swap3A_514 = tpu.vector_load %arg8[%swap3A_511, %swap3A_512, %swap3A_513] {strides = array<i32>} : memref<5x128x64xf32, #tpu.memory_space<vmem>>, vector<16xf32>,
        tpu.vector_store %arg8[%swap3A_511, %swap3A_512, %swap3A_513], %mul3A_509 {strides = array<i32>} : memref<5x128x64xf32, #tpu.memory_space<vmem>>, vector<16xf32>,
        %get3A_515 = arith.constant 1 : i32
        %get3A_516 = arith.index_cast %get3A_515 : i32 to index
        %get3A_517 = arith.index_cast %add3A_436 : i32 to index
        %get3A_518 = arith.constant 16 : index
        %get3A_519 = tpu.vector_load %arg8[%get3A_516, %get3A_517, %get3A_518] {strides = array<i32>} : memref<5x128x64xf32, #tpu.memory_space<vmem>>, vector<16xf32>,
        %get3A_520 = arith.constant 1 : i32
        %get3A_521 = arith.index_cast %get3A_520 : i32 to index
        %get3A_522 = arith.index_cast %add3A_436 : i32 to index
        %get3A_523 = arith.constant 16 : index
        %get3A_524 = tpu.vector_load %arg9[%get3A_521, %get3A_522, %get3A_523] {strides = array<i32>} : memref<5x128x64xf32, #tpu.memory_space<vmem>>, vector<16xf32>,
        %mul3A_525 = arith.mulf %get3A_519, %get3A_524 : vector<16xf32>
        %swap3A_526 = arith.constant 1 : i32
        %swap3A_527 = arith.index_cast %swap3A_526 : i32 to index
        %swap3A_528 = arith.index_cast %add3A_436 : i32 to index
        %swap3A_529 = arith.constant 16 : index
        %swap3A_530 = tpu.vector_load %arg8[%swap3A_527, %swap3A_528, %swap3A_529] {strides = array<i32>} : memref<5x128x64xf32, #tpu.memory_space<vmem>>, vector<16xf32>,
        tpu.vector_store %arg8[%swap3A_527, %swap3A_528, %swap3A_529], %mul3A_525 {strides = array<i32>} : memref<5x128x64xf32, #tpu.memory_space<vmem>>, vector<16xf32>,
        %get3A_531 = arith.constant 1 : i32
        %get3A_532 = arith.index_cast %get3A_531 : i32 to index
        %get3A_533 = arith.index_cast %add3A_436 : i32 to index
        %get3A_534 = arith.constant 32 : index
        %get3A_535 = tpu.vector_load %arg8[%get3A_532, %get3A_533, %get3A_534] {strides = array<i32>} : memref<5x128x64xf32, #tpu.memory_space<vmem>>, vector<16xf32>,
        %get3A_536 = arith.constant 1 : i32
        %get3A_537 = arith.index_cast %get3A_536 : i32 to index
        %get3A_538 = arith.index_cast %add3A_436 : i32 to index
        %get3A_539 = arith.constant 32 : index
        %get3A_540 = tpu.vector_load %arg9[%get3A_537, %get3A_538, %get3A_539] {strides = array<i32>} : memref<5x128x64xf32, #tpu.memory_space<vmem>>, vector<16xf32>,
        %mul3A_541 = arith.mulf %get3A_535, %get3A_540 : vector<16xf32>
        %swap3A_542 = arith.constant 1 : i32
        %swap3A_543 = arith.index_cast %swap3A_542 : i32 to index
        %swap3A_544 = arith.index_cast %add3A_436 : i32 to index
        %swap3A_545 = arith.constant 32 : index
        %swap3A_546 = tpu.vector_load %arg8[%swap3A_543, %swap3A_544, %swap3A_545] {strides = array<i32>} : memref<5x128x64xf32, #tpu.memory_space<vmem>>, vector<16xf32>,
        tpu.vector_store %arg8[%swap3A_543, %swap3A_544, %swap3A_545], %mul3A_541 {strides = array<i32>} : memref<5x128x64xf32, #tpu.memory_space<vmem>>, vector<16xf32>,
        %get3A_547 = arith.constant 1 : i32
        %get3A_548 = arith.index_cast %get3A_547 : i32 to index
        %get3A_549 = arith.index_cast %add3A_436 : i32 to index
        %get3A_550 = arith.constant 48 : index
        %get3A_551 = tpu.vector_load %arg8[%get3A_548, %get3A_549, %get3A_550] {strides = array<i32>} : memref<5x128x64xf32, #tpu.memory_space<vmem>>, vector<16xf32>,
        %get3A_552 = arith.constant 1 : i32
        %get3A_553 = arith.index_cast %get3A_552 : i32 to index
        %get3A_554 = arith.index_cast %add3A_436 : i32 to index
        %get3A_555 = arith.constant 48 : index
        %get3A_556 = tpu.vector_load %arg9[%get3A_553, %get3A_554, %get3A_555] {strides = array<i32>} : memref<5x128x64xf32, #tpu.memory_space<vmem>>, vector<16xf32>,
        %mul3A_557 = arith.mulf %get3A_551, %get3A_556 : vector<16xf32>
        %swap3A_558 = arith.constant 1 : i32
        %swap3A_559 = arith.index_cast %swap3A_558 : i32 to index
        %swap3A_560 = arith.index_cast %add3A_436 : i32 to index
        %swap3A_561 = arith.constant 48 : index
        %swap3A_562 = tpu.vector_load %arg8[%swap3A_559, %swap3A_560, %swap3A_561] {strides = array<i32>} : memref<5x128x64xf32, #tpu.memory_space<vmem>>, vector<16xf32>,
        tpu.vector_store %arg8[%swap3A_559, %swap3A_560, %swap3A_561], %mul3A_557 {strides = array<i32>} : memref<5x128x64xf32, #tpu.memory_space<vmem>>, vector<16xf32>,
        %get3A_563 = arith.constant 2 : i32
        %get3A_564 = arith.index_cast %get3A_563 : i32 to index
        %get3A_565 = arith.index_cast %add3A_436 : i32 to index
        %get3A_566 = arith.constant 0 : index
        %get3A_567 = tpu.vector_load %arg8[%get3A_564, %get3A_565, %get3A_566] {strides = array<i32>} : memref<5x128x64xf32, #tpu.memory_space<vmem>>, vector<16xf32>,
        %get3A_568 = arith.constant 2 : i32
        %get3A_569 = arith.index_cast %get3A_568 : i32 to index
        %get3A_570 = arith.index_cast %add3A_436 : i32 to index
        %get3A_571 = arith.constant 0 : index
        %get3A_572 = tpu.vector_load %arg9[%get3A_569, %get3A_570, %get3A_571] {strides = array<i32>} : memref<5x128x64xf32, #tpu.memory_space<vmem>>, vector<16xf32>,
        %mul3A_573 = arith.mulf %get3A_567, %get3A_572 : vector<16xf32>
        %swap3A_574 = arith.constant 2 : i32
        %swap3A_575 = arith.index_cast %swap3A_574 : i32 to index
        %swap3A_576 = arith.index_cast %add3A_436 : i32 to index
        %swap3A_577 = arith.constant 0 : index
        %swap3A_578 = tpu.vector_load %arg8[%swap3A_575, %swap3A_576, %swap3A_577] {strides = array<i32>} : memref<5x128x64xf32, #tpu.memory_space<vmem>>, vector<16xf32>,
        tpu.vector_store %arg8[%swap3A_575, %swap3A_576, %swap3A_577], %mul3A_573 {strides = array<i32>} : memref<5x128x64xf32, #tpu.memory_space<vmem>>, vector<16xf32>,
        %get3A_579 = arith.constant 2 : i32
        %get3A_580 = arith.index_cast %get3A_579 : i32 to index
        %get3A_581 = arith.index_cast %add3A_436 : i32 to index
        %get3A_582 = arith.constant 16 : index
        %get3A_583 = tpu.vector_load %arg8[%get3A_580, %get3A_581, %get3A_582] {strides = array<i32>} : memref<5x128x64xf32, #tpu.memory_space<vmem>>, vector<16xf32>,
        %get3A_584 = arith.constant 2 : i32
        %get3A_585 = arith.index_cast %get3A_584 : i32 to index
        %get3A_586 = arith.index_cast %add3A_436 : i32 to index
        %get3A_587 = arith.constant 16 : index
        %get3A_588 = tpu.vector_load %arg9[%get3A_585, %get3A_586, %get3A_587] {strides = array<i32>} : memref<5x128x64xf32, #tpu.memory_space<vmem>>, vector<16xf32>,
        %mul3A_589 = arith.mulf %get3A_583, %get3A_588 : vector<16xf32>
        %swap3A_590 = arith.constant 2 : i32
        %swap3A_591 = arith.index_cast %swap3A_590 : i32 to index
        %swap3A_592 = arith.index_cast %add3A_436 : i32 to index
        %swap3A_593 = arith.constant 16 : index
        %swap3A_594 = tpu.vector_load %arg8[%swap3A_591, %swap3A_592, %swap3A_593] {strides = array<i32>} : memref<5x128x64xf32, #tpu.memory_space<vmem>>, vector<16xf32>,
        tpu.vector_store %arg8[%swap3A_591, %swap3A_592, %swap3A_593], %mul3A_589 {strides = array<i32>} : memref<5x128x64xf32, #tpu.memory_space<vmem>>, vector<16xf32>,
        %get3A_595 = arith.constant 2 : i32
        %get3A_596 = arith.index_cast %get3A_595 : i32 to index
        %get3A_597 = arith.index_cast %add3A_436 : i32 to index
        %get3A_598 = arith.constant 32 : index
        %get3A_599 = tpu.vector_load %arg8[%get3A_596, %get3A_597, %get3A_598] {strides = array<i32>} : memref<5x128x64xf32, #tpu.memory_space<vmem>>, vector<16xf32>,
        %get3A_600 = arith.constant 2 : i32
        %get3A_601 = arith.index_cast %get3A_600 : i32 to index
        %get3A_602 = arith.index_cast %add3A_436 : i32 to index
        %get3A_603 = arith.constant 32 : index
        %get3A_604 = tpu.vector_load %arg9[%get3A_601, %get3A_602, %get3A_603] {strides = array<i32>} : memref<5x128x64xf32, #tpu.memory_space<vmem>>, vector<16xf32>,
        %mul3A_605 = arith.mulf %get3A_599, %get3A_604 : vector<16xf32>
        %swap3A_606 = arith.constant 2 : i32
        %swap3A_607 = arith.index_cast %swap3A_606 : i32 to index
        %swap3A_608 = arith.index_cast %add3A_436 : i32 to index
        %swap3A_609 = arith.constant 32 : index
        %swap3A_610 = tpu.vector_load %arg8[%swap3A_607, %swap3A_608, %swap3A_609] {strides = array<i32>} : memref<5x128x64xf32, #tpu.memory_space<vmem>>, vector<16xf32>,
        tpu.vector_store %arg8[%swap3A_607, %swap3A_608, %swap3A_609], %mul3A_605 {strides = array<i32>} : memref<5x128x64xf32, #tpu.memory_space<vmem>>, vector<16xf32>,
        %get3A_611 = arith.constant 2 : i32
        %get3A_612 = arith.index_cast %get3A_611 : i32 to index
        %get3A_613 = arith.index_cast %add3A_436 : i32 to index
        %get3A_614 = arith.constant 48 : index
        %get3A_615 = tpu.vector_load %arg8[%get3A_612, %get3A_613, %get3A_614] {strides = array<i32>} : memref<5x128x64xf32, #tpu.memory_space<vmem>>, vector<16xf32>,
        %get3A_616 = arith.constant 2 : i32
        %get3A_617 = arith.index_cast %get3A_616 : i32 to index
        %get3A_618 = arith.index_cast %add3A_436 : i32 to index
        %get3A_619 = arith.constant 48 : index
        %get3A_620 = tpu.vector_load %arg9[%get3A_617, %get3A_618, %get3A_619] {strides = array<i32>} : memref<5x128x64xf32, #tpu.memory_space<vmem>>, vector<16xf32>,
        %mul3A_621 = arith.mulf %get3A_615, %get3A_620 : vector<16xf32>
        %swap3A_622 = arith.constant 2 : i32
        %swap3A_623 = arith.index_cast %swap3A_622 : i32 to index
        %swap3A_624 = arith.index_cast %add3A_436 : i32 to index
        %swap3A_625 = arith.constant 48 : index
        %swap3A_626 = tpu.vector_load %arg8[%swap3A_623, %swap3A_624, %swap3A_625] {strides = array<i32>} : memref<5x128x64xf32, #tpu.memory_space<vmem>>, vector<16xf32>,
        tpu.vector_store %arg8[%swap3A_623, %swap3A_624, %swap3A_625], %mul3A_621 {strides = array<i32>} : memref<5x128x64xf32, #tpu.memory_space<vmem>>, vector<16xf32>,
        %get3A_627 = arith.constant 3 : i32
        %get3A_628 = arith.index_cast %get3A_627 : i32 to index
        %get3A_629 = arith.index_cast %add3A_436 : i32 to index
        %get3A_630 = arith.constant 0 : index
        %get3A_631 = tpu.vector_load %arg8[%get3A_628, %get3A_629, %get3A_630] {strides = array<i32>} : memref<5x128x64xf32, #tpu.memory_space<vmem>>, vector<16xf32>,
        %get3A_632 = arith.constant 3 : i32
        %get3A_633 = arith.index_cast %get3A_632 : i32 to index
        %get3A_634 = arith.index_cast %add3A_436 : i32 to index
        %get3A_635 = arith.constant 0 : index
        %get3A_636 = tpu.vector_load %arg9[%get3A_633, %get3A_634, %get3A_635] {strides = array<i32>} : memref<5x128x64xf32, #tpu.memory_space<vmem>>, vector<16xf32>,
        %mul3A_637 = arith.mulf %get3A_631, %get3A_636 : vector<16xf32>
        %swap3A_638 = arith.constant 3 : i32
        %swap3A_639 = arith.index_cast %swap3A_638 : i32 to index
        %swap3A_640 = arith.index_cast %add3A_436 : i32 to index
        %swap3A_641 = arith.constant 0 : index
        %swap3A_642 = tpu.vector_load %arg8[%swap3A_639, %swap3A_640, %swap3A_641] {strides = array<i32>} : memref<5x128x64xf32, #tpu.memory_space<vmem>>, vector<16xf32>,
        tpu.vector_store %arg8[%swap3A_639, %swap3A_640, %swap3A_641], %mul3A_637 {strides = array<i32>} : memref<5x128x64xf32, #tpu.memory_space<vmem>>, vector<16xf32>,
        %get3A_643 = arith.constant 3 : i32
        %get3A_644 = arith.index_cast %get3A_643 : i32 to index
        %get3A_645 = arith.index_cast %add3A_436 : i32 to index
        %get3A_646 = arith.constant 16 : index
        %get3A_647 = tpu.vector_load %arg8[%get3A_644, %get3A_645, %get3A_646] {strides = array<i32>} : memref<5x128x64xf32, #tpu.memory_space<vmem>>, vector<16xf32>,
        %get3A_648 = arith.constant 3 : i32
        %get3A_649 = arith.index_cast %get3A_648 : i32 to index
        %get3A_650 = arith.index_cast %add3A_436 : i32 to index
        %get3A_651 = arith.constant 16 : index
        %get3A_652 = tpu.vector_load %arg9[%get3A_649, %get3A_650, %get3A_651] {strides = array<i32>} : memref<5x128x64xf32, #tpu.memory_space<vmem>>, vector<16xf32>,
        %mul3A_653 = arith.mulf %get3A_647, %get3A_652 : vector<16xf32>
        %swap3A_654 = arith.constant 3 : i32
        %swap3A_655 = arith.index_cast %swap3A_654 : i32 to index
        %swap3A_656 = arith.index_cast %add3A_436 : i32 to index
        %swap3A_657 = arith.constant 16 : index
        %swap3A_658 = tpu.vector_load %arg8[%swap3A_655, %swap3A_656, %swap3A_657] {strides = array<i32>} : memref<5x128x64xf32, #tpu.memory_space<vmem>>, vector<16xf32>,
        tpu.vector_store %arg8[%swap3A_655, %swap3A_656, %swap3A_657], %mul3A_653 {strides = array<i32>} : memref<5x128x64xf32, #tpu.memory_space<vmem>>, vector<16xf32>,
        %get3A_659 = arith.constant 3 : i32
        %get3A_660 = arith.index_cast %get3A_659 : i32 to index
        %get3A_661 = arith.index_cast %add3A_436 : i32 to index
        %get3A_662 = arith.constant 32 : index
        %get3A_663 = tpu.vector_load %arg8[%get3A_660, %get3A_661, %get3A_662] {strides = array<i32>} : memref<5x128x64xf32, #tpu.memory_space<vmem>>, vector<16xf32>,
        %get3A_664 = arith.constant 3 : i32
        %get3A_665 = arith.index_cast %get3A_664 : i32 to index
        %get3A_666 = arith.index_cast %add3A_436 : i32 to index
        %get3A_667 = arith.constant 32 : index
        %get3A_668 = tpu.vector_load %arg9[%get3A_665, %get3A_666, %get3A_667] {strides = array<i32>} : memref<5x128x64xf32, #tpu.memory_space<vmem>>, vector<16xf32>,
        %mul3A_669 = arith.mulf %get3A_663, %get3A_668 : vector<16xf32>
        %swap3A_670 = arith.constant 3 : i32
        %swap3A_671 = arith.index_cast %swap3A_670 : i32 to index
        %swap3A_672 = arith.index_cast %add3A_436 : i32 to index
        %swap3A_673 = arith.constant 32 : index
        %swap3A_674 = tpu.vector_load %arg8[%swap3A_671, %swap3A_672, %swap3A_673] {strides = array<i32>} : memref<5x128x64xf32, #tpu.memory_space<vmem>>, vector<16xf32>,
        tpu.vector_store %arg8[%swap3A_671, %swap3A_672, %swap3A_673], %mul3A_669 {strides = array<i32>} : memref<5x128x64xf32, #tpu.memory_space<vmem>>, vector<16xf32>,
        %get3A_675 = arith.constant 3 : i32
        %get3A_676 = arith.index_cast %get3A_675 : i32 to index
        %get3A_677 = arith.index_cast %add3A_436 : i32 to index
        %get3A_678 = arith.constant 48 : index
        %get3A_679 = tpu.vector_load %arg8[%get3A_676, %get3A_677, %get3A_678] {strides = array<i32>} : memref<5x128x64xf32, #tpu.memory_space<vmem>>, vector<16xf32>,
        %get3A_680 = arith.constant 3 : i32
        %get3A_681 = arith.index_cast %get3A_680 : i32 to index
        %get3A_682 = arith.index_cast %add3A_436 : i32 to index
        %get3A_683 = arith.constant 48 : index
        %get3A_684 = tpu.vector_load %arg9[%get3A_681, %get3A_682, %get3A_683] {strides = array<i32>} : memref<5x128x64xf32, #tpu.memory_space<vmem>>, vector<16xf32>,
        %mul3A_685 = arith.mulf %get3A_679, %get3A_684 : vector<16xf32>
        %swap3A_686 = arith.constant 3 : i32
        %swap3A_687 = arith.index_cast %swap3A_686 : i32 to index
        %swap3A_688 = arith.index_cast %add3A_436 : i32 to index
        %swap3A_689 = arith.constant 48 : index
        %swap3A_690 = tpu.vector_load %arg8[%swap3A_687, %swap3A_688, %swap3A_689] {strides = array<i32>} : memref<5x128x64xf32, #tpu.memory_space<vmem>>, vector<16xf32>,
        tpu.vector_store %arg8[%swap3A_687, %swap3A_688, %swap3A_689], %mul3A_685 {strides = array<i32>} : memref<5x128x64xf32, #tpu.memory_space<vmem>>, vector<16xf32>,
        %get3A_691 = arith.constant 4 : i32
        %get3A_692 = arith.index_cast %get3A_691 : i32 to index
        %get3A_693 = arith.index_cast %add3A_436 : i32 to index
        %get3A_694 = arith.constant 0 : index
        %get3A_695 = tpu.vector_load %arg8[%get3A_692, %get3A_693, %get3A_694] {strides = array<i32>} : memref<5x128x64xf32, #tpu.memory_space<vmem>>, vector<16xf32>,
        %get3A_696 = arith.constant 4 : i32
        %get3A_697 = arith.index_cast %get3A_696 : i32 to index
        %get3A_698 = arith.index_cast %add3A_436 : i32 to index
        %get3A_699 = arith.constant 0 : index
        %get3A_700 = tpu.vector_load %arg9[%get3A_697, %get3A_698, %get3A_699] {strides = array<i32>} : memref<5x128x64xf32, #tpu.memory_space<vmem>>, vector<16xf32>,
        %mul3A_701 = arith.mulf %get3A_695, %get3A_700 : vector<16xf32>
        %swap3A_702 = arith.constant 4 : i32
        %swap3A_703 = arith.index_cast %swap3A_702 : i32 to index
        %swap3A_704 = arith.index_cast %add3A_436 : i32 to index
        %swap3A_705 = arith.constant 0 : index
        %swap3A_706 = tpu.vector_load %arg8[%swap3A_703, %swap3A_704, %swap3A_705] {strides = array<i32>} : memref<5x128x64xf32, #tpu.memory_space<vmem>>, vector<16xf32>,
        tpu.vector_store %arg8[%swap3A_703, %swap3A_704, %swap3A_705], %mul3A_701 {strides = array<i32>} : memref<5x128x64xf32, #tpu.memory_space<vmem>>, vector<16xf32>,
        %get3A_707 = arith.constant 4 : i32
        %get3A_708 = arith.index_cast %get3A_707 : i32 to index
        %get3A_709 = arith.index_cast %add3A_436 : i32 to index
        %get3A_710 = arith.constant 16 : index
        %get3A_711 = tpu.vector_load %arg8[%get3A_708, %get3A_709, %get3A_710] {strides = array<i32>} : memref<5x128x64xf32, #tpu.memory_space<vmem>>, vector<16xf32>,
        %get3A_712 = arith.constant 4 : i32
        %get3A_713 = arith.index_cast %get3A_712 : i32 to index
        %get3A_714 = arith.index_cast %add3A_436 : i32 to index
        %get3A_715 = arith.constant 16 : index
        %get3A_716 = tpu.vector_load %arg9[%get3A_713, %get3A_714, %get3A_715] {strides = array<i32>} : memref<5x128x64xf32, #tpu.memory_space<vmem>>, vector<16xf32>,
        %mul3A_717 = arith.mulf %get3A_711, %get3A_716 : vector<16xf32>
        %swap3A_718 = arith.constant 4 : i32
        %swap3A_719 = arith.index_cast %swap3A_718 : i32 to index
        %swap3A_720 = arith.index_cast %add3A_436 : i32 to index
        %swap3A_721 = arith.constant 16 : index
        %swap3A_722 = tpu.vector_load %arg8[%swap3A_719, %swap3A_720, %swap3A_721] {strides = array<i32>} : memref<5x128x64xf32, #tpu.memory_space<vmem>>, vector<16xf32>,
        tpu.vector_store %arg8[%swap3A_719, %swap3A_720, %swap3A_721], %mul3A_717 {strides = array<i32>} : memref<5x128x64xf32, #tpu.memory_space<vmem>>, vector<16xf32>,
        %get3A_723 = arith.constant 4 : i32
        %get3A_724 = arith.index_cast %get3A_723 : i32 to index
        %get3A_725 = arith.index_cast %add3A_436 : i32 to index
        %get3A_726 = arith.constant 32 : index
        %get3A_727 = tpu.vector_load %arg8[%get3A_724, %get3A_725, %get3A_726] {strides = array<i32>} : memref<5x128x64xf32, #tpu.memory_space<vmem>>, vector<16xf32>,
        %get3A_728 = arith.constant 4 : i32
        %get3A_729 = arith.index_cast %get3A_728 : i32 to index
        %get3A_730 = arith.index_cast %add3A_436 : i32 to index
        %get3A_731 = arith.constant 32 : index
        %get3A_732 = tpu.vector_load %arg9[%get3A_729, %get3A_730, %get3A_731] {strides = array<i32>} : memref<5x128x64xf32, #tpu.memory_space<vmem>>, vector<16xf32>,
        %mul3A_733 = arith.mulf %get3A_727, %get3A_732 : vector<16xf32>
        %swap3A_734 = arith.constant 4 : i32
        %swap3A_735 = arith.index_cast %swap3A_734 : i32 to index
        %swap3A_736 = arith.index_cast %add3A_436 : i32 to index
        %swap3A_737 = arith.constant 32 : index
        %swap3A_738 = tpu.vector_load %arg8[%swap3A_735, %swap3A_736, %swap3A_737] {strides = array<i32>} : memref<5x128x64xf32, #tpu.memory_space<vmem>>, vector<16xf32>,
        tpu.vector_store %arg8[%swap3A_735, %swap3A_736, %swap3A_737], %mul3A_733 {strides = array<i32>} : memref<5x128x64xf32, #tpu.memory_space<vmem>>, vector<16xf32>,
        %get3A_739 = arith.constant 4 : i32
        %get3A_740 = arith.index_cast %get3A_739 : i32 to index
        %get3A_741 = arith.index_cast %add3A_436 : i32 to index
        %get3A_742 = arith.constant 48 : index
        %get3A_743 = tpu.vector_load %arg8[%get3A_740, %get3A_741, %get3A_742] {strides = array<i32>} : memref<5x128x64xf32, #tpu.memory_space<vmem>>, vector<16xf32>,
        %get3A_744 = arith.constant 4 : i32
        %get3A_745 = arith.index_cast %get3A_744 : i32 to index
        %get3A_746 = arith.index_cast %add3A_436 : i32 to index
        %get3A_747 = arith.constant 48 : index
        %get3A_748 = tpu.vector_load %arg9[%get3A_745, %get3A_746, %get3A_747] {strides = array<i32>} : memref<5x128x64xf32, #tpu.memory_space<vmem>>, vector<16xf32>,
        %mul3A_749 = arith.mulf %get3A_743, %get3A_748 : vector<16xf32>
        %swap3A_750 = arith.constant 4 : i32
        %swap3A_751 = arith.index_cast %swap3A_750 : i32 to index
        %swap3A_752 = arith.index_cast %add3A_436 : i32 to index
        %swap3A_753 = arith.constant 48 : index
        %swap3A_754 = tpu.vector_load %arg8[%swap3A_751, %swap3A_752, %swap3A_753] {strides = array<i32>} : memref<5x128x64xf32, #tpu.memory_space<vmem>>, vector<16xf32>,
        tpu.vector_store %arg8[%swap3A_751, %swap3A_752, %swap3A_753], %mul3A_749 {strides = array<i32>} : memref<5x128x64xf32, #tpu.memory_space<vmem>>, vector<16xf32>,
      }
      %scan3A_254 = arith.constant 128 : i32
      %mul3A_255 = arith.constant 5 : i32
      %mul3A_256 = arith.muli %add3A_130, %mul3A_255 : i32
      %add3A_257 = arith.addi %mul3A_2, %mul3A_256 : i32
      %add3A_258 = arith.constant 0 : i32
      %add3A_259 = arith.addi %add3A_257, %add3A_258 : i32
      %mul3A_260 = arith.constant 128 : i32
      %mul3A_261 = arith.muli %add3A_259, %mul3A_260 : i32
      %dma_start3A_262 = arith.constant 0 : i32
      %dma_start3A_263 = arith.constant 0 : i32
      %dma_start3A_264 = arith.constant 0 : i32
      %dma_start3A_265 = tpu.memref_slice %arg8[%dma_start3A_262, %dma_start3A_263, %dma_start3A_264] : memref<5x128x64xf32, #tpu.memory_space<vmem>> -> memref<1x128x64xf32, #tpu.memory_space<vmem>>
      %dma_start3A_266 = tpu.memref_squeeze %dma_start3A_265 : memref<1x128x64xf32, #tpu.memory_space<vmem>> -> memref<128x64xf32, #tpu.memory_space<vmem>>
      %dma_start3A_267 = arith.constant 0 : i32
      %dma_start3A_268 = tpu.memref_slice %arg5[%mul3A_261, %dma_start3A_267] : memref<102400x64xf32, #tpu.memory_space<hbm>> -> memref<128x64xf32, #tpu.memory_space<hbm>>
      %dma_start3A_269 = arith.constant 0 : i32
      %dma_start3A_270 = tpu.memref_slice %arg5[%mul3A_261, %dma_start3A_269] : memref<102400x64xf32, #tpu.memory_space<hbm>> -> memref<128x64xf32, #tpu.memory_space<hbm>>
      %dma_start3A_271 = arith.constant 0 : i32
      %dma_start3A_272 = arith.constant 0 : i32
      %dma_start3A_273 = tpu.memref_slice %arg8[%dma_start3A_262, %dma_start3A_271, %dma_start3A_272] : memref<5x128x64xf32, #tpu.memory_space<vmem>> -> memref<1x128x64xf32, #tpu.memory_space<vmem>>
      %dma_start3A_274 = tpu.memref_squeeze %dma_start3A_273 : memref<1x128x64xf32, #tpu.memory_space<vmem>> -> memref<128x64xf32, #tpu.memory_space<vmem>>
      tpu.enqueue_dma source(%dma_start3A_274 : memref<128x64xf32, #tpu.memory_space<vmem>>) target(%dma_start3A_270 : memref<128x64xf32, #tpu.memory_space<hbm>>) target_semaphore(%arg12 : memref<!tpu.dma_semaphore, #tpu.memory_space<semaphore_mem>>)
      %mul3A_275 = arith.constant 5 : i32
      %mul3A_276 = arith.muli %add3A_130, %mul3A_275 : i32
      %add3A_277 = arith.addi %mul3A_2, %mul3A_276 : i32
      %add3A_278 = arith.constant 1 : i32
      %add3A_279 = arith.addi %add3A_277, %add3A_278 : i32
      %mul3A_280 = arith.constant 128 : i32
      %mul3A_281 = arith.muli %add3A_279, %mul3A_280 : i32
      %dma_start3A_282 = arith.constant 1 : i32
      %dma_start3A_283 = arith.constant 0 : i32
      %dma_start3A_284 = arith.constant 0 : i32
      %dma_start3A_285 = tpu.memref_slice %arg8[%dma_start3A_282, %dma_start3A_283, %dma_start3A_284] : memref<5x128x64xf32, #tpu.memory_space<vmem>> -> memref<1x128x64xf32, #tpu.memory_space<vmem>>
      %dma_start3A_286 = tpu.memref_squeeze %dma_start3A_285 : memref<1x128x64xf32, #tpu.memory_space<vmem>> -> memref<128x64xf32, #tpu.memory_space<vmem>>
      %dma_start3A_287 = arith.constant 0 : i32
      %dma_start3A_288 = tpu.memref_slice %arg5[%mul3A_281, %dma_start3A_287] : memref<102400x64xf32, #tpu.memory_space<hbm>> -> memref<128x64xf32, #tpu.memory_space<hbm>>
      %dma_start3A_289 = arith.constant 0 : i32
      %dma_start3A_290 = tpu.memref_slice %arg5[%mul3A_281, %dma_start3A_289] : memref<102400x64xf32, #tpu.memory_space<hbm>> -> memref<128x64xf32, #tpu.memory_space<hbm>>
      %dma_start3A_291 = arith.constant 0 : i32
      %dma_start3A_292 = arith.constant 0 : i32
      %dma_start3A_293 = tpu.memref_slice %arg8[%dma_start3A_282, %dma_start3A_291, %dma_start3A_292] : memref<5x128x64xf32, #tpu.memory_space<vmem>> -> memref<1x128x64xf32, #tpu.memory_space<vmem>>
      %dma_start3A_294 = tpu.memref_squeeze %dma_start3A_293 : memref<1x128x64xf32, #tpu.memory_space<vmem>> -> memref<128x64xf32, #tpu.memory_space<vmem>>
      tpu.enqueue_dma source(%dma_start3A_294 : memref<128x64xf32, #tpu.memory_space<vmem>>) target(%dma_start3A_290 : memref<128x64xf32, #tpu.memory_space<hbm>>) target_semaphore(%arg12 : memref<!tpu.dma_semaphore, #tpu.memory_space<semaphore_mem>>)
      %mul3A_295 = arith.constant 5 : i32
      %mul3A_296 = arith.muli %add3A_130, %mul3A_295 : i32
      %add3A_297 = arith.addi %mul3A_2, %mul3A_296 : i32
      %add3A_298 = arith.constant 2 : i32
      %add3A_299 = arith.addi %add3A_297, %add3A_298 : i32
      %mul3A_300 = arith.constant 128 : i32
      %mul3A_301 = arith.muli %add3A_299, %mul3A_300 : i32
      %dma_start3A_302 = arith.constant 2 : i32
      %dma_start3A_303 = arith.constant 0 : i32
      %dma_start3A_304 = arith.constant 0 : i32
      %dma_start3A_305 = tpu.memref_slice %arg8[%dma_start3A_302, %dma_start3A_303, %dma_start3A_304] : memref<5x128x64xf32, #tpu.memory_space<vmem>> -> memref<1x128x64xf32, #tpu.memory_space<vmem>>
      %dma_start3A_306 = tpu.memref_squeeze %dma_start3A_305 : memref<1x128x64xf32, #tpu.memory_space<vmem>> -> memref<128x64xf32, #tpu.memory_space<vmem>>
      %dma_start3A_307 = arith.constant 0 : i32
      %dma_start3A_308 = tpu.memref_slice %arg5[%mul3A_301, %dma_start3A_307] : memref<102400x64xf32, #tpu.memory_space<hbm>> -> memref<128x64xf32, #tpu.memory_space<hbm>>
      %dma_start3A_309 = arith.constant 0 : i32
      %dma_start3A_310 = tpu.memref_slice %arg5[%mul3A_301, %dma_start3A_309] : memref<102400x64xf32, #tpu.memory_space<hbm>> -> memref<128x64xf32, #tpu.memory_space<hbm>>
      %dma_start3A_311 = arith.constant 0 : i32
      %dma_start3A_312 = arith.constant 0 : i32
      %dma_start3A_313 = tpu.memref_slice %arg8[%dma_start3A_302, %dma_start3A_311, %dma_start3A_312] : memref<5x128x64xf32, #tpu.memory_space<vmem>> -> memref<1x128x64xf32, #tpu.memory_space<vmem>>
      %dma_start3A_314 = tpu.memref_squeeze %dma_start3A_313 : memref<1x128x64xf32, #tpu.memory_space<vmem>> -> memref<128x64xf32, #tpu.memory_space<vmem>>
      tpu.enqueue_dma source(%dma_start3A_314 : memref<128x64xf32, #tpu.memory_space<vmem>>) target(%dma_start3A_310 : memref<128x64xf32, #tpu.memory_space<hbm>>) target_semaphore(%arg12 : memref<!tpu.dma_semaphore, #tpu.memory_space<semaphore_mem>>)
      %mul3A_315 = arith.constant 5 : i32
      %mul3A_316 = arith.muli %add3A_130, %mul3A_315 : i32
      %add3A_317 = arith.addi %mul3A_2, %mul3A_316 : i32
      %add3A_318 = arith.constant 3 : i32
      %add3A_319 = arith.addi %add3A_317, %add3A_318 : i32
      %mul3A_320 = arith.constant 128 : i32
      %mul3A_321 = arith.muli %add3A_319, %mul3A_320 : i32
      %dma_start3A_322 = arith.constant 3 : i32
      %dma_start3A_323 = arith.constant 0 : i32
      %dma_start3A_324 = arith.constant 0 : i32
      %dma_start3A_325 = tpu.memref_slice %arg8[%dma_start3A_322, %dma_start3A_323, %dma_start3A_324] : memref<5x128x64xf32, #tpu.memory_space<vmem>> -> memref<1x128x64xf32, #tpu.memory_space<vmem>>
      %dma_start3A_326 = tpu.memref_squeeze %dma_start3A_325 : memref<1x128x64xf32, #tpu.memory_space<vmem>> -> memref<128x64xf32, #tpu.memory_space<vmem>>
      %dma_start3A_327 = arith.constant 0 : i32
      %dma_start3A_328 = tpu.memref_slice %arg5[%mul3A_321, %dma_start3A_327] : memref<102400x64xf32, #tpu.memory_space<hbm>> -> memref<128x64xf32, #tpu.memory_space<hbm>>
      %dma_start3A_329 = arith.constant 0 : i32
      %dma_start3A_330 = tpu.memref_slice %arg5[%mul3A_321, %dma_start3A_329] : memref<102400x64xf32, #tpu.memory_space<hbm>> -> memref<128x64xf32, #tpu.memory_space<hbm>>
      %dma_start3A_331 = arith.constant 0 : i32
      %dma_start3A_332 = arith.constant 0 : i32
      %dma_start3A_333 = tpu.memref_slice %arg8[%dma_start3A_322, %dma_start3A_331, %dma_start3A_332] : memref<5x128x64xf32, #tpu.memory_space<vmem>> -> memref<1x128x64xf32, #tpu.memory_space<vmem>>
      %dma_start3A_334 = tpu.memref_squeeze %dma_start3A_333 : memref<1x128x64xf32, #tpu.memory_space<vmem>> -> memref<128x64xf32, #tpu.memory_space<vmem>>
      tpu.enqueue_dma source(%dma_start3A_334 : memref<128x64xf32, #tpu.memory_space<vmem>>) target(%dma_start3A_330 : memref<128x64xf32, #tpu.memory_space<hbm>>) target_semaphore(%arg12 : memref<!tpu.dma_semaphore, #tpu.memory_space<semaphore_mem>>)
      %mul3A_335 = arith.constant 5 : i32
      %mul3A_336 = arith.muli %add3A_130, %mul3A_335 : i32
      %add3A_337 = arith.addi %mul3A_2, %mul3A_336 : i32
      %add3A_338 = arith.constant 4 : i32
      %add3A_339 = arith.addi %add3A_337, %add3A_338 : i32
      %mul3A_340 = arith.constant 128 : i32
      %mul3A_341 = arith.muli %add3A_339, %mul3A_340 : i32
      %dma_start3A_342 = arith.constant 4 : i32
      %dma_start3A_343 = arith.constant 0 : i32
      %dma_start3A_344 = arith.constant 0 : i32
      %dma_start3A_345 = tpu.memref_slice %arg8[%dma_start3A_342, %dma_start3A_343, %dma_start3A_344] : memref<5x128x64xf32, #tpu.memory_space<vmem>> -> memref<1x128x64xf32, #tpu.memory_space<vmem>>
      %dma_start3A_346 = tpu.memref_squeeze %dma_start3A_345 : memref<1x128x64xf32, #tpu.memory_space<vmem>> -> memref<128x64xf32, #tpu.memory_space<vmem>>
      %dma_start3A_347 = arith.constant 0 : i32
      %dma_start3A_348 = tpu.memref_slice %arg5[%mul3A_341, %dma_start3A_347] : memref<102400x64xf32, #tpu.memory_space<hbm>> -> memref<128x64xf32, #tpu.memory_space<hbm>>
      %dma_start3A_349 = arith.constant 0 : i32
      %dma_start3A_350 = tpu.memref_slice %arg5[%mul3A_341, %dma_start3A_349] : memref<102400x64xf32, #tpu.memory_space<hbm>> -> memref<128x64xf32, #tpu.memory_space<hbm>>
      %dma_start3A_351 = arith.constant 0 : i32
      %dma_start3A_352 = arith.constant 0 : i32
      %dma_start3A_353 = tpu.memref_slice %arg8[%dma_start3A_342, %dma_start3A_351, %dma_start3A_352] : memref<5x128x64xf32, #tpu.memory_space<vmem>> -> memref<1x128x64xf32, #tpu.memory_space<vmem>>
      %dma_start3A_354 = tpu.memref_squeeze %dma_start3A_353 : memref<1x128x64xf32, #tpu.memory_space<vmem>> -> memref<128x64xf32, #tpu.memory_space<vmem>>
      tpu.enqueue_dma source(%dma_start3A_354 : memref<128x64xf32, #tpu.memory_space<vmem>>) target(%dma_start3A_350 : memref<128x64xf32, #tpu.memory_space<hbm>>) target_semaphore(%arg12 : memref<!tpu.dma_semaphore, #tpu.memory_space<semaphore_mem>>)
      %dma_wait3A_355 = arith.constant 0 : i32
      %dma_wait3A_356 = arith.constant 0 : i32
      %dma_wait3A_357 = arith.constant 0 : i32
      %dma_wait3A_358 = tpu.memref_slice %arg8[%dma_wait3A_355, %dma_wait3A_356, %dma_wait3A_357] : memref<5x128x64xf32, #tpu.memory_space<vmem>> -> memref<1x128x64xf32, #tpu.memory_space<vmem>>
      %dma_wait3A_359 = tpu.memref_squeeze %dma_wait3A_358 : memref<1x128x64xf32, #tpu.memory_space<vmem>> -> memref<128x64xf32, #tpu.memory_space<vmem>>
      %dma_wait3A_360 = arith.constant 0 : i32
      %dma_wait3A_361 = arith.constant 0 : i32
      %dma_wait3A_362 = tpu.memref_slice %arg5[%dma_wait3A_360, %dma_wait3A_361] : memref<102400x64xf32, #tpu.memory_space<hbm>> -> memref<128x64xf32, #tpu.memory_space<hbm>>
      %dma_wait3A_363 = arith.constant 0 : i32
      %dma_wait3A_364 = arith.constant 0 : i32
      %dma_wait3A_365 = tpu.memref_slice %arg5[%dma_wait3A_363, %dma_wait3A_364] : memref<102400x64xf32, #tpu.memory_space<hbm>> -> memref<128x64xf32, #tpu.memory_space<hbm>>
      %dma_wait3A_366 = arith.constant 0 : i32
      %dma_wait3A_367 = arith.constant 0 : i32
      %dma_wait3A_368 = tpu.memref_slice %arg8[%dma_wait3A_355, %dma_wait3A_366, %dma_wait3A_367] : memref<5x128x64xf32, #tpu.memory_space<vmem>> -> memref<1x128x64xf32, #tpu.memory_space<vmem>>
      %dma_wait3A_369 = tpu.memref_squeeze %dma_wait3A_368 : memref<1x128x64xf32, #tpu.memory_space<vmem>> -> memref<128x64xf32, #tpu.memory_space<vmem>>
      tpu.wait_dma2 semaphore(%arg12 : memref<!tpu.dma_semaphore, #tpu.memory_space<semaphore_mem>>) src(%dma_wait3A_369 : memref<128x64xf32, #tpu.memory_space<vmem>>) dst(%dma_wait3A_365 : memref<128x64xf32, #tpu.memory_space<hbm>>)
      %dma_wait3A_370 = arith.constant 1 : i32
      %dma_wait3A_371 = arith.constant 0 : i32
      %dma_wait3A_372 = arith.constant 0 : i32
      %dma_wait3A_373 = tpu.memref_slice %arg8[%dma_wait3A_370, %dma_wait3A_371, %dma_wait3A_372] : memref<5x128x64xf32, #tpu.memory_space<vmem>> -> memref<1x128x64xf32, #tpu.memory_space<vmem>>
      %dma_wait3A_374 = tpu.memref_squeeze %dma_wait3A_373 : memref<1x128x64xf32, #tpu.memory_space<vmem>> -> memref<128x64xf32, #tpu.memory_space<vmem>>
      %dma_wait3A_375 = arith.constant 0 : i32
      %dma_wait3A_376 = arith.constant 0 : i32
      %dma_wait3A_377 = tpu.memref_slice %arg5[%dma_wait3A_375, %dma_wait3A_376] : memref<102400x64xf32, #tpu.memory_space<hbm>> -> memref<128x64xf32, #tpu.memory_space<hbm>>
      %dma_wait3A_378 = arith.constant 0 : i32
      %dma_wait3A_379 = arith.constant 0 : i32
      %dma_wait3A_380 = tpu.memref_slice %arg5[%dma_wait3A_378, %dma_wait3A_379] : memref<102400x64xf32, #tpu.memory_space<hbm>> -> memref<128x64xf32, #tpu.memory_space<hbm>>
      %dma_wait3A_381 = arith.constant 0 : i32
      %dma_wait3A_382 = arith.constant 0 : i32
      %dma_wait3A_383 = tpu.memref_slice %arg8[%dma_wait3A_370, %dma_wait3A_381, %dma_wait3A_382] : memref<5x128x64xf32, #tpu.memory_space<vmem>> -> memref<1x128x64xf32, #tpu.memory_space<vmem>>
      %dma_wait3A_384 = tpu.memref_squeeze %dma_wait3A_383 : memref<1x128x64xf32, #tpu.memory_space<vmem>> -> memref<128x64xf32, #tpu.memory_space<vmem>>
      tpu.wait_dma2 semaphore(%arg12 : memref<!tpu.dma_semaphore, #tpu.memory_space<semaphore_mem>>) src(%dma_wait3A_384 : memref<128x64xf32, #tpu.memory_space<vmem>>) dst(%dma_wait3A_380 : memref<128x64xf32, #tpu.memory_space<hbm>>)
      %dma_wait3A_385 = arith.constant 2 : i32
      %dma_wait3A_386 = arith.constant 0 : i32
      %dma_wait3A_387 = arith.constant 0 : i32
      %dma_wait3A_388 = tpu.memref_slice %arg8[%dma_wait3A_385, %dma_wait3A_386, %dma_wait3A_387] : memref<5x128x64xf32, #tpu.memory_space<vmem>> -> memref<1x128x64xf32, #tpu.memory_space<vmem>>
      %dma_wait3A_389 = tpu.memref_squeeze %dma_wait3A_388 : memref<1x128x64xf32, #tpu.memory_space<vmem>> -> memref<128x64xf32, #tpu.memory_space<vmem>>
      %dma_wait3A_390 = arith.constant 0 : i32
      %dma_wait3A_391 = arith.constant 0 : i32
      %dma_wait3A_392 = tpu.memref_slice %arg5[%dma_wait3A_390, %dma_wait3A_391] : memref<102400x64xf32, #tpu.memory_space<hbm>> -> memref<128x64xf32, #tpu.memory_space<hbm>>
      %dma_wait3A_393 = arith.constant 0 : i32
      %dma_wait3A_394 = arith.constant 0 : i32
      %dma_wait3A_395 = tpu.memref_slice %arg5[%dma_wait3A_393, %dma_wait3A_394] : memref<102400x64xf32, #tpu.memory_space<hbm>> -> memref<128x64xf32, #tpu.memory_space<hbm>>
      %dma_wait3A_396 = arith.constant 0 : i32
      %dma_wait3A_397 = arith.constant 0 : i32
      %dma_wait3A_398 = tpu.memref_slice %arg8[%dma_wait3A_385, %dma_wait3A_396, %dma_wait3A_397] : memref<5x128x64xf32, #tpu.memory_space<vmem>> -> memref<1x128x64xf32, #tpu.memory_space<vmem>>
      %dma_wait3A_399 = tpu.memref_squeeze %dma_wait3A_398 : memref<1x128x64xf32, #tpu.memory_space<vmem>> -> memref<128x64xf32, #tpu.memory_space<vmem>>
      tpu.wait_dma2 semaphore(%arg12 : memref<!tpu.dma_semaphore, #tpu.memory_space<semaphore_mem>>) src(%dma_wait3A_399 : memref<128x64xf32, #tpu.memory_space<vmem>>) dst(%dma_wait3A_395 : memref<128x64xf32, #tpu.memory_space<hbm>>)
      %dma_wait3A_400 = arith.constant 3 : i32
      %dma_wait3A_401 = arith.constant 0 : i32
      %dma_wait3A_402 = arith.constant 0 : i32
      %dma_wait3A_403 = tpu.memref_slice %arg8[%dma_wait3A_400, %dma_wait3A_401, %dma_wait3A_402] : memref<5x128x64xf32, #tpu.memory_space<vmem>> -> memref<1x128x64xf32, #tpu.memory_space<vmem>>
      %dma_wait3A_404 = tpu.memref_squeeze %dma_wait3A_403 : memref<1x128x64xf32, #tpu.memory_space<vmem>> -> memref<128x64xf32, #tpu.memory_space<vmem>>
      %dma_wait3A_405 = arith.constant 0 : i32
      %dma_wait3A_406 = arith.constant 0 : i32
      %dma_wait3A_407 = tpu.memref_slice %arg5[%dma_wait3A_405, %dma_wait3A_406] : memref<102400x64xf32, #tpu.memory_space<hbm>> -> memref<128x64xf32, #tpu.memory_space<hbm>>
      %dma_wait3A_408 = arith.constant 0 : i32
      %dma_wait3A_409 = arith.constant 0 : i32
      %dma_wait3A_410 = tpu.memref_slice %arg5[%dma_wait3A_408, %dma_wait3A_409] : memref<102400x64xf32, #tpu.memory_space<hbm>> -> memref<128x64xf32, #tpu.memory_space<hbm>>
      %dma_wait3A_411 = arith.constant 0 : i32
      %dma_wait3A_412 = arith.constant 0 : i32
      %dma_wait3A_413 = tpu.memref_slice %arg8[%dma_wait3A_400, %dma_wait3A_411, %dma_wait3A_412] : memref<5x128x64xf32, #tpu.memory_space<vmem>> -> memref<1x128x64xf32, #tpu.memory_space<vmem>>
      %dma_wait3A_414 = tpu.memref_squeeze %dma_wait3A_413 : memref<1x128x64xf32, #tpu.memory_space<vmem>> -> memref<128x64xf32, #tpu.memory_space<vmem>>
      tpu.wait_dma2 semaphore(%arg12 : memref<!tpu.dma_semaphore, #tpu.memory_space<semaphore_mem>>) src(%dma_wait3A_414 : memref<128x64xf32, #tpu.memory_space<vmem>>) dst(%dma_wait3A_410 : memref<128x64xf32, #tpu.memory_space<hbm>>)
      %dma_wait3A_415 = arith.constant 4 : i32
      %dma_wait3A_416 = arith.constant 0 : i32
      %dma_wait3A_417 = arith.constant 0 : i32
      %dma_wait3A_418 = tpu.memref_slice %arg8[%dma_wait3A_415, %dma_wait3A_416, %dma_wait3A_417] : memref<5x128x64xf32, #tpu.memory_space<vmem>> -> memref<1x128x64xf32, #tpu.memory_space<vmem>>
      %dma_wait3A_419 = tpu.memref_squeeze %dma_wait3A_418 : memref<1x128x64xf32, #tpu.memory_space<vmem>> -> memref<128x64xf32, #tpu.memory_space<vmem>>
      %dma_wait3A_420 = arith.constant 0 : i32
      %dma_wait3A_421 = arith.constant 0 : i32
      %dma_wait3A_422 = tpu.memref_slice %arg5[%dma_wait3A_420, %dma_wait3A_421] : memref<102400x64xf32, #tpu.memory_space<hbm>> -> memref<128x64xf32, #tpu.memory_space<hbm>>
      %dma_wait3A_423 = arith.constant 0 : i32
      %dma_wait3A_424 = arith.constant 0 : i32
      %dma_wait3A_425 = tpu.memref_slice %arg5[%dma_wait3A_423, %dma_wait3A_424] : memref<102400x64xf32, #tpu.memory_space<hbm>> -> memref<128x64xf32, #tpu.memory_space<hbm>>
      %dma_wait3A_426 = arith.constant 0 : i32
      %dma_wait3A_427 = arith.constant 0 : i32
      %dma_wait3A_428 = tpu.memref_slice %arg8[%dma_wait3A_415, %dma_wait3A_426, %dma_wait3A_427] : memref<5x128x64xf32, #tpu.memory_space<vmem>> -> memref<1x128x64xf32, #tpu.memory_space<vmem>>
      %dma_wait3A_429 = tpu.memref_squeeze %dma_wait3A_428 : memref<1x128x64xf32, #tpu.memory_space<vmem>> -> memref<128x64xf32, #tpu.memory_space<vmem>>
      tpu.wait_dma2 semaphore(%arg12 : memref<!tpu.dma_semaphore, #tpu.memory_space<semaphore_mem>>) src(%dma_wait3A_429 : memref<128x64xf32, #tpu.memory_space<vmem>>) dst(%dma_wait3A_425 : memref<128x64xf32, #tpu.memory_space<hbm>>)
      %lt3A = arith.constant 4 : i32
      %lt3A_430 = arith.cmpi slt, %add3A_130, %lt3A : i32
      %convert_element_type3A = arith.extui %lt3A_430 : i1 to i32
      %cond3A = arith.constant 0 : i32
      %cond3A_431 = arith.cmpi ne, %convert_element_type3A, %cond3A : i32
      scf.if %cond3A_431 {
        %add3A_432 = arith.constant 1 : i32
        %add3A_433 = arith.addi %add3A_130, %add3A_432 : i32
        %mul3A_434 = arith.constant 5 : i32
        %mul3A_435 = arith.muli %add3A_433, %mul3A_434 : i32
        %add3A_436 = arith.constant 0 : i32
        %add3A_437 = arith.addi %mul3A_435, %add3A_436 : i32
        %dma_start3A_438 = arith.constant 0 : i32
        %dma_start3A_439 = arith.constant 0 : i32
        %dma_start3A_440 = arith.constant 0 : i32
        %dma_start3A_441 = tpu.memref_slice %arg8[%dma_start3A_438, %dma_start3A_439, %dma_start3A_440] : memref<5x128x64xf32, #tpu.memory_space<vmem>> -> memref<1x128x64xf32, #tpu.memory_space<vmem>>
        %dma_start3A_442 = tpu.memref_squeeze %dma_start3A_441 : memref<1x128x64xf32, #tpu.memory_space<vmem>> -> memref<128x64xf32, #tpu.memory_space<vmem>>
        %dma_start3A_443 = arith.constant 0 : i32
        %dma_start3A_444 = tpu.memref_slice %arg6[%add3A_437, %dma_start3A_443] : memref<25x128xi32, #tpu.memory_space<vmem>> -> memref<1x128xi32, #tpu.memory_space<vmem>>
        %dma_start3A_445 = tpu.memref_squeeze %dma_start3A_444 : memref<1x128xi32, #tpu.memory_space<vmem>> -> memref<128xi32, #tpu.memory_space<vmem>>
        %dma_start3A_446 = arith.constant 0 : i32
        %dma_start3A_447 = arith.constant 0 : i32
        %dma_start3A_448 = tpu.memref_slice %arg4[%dma_start3A_446, %dma_start3A_447] : memref<10240x64xf32, #tpu.memory_space<hbm>> -> memref<10240x64xf32, #tpu.memory_space<hbm>>
        tpu.enqueue_indirect_dma source(%dma_start3A_448 : memref<10240x64xf32, #tpu.memory_space<hbm>>) target(%dma_start3A_442 : memref<128x64xf32, #tpu.memory_space<vmem>>) offsets(%dma_start3A_445 : memref<128xi32, #tpu.memory_space<vmem>>) semaphore(%arg10 : memref<!tpu.dma_semaphore, #tpu.memory_space<semaphore_mem>>)
        %mul3A_449 = arith.constant 5 : i32
        %mul3A_450 = arith.muli %add3A_433, %mul3A_449 : i32
        %add3A_451 = arith.constant 0 : i32
        %add3A_452 = arith.addi %mul3A_450, %add3A_451 : i32
        %dma_start3A_453 = arith.constant 0 : i32
        %dma_start3A_454 = arith.constant 0 : i32
        %dma_start3A_455 = arith.constant 0 : i32
        %dma_start3A_456 = tpu.memref_slice %arg9[%dma_start3A_453, %dma_start3A_454, %dma_start3A_455] : memref<5x128x64xf32, #tpu.memory_space<vmem>> -> memref<1x128x64xf32, #tpu.memory_space<vmem>>
        %dma_start3A_457 = tpu.memref_squeeze %dma_start3A_456 : memref<1x128x64xf32, #tpu.memory_space<vmem>> -> memref<128x64xf32, #tpu.memory_space<vmem>>
        %dma_start3A_458 = arith.constant 0 : i32
        %dma_start3A_459 = tpu.memref_slice %arg7[%add3A_452, %dma_start3A_458] : memref<25x128xi32, #tpu.memory_space<vmem>> -> memref<1x128xi32, #tpu.memory_space<vmem>>
        %dma_start3A_460 = tpu.memref_squeeze %dma_start3A_459 : memref<1x128xi32, #tpu.memory_space<vmem>> -> memref<128xi32, #tpu.memory_space<vmem>>
        %dma_start3A_461 = arith.constant 0 : i32
        %dma_start3A_462 = arith.constant 0 : i32
        %dma_start3A_463 = tpu.memref_slice %arg4[%dma_start3A_461, %dma_start3A_462] : memref<10240x64xf32, #tpu.memory_space<hbm>> -> memref<10240x64xf32, #tpu.memory_space<hbm>>
        tpu.enqueue_indirect_dma source(%dma_start3A_463 : memref<10240x64xf32, #tpu.memory_space<hbm>>) target(%dma_start3A_457 : memref<128x64xf32, #tpu.memory_space<vmem>>) offsets(%dma_start3A_460 : memref<128xi32, #tpu.memory_space<vmem>>) semaphore(%arg11 : memref<!tpu.dma_semaphore, #tpu.memory_space<semaphore_mem>>)
        %mul3A_464 = arith.constant 5 : i32
        %mul3A_465 = arith.muli %add3A_433, %mul3A_464 : i32
        %add3A_466 = arith.constant 1 : i32
        %add3A_467 = arith.addi %mul3A_465, %add3A_466 : i32
        %dma_start3A_468 = arith.constant 1 : i32
        %dma_start3A_469 = arith.constant 0 : i32
        %dma_start3A_470 = arith.constant 0 : i32
        %dma_start3A_471 = tpu.memref_slice %arg8[%dma_start3A_468, %dma_start3A_469, %dma_start3A_470] : memref<5x128x64xf32, #tpu.memory_space<vmem>> -> memref<1x128x64xf32, #tpu.memory_space<vmem>>
        %dma_start3A_472 = tpu.memref_squeeze %dma_start3A_471 : memref<1x128x64xf32, #tpu.memory_space<vmem>> -> memref<128x64xf32, #tpu.memory_space<vmem>>
        %dma_start3A_473 = arith.constant 0 : i32
        %dma_start3A_474 = tpu.memref_slice %arg6[%add3A_467, %dma_start3A_473] : memref<25x128xi32, #tpu.memory_space<vmem>> -> memref<1x128xi32, #tpu.memory_space<vmem>>
        %dma_start3A_475 = tpu.memref_squeeze %dma_start3A_474 : memref<1x128xi32, #tpu.memory_space<vmem>> -> memref<128xi32, #tpu.memory_space<vmem>>
        %dma_start3A_476 = arith.constant 0 : i32
        %dma_start3A_477 = arith.constant 0 : i32
        %dma_start3A_478 = tpu.memref_slice %arg4[%dma_start3A_476, %dma_start3A_477] : memref<10240x64xf32, #tpu.memory_space<hbm>> -> memref<10240x64xf32, #tpu.memory_space<hbm>>
        tpu.enqueue_indirect_dma source(%dma_start3A_478 : memref<10240x64xf32, #tpu.memory_space<hbm>>) target(%dma_start3A_472 : memref<128x64xf32, #tpu.memory_space<vmem>>) offsets(%dma_start3A_475 : memref<128xi32, #tpu.memory_space<vmem>>) semaphore(%arg10 : memref<!tpu.dma_semaphore, #tpu.memory_space<semaphore_mem>>)
        %mul3A_479 = arith.constant 5 : i32
        %mul3A_480 = arith.muli %add3A_433, %mul3A_479 : i32
        %add3A_481 = arith.constant 1 : i32
        %add3A_482 = arith.addi %mul3A_480, %add3A_481 : i32
        %dma_start3A_483 = arith.constant 1 : i32
        %dma_start3A_484 = arith.constant 0 : i32
        %dma_start3A_485 = arith.constant 0 : i32
        %dma_start3A_486 = tpu.memref_slice %arg9[%dma_start3A_483, %dma_start3A_484, %dma_start3A_485] : memref<5x128x64xf32, #tpu.memory_space<vmem>> -> memref<1x128x64xf32, #tpu.memory_space<vmem>>
        %dma_start3A_487 = tpu.memref_squeeze %dma_start3A_486 : memref<1x128x64xf32, #tpu.memory_space<vmem>> -> memref<128x64xf32, #tpu.memory_space<vmem>>
        %dma_start3A_488 = arith.constant 0 : i32
        %dma_start3A_489 = tpu.memref_slice %arg7[%add3A_482, %dma_start3A_488] : memref<25x128xi32, #tpu.memory_space<vmem>> -> memref<1x128xi32, #tpu.memory_space<vmem>>
        %dma_start3A_490 = tpu.memref_squeeze %dma_start3A_489 : memref<1x128xi32, #tpu.memory_space<vmem>> -> memref<128xi32, #tpu.memory_space<vmem>>
        %dma_start3A_491 = arith.constant 0 : i32
        %dma_start3A_492 = arith.constant 0 : i32
        %dma_start3A_493 = tpu.memref_slice %arg4[%dma_start3A_491, %dma_start3A_492] : memref<10240x64xf32, #tpu.memory_space<hbm>> -> memref<10240x64xf32, #tpu.memory_space<hbm>>
        tpu.enqueue_indirect_dma source(%dma_start3A_493 : memref<10240x64xf32, #tpu.memory_space<hbm>>) target(%dma_start3A_487 : memref<128x64xf32, #tpu.memory_space<vmem>>) offsets(%dma_start3A_490 : memref<128xi32, #tpu.memory_space<vmem>>) semaphore(%arg11 : memref<!tpu.dma_semaphore, #tpu.memory_space<semaphore_mem>>)
        %mul3A_494 = arith.constant 5 : i32
        %mul3A_495 = arith.muli %add3A_433, %mul3A_494 : i32
        %add3A_496 = arith.constant 2 : i32
        %add3A_497 = arith.addi %mul3A_495, %add3A_496 : i32
        %dma_start3A_498 = arith.constant 2 : i32
        %dma_start3A_499 = arith.constant 0 : i32
        %dma_start3A_500 = arith.constant 0 : i32
        %dma_start3A_501 = tpu.memref_slice %arg8[%dma_start3A_498, %dma_start3A_499, %dma_start3A_500] : memref<5x128x64xf32, #tpu.memory_space<vmem>> -> memref<1x128x64xf32, #tpu.memory_space<vmem>>
        %dma_start3A_502 = tpu.memref_squeeze %dma_start3A_501 : memref<1x128x64xf32, #tpu.memory_space<vmem>> -> memref<128x64xf32, #tpu.memory_space<vmem>>
        %dma_start3A_503 = arith.constant 0 : i32
        %dma_start3A_504 = tpu.memref_slice %arg6[%add3A_497, %dma_start3A_503] : memref<25x128xi32, #tpu.memory_space<vmem>> -> memref<1x128xi32, #tpu.memory_space<vmem>>
        %dma_start3A_505 = tpu.memref_squeeze %dma_start3A_504 : memref<1x128xi32, #tpu.memory_space<vmem>> -> memref<128xi32, #tpu.memory_space<vmem>>
        %dma_start3A_506 = arith.constant 0 : i32
        %dma_start3A_507 = arith.constant 0 : i32
        %dma_start3A_508 = tpu.memref_slice %arg4[%dma_start3A_506, %dma_start3A_507] : memref<10240x64xf32, #tpu.memory_space<hbm>> -> memref<10240x64xf32, #tpu.memory_space<hbm>>
        tpu.enqueue_indirect_dma source(%dma_start3A_508 : memref<10240x64xf32, #tpu.memory_space<hbm>>) target(%dma_start3A_502 : memref<128x64xf32, #tpu.memory_space<vmem>>) offsets(%dma_start3A_505 : memref<128xi32, #tpu.memory_space<vmem>>) semaphore(%arg10 : memref<!tpu.dma_semaphore, #tpu.memory_space<semaphore_mem>>)
        %mul3A_509 = arith.constant 5 : i32
        %mul3A_510 = arith.muli %add3A_433, %mul3A_509 : i32
        %add3A_511 = arith.constant 2 : i32
        %add3A_512 = arith.addi %mul3A_510, %add3A_511 : i32
        %dma_start3A_513 = arith.constant 2 : i32
        %dma_start3A_514 = arith.constant 0 : i32
        %dma_start3A_515 = arith.constant 0 : i32
        %dma_start3A_516 = tpu.memref_slice %arg9[%dma_start3A_513, %dma_start3A_514, %dma_start3A_515] : memref<5x128x64xf32, #tpu.memory_space<vmem>> -> memref<1x128x64xf32, #tpu.memory_space<vmem>>
        %dma_start3A_517 = tpu.memref_squeeze %dma_start3A_516 : memref<1x128x64xf32, #tpu.memory_space<vmem>> -> memref<128x64xf32, #tpu.memory_space<vmem>>
        %dma_start3A_518 = arith.constant 0 : i32
        %dma_start3A_519 = tpu.memref_slice %arg7[%add3A_512, %dma_start3A_518] : memref<25x128xi32, #tpu.memory_space<vmem>> -> memref<1x128xi32, #tpu.memory_space<vmem>>
        %dma_start3A_520 = tpu.memref_squeeze %dma_start3A_519 : memref<1x128xi32, #tpu.memory_space<vmem>> -> memref<128xi32, #tpu.memory_space<vmem>>
        %dma_start3A_521 = arith.constant 0 : i32
        %dma_start3A_522 = arith.constant 0 : i32
        %dma_start3A_523 = tpu.memref_slice %arg4[%dma_start3A_521, %dma_start3A_522] : memref<10240x64xf32, #tpu.memory_space<hbm>> -> memref<10240x64xf32, #tpu.memory_space<hbm>>
        tpu.enqueue_indirect_dma source(%dma_start3A_523 : memref<10240x64xf32, #tpu.memory_space<hbm>>) target(%dma_start3A_517 : memref<128x64xf32, #tpu.memory_space<vmem>>) offsets(%dma_start3A_520 : memref<128xi32, #tpu.memory_space<vmem>>) semaphore(%arg11 : memref<!tpu.dma_semaphore, #tpu.memory_space<semaphore_mem>>)
        %mul3A_524 = arith.constant 5 : i32
        %mul3A_525 = arith.muli %add3A_433, %mul3A_524 : i32
        %add3A_526 = arith.constant 3 : i32
        %add3A_527 = arith.addi %mul3A_525, %add3A_526 : i32
        %dma_start3A_528 = arith.constant 3 : i32
        %dma_start3A_529 = arith.constant 0 : i32
        %dma_start3A_530 = arith.constant 0 : i32
        %dma_start3A_531 = tpu.memref_slice %arg8[%dma_start3A_528, %dma_start3A_529, %dma_start3A_530] : memref<5x128x64xf32, #tpu.memory_space<vmem>> -> memref<1x128x64xf32, #tpu.memory_space<vmem>>
        %dma_start3A_532 = tpu.memref_squeeze %dma_start3A_531 : memref<1x128x64xf32, #tpu.memory_space<vmem>> -> memref<128x64xf32, #tpu.memory_space<vmem>>
        %dma_start3A_533 = arith.constant 0 : i32
        %dma_start3A_534 = tpu.memref_slice %arg6[%add3A_527, %dma_start3A_533] : memref<25x128xi32, #tpu.memory_space<vmem>> -> memref<1x128xi32, #tpu.memory_space<vmem>>
        %dma_start3A_535 = tpu.memref_squeeze %dma_start3A_534 : memref<1x128xi32, #tpu.memory_space<vmem>> -> memref<128xi32, #tpu.memory_space<vmem>>
        %dma_start3A_536 = arith.constant 0 : i32
        %dma_start3A_537 = arith.constant 0 : i32
        %dma_start3A_538 = tpu.memref_slice %arg4[%dma_start3A_536, %dma_start3A_537] : memref<10240x64xf32, #tpu.memory_space<hbm>> -> memref<10240x64xf32, #tpu.memory_space<hbm>>
        tpu.enqueue_indirect_dma source(%dma_start3A_538 : memref<10240x64xf32, #tpu.memory_space<hbm>>) target(%dma_start3A_532 : memref<128x64xf32, #tpu.memory_space<vmem>>) offsets(%dma_start3A_535 : memref<128xi32, #tpu.memory_space<vmem>>) semaphore(%arg10 : memref<!tpu.dma_semaphore, #tpu.memory_space<semaphore_mem>>)
        %mul3A_539 = arith.constant 5 : i32
        %mul3A_540 = arith.muli %add3A_433, %mul3A_539 : i32
        %add3A_541 = arith.constant 3 : i32
        %add3A_542 = arith.addi %mul3A_540, %add3A_541 : i32
        %dma_start3A_543 = arith.constant 3 : i32
        %dma_start3A_544 = arith.constant 0 : i32
        %dma_start3A_545 = arith.constant 0 : i32
        %dma_start3A_546 = tpu.memref_slice %arg9[%dma_start3A_543, %dma_start3A_544, %dma_start3A_545] : memref<5x128x64xf32, #tpu.memory_space<vmem>> -> memref<1x128x64xf32, #tpu.memory_space<vmem>>
        %dma_start3A_547 = tpu.memref_squeeze %dma_start3A_546 : memref<1x128x64xf32, #tpu.memory_space<vmem>> -> memref<128x64xf32, #tpu.memory_space<vmem>>
        %dma_start3A_548 = arith.constant 0 : i32
        %dma_start3A_549 = tpu.memref_slice %arg7[%add3A_542, %dma_start3A_548] : memref<25x128xi32, #tpu.memory_space<vmem>> -> memref<1x128xi32, #tpu.memory_space<vmem>>
        %dma_start3A_550 = tpu.memref_squeeze %dma_start3A_549 : memref<1x128xi32, #tpu.memory_space<vmem>> -> memref<128xi32, #tpu.memory_space<vmem>>
        %dma_start3A_551 = arith.constant 0 : i32
        %dma_start3A_552 = arith.constant 0 : i32
        %dma_start3A_553 = tpu.memref_slice %arg4[%dma_start3A_551, %dma_start3A_552] : memref<10240x64xf32, #tpu.memory_space<hbm>> -> memref<10240x64xf32, #tpu.memory_space<hbm>>
        tpu.enqueue_indirect_dma source(%dma_start3A_553 : memref<10240x64xf32, #tpu.memory_space<hbm>>) target(%dma_start3A_547 : memref<128x64xf32, #tpu.memory_space<vmem>>) offsets(%dma_start3A_550 : memref<128xi32, #tpu.memory_space<vmem>>) semaphore(%arg11 : memref<!tpu.dma_semaphore, #tpu.memory_space<semaphore_mem>>)
        %mul3A_554 = arith.constant 5 : i32
        %mul3A_555 = arith.muli %add3A_433, %mul3A_554 : i32
        %add3A_556 = arith.constant 4 : i32
        %add3A_557 = arith.addi %mul3A_555, %add3A_556 : i32
        %dma_start3A_558 = arith.constant 4 : i32
        %dma_start3A_559 = arith.constant 0 : i32
        %dma_start3A_560 = arith.constant 0 : i32
        %dma_start3A_561 = tpu.memref_slice %arg8[%dma_start3A_558, %dma_start3A_559, %dma_start3A_560] : memref<5x128x64xf32, #tpu.memory_space<vmem>> -> memref<1x128x64xf32, #tpu.memory_space<vmem>>
        %dma_start3A_562 = tpu.memref_squeeze %dma_start3A_561 : memref<1x128x64xf32, #tpu.memory_space<vmem>> -> memref<128x64xf32, #tpu.memory_space<vmem>>
        %dma_start3A_563 = arith.constant 0 : i32
        %dma_start3A_564 = tpu.memref_slice %arg6[%add3A_557, %dma_start3A_563] : memref<25x128xi32, #tpu.memory_space<vmem>> -> memref<1x128xi32, #tpu.memory_space<vmem>>
        %dma_start3A_565 = tpu.memref_squeeze %dma_start3A_564 : memref<1x128xi32, #tpu.memory_space<vmem>> -> memref<128xi32, #tpu.memory_space<vmem>>
        %dma_start3A_566 = arith.constant 0 : i32
        %dma_start3A_567 = arith.constant 0 : i32
        %dma_start3A_568 = tpu.memref_slice %arg4[%dma_start3A_566, %dma_start3A_567] : memref<10240x64xf32, #tpu.memory_space<hbm>> -> memref<10240x64xf32, #tpu.memory_space<hbm>>
        tpu.enqueue_indirect_dma source(%dma_start3A_568 : memref<10240x64xf32, #tpu.memory_space<hbm>>) target(%dma_start3A_562 : memref<128x64xf32, #tpu.memory_space<vmem>>) offsets(%dma_start3A_565 : memref<128xi32, #tpu.memory_space<vmem>>) semaphore(%arg10 : memref<!tpu.dma_semaphore, #tpu.memory_space<semaphore_mem>>)
        %mul3A_569 = arith.constant 5 : i32
        %mul3A_570 = arith.muli %add3A_433, %mul3A_569 : i32
        %add3A_571 = arith.constant 4 : i32
        %add3A_572 = arith.addi %mul3A_570, %add3A_571 : i32
        %dma_start3A_573 = arith.constant 4 : i32
        %dma_start3A_574 = arith.constant 0 : i32
        %dma_start3A_575 = arith.constant 0 : i32
        %dma_start3A_576 = tpu.memref_slice %arg9[%dma_start3A_573, %dma_start3A_574, %dma_start3A_575] : memref<5x128x64xf32, #tpu.memory_space<vmem>> -> memref<1x128x64xf32, #tpu.memory_space<vmem>>
        %dma_start3A_577 = tpu.memref_squeeze %dma_start3A_576 : memref<1x128x64xf32, #tpu.memory_space<vmem>> -> memref<128x64xf32, #tpu.memory_space<vmem>>
        %dma_start3A_578 = arith.constant 0 : i32
        %dma_start3A_579 = tpu.memref_slice %arg7[%add3A_572, %dma_start3A_578] : memref<25x128xi32, #tpu.memory_space<vmem>> -> memref<1x128xi32, #tpu.memory_space<vmem>>
        %dma_start3A_580 = tpu.memref_squeeze %dma_start3A_579 : memref<1x128xi32, #tpu.memory_space<vmem>> -> memref<128xi32, #tpu.memory_space<vmem>>
        %dma_start3A_581 = arith.constant 0 : i32
        %dma_start3A_582 = arith.constant 0 : i32
        %dma_start3A_583 = tpu.memref_slice %arg4[%dma_start3A_581, %dma_start3A_582] : memref<10240x64xf32, #tpu.memory_space<hbm>> -> memref<10240x64xf32, #tpu.memory_space<hbm>>
        tpu.enqueue_indirect_dma source(%dma_start3A_583 : memref<10240x64xf32, #tpu.memory_space<hbm>>) target(%dma_start3A_577 : memref<128x64xf32, #tpu.memory_space<vmem>>) offsets(%dma_start3A_580 : memref<128xi32, #tpu.memory_space<vmem>>) semaphore(%arg11 : memref<!tpu.dma_semaphore, #tpu.memory_space<semaphore_mem>>)
      } else {
      }
    }
    %scan3A_125 = arith.constant 5 : i32
    return
  }
}

#map = affine_map<(d0, d1) -> (0, 0)>
module attributes {stable_mosaic.version = 14 : i64} {
  func.func @_sc_deg(%arg0: i32, %arg1: i32, %arg2: memref<5120x128xi32, #tpu.memory_space<hbm>>, %arg3: memref<2x10240xf32, #tpu.memory_space<hbm>>, %arg4: memref<8x128xi32, #tpu.memory_space<vmem>>, %arg5: memref<128xf32, #tpu.memory_space<vmem>>, %arg6: memref<640xf32, #tpu.memory_space<vmem>>, %arg7: memref<10240xf32, #tpu.memory_space<vmem_shared>>, %arg8: memref<!tpu.dma_semaphore, #tpu.memory_space<semaphore_mem>>) attributes {dimension_semantics = [#tpu.dimension_semantics<core_parallel>, #tpu.dimension_semantics<subcore_parallel>], iteration_bounds = array<i64: 2, 16>, scalar_prefetch = 0 : i64, scratch_operands = 5 : i64, tpu.core_type = #tpu.core_type<sc_vector_subcore>, window_params = [{transform_indices = #map}, {transform_indices = #map}]} {
    %mul3A = arith.constant 640 : i32
    %mul3A_0 = arith.muli %arg1, %mul3A : i32
    %mul3A_1 = arith.constant 2560 : i32
    %mul3A_2 = arith.muli %arg0, %mul3A_1 : i32
    %mul3A_3 = arith.constant 160 : i32
    %mul3A_4 = arith.muli %arg1, %mul3A_3 : i32
    %add3A = arith.addi %mul3A_2, %mul3A_4 : i32
    %scan3A = arith.constant 0 : i32
    %scan3A_5 = arith.constant 40 : i32
    %scan3A_6 = arith.addi %scan3A, %scan3A_5 : i32
    %scan3A_7 = arith.constant 1 : i32
    scf.for %scan3A_20 = %scan3A to %scan3A_6 step %scan3A_7  : i32 {
      %mul3A_21 = arith.constant 1 : i32
      %mul3A_22 = arith.muli %scan3A_20, %mul3A_21 : i32
      %add3A_23 = arith.constant 0 : i32
      %add3A_24 = arith.addi %add3A_23, %mul3A_22 : i32
      %broadcast_in_dim3A = arith.constant 0.000000e+00 : f32
      %broadcast_in_dim3A_25 = vector.broadcast %broadcast_in_dim3A : f32 to vector<16xf32>
      %mul3A_26 = arith.constant 16 : i32
      %mul3A_27 = arith.muli %add3A_24, %mul3A_26 : i32
      %swap3A = arith.index_cast %mul3A_27 : i32 to index
      %swap3A_28 = tpu.vector_load %arg6[%swap3A] {strides = array<i32>} : memref<640xf32, #tpu.memory_space<vmem>>, vector<16xf32>,
      tpu.vector_store %arg6[%swap3A], %broadcast_in_dim3A_25 {strides = array<i32>} : memref<640xf32, #tpu.memory_space<vmem>>, vector<16xf32>,
    }
    %scan3A_8 = arith.constant 40 : i32
    "tpu.region"() ({
      %run_scoped3A = tpu.sem_alloc : memref<!tpu.dma_semaphore, #tpu.memory_space<semaphore_mem>>
      %dma_start3A = tpu.memref_slice %arg7[%mul3A_0] : memref<10240xf32, #tpu.memory_space<vmem_shared>> -> memref<640xf32, #tpu.memory_space<vmem_shared>>
      %dma_start3A_20 = tpu.memref_slice %arg7[%mul3A_0] : memref<10240xf32, #tpu.memory_space<vmem_shared>> -> memref<640xf32, #tpu.memory_space<vmem_shared>>
      tpu.enqueue_dma source(%arg6 : memref<640xf32, #tpu.memory_space<vmem>>) target(%dma_start3A_20 : memref<640xf32, #tpu.memory_space<vmem_shared>>) target_semaphore(%run_scoped3A : memref<!tpu.dma_semaphore, #tpu.memory_space<semaphore_mem>>)
      %dma_wait3A = tpu.memref_slice %arg7[%mul3A_0] : memref<10240xf32, #tpu.memory_space<vmem_shared>> -> memref<640xf32, #tpu.memory_space<vmem_shared>>
      %dma_wait3A_21 = tpu.memref_slice %arg7[%mul3A_0] : memref<10240xf32, #tpu.memory_space<vmem_shared>> -> memref<640xf32, #tpu.memory_space<vmem_shared>>
      tpu.wait_dma2 semaphore(%run_scoped3A : memref<!tpu.dma_semaphore, #tpu.memory_space<semaphore_mem>>) src(%arg6 : memref<640xf32, #tpu.memory_space<vmem>>) dst(%dma_wait3A_21 : memref<640xf32, #tpu.memory_space<vmem_shared>>)
      tpu.yield
    }) : () -> ()
    %scan3A_9 = arith.constant 0 : i32
    %scan3A_10 = arith.constant 8 : i32
    %scan3A_11 = arith.addi %scan3A_9, %scan3A_10 : i32
    %scan3A_12 = arith.constant 1 : i32
    scf.for %scan3A_20 = %scan3A_9 to %scan3A_11 step %scan3A_12  : i32 {
      %mul3A_21 = arith.constant 1 : i32
      %mul3A_22 = arith.muli %scan3A_20, %mul3A_21 : i32
      %add3A_23 = arith.constant 0 : i32
      %add3A_24 = arith.addi %add3A_23, %mul3A_22 : i32
      %broadcast_in_dim3A = arith.constant 1.000000e+00 : f32
      %broadcast_in_dim3A_25 = vector.broadcast %broadcast_in_dim3A : f32 to vector<16xf32>
      %mul3A_26 = arith.constant 16 : i32
      %mul3A_27 = arith.muli %add3A_24, %mul3A_26 : i32
      %swap3A = arith.index_cast %mul3A_27 : i32 to index
      %swap3A_28 = tpu.vector_load %arg5[%swap3A] {strides = array<i32>} : memref<128xf32, #tpu.memory_space<vmem>>, vector<16xf32>,
      tpu.vector_store %arg5[%swap3A], %broadcast_in_dim3A_25 {strides = array<i32>} : memref<128xf32, #tpu.memory_space<vmem>>, vector<16xf32>,
    }
    %scan3A_13 = arith.constant 8 : i32
    %barrier3A = arith.constant 0 : index
    tpu.barrier barrier_id(%barrier3A)
    %scan3A_14 = arith.constant 0 : i32
    %scan3A_15 = arith.constant 20 : i32
    %scan3A_16 = arith.addi %scan3A_14, %scan3A_15 : i32
    %scan3A_17 = arith.constant 1 : i32
    scf.for %scan3A_20 = %scan3A_14 to %scan3A_16 step %scan3A_17  : i32 {
      %mul3A_21 = arith.constant 1 : i32
      %mul3A_22 = arith.muli %scan3A_20, %mul3A_21 : i32
      %add3A_23 = arith.constant 0 : i32
      %add3A_24 = arith.addi %add3A_23, %mul3A_22 : i32
      %mul3A_25 = arith.constant 8 : i32
      %mul3A_26 = arith.muli %add3A_24, %mul3A_25 : i32
      %add3A_27 = arith.addi %add3A, %mul3A_26 : i32
      "tpu.region"() ({
        %run_scoped3A = tpu.sem_alloc : memref<!tpu.dma_semaphore, #tpu.memory_space<semaphore_mem>>
        %dma_start3A_122 = arith.constant 0 : i32
        %dma_start3A_123 = tpu.memref_slice %arg2[%add3A_27, %dma_start3A_122] : memref<5120x128xi32, #tpu.memory_space<hbm>> -> memref<8x128xi32, #tpu.memory_space<hbm>>
        %dma_start3A_124 = arith.constant 0 : i32
        %dma_start3A_125 = tpu.memref_slice %arg2[%add3A_27, %dma_start3A_124] : memref<5120x128xi32, #tpu.memory_space<hbm>> -> memref<8x128xi32, #tpu.memory_space<hbm>>
        tpu.enqueue_dma source(%dma_start3A_125 : memref<8x128xi32, #tpu.memory_space<hbm>>) target(%arg4 : memref<8x128xi32, #tpu.memory_space<vmem>>) target_semaphore(%run_scoped3A : memref<!tpu.dma_semaphore, #tpu.memory_space<semaphore_mem>>)
        %dma_wait3A_126 = arith.constant 0 : i32
        %dma_wait3A_127 = tpu.memref_slice %arg2[%add3A_27, %dma_wait3A_126] : memref<5120x128xi32, #tpu.memory_space<hbm>> -> memref<8x128xi32, #tpu.memory_space<hbm>>
        %dma_wait3A_128 = arith.constant 0 : i32
        %dma_wait3A_129 = tpu.memref_slice %arg2[%add3A_27, %dma_wait3A_128] : memref<5120x128xi32, #tpu.memory_space<hbm>> -> memref<8x128xi32, #tpu.memory_space<hbm>>
        tpu.wait_dma2 semaphore(%run_scoped3A : memref<!tpu.dma_semaphore, #tpu.memory_space<semaphore_mem>>) src(%dma_wait3A_129 : memref<8x128xi32, #tpu.memory_space<hbm>>) dst(%arg4 : memref<8x128xi32, #tpu.memory_space<vmem>>)
        tpu.yield
      }) : () -> ()
      %dma_start3A = arith.constant 0 : i32
      %dma_start3A_28 = arith.constant 0 : i32
      %dma_start3A_29 = tpu.memref_slice %arg4[%dma_start3A, %dma_start3A_28] : memref<8x128xi32, #tpu.memory_space<vmem>> -> memref<1x128xi32, #tpu.memory_space<vmem>>
      %dma_start3A_30 = tpu.memref_squeeze %dma_start3A_29 : memref<1x128xi32, #tpu.memory_space<vmem>> -> memref<128xi32, #tpu.memory_space<vmem>>
      %dma_start3A_31 = arith.constant 0 : i32
      %dma_start3A_32 = tpu.memref_slice %arg7[%dma_start3A_31] : memref<10240xf32, #tpu.memory_space<vmem_shared>> -> memref<10240xf32, #tpu.memory_space<vmem_shared>>
      tpu.enqueue_indirect_dma source(%arg5 : memref<128xf32, #tpu.memory_space<vmem>>) target(%dma_start3A_32 : memref<10240xf32, #tpu.memory_space<vmem_shared>>) offsets(%dma_start3A_30 : memref<128xi32, #tpu.memory_space<vmem>>) semaphore(%arg8 : memref<!tpu.dma_semaphore, #tpu.memory_space<semaphore_mem>>) {add = true}
      %dma_start3A_33 = arith.constant 1 : i32
      %dma_start3A_34 = arith.constant 0 : i32
      %dma_start3A_35 = tpu.memref_slice %arg4[%dma_start3A_33, %dma_start3A_34] : memref<8x128xi32, #tpu.memory_space<vmem>> -> memref<1x128xi32, #tpu.memory_space<vmem>>
      %dma_start3A_36 = tpu.memref_squeeze %dma_start3A_35 : memref<1x128xi32, #tpu.memory_space<vmem>> -> memref<128xi32, #tpu.memory_space<vmem>>
      %dma_start3A_37 = arith.constant 0 : i32
      %dma_start3A_38 = tpu.memref_slice %arg7[%dma_start3A_37] : memref<10240xf32, #tpu.memory_space<vmem_shared>> -> memref<10240xf32, #tpu.memory_space<vmem_shared>>
      tpu.enqueue_indirect_dma source(%arg5 : memref<128xf32, #tpu.memory_space<vmem>>) target(%dma_start3A_38 : memref<10240xf32, #tpu.memory_space<vmem_shared>>) offsets(%dma_start3A_36 : memref<128xi32, #tpu.memory_space<vmem>>) semaphore(%arg8 : memref<!tpu.dma_semaphore, #tpu.memory_space<semaphore_mem>>) {add = true}
      %dma_start3A_39 = arith.constant 2 : i32
      %dma_start3A_40 = arith.constant 0 : i32
      %dma_start3A_41 = tpu.memref_slice %arg4[%dma_start3A_39, %dma_start3A_40] : memref<8x128xi32, #tpu.memory_space<vmem>> -> memref<1x128xi32, #tpu.memory_space<vmem>>
      %dma_start3A_42 = tpu.memref_squeeze %dma_start3A_41 : memref<1x128xi32, #tpu.memory_space<vmem>> -> memref<128xi32, #tpu.memory_space<vmem>>
      %dma_start3A_43 = arith.constant 0 : i32
      %dma_start3A_44 = tpu.memref_slice %arg7[%dma_start3A_43] : memref<10240xf32, #tpu.memory_space<vmem_shared>> -> memref<10240xf32, #tpu.memory_space<vmem_shared>>
      tpu.enqueue_indirect_dma source(%arg5 : memref<128xf32, #tpu.memory_space<vmem>>) target(%dma_start3A_44 : memref<10240xf32, #tpu.memory_space<vmem_shared>>) offsets(%dma_start3A_42 : memref<128xi32, #tpu.memory_space<vmem>>) semaphore(%arg8 : memref<!tpu.dma_semaphore, #tpu.memory_space<semaphore_mem>>) {add = true}
      %dma_start3A_45 = arith.constant 3 : i32
      %dma_start3A_46 = arith.constant 0 : i32
      %dma_start3A_47 = tpu.memref_slice %arg4[%dma_start3A_45, %dma_start3A_46] : memref<8x128xi32, #tpu.memory_space<vmem>> -> memref<1x128xi32, #tpu.memory_space<vmem>>
      %dma_start3A_48 = tpu.memref_squeeze %dma_start3A_47 : memref<1x128xi32, #tpu.memory_space<vmem>> -> memref<128xi32, #tpu.memory_space<vmem>>
      %dma_start3A_49 = arith.constant 0 : i32
      %dma_start3A_50 = tpu.memref_slice %arg7[%dma_start3A_49] : memref<10240xf32, #tpu.memory_space<vmem_shared>> -> memref<10240xf32, #tpu.memory_space<vmem_shared>>
      tpu.enqueue_indirect_dma source(%arg5 : memref<128xf32, #tpu.memory_space<vmem>>) target(%dma_start3A_50 : memref<10240xf32, #tpu.memory_space<vmem_shared>>) offsets(%dma_start3A_48 : memref<128xi32, #tpu.memory_space<vmem>>) semaphore(%arg8 : memref<!tpu.dma_semaphore, #tpu.memory_space<semaphore_mem>>) {add = true}
      %dma_start3A_51 = arith.constant 4 : i32
      %dma_start3A_52 = arith.constant 0 : i32
      %dma_start3A_53 = tpu.memref_slice %arg4[%dma_start3A_51, %dma_start3A_52] : memref<8x128xi32, #tpu.memory_space<vmem>> -> memref<1x128xi32, #tpu.memory_space<vmem>>
      %dma_start3A_54 = tpu.memref_squeeze %dma_start3A_53 : memref<1x128xi32, #tpu.memory_space<vmem>> -> memref<128xi32, #tpu.memory_space<vmem>>
      %dma_start3A_55 = arith.constant 0 : i32
      %dma_start3A_56 = tpu.memref_slice %arg7[%dma_start3A_55] : memref<10240xf32, #tpu.memory_space<vmem_shared>> -> memref<10240xf32, #tpu.memory_space<vmem_shared>>
      tpu.enqueue_indirect_dma source(%arg5 : memref<128xf32, #tpu.memory_space<vmem>>) target(%dma_start3A_56 : memref<10240xf32, #tpu.memory_space<vmem_shared>>) offsets(%dma_start3A_54 : memref<128xi32, #tpu.memory_space<vmem>>) semaphore(%arg8 : memref<!tpu.dma_semaphore, #tpu.memory_space<semaphore_mem>>) {add = true}
      %dma_start3A_57 = arith.constant 5 : i32
      %dma_start3A_58 = arith.constant 0 : i32
      %dma_start3A_59 = tpu.memref_slice %arg4[%dma_start3A_57, %dma_start3A_58] : memref<8x128xi32, #tpu.memory_space<vmem>> -> memref<1x128xi32, #tpu.memory_space<vmem>>
      %dma_start3A_60 = tpu.memref_squeeze %dma_start3A_59 : memref<1x128xi32, #tpu.memory_space<vmem>> -> memref<128xi32, #tpu.memory_space<vmem>>
      %dma_start3A_61 = arith.constant 0 : i32
      %dma_start3A_62 = tpu.memref_slice %arg7[%dma_start3A_61] : memref<10240xf32, #tpu.memory_space<vmem_shared>> -> memref<10240xf32, #tpu.memory_space<vmem_shared>>
      tpu.enqueue_indirect_dma source(%arg5 : memref<128xf32, #tpu.memory_space<vmem>>) target(%dma_start3A_62 : memref<10240xf32, #tpu.memory_space<vmem_shared>>) offsets(%dma_start3A_60 : memref<128xi32, #tpu.memory_space<vmem>>) semaphore(%arg8 : memref<!tpu.dma_semaphore, #tpu.memory_space<semaphore_mem>>) {add = true}
      %dma_start3A_63 = arith.constant 6 : i32
      %dma_start3A_64 = arith.constant 0 : i32
      %dma_start3A_65 = tpu.memref_slice %arg4[%dma_start3A_63, %dma_start3A_64] : memref<8x128xi32, #tpu.memory_space<vmem>> -> memref<1x128xi32, #tpu.memory_space<vmem>>
      %dma_start3A_66 = tpu.memref_squeeze %dma_start3A_65 : memref<1x128xi32, #tpu.memory_space<vmem>> -> memref<128xi32, #tpu.memory_space<vmem>>
      %dma_start3A_67 = arith.constant 0 : i32
      %dma_start3A_68 = tpu.memref_slice %arg7[%dma_start3A_67] : memref<10240xf32, #tpu.memory_space<vmem_shared>> -> memref<10240xf32, #tpu.memory_space<vmem_shared>>
      tpu.enqueue_indirect_dma source(%arg5 : memref<128xf32, #tpu.memory_space<vmem>>) target(%dma_start3A_68 : memref<10240xf32, #tpu.memory_space<vmem_shared>>) offsets(%dma_start3A_66 : memref<128xi32, #tpu.memory_space<vmem>>) semaphore(%arg8 : memref<!tpu.dma_semaphore, #tpu.memory_space<semaphore_mem>>) {add = true}
      %dma_start3A_69 = arith.constant 7 : i32
      %dma_start3A_70 = arith.constant 0 : i32
      %dma_start3A_71 = tpu.memref_slice %arg4[%dma_start3A_69, %dma_start3A_70] : memref<8x128xi32, #tpu.memory_space<vmem>> -> memref<1x128xi32, #tpu.memory_space<vmem>>
      %dma_start3A_72 = tpu.memref_squeeze %dma_start3A_71 : memref<1x128xi32, #tpu.memory_space<vmem>> -> memref<128xi32, #tpu.memory_space<vmem>>
      %dma_start3A_73 = arith.constant 0 : i32
      %dma_start3A_74 = tpu.memref_slice %arg7[%dma_start3A_73] : memref<10240xf32, #tpu.memory_space<vmem_shared>> -> memref<10240xf32, #tpu.memory_space<vmem_shared>>
      tpu.enqueue_indirect_dma source(%arg5 : memref<128xf32, #tpu.memory_space<vmem>>) target(%dma_start3A_74 : memref<10240xf32, #tpu.memory_space<vmem_shared>>) offsets(%dma_start3A_72 : memref<128xi32, #tpu.memory_space<vmem>>) semaphore(%arg8 : memref<!tpu.dma_semaphore, #tpu.memory_space<semaphore_mem>>) {add = true}
      %dma_wait3A = arith.constant 0 : i32
      %dma_wait3A_75 = arith.constant 0 : i32
      %dma_wait3A_76 = tpu.memref_slice %arg4[%dma_wait3A, %dma_wait3A_75] : memref<8x128xi32, #tpu.memory_space<vmem>> -> memref<1x128xi32, #tpu.memory_space<vmem>>
      %dma_wait3A_77 = tpu.memref_squeeze %dma_wait3A_76 : memref<1x128xi32, #tpu.memory_space<vmem>> -> memref<128xi32, #tpu.memory_space<vmem>>
      %dma_wait3A_78 = arith.constant 0 : i32
      %dma_wait3A_79 = tpu.memref_slice %arg7[%dma_wait3A_78] : memref<10240xf32, #tpu.memory_space<vmem_shared>> -> memref<10240xf32, #tpu.memory_space<vmem_shared>>
      tpu.wait_indirect_dma semaphore(%arg8 : memref<!tpu.dma_semaphore, #tpu.memory_space<semaphore_mem>>) src(%arg5 : memref<128xf32, #tpu.memory_space<vmem>>) dst(%dma_wait3A_79 : memref<10240xf32, #tpu.memory_space<vmem_shared>>)
      %dma_wait3A_80 = arith.constant 1 : i32
      %dma_wait3A_81 = arith.constant 0 : i32
      %dma_wait3A_82 = tpu.memref_slice %arg4[%dma_wait3A_80, %dma_wait3A_81] : memref<8x128xi32, #tpu.memory_space<vmem>> -> memref<1x128xi32, #tpu.memory_space<vmem>>
      %dma_wait3A_83 = tpu.memref_squeeze %dma_wait3A_82 : memref<1x128xi32, #tpu.memory_space<vmem>> -> memref<128xi32, #tpu.memory_space<vmem>>
      %dma_wait3A_84 = arith.constant 0 : i32
      %dma_wait3A_85 = tpu.memref_slice %arg7[%dma_wait3A_84] : memref<10240xf32, #tpu.memory_space<vmem_shared>> -> memref<10240xf32, #tpu.memory_space<vmem_shared>>
      tpu.wait_indirect_dma semaphore(%arg8 : memref<!tpu.dma_semaphore, #tpu.memory_space<semaphore_mem>>) src(%arg5 : memref<128xf32, #tpu.memory_space<vmem>>) dst(%dma_wait3A_85 : memref<10240xf32, #tpu.memory_space<vmem_shared>>)
      %dma_wait3A_86 = arith.constant 2 : i32
      %dma_wait3A_87 = arith.constant 0 : i32
      %dma_wait3A_88 = tpu.memref_slice %arg4[%dma_wait3A_86, %dma_wait3A_87] : memref<8x128xi32, #tpu.memory_space<vmem>> -> memref<1x128xi32, #tpu.memory_space<vmem>>
      %dma_wait3A_89 = tpu.memref_squeeze %dma_wait3A_88 : memref<1x128xi32, #tpu.memory_space<vmem>> -> memref<128xi32, #tpu.memory_space<vmem>>
      %dma_wait3A_90 = arith.constant 0 : i32
      %dma_wait3A_91 = tpu.memref_slice %arg7[%dma_wait3A_90] : memref<10240xf32, #tpu.memory_space<vmem_shared>> -> memref<10240xf32, #tpu.memory_space<vmem_shared>>
      tpu.wait_indirect_dma semaphore(%arg8 : memref<!tpu.dma_semaphore, #tpu.memory_space<semaphore_mem>>) src(%arg5 : memref<128xf32, #tpu.memory_space<vmem>>) dst(%dma_wait3A_91 : memref<10240xf32, #tpu.memory_space<vmem_shared>>)
      %dma_wait3A_92 = arith.constant 3 : i32
      %dma_wait3A_93 = arith.constant 0 : i32
      %dma_wait3A_94 = tpu.memref_slice %arg4[%dma_wait3A_92, %dma_wait3A_93] : memref<8x128xi32, #tpu.memory_space<vmem>> -> memref<1x128xi32, #tpu.memory_space<vmem>>
      %dma_wait3A_95 = tpu.memref_squeeze %dma_wait3A_94 : memref<1x128xi32, #tpu.memory_space<vmem>> -> memref<128xi32, #tpu.memory_space<vmem>>
      %dma_wait3A_96 = arith.constant 0 : i32
      %dma_wait3A_97 = tpu.memref_slice %arg7[%dma_wait3A_96] : memref<10240xf32, #tpu.memory_space<vmem_shared>> -> memref<10240xf32, #tpu.memory_space<vmem_shared>>
      tpu.wait_indirect_dma semaphore(%arg8 : memref<!tpu.dma_semaphore, #tpu.memory_space<semaphore_mem>>) src(%arg5 : memref<128xf32, #tpu.memory_space<vmem>>) dst(%dma_wait3A_97 : memref<10240xf32, #tpu.memory_space<vmem_shared>>)
      %dma_wait3A_98 = arith.constant 4 : i32
      %dma_wait3A_99 = arith.constant 0 : i32
      %dma_wait3A_100 = tpu.memref_slice %arg4[%dma_wait3A_98, %dma_wait3A_99] : memref<8x128xi32, #tpu.memory_space<vmem>> -> memref<1x128xi32, #tpu.memory_space<vmem>>
      %dma_wait3A_101 = tpu.memref_squeeze %dma_wait3A_100 : memref<1x128xi32, #tpu.memory_space<vmem>> -> memref<128xi32, #tpu.memory_space<vmem>>
      %dma_wait3A_102 = arith.constant 0 : i32
      %dma_wait3A_103 = tpu.memref_slice %arg7[%dma_wait3A_102] : memref<10240xf32, #tpu.memory_space<vmem_shared>> -> memref<10240xf32, #tpu.memory_space<vmem_shared>>
      tpu.wait_indirect_dma semaphore(%arg8 : memref<!tpu.dma_semaphore, #tpu.memory_space<semaphore_mem>>) src(%arg5 : memref<128xf32, #tpu.memory_space<vmem>>) dst(%dma_wait3A_103 : memref<10240xf32, #tpu.memory_space<vmem_shared>>)
      %dma_wait3A_104 = arith.constant 5 : i32
      %dma_wait3A_105 = arith.constant 0 : i32
      %dma_wait3A_106 = tpu.memref_slice %arg4[%dma_wait3A_104, %dma_wait3A_105] : memref<8x128xi32, #tpu.memory_space<vmem>> -> memref<1x128xi32, #tpu.memory_space<vmem>>
      %dma_wait3A_107 = tpu.memref_squeeze %dma_wait3A_106 : memref<1x128xi32, #tpu.memory_space<vmem>> -> memref<128xi32, #tpu.memory_space<vmem>>
      %dma_wait3A_108 = arith.constant 0 : i32
      %dma_wait3A_109 = tpu.memref_slice %arg7[%dma_wait3A_108] : memref<10240xf32, #tpu.memory_space<vmem_shared>> -> memref<10240xf32, #tpu.memory_space<vmem_shared>>
      tpu.wait_indirect_dma semaphore(%arg8 : memref<!tpu.dma_semaphore, #tpu.memory_space<semaphore_mem>>) src(%arg5 : memref<128xf32, #tpu.memory_space<vmem>>) dst(%dma_wait3A_109 : memref<10240xf32, #tpu.memory_space<vmem_shared>>)
      %dma_wait3A_110 = arith.constant 6 : i32
      %dma_wait3A_111 = arith.constant 0 : i32
      %dma_wait3A_112 = tpu.memref_slice %arg4[%dma_wait3A_110, %dma_wait3A_111] : memref<8x128xi32, #tpu.memory_space<vmem>> -> memref<1x128xi32, #tpu.memory_space<vmem>>
      %dma_wait3A_113 = tpu.memref_squeeze %dma_wait3A_112 : memref<1x128xi32, #tpu.memory_space<vmem>> -> memref<128xi32, #tpu.memory_space<vmem>>
      %dma_wait3A_114 = arith.constant 0 : i32
      %dma_wait3A_115 = tpu.memref_slice %arg7[%dma_wait3A_114] : memref<10240xf32, #tpu.memory_space<vmem_shared>> -> memref<10240xf32, #tpu.memory_space<vmem_shared>>
      tpu.wait_indirect_dma semaphore(%arg8 : memref<!tpu.dma_semaphore, #tpu.memory_space<semaphore_mem>>) src(%arg5 : memref<128xf32, #tpu.memory_space<vmem>>) dst(%dma_wait3A_115 : memref<10240xf32, #tpu.memory_space<vmem_shared>>)
      %dma_wait3A_116 = arith.constant 7 : i32
      %dma_wait3A_117 = arith.constant 0 : i32
      %dma_wait3A_118 = tpu.memref_slice %arg4[%dma_wait3A_116, %dma_wait3A_117] : memref<8x128xi32, #tpu.memory_space<vmem>> -> memref<1x128xi32, #tpu.memory_space<vmem>>
      %dma_wait3A_119 = tpu.memref_squeeze %dma_wait3A_118 : memref<1x128xi32, #tpu.memory_space<vmem>> -> memref<128xi32, #tpu.memory_space<vmem>>
      %dma_wait3A_120 = arith.constant 0 : i32
      %dma_wait3A_121 = tpu.memref_slice %arg7[%dma_wait3A_120] : memref<10240xf32, #tpu.memory_space<vmem_shared>> -> memref<10240xf32, #tpu.memory_space<vmem_shared>>
      tpu.wait_indirect_dma semaphore(%arg8 : memref<!tpu.dma_semaphore, #tpu.memory_space<semaphore_mem>>) src(%arg5 : memref<128xf32, #tpu.memory_space<vmem>>) dst(%dma_wait3A_121 : memref<10240xf32, #tpu.memory_space<vmem_shared>>)
    }
    %scan3A_18 = arith.constant 20 : i32
    %barrier3A_19 = arith.constant 0 : index
    tpu.barrier barrier_id(%barrier3A_19)
    "tpu.region"() ({
      %run_scoped3A = tpu.sem_alloc : memref<!tpu.dma_semaphore, #tpu.memory_space<semaphore_mem>>
      %dma_start3A = tpu.memref_slice %arg3[%arg0, %mul3A_0] : memref<2x10240xf32, #tpu.memory_space<hbm>> -> memref<1x640xf32, #tpu.memory_space<hbm>>
      %dma_start3A_20 = tpu.memref_squeeze %dma_start3A : memref<1x640xf32, #tpu.memory_space<hbm>> -> memref<640xf32, #tpu.memory_space<hbm>>
      %dma_start3A_21 = tpu.memref_slice %arg7[%mul3A_0] : memref<10240xf32, #tpu.memory_space<vmem_shared>> -> memref<640xf32, #tpu.memory_space<vmem_shared>>
      tpu.enqueue_dma source(%dma_start3A_21 : memref<640xf32, #tpu.memory_space<vmem_shared>>) target(%dma_start3A_20 : memref<640xf32, #tpu.memory_space<hbm>>) target_semaphore(%run_scoped3A : memref<!tpu.dma_semaphore, #tpu.memory_space<semaphore_mem>>)
      %dma_wait3A = tpu.memref_slice %arg3[%arg0, %mul3A_0] : memref<2x10240xf32, #tpu.memory_space<hbm>> -> memref<1x640xf32, #tpu.memory_space<hbm>>
      %dma_wait3A_22 = tpu.memref_squeeze %dma_wait3A : memref<1x640xf32, #tpu.memory_space<hbm>> -> memref<640xf32, #tpu.memory_space<hbm>>
      %dma_wait3A_23 = tpu.memref_slice %arg7[%mul3A_0] : memref<10240xf32, #tpu.memory_space<vmem_shared>> -> memref<640xf32, #tpu.memory_space<vmem_shared>>
      tpu.wait_dma2 semaphore(%run_scoped3A : memref<!tpu.dma_semaphore, #tpu.memory_space<semaphore_mem>>) src(%dma_wait3A_23 : memref<640xf32, #tpu.memory_space<vmem_shared>>) dst(%dma_wait3A_22 : memref<640xf32, #tpu.memory_space<hbm>>)
      tpu.yield
    }) : () -> ()
    return
  }
}

module attributes {stable_mosaic.version = 14 : i64} {
  func.func @_tc_prep_body(%arg0: memref<10240x1xf32, #tpu.memory_space<vmem>>, %arg1: memref<10240x1xf32, #tpu.memory_space<vmem>>, %arg2: memref<10240x1xf32, #tpu.memory_space<vmem>>, %arg3: memref<10240x1xf32, #tpu.memory_space<vmem>>, %arg4: memref<10240x1xf32, #tpu.memory_space<vmem>>) attributes {dimension_semantics = [], scalar_prefetch = 0 : i64, scratch_operands = 0 : i64, tpu.core_type = #tpu.core_type<tc>} {
    %get3A = arith.constant 0 : index
    %get3A_0 = arith.constant 0 : index
    %get3A_1 = vector.load %arg0[%get3A, %get3A_0] : memref<10240x1xf32, #tpu.memory_space<vmem>>, vector<10240x1xf32>
    %get3A_2 = arith.constant 0 : index
    %get3A_3 = arith.constant 0 : index
    %get3A_4 = vector.load %arg1[%get3A_2, %get3A_3] : memref<10240x1xf32, #tpu.memory_space<vmem>>, vector<10240x1xf32>
    %add3A = arith.addf %get3A_1, %get3A_4 : vector<10240x1xf32>
    %add3A_5 = arith.constant 1.000000e+00 : f32
    %add3A_6 = vector.broadcast %add3A_5 : f32 to vector<10240x1xf32>
    %add3A_7 = arith.addf %add3A, %add3A_6 : vector<10240x1xf32>
    %max3A = arith.constant 9.99999996E-13 : f32
    %max3A_8 = vector.broadcast %max3A : f32 to vector<10240x1xf32>
    %max3A_9 = arith.maximumf %add3A_7, %max3A_8 : vector<10240x1xf32>
    %rsqrt3A = math.rsqrt %max3A_9 : vector<10240x1xf32>
    %swap3A = arith.constant 0 : index
    %swap3A_10 = arith.constant 0 : index
    %swap3A_11 = vector.load %arg3[%swap3A, %swap3A_10] : memref<10240x1xf32, #tpu.memory_space<vmem>>, vector<10240x1xf32>
    tpu.vector_store %arg3[%swap3A, %swap3A_10], %rsqrt3A {strides = array<i32>} : memref<10240x1xf32, #tpu.memory_space<vmem>>, vector<10240x1xf32>,
    %get3A_12 = arith.constant 0 : index
    %get3A_13 = arith.constant 0 : index
    %get3A_14 = vector.load %arg2[%get3A_12, %get3A_13] : memref<10240x1xf32, #tpu.memory_space<vmem>>, vector<10240x1xf32>
    %mul3A = arith.mulf %get3A_14, %rsqrt3A : vector<10240x1xf32>
    %swap3A_15 = arith.constant 0 : index
    %swap3A_16 = arith.constant 0 : index
    %swap3A_17 = vector.load %arg4[%swap3A_15, %swap3A_16] : memref<10240x1xf32, #tpu.memory_space<vmem>>, vector<10240x1xf32>
    tpu.vector_store %arg4[%swap3A_15, %swap3A_16], %mul3A {strides = array<i32>} : memref<10240x1xf32, #tpu.memory_space<vmem>>, vector<10240x1xf32>,
    return
  }
}

module attributes {stable_mosaic.version = 14 : i64} {
  func.func @_tc_mid_body(%arg0: memref<10240x1xf32, #tpu.memory_space<vmem>>, %arg1: memref<10240x1xf32, #tpu.memory_space<vmem>>, %arg2: memref<10240x1xf32, #tpu.memory_space<vmem>>, %arg3: memref<10240x1xf32, #tpu.memory_space<vmem>>, %arg4: memref<1x128xf32, #tpu.memory_space<vmem>>, %arg5: memref<1x128xf32, #tpu.memory_space<vmem>>, %arg6: memref<128x64xf32, #tpu.memory_space<vmem>>, %arg7: memref<10240x64xf32, #tpu.memory_space<vmem>>) attributes {dimension_semantics = [], scalar_prefetch = 0 : i64, scratch_operands = 0 : i64, tpu.core_type = #tpu.core_type<tc>} {
    %get3A = arith.constant 0 : index
    %get3A_0 = arith.constant 0 : index
    %get3A_1 = vector.load %arg0[%get3A, %get3A_0] : memref<10240x1xf32, #tpu.memory_space<vmem>>, vector<10240x1xf32>
    %get3A_2 = arith.constant 0 : index
    %get3A_3 = arith.constant 0 : index
    %get3A_4 = vector.load %arg1[%get3A_2, %get3A_3] : memref<10240x1xf32, #tpu.memory_space<vmem>>, vector<10240x1xf32>
    %get3A_5 = arith.constant 0 : index
    %get3A_6 = arith.constant 0 : index
    %get3A_7 = vector.load %arg2[%get3A_5, %get3A_6] : memref<10240x1xf32, #tpu.memory_space<vmem>>, vector<10240x1xf32>
    %get3A_8 = arith.constant 0 : index
    %get3A_9 = arith.constant 0 : index
    %get3A_10 = vector.load %arg3[%get3A_8, %get3A_9] : memref<10240x1xf32, #tpu.memory_space<vmem>>, vector<10240x1xf32>
    %add3A = arith.addf %get3A_7, %get3A_10 : vector<10240x1xf32>
    %add3A_11 = arith.addf %add3A, %get3A_4 : vector<10240x1xf32>
    %mul3A = arith.mulf %get3A_1, %add3A_11 : vector<10240x1xf32>
    %get3A_12 = arith.constant 0 : index
    %get3A_13 = arith.constant 0 : index
    %get3A_14 = vector.load %arg4[%get3A_12, %get3A_13] : memref<1x128xf32, #tpu.memory_space<vmem>>, vector<1x128xf32>
    %mul3A_15 = vector.broadcast %mul3A : vector<10240x1xf32> to vector<10240x128xf32>
    %mul3A_16 = vector.broadcast %get3A_14 : vector<1x128xf32> to vector<10240x128xf32>
    %mul3A_17 = arith.mulf %mul3A_15, %mul3A_16 : vector<10240x128xf32>
    %get3A_18 = arith.constant 0 : index
    %get3A_19 = arith.constant 0 : index
    %get3A_20 = vector.load %arg5[%get3A_18, %get3A_19] : memref<1x128xf32, #tpu.memory_space<vmem>>, vector<1x128xf32>
    %add3A_21 = vector.broadcast %get3A_20 : vector<1x128xf32> to vector<10240x128xf32>
    %add3A_22 = arith.addf %mul3A_17, %add3A_21 : vector<10240x128xf32>
    %max3A = arith.constant 0.000000e+00 : f32
    %max3A_23 = vector.broadcast %max3A : f32 to vector<10240x128xf32>
    %max3A_24 = arith.maximumf %add3A_22, %max3A_23 : vector<10240x128xf32>
    %get3A_25 = arith.constant 0 : index
    %get3A_26 = arith.constant 0 : index
    %get3A_27 = vector.load %arg6[%get3A_25, %get3A_26] : memref<128x64xf32, #tpu.memory_space<vmem>>, vector<128x64xf32>
    %dot_general3A = arith.constant dense<0.000000e+00> : vector<10240x64xf32>
    %dot_general3A_28 = tpu.matmul %max3A_24, %get3A_27, %dot_general3A {dimension_numbers = #tpu.dot_dimension_numbers<[1], [0], [0], [1], [0, 0, 1, 1], [], []>, transpose_lhs_hint = false} : vector<10240x128xf32>, vector<128x64xf32>, vector<10240x64xf32> -> vector<10240x64xf32>
    %mul3A_29 = vector.broadcast %get3A_1 : vector<10240x1xf32> to vector<10240x64xf32>
    %mul3A_30 = arith.mulf %dot_general3A_28, %mul3A_29 : vector<10240x64xf32>
    %swap3A = arith.constant 0 : index
    %swap3A_31 = arith.constant 0 : index
    %swap3A_32 = vector.load %arg7[%swap3A, %swap3A_31] : memref<10240x64xf32, #tpu.memory_space<vmem>>, vector<10240x64xf32>
    tpu.vector_store %arg7[%swap3A, %swap3A_31], %mul3A_30 {strides = array<i32>} : memref<10240x64xf32, #tpu.memory_space<vmem>>, vector<10240x64xf32>,
    return
  }
}

module attributes {stable_mosaic.version = 14 : i64} {
  func.func @_tc_z2_body(%arg0: memref<10240x1xf32, #tpu.memory_space<vmem>>, %arg1: memref<10240x64xf32, #tpu.memory_space<vmem>>, %arg2: memref<10240x64xf32, #tpu.memory_space<vmem>>, %arg3: memref<10240x64xf32, #tpu.memory_space<vmem>>, %arg4: memref<1x64xf32, #tpu.memory_space<vmem>>, %arg5: memref<10240x64xf32, #tpu.memory_space<vmem>>) attributes {dimension_semantics = [], scalar_prefetch = 0 : i64, scratch_operands = 0 : i64, tpu.core_type = #tpu.core_type<tc>} {
    %get3A = arith.constant 0 : index
    %get3A_0 = arith.constant 0 : index
    %get3A_1 = vector.load %arg0[%get3A, %get3A_0] : memref<10240x1xf32, #tpu.memory_space<vmem>>, vector<10240x1xf32>
    %get3A_2 = arith.constant 0 : index
    %get3A_3 = arith.constant 0 : index
    %get3A_4 = vector.load %arg1[%get3A_2, %get3A_3] : memref<10240x64xf32, #tpu.memory_space<vmem>>, vector<10240x64xf32>
    %get3A_5 = arith.constant 0 : index
    %get3A_6 = arith.constant 0 : index
    %get3A_7 = vector.load %arg2[%get3A_5, %get3A_6] : memref<10240x64xf32, #tpu.memory_space<vmem>>, vector<10240x64xf32>
    %add3A = arith.addf %get3A_4, %get3A_7 : vector<10240x64xf32>
    %get3A_8 = arith.constant 0 : index
    %get3A_9 = arith.constant 0 : index
    %get3A_10 = vector.load %arg3[%get3A_8, %get3A_9] : memref<10240x64xf32, #tpu.memory_space<vmem>>, vector<10240x64xf32>
    %add3A_11 = arith.addf %add3A, %get3A_10 : vector<10240x64xf32>
    %mul3A = vector.broadcast %get3A_1 : vector<10240x1xf32> to vector<10240x64xf32>
    %mul3A_12 = arith.mulf %mul3A, %add3A_11 : vector<10240x64xf32>
    %get3A_13 = arith.constant 0 : index
    %get3A_14 = arith.constant 0 : index
    %get3A_15 = vector.load %arg4[%get3A_13, %get3A_14] : memref<1x64xf32, #tpu.memory_space<vmem>>, vector<1x64xf32>
    %add3A_16 = vector.broadcast %get3A_15 : vector<1x64xf32> to vector<10240x64xf32>
    %add3A_17 = arith.addf %mul3A_12, %add3A_16 : vector<10240x64xf32>
    %max3A = arith.constant 0.000000e+00 : f32
    %max3A_18 = vector.broadcast %max3A : f32 to vector<10240x64xf32>
    %max3A_19 = arith.maximumf %add3A_17, %max3A_18 : vector<10240x64xf32>
    %swap3A = arith.constant 0 : index
    %swap3A_20 = arith.constant 0 : index
    %swap3A_21 = vector.load %arg5[%swap3A, %swap3A_20] : memref<10240x64xf32, #tpu.memory_space<vmem>>, vector<10240x64xf32>
    tpu.vector_store %arg5[%swap3A, %swap3A_20], %max3A_19 {strides = array<i32>} : memref<10240x64xf32, #tpu.memory_space<vmem>>, vector<10240x64xf32>,
    return
  }
}

module attributes {stable_mosaic.version = 14 : i64} {
  func.func @_tc_attr_body(%arg0: i32, %arg1: memref<2048x768xf32, #tpu.memory_space<vmem>>, %arg2: memref<768x128xf32, #tpu.memory_space<vmem>>, %arg3: memref<2048x128xf32, #tpu.memory_space<vmem>>) attributes {dimension_semantics = [#tpu.dimension_semantics<arbitrary>], iteration_bounds = array<i64: 49>, scalar_prefetch = 0 : i64, scratch_operands = 0 : i64, tpu.core_type = #tpu.core_type<tc>, window_params = [{transform_indices = @transform_0, window_bounds = array<i64: 2048, 768>}, {pipeline_mode = #tpu.pipeline_mode<synchronous>, transform_indices = @transform_1, window_bounds = array<i64: 768, 128>}, {transform_indices = @transform_2, window_bounds = array<i64: 2048, 128>}]} {
    %get3A = arith.constant 0 : index
    %get3A_0 = arith.constant 0 : index
    %get3A_1 = vector.load %arg1[%get3A, %get3A_0] : memref<2048x768xf32, #tpu.memory_space<vmem>>, vector<2048x768xf32>
    %get3A_2 = arith.constant 0 : index
    %get3A_3 = arith.constant 0 : index
    %get3A_4 = vector.load %arg2[%get3A_2, %get3A_3] : memref<768x128xf32, #tpu.memory_space<vmem>>, vector<768x128xf32>
    %dot_general3A = arith.constant dense<0.000000e+00> : vector<2048x128xf32>
    %dot_general3A_5 = tpu.matmul %get3A_1, %get3A_4, %dot_general3A {dimension_numbers = #tpu.dot_dimension_numbers<[1], [0], [0], [1], [0, 0, 1, 1], [], []>, transpose_lhs_hint = false} : vector<2048x768xf32>, vector<768x128xf32>, vector<2048x128xf32> -> vector<2048x128xf32>
    %swap3A = arith.constant 0 : index
    %swap3A_6 = arith.constant 0 : index
    %swap3A_7 = vector.load %arg3[%swap3A, %swap3A_6] : memref<2048x128xf32, #tpu.memory_space<vmem>>, vector<2048x128xf32>
    tpu.vector_store %arg3[%swap3A, %swap3A_6], %dot_general3A_5 {strides = array<i32>} : memref<2048x128xf32, #tpu.memory_space<vmem>>, vector<2048x128xf32>,
    return
  }
  func.func @transform_0(%arg0: i32) -> (i32, i32) {
    %c0_i32 = arith.constant 0 : i32
    %c0_i32_0 = arith.constant 0 : i32
    return %arg0, %c0_i32 : i32, i32
  }
  func.func @transform_1(%arg0: i32) -> (i32, i32) {
    %c0_i32 = arith.constant 0 : i32
    %c0_i32_0 = arith.constant 0 : i32
    %c0_i32_1 = arith.constant 0 : i32
    return %c0_i32, %c0_i32_0 : i32, i32
  }
  func.func @transform_2(%arg0: i32) -> (i32, i32) {
    %c0_i32 = arith.constant 0 : i32
    %c0_i32_0 = arith.constant 0 : i32
    return %arg0, %c0_i32 : i32, i32
  }
}

module attributes {stable_mosaic.version = 14 : i64} {
  func.func @_tc_dec_body(%arg0: i32, %arg1: memref<2048x64xf32, #tpu.memory_space<vmem>>, %arg2: memref<2048x128xf32, #tpu.memory_space<vmem>>, %arg3: memref<64x128xf32, #tpu.memory_space<vmem>>, %arg4: memref<1x128xf32, #tpu.memory_space<vmem>>, %arg5: memref<128x5xf32, #tpu.memory_space<vmem>>, %arg6: memref<1x5xf32, #tpu.memory_space<vmem>>, %arg7: memref<2048x5xf32, #tpu.memory_space<vmem>>) attributes {dimension_semantics = [#tpu.dimension_semantics<arbitrary>], iteration_bounds = array<i64: 49>, scalar_prefetch = 0 : i64, scratch_operands = 0 : i64, tpu.core_type = #tpu.core_type<tc>, window_params = [{transform_indices = @transform_0, window_bounds = array<i64: 2048, 64>}, {transform_indices = @transform_1, window_bounds = array<i64: 2048, 128>}, {pipeline_mode = #tpu.pipeline_mode<synchronous>, transform_indices = @transform_2, window_bounds = array<i64: 64, 128>}, {pipeline_mode = #tpu.pipeline_mode<synchronous>, transform_indices = @transform_3, window_bounds = array<i64: 1, 128>}, {pipeline_mode = #tpu.pipeline_mode<synchronous>, transform_indices = @transform_4, window_bounds = array<i64: 128, 5>}, {pipeline_mode = #tpu.pipeline_mode<synchronous>, transform_indices = @transform_5, window_bounds = array<i64: 1, 5>}, {transform_indices = @transform_6, window_bounds = array<i64: 2048, 5>}]} {
    %get3A = arith.constant 0 : index
    %get3A_0 = arith.constant 0 : index
    %get3A_1 = vector.load %arg1[%get3A, %get3A_0] : memref<2048x64xf32, #tpu.memory_space<vmem>>, vector<2048x64xf32>
    %get3A_2 = arith.constant 0 : index
    %get3A_3 = arith.constant 0 : index
    %get3A_4 = vector.load %arg3[%get3A_2, %get3A_3] : memref<64x128xf32, #tpu.memory_space<vmem>>, vector<64x128xf32>
    %dot_general3A = arith.constant dense<0.000000e+00> : vector<2048x128xf32>
    %dot_general3A_5 = tpu.matmul %get3A_1, %get3A_4, %dot_general3A {dimension_numbers = #tpu.dot_dimension_numbers<[1], [0], [0], [1], [0, 0, 1, 1], [], []>, transpose_lhs_hint = false} : vector<2048x64xf32>, vector<64x128xf32>, vector<2048x128xf32> -> vector<2048x128xf32>
    %get3A_6 = arith.constant 0 : index
    %get3A_7 = arith.constant 0 : index
    %get3A_8 = vector.load %arg2[%get3A_6, %get3A_7] : memref<2048x128xf32, #tpu.memory_space<vmem>>, vector<2048x128xf32>
    %add3A = arith.addf %dot_general3A_5, %get3A_8 : vector<2048x128xf32>
    %get3A_9 = arith.constant 0 : index
    %get3A_10 = arith.constant 0 : index
    %get3A_11 = vector.load %arg4[%get3A_9, %get3A_10] : memref<1x128xf32, #tpu.memory_space<vmem>>, vector<1x128xf32>
    %add3A_12 = vector.broadcast %get3A_11 : vector<1x128xf32> to vector<2048x128xf32>
    %add3A_13 = arith.addf %add3A, %add3A_12 : vector<2048x128xf32>
    %max3A = arith.constant 0.000000e+00 : f32
    %max3A_14 = vector.broadcast %max3A : f32 to vector<2048x128xf32>
    %max3A_15 = arith.maximumf %add3A_13, %max3A_14 : vector<2048x128xf32>
    %get3A_16 = arith.constant 0 : index
    %get3A_17 = arith.constant 0 : index
    %get3A_18 = vector.load %arg5[%get3A_16, %get3A_17] : memref<128x5xf32, #tpu.memory_space<vmem>>, vector<128x5xf32>
    %dot_general3A_19 = arith.constant dense<0.000000e+00> : vector<2048x5xf32>
    %dot_general3A_20 = tpu.matmul %max3A_15, %get3A_18, %dot_general3A_19 {dimension_numbers = #tpu.dot_dimension_numbers<[1], [0], [0], [1], [0, 0, 1, 1], [], []>, transpose_lhs_hint = false} : vector<2048x128xf32>, vector<128x5xf32>, vector<2048x5xf32> -> vector<2048x5xf32>
    %get3A_21 = arith.constant 0 : index
    %get3A_22 = arith.constant 0 : index
    %get3A_23 = vector.load %arg6[%get3A_21, %get3A_22] : memref<1x5xf32, #tpu.memory_space<vmem>>, vector<1x5xf32>
    %add3A_24 = vector.broadcast %get3A_23 : vector<1x5xf32> to vector<2048x5xf32>
    %add3A_25 = arith.addf %dot_general3A_20, %add3A_24 : vector<2048x5xf32>
    %reduce_max3A = arith.constant dense<0xFF800000> : vector<2048xf32>
    %reduce_max3A_26 = vector.multi_reduction <maximumf>, %add3A_25, %reduce_max3A [1] : vector<2048x5xf32> to vector<2048xf32>
    %broadcast_in_dim3A = vector.shape_cast %reduce_max3A_26 : vector<2048xf32> to vector<2048x1xf32>
    %sub3A = vector.broadcast %broadcast_in_dim3A : vector<2048x1xf32> to vector<2048x5xf32>
    %sub3A_27 = arith.subf %add3A_25, %sub3A : vector<2048x5xf32>
    %exp3A = math.exp %sub3A_27 : vector<2048x5xf32>
    %reduce_sum3A = arith.constant dense<0.000000e+00> : vector<2048xf32>
    %reduce_sum3A_28 = vector.multi_reduction <add>, %exp3A, %reduce_sum3A [1] : vector<2048x5xf32> to vector<2048xf32>
    %broadcast_in_dim3A_29 = vector.shape_cast %reduce_sum3A_28 : vector<2048xf32> to vector<2048x1xf32>
    %div3A = vector.broadcast %broadcast_in_dim3A_29 : vector<2048x1xf32> to vector<2048x5xf32>
    %div3A_30 = arith.divf %exp3A, %div3A : vector<2048x5xf32>
    %swap3A = arith.constant 0 : index
    %swap3A_31 = arith.constant 0 : index
    %swap3A_32 = vector.load %arg7[%swap3A, %swap3A_31] : memref<2048x5xf32, #tpu.memory_space<vmem>>, vector<2048x5xf32>
    tpu.vector_store %arg7[%swap3A, %swap3A_31], %div3A_30 {strides = array<i32>} : memref<2048x5xf32, #tpu.memory_space<vmem>>, vector<2048x5xf32>,
    return
  }
  func.func @transform_0(%arg0: i32) -> (i32, i32) {
    %c0_i32 = arith.constant 0 : i32
    %c0_i32_0 = arith.constant 0 : i32
    return %arg0, %c0_i32 : i32, i32
  }
  func.func @transform_1(%arg0: i32) -> (i32, i32) {
    %c0_i32 = arith.constant 0 : i32
    %c0_i32_0 = arith.constant 0 : i32
    return %arg0, %c0_i32 : i32, i32
  }
  func.func @transform_2(%arg0: i32) -> (i32, i32) {
    %c0_i32 = arith.constant 0 : i32
    %c0_i32_0 = arith.constant 0 : i32
    %c0_i32_1 = arith.constant 0 : i32
    return %c0_i32, %c0_i32_0 : i32, i32
  }
  func.func @transform_3(%arg0: i32) -> (i32, i32) {
    %c0_i32 = arith.constant 0 : i32
    %c0_i32_0 = arith.constant 0 : i32
    %c0_i32_1 = arith.constant 0 : i32
    return %c0_i32, %c0_i32_0 : i32, i32
  }
  func.func @transform_4(%arg0: i32) -> (i32, i32) {
    %c0_i32 = arith.constant 0 : i32
    %c0_i32_0 = arith.constant 0 : i32
    %c0_i32_1 = arith.constant 0 : i32
    return %c0_i32, %c0_i32_0 : i32, i32
  }
  func.func @transform_5(%arg0: i32) -> (i32, i32) {
    %c0_i32 = arith.constant 0 : i32
    %c0_i32_0 = arith.constant 0 : i32
    %c0_i32_1 = arith.constant 0 : i32
    return %c0_i32, %c0_i32_0 : i32, i32
  }
  func.func @transform_6(%arg0: i32) -> (i32, i32) {
    %c0_i32 = arith.constant 0 : i32
    %c0_i32_0 = arith.constant 0 : i32
    return %arg0, %c0_i32 : i32, i32
  }
}

</mosaic_0001>

<sc_bundles>
// kernel: kernel.11.cloned.1.call-start
scs
__scs_entry_jumppad:
0x0: {  	(pc) =	sbr.rel $0x88, $3  }
0x1: {  	(tag) =	ssettag $0x0;
	lr =	simm.s32 $0x1  }
0x2: {  	[smem:$0x3F95] =	sst lr;
	_ =	strace $0xD0000000  }
0x3: {  	_ = 	snop  }
0x4: {  	_ = 	snop  }
0x5: {  	_ = 	snop  }
0x6: {  	_ = 	snop  }
0x7: {  	_ = 	snop  }
__scs_overlays_trampoline_lowered:
0x8: {  	[smem:$0x3FA4] =	sst s0  }
0x9: {  	[smem:$0x3FA5] =	sst s1  }
0xa: {  	[smem:$0x3FA6] =	sst s2  }
0xb: {  	[smem:$0x3FA7] =	sst s3  }
0xc: {  	[smem:$0x3FA8] =	sst s4  }
0xd: {  	[smem:$0x3FA9] =	sst s5  }
0xe: {  	[smem:$0x3FAA] =	sst s6  }
0xf: {  	[smem:$0x3FAB] =	sst s7  }
0x10: {  	[smem:$0x3FAC] =	sst s8  }
0x11: {  	[smem:$0x3FAD] =	sst s9;
	s0 =	simm.s32 @!p0 $0x0  }
0x12: {  	s1 =	sld [smem:$0x3F93];
	s0 =	simm.s32 @p0 $0x1  }
0x13: {  	[smem:$0x3FAE] =	sst s0;
	s0 =	simm.s32 @!p1 $0x0  }
0x14: {  	s2 =	sld [smem:$0x3F92];
	s0 =	simm.s32 @p1 $0x1  }
0x15: {  	[smem:$0x3FAF] =	sst s0;
	s0 =	simm.s32 @!p2 $0x0  }
0x16: {  	s3 =	sld [smem:$0x3FDB];
	s0 =	simm.s32 @p2 $0x1  }
0x17: {  	s4 =	simm.s32 $0x1BF5;
	[smem:$0x3FB1] =	sst s0  }
0x18: {  	s0 =	sld [smem:$0x3F94];
	_ =	swait.ge [sflag:s4], $0x0  }
0x19: {  	s7 =	sld [smem:$0x3F95]  }
0x1a: {  	s8 =	sadd.s32 $0xFFFFE003, lr  }
0x1b: {  	s9 =	sadd.s32 $0xFFFFFEF7, lr;
	s5 =	simm.s32 $0xFFFFFFFF;
	p2 =	slt.u32 s8, $0xFFFFF086  }
0x1c: {  	p1 =	slt.u32 s9, $0xF7A;
	s5 =	simm.s32 @!p2 $0x0  }
0x1d: {  	s5 =	simm.s32 @p1 $0x1;
	p0 =	seq.s32 s7, s2  }
0x1e: {  	s7 =	smul.u32 @!p0 $0xF7A, s2;
	p2 =	seq.s32 @!p0 s5, $0x0  }
0x1f: {  	s9 =	smul.u32 $0xF7A, s1;
	s8 =	simm.s32 @!p0 $0x1BF5;
	p2 =	por !p2, p0  }
0x20: {  	[sflag:s8] =	ssyncset.s32 @!p0 $0xFFFFF086;
	s6 =	sadd.s32 @!p0 s3, s7;
	s7 =	simm.s32 @!p0 $0x108  }
0x21: {  	s3 =	sadd.s32 s3, s9;
	s6 =	sadd.s32 @!p0 $0x88, s6;
	s7 =	simm.s32 @p2 $0x1082  }
0x22: {  	[simem:s7], [sflag:s8] =	dma.local @!p0 [hbm:s6], $0xF7A  }
0x23: {  	s9 =	sor.u32 $0xD0000000, s2;
	s6 =	simm.s32 $0x108;
	_ =	swait.ge @!p0 [sflag:s8], $0x0  }
0x24: {  	s3 =	sadd.s32 $0x88, s3;
	s6 =	simm.s32 @!p1 $0x1082;
	[sflag:s4] =	ssyncset.s32 $0xFFFFF086  }
0x25: {  	[simem:s6], [sflag:s4] =	dma.local [hbm:s3], $0xF7A  }
0x26: {  	[smem:$0x3F95] =	sst s1;
	(tag) =	ssettag s2;
	_ =	strace s9  }
0x27: {  	s1 =	sld [smem:$0x3FA5]  }
0x28: {  	s2 =	sld [smem:$0x3FA6]  }
0x29: {  	s4 =	sld [smem:$0x3FA8]  }
0x2a: {  	p0 =	seq.s32 s5, $0x0;
	s5 =	sld [smem:$0x3FA9]  }
0x2b: {  	s6 =	sld [smem:$0x3FAA]  }
0x2c: {  	s7 =	sld [smem:$0x3FAB]  }
0x2d: {  	s3 =	simm.s32 $0x108;
	s8 =	sld [smem:$0x3FAC]  }
0x2e: {  	s3 =	simm.s32 @!p0 $0x1082;
	s9 =	sld [smem:$0x3FAD]  }
0x2f: {  	lr =	sadd.s32 s0, s3;
	s0 =	sld [smem:$0x3FA4]  }
0x30: {  	s3 =	sld [smem:$0x3FA7]  }
0x31: {  	[smem:$0x3FB0] =	sst s10  }
0x32: {  	s10 =	sld [smem:$0x3FAE];
	_ =	sdelay $0x3  }
0x33: {  	p0 =	seq.s32 s10, $0x1;
	s10 =	sld [smem:$0x3FB0];
	_ =	sdelay $0x3  }
0x34: {  	[smem:$0x3FB0] =	sst s10  }
0x35: {  	s10 =	sld [smem:$0x3FAF];
	_ =	sdelay $0x3  }
0x36: {  	p1 =	seq.s32 s10, $0x1;
	s10 =	sld [smem:$0x3FB0];
	_ =	sdelay $0x3  }
0x37: {  	[smem:$0x3FB0] =	sst s10  }
0x38: {  	s10 =	sld [smem:$0x3FB1]  }
0x39: {  	_ = 	snop;
	(pc) =	sbr.ind lr, $3  }
0x3a: {  	_ = 	snop  }
0x3b: {  	_ = 	snop  }
0x3c: {  	p2 =	seq.s32 s10, $0x1;
	s10 =	sld [smem:$0x3FB0]  }
0x3d: {  	_ =	shalt  }
0x3e: {  	_ =	shalt  }
0x3f: {  	_ =	shalt  }
0x40: {  	_ =	shalt  }
0x41: {  	_ =	shalt  }
0x42: {  	_ =	shalt  }
0x43: {  	_ =	shalt  }
0x44: {  	_ =	shalt  }
0x45: {  	_ =	shalt  }
0x46: {  	_ =	shalt  }
0x47: {  	_ =	shalt  }
0x48: {  	_ =	shalt  }
0x49: {  	_ =	shalt  }
0x4a: {  	_ =	shalt  }
0x4b: {  	_ =	shalt  }
0x4c: {  	_ =	shalt  }
0x4d: {  	_ =	shalt  }
0x4e: {  	_ =	shalt  }
0x4f: {  	_ =	shalt  }
0x50: {  	_ =	shalt  }
0x51: {  	_ =	shalt  }
0x52: {  	_ =	shalt  }
0x53: {  	_ =	shalt  }
0x54: {  	_ =	shalt  }
0x55: {  	_ =	shalt  }
0x56: {  	_ =	shalt  }
0x57: {  	_ =	shalt  }
0x58: {  	_ =	shalt  }
0x59: {  	_ =	shalt  }
0x5a: {  	_ =	shalt  }
0x5b: {  	_ =	shalt  }
0x5c: {  	_ =	shalt  }
0x5d: {  	_ =	shalt  }
0x5e: {  	_ =	shalt  }
0x5f: {  	_ =	shalt  }
0x60: {  	_ =	shalt  }
0x61: {  	_ =	shalt  }
0x62: {  	_ =	shalt  }
0x63: {  	_ =	shalt  }
0x64: {  	_ =	shalt  }
0x65: {  	_ =	shalt  }
0x66: {  	_ =	shalt  }
0x67: {  	_ =	shalt  }
0x68: {  	_ =	shalt  }
0x69: {  	_ =	shalt  }
0x6a: {  	_ =	shalt  }
0x6b: {  	_ =	shalt  }
0x6c: {  	_ =	shalt  }
0x6d: {  	_ =	shalt  }
0x6e: {  	_ =	shalt  }
0x6f: {  	_ =	shalt  }
0x70: {  	_ =	shalt  }
0x71: {  	_ =	shalt  }
0x72: {  	_ =	shalt  }
0x73: {  	_ =	shalt  }
0x74: {  	_ =	shalt  }
0x75: {  	_ =	shalt  }
0x76: {  	_ =	shalt  }
0x77: {  	_ =	shalt  }
0x78: {  	_ =	shalt  }
0x79: {  	_ =	shalt  }
0x7a: {  	_ =	shalt  }
0x7b: {  	_ =	shalt  }
0x7c: {  	_ =	shalt  }
0x7d: {  	_ =	shalt  }
0x7e: {  	_ =	shalt  }
0x7f: {  	_ =	shalt  }
0x80: {  	_ =	shalt  }
0x81: {  	_ =	shalt  }
0x82: {  	_ =	shalt  }
0x83: {  	_ =	shalt  }
0x84: {  	_ =	shalt  }
0x85: {  	_ =	shalt  }
0x86: {  	_ =	shalt  }
0x87: {  	_ =	shalt  }
.Lfunc_end0:
.L_simem_size_0:
called_computation_lowered:
.L_overlay_start_0:
0x88: {  	s2 =	sld [smem:$0x3FD9]  }
0x89: {  	s3 =	sld [smem:$0x3FFE];
	_ =	sdelay $0x1  }
0x8a: {  	s1 =	srdreg.scid  }
0x8b: {  	s0 =	sand.u32 $0x1, s1  }
0x8c: {  	s17 =	sshll.u32 s0, $0xA;
	s2 =	sadd.s32 s3, s2  }
0x8d: {  	s2 =	sadd.s32 s2, s17  }
0x8e: {  	[smem:$0x3FBC] =	sst s2  }
0x8f: {  	_ = 	snop  }
0x90: {  	s2 =	sld [smem:$0x3FD0];
	(tm) =	ssettm $0x1  }
0x91: {  	s18 =	sld [smem:$0x3FFB];
	_ =	sdelay $0x3  }
0x92: {  	_ =	strace s18  }
0x93: {  	s3 =	sld [smem:$0x3FFC];
	_ =	sdelay $0x3  }
0x94: {  	_ =	strace s3  }
0x95: {  	s3 =	sld [smem:$0x3FFD];
	_ =	sdelay $0x3  }
0x96: {  	_ =	strace s3  }
0x97: {  	_ =	strace $0x8FFFFFFF  }
0x98: {  	s19 =	sld [smem:$0x3FDB];
	_ =	sdelay $0x1  }
0x99: {  	s4 =	simm.s32 $_scs_section_size  }
0x9a: {  	s5 =	simm.s32 $_size__tile_overlayer_lowered;
	s6 =	simm.s32 $_tile_overlayer_lowered  }
0x9b: {  	s22 =	simm.s32 $0x1BFF;
	s21 =	sshll.u32 s6, $0x1;
	s3 =	sadd.s32 s4, s19  }
0x9c: {  	s7 =	simm.s32 $0x0;
	s20 =	sshll.u32 s5, $0x1;
	s5 =	sadd.s32 s21, s3  }
0x9d: {  	[timem:s7], [sflag:s22] =	dma.local [hbm:s5], s20  }
0x9e: {  	_ =	swait.ge [sflag:s22], s20  }
0x9f: {  	s4 =	ssub.s32 $0x0, s20;
	[sflag:s22] =	ssyncset.done $0x0  }
0xa0: {  	[sflag:s22] =	ssyncadd.s32 s4;
	_ =	sdelay $0x1  }
0xa1: {  	s23 =	simm.s32 $0x1B8B  }
0xa2: {  	_ =	swait.ge [sflag:s23], $0x1  }
0xa3: {  	[sflag:s23] =	ssyncset.done $0x0  }
0xa4: {  	s25 =	simm.s32 $0x1B8E;
	s24 =	sld [smem:$0x3FFE];
	[sflag:s23] =	ssyncadd.s32 $0xFFFFFFFF  }
0xa5: {  	s26 =	simm.s32 $execute0_lowered;
	[smem:$0x3FD2] =	sst s25  }
0xa6: {  	s5 =	sshll.u32 s26, $0x1;
	_ =	strace $0x80000046;
	[dreg:$0x1] =	wrdreg $0xFFFFFFFF  }
0xa7: {  	s28 =	simm.s32 $_size_execute0_lowered;
	s3 =	sadd.s32 s3, s5;
	[dreg:$0x0] =	wrdreg $0x0  }
0xa8: {  	s5 =	sshll.u32 s28, $0x1;
	[dreg:$0x2] =	wrdreg s3  }
0xa9: {  	[dreg:$0x3] =	wrdreg s5  }
0xaa: {  	[dreg:$0x4] =	wrdreg $0xC0  }
0xab: {  	_ =	task [dreg:s7], $0x5FFFF  }
0xac: {  	[dreg:$0x1] =	wrdreg $0xFFFFFFFF  }
0xad: {  	[dreg:$0x0] =	wrdreg $0x60  }
0xae: {  	[dreg:$0x2] =	wrdreg s2  }
0xaf: {  	[dreg:$0x3] =	wrdreg s24  }
0xb0: {  	[dreg:$0x4] =	wrdreg $0x7000  }
0xb1: {  	[dreg:$0x5] =	wrdreg $0x9  }
0xb2: {  	_ =	task.clear_ibuf [dreg:s7], $0x6FFFF;
	_ =	strace $0x90000046  }
0xb3: {  	s29 =	simm.s32 $0x9;
	_ =	strace $0x80000048  }
0xb4: {  	_ =	swait.ge [sflag:s29], $0x1  }
0xb5: {  	[sflag:s29] =	ssyncadd.s32 $0xFFFFFFFF  }
0xb6: {  	_ =	strace $0x90000048  }
0xb7: {  	_ =	sfence  }
0xb8: {  	s30 =	sld [smem:$0x0];
	_ =	sdelay $0x2  }
0xb9: {  	s31 =	sshll.u32 s1, $0xD;
	s1 =	sshrl.u32 s1, $0x2  }
0xba: {  	s3 =	sand.u32 $0x4000, s31;
	s1 =	sadd.s32 s1, s30  }
0xbb: {  	s0 =	sor.u32 s3, s0;
	s1 =	sshll.u32 s1, $0x11  }
0xbc: {  	s0 =	sor.u32 s1, s0  }
0xbd: {  	s0 =	sadd.s32 $0x8F2B, s0  }
0xbe: {  	[sflag:s0] =	ssyncadd.remote.s32 $0x1  }
0xbf: {  	_ =	sfence.sel $0xFFFF  }
0xc0: {  	[dreg:$0x0] =	wrdreg $0xFFFFFFFF;
	(pc) =	sbr.abs _section_cstart, $3  }
0xc1: {  	[dreg:$0x1] =	wrdreg $0xFFFFFFFF  }
0xc2: {  	_ =	task.clear_ibuf [dreg:s7], $0x2FFFF;
	_ =	strace $0x9FFFFFFF  }
0xc3: {  	(tm) =	ssettm $0x7FFFFFFF  }
tec
execute0_lowered:
.L_overlay_start_1:
0x0: {  	(tag) =	ssettag $0x1  }
0x1: {  	s5 =	rddreg [dreg:$0x0]  }
0x2: {  	s4 =	rddreg [dreg:$0x1]  }
0x3: {  	s1 =	srdreg.scid;
	s0 =	stileid.u32  }
0x4: {  	s2 =	rddreg [dreg:$0x2];
	s3 =	simm.s32 $0x0;
	s11 =	simm.s32 $0x400  }
0x5: {  	s12 =	simm.s32 $0x100;
	s13 =	simm.s32 $0x180;
	s14 =	simm.s32 $0x200  }
0x6: {  	s15 =	simm.s32 $0x280;
	s16 =	simm.s32 $0x300;
	s17 =	simm.s32 $0x380  }
0x7: {  	s18 =	simm.s32 $0x1;
	s21 =	simm.s32 $0x0;
	s7 =	smul.u32 $0x280, s0  }
0x8: {  	s6 =	sand.u32 $0x1, s1;
	s1 =	rddreg [dreg:$0x3];
	s10 =	smul.u32 $0xA00, s0  }
0x9: {  	[smem:$0x7FF] =	sst s3;
	s19 =	sshll.u32 s0, $0x6;
	s8 =	smul.u32 $0x2800, s6  }
0xa: {  	_ =	strace $0x80000047;
	s9 =	ssub.s32 $0x2, s6;
	s6 =	smul.u32 $0xA000, s6  }
0xb: {  	s19 =	sor.u32 $0x1C02, s19;
	s30 =	sshrl.u32 s9, $0x1;
	s8 =	sadd.s32 s7, s8  }
0xc: {  	s9 =	ssub.s32 s9, s30;
	s31 =	sadd.s32 s6, s5;
	s8 =	sshrl.u32 s8, $0x3  }
0xd: {  	s6 =	smax.u32 s9, $0x1;
	s9 =	simm.s32 $0x2;
	s8 =	sadd.s32 s8, s4  }
0xe: {  	s4 =	sadd.s32 s7, s2;
	s7 =	sadd.s32 s10, s31;
	s10 =	simm.s32 $0x80  }
0xf: {  	v0 =	vimm.f32 $0.0e+00;
	v1 =	vimm.f32 $1.000000000e+00;
	s5 =	sadd.s32 $0x2600, s8;
	s8 =	simm.s32 $0x480;
	s20 =	sshrl.u32 s4, $0x3  }
.LBB2_1:
0x10: {  	[tilespmem:$0x480] =	vst v0  }
0x11: {  	[tilespmem:$0x490] =	vst v0  }
0x12: {  	[tilespmem:$0x4A0] =	vst v0  }
0x13: {  	[tilespmem:$0x4B0] =	vst v0  }
0x14: {  	[tilespmem:$0x4C0] =	vst v0  }
0x15: {  	[tilespmem:$0x4D0] =	vst v0  }
0x16: {  	[tilespmem:$0x4E0] =	vst v0  }
0x17: {  	[tilespmem:$0x4F0] =	vst v0  }
0x18: {  	[tilespmem:$0x500] =	vst v0  }
0x19: {  	[tilespmem:$0x510] =	vst v0  }
0x1a: {  	[tilespmem:$0x520] =	vst v0  }
0x1b: {  	[tilespmem:$0x530] =	vst v0  }
0x1c: {  	[tilespmem:$0x540] =	vst v0  }
0x1d: {  	[tilespmem:$0x550] =	vst v0  }
0x1e: {  	[tilespmem:$0x560] =	vst v0  }
0x1f: {  	[tilespmem:$0x570] =	vst v0  }
0x20: {  	[tilespmem:$0x580] =	vst v0  }
0x21: {  	[tilespmem:$0x590] =	vst v0  }
0x22: {  	[tilespmem:$0x5A0] =	vst v0  }
0x23: {  	[tilespmem:$0x5B0] =	vst v0  }
0x24: {  	[tilespmem:$0x5C0] =	vst v0  }
0x25: {  	[tilespmem:$0x5D0] =	vst v0  }
0x26: {  	[tilespmem:$0x5E0] =	vst v0  }
0x27: {  	[tilespmem:$0x5F0] =	vst v0  }
0x28: {  	[tilespmem:$0x600] =	vst v0  }
0x29: {  	[tilespmem:$0x610] =	vst v0  }
0x2a: {  	[tilespmem:$0x620] =	vst v0  }
0x2b: {  	[tilespmem:$0x630] =	vst v0  }
0x2c: {  	[tilespmem:$0x640] =	vst v0  }
0x2d: {  	[tilespmem:$0x650] =	vst v0  }
0x2e: {  	[tilespmem:$0x660] =	vst v0  }
0x2f: {  	[tilespmem:$0x670] =	vst v0  }
0x30: {  	[tilespmem:$0x680] =	vst v0  }
0x31: {  	[tilespmem:$0x690] =	vst v0  }
0x32: {  	[tilespmem:$0x6A0] =	vst v0  }
0x33: {  	[tilespmem:$0x6B0] =	vst v0  }
0x34: {  	[tilespmem:$0x6C0] =	vst v0  }
0x35: {  	[tilespmem:$0x6D0] =	vst v0  }
0x36: {  	[tilespmem:$0x6E0] =	vst v0  }
0x37: {  	[tilespmem:$0x6F0] =	vst v0  }
0x38: {  	[spmem:s4] =	stream.linear.scatter [tilespmem:s8], [sflag:$0x2], $0x280, $0x38;
	[tilespmem:$0x980] =	vst v63  }
0x39: {  	_ =	swait.ge [sflag:s9], $0x280  }
0x3a: {  	[sflag:s9] =	ssyncset.done $0x0  }
0x3b: {  	[sflag:s9] =	ssyncadd.s32 $0xFFFFFD80  }
0x3c: {  	[tilespmem:$0x400] =	vst v1  }
0x3d: {  	[tilespmem:$0x410] =	vst v1  }
0x3e: {  	[tilespmem:$0x420] =	vst v1  }
0x3f: {  	[tilespmem:$0x430] =	vst v1  }
0x40: {  	[tilespmem:$0x440] =	vst v1  }
0x41: {  	[tilespmem:$0x450] =	vst v1  }
0x42: {  	[tilespmem:$0x460] =	vst v1  }
0x43: {  	[tilespmem:$0x470] =	vst v1  }
0x44: {  	s22 =	sadd.s32 $0x0, s7;
	[bflag:$0x0] =	sbarrier.arrive $0xFFFF  }
0x45: {  	[tilespmem:s3], [sflag:$0x2] =	stream.linear.gather [hbm4b:s22+s3], $0x400, $0x38;
	[tilespmem:$0x980] =	vst v63  }
0x46: {  	_ =	swait.ge [sflag:s9], $0x400  }
0x47: {  	[sflag:s9] =	ssyncset.done $0x0  }
0x48: {  	[sflag:s9] =	ssyncadd.s32 $0xFFFFFC00  }
0x49: {  	[spmem:s2] =	stream.indirect.scatter.add.f32 [tilespmem:s11], [sflag:$0x1], $0x1, s3, s10, $0xb8;
	[tilespmem:$0x980] =	vst v63  }
0x4a: {  	_ = 	snop  }
0x4b: {  	[spmem:s2] =	stream.indirect.scatter.add.f32 [tilespmem:s11], [sflag:$0x1], $0x1, s10, s10, $0xb8;
	[tilespmem:$0x980] =	vst v63  }
0x4c: {  	_ = 	snop  }
0x4d: {  	[spmem:s2] =	stream.indirect.scatter.add.f32 [tilespmem:s11], [sflag:$0x1], $0x1, s12, s10, $0xb8;
	[tilespmem:$0x980] =	vst v63  }
0x4e: {  	_ = 	snop  }
0x4f: {  	[spmem:s2] =	stream.indirect.scatter.add.f32 [tilespmem:s11], [sflag:$0x1], $0x1, s13, s10, $0xb8;
	[tilespmem:$0x980] =	vst v63  }
0x50: {  	_ = 	snop  }
0x51: {  	[spmem:s2] =	stream.indirect.scatter.add.f32 [tilespmem:s11], [sflag:$0x1], $0x1, s14, s10, $0xb8;
	[tilespmem:$0x980] =	vst v63  }
0x52: {  	_ = 	snop  }
0x53: {  	[spmem:s2] =	stream.indirect.scatter.add.f32 [tilespmem:s11], [sflag:$0x1], $0x1, s15, s10, $0xb8;
	[tilespmem:$0x980] =	vst v63  }
0x54: {  	_ = 	snop  }
0x55: {  	[spmem:s2] =	stream.indirect.scatter.add.f32 [tilespmem:s11], [sflag:$0x1], $0x1, s16, s10, $0xb8;
	[tilespmem:$0x980] =	vst v63  }
0x56: {  	_ = 	snop  }
0x57: {  	[spmem:s2] =	stream.indirect.scatter.add.f32 [tilespmem:s11], [sflag:$0x1], $0x1, s17, s10, $0xb8;
	[tilespmem:$0x980] =	vst v63  }
0x58: {  	_ =	swait.ge [sflag:s18], $0x80  }
0x59: {  	[sflag:s18] =	ssyncset.done $0x0  }
0x5a: {  	[sflag:s18] =	ssyncadd.s32 $0xFFFFFF80  }
0x5b: {  	_ =	swait.ge [sflag:s18], $0x80  }
0x5c: {  	[sflag:s18] =	ssyncset.done $0x0  }
0x5d: {  	[sflag:s18] =	ssyncadd.s32 $0xFFFFFF80  }
0x5e: {  	_ =	swait.ge [sflag:s18], $0x80  }
0x5f: {  	[sflag:s18] =	ssyncset.done $0x0  }
0x60: {  	[sflag:s18] =	ssyncadd.s32 $0xFFFFFF80  }
0x61: {  	_ =	swait.ge [sflag:s18], $0x80  }
0x62: {  	[sflag:s18] =	ssyncset.done $0x0  }
0x63: {  	[sflag:s18] =	ssyncadd.s32 $0xFFFFFF80  }
0x64: {  	_ =	swait.ge [sflag:s18], $0x80  }
0x65: {  	[sflag:s18] =	ssyncset.done $0x0  }
0x66: {  	[sflag:s18] =	ssyncadd.s32 $0xFFFFFF80  }
0x67: {  	_ =	swait.ge [sflag:s18], $0x80  }
0x68: {  	[sflag:s18] =	ssyncset.done $0x0  }
0x69: {  	[sflag:s18] =	ssyncadd.s32 $0xFFFFFF80  }
0x6a: {  	_ =	swait.ge [sflag:s18], $0x80  }
0x6b: {  	[sflag:s18] =	ssyncset.done $0x0  }
0x6c: {  	[sflag:s18] =	ssyncadd.s32 $0xFFFFFF80  }
0x6d: {  	_ =	swait.ge [sflag:s18], $0x80  }
0x6e: {  	s24 =	simm.s32 $0x100;
	s22 =	simm.s32 $0x80;
	[sflag:s18] =	ssyncset.done $0x0  }
.LBB2_2:
0x6f: {  	s25 =	sadd.s32 s22, s7  }
0x70: {  	[sflag:s18] =	ssyncadd.s32 $0xFFFFFF80;
	s22 =	smov.u32 s24;
	s23 =	sadd.s32 $0x80, s24  }
0x71: {  	[tilespmem:s3], [sflag:$0x2] =	stream.linear.gather [hbm4b:s25+s3], $0x400, $0x38;
	[tilespmem:$0x980] =	vst v63  }
0x72: {  	p0 =	sne.s32 s24, $0x980;
	_ =	swait.ge [sflag:s9], $0x400  }
0x73: {  	[sflag:s9] =	ssyncset.done $0x0  }
0x74: {  	[sflag:s9] =	ssyncadd.s32 $0xFFFFFC00  }
0x75: {  	[spmem:s2] =	stream.indirect.scatter.add.f32 [tilespmem:s11], [sflag:$0x1], $0x1, s3, s10, $0xb8;
	[tilespmem:$0x980] =	vst v63  }
0x76: {  	_ = 	snop  }
0x77: {  	[spmem:s2] =	stream.indirect.scatter.add.f32 [tilespmem:s11], [sflag:$0x1], $0x1, s10, s10, $0xb8;
	[tilespmem:$0x980] =	vst v63  }
0x78: {  	_ = 	snop  }
0x79: {  	[spmem:s2] =	stream.indirect.scatter.add.f32 [tilespmem:s11], [sflag:$0x1], $0x1, s12, s10, $0xb8;
	[tilespmem:$0x980] =	vst v63  }
0x7a: {  	_ = 	snop  }
0x7b: {  	[spmem:s2] =	stream.indirect.scatter.add.f32 [tilespmem:s11], [sflag:$0x1], $0x1, s13, s10, $0xb8;
	[tilespmem:$0x980] =	vst v63  }
0x7c: {  	_ = 	snop  }
0x7d: {  	[spmem:s2] =	stream.indirect.scatter.add.f32 [tilespmem:s11], [sflag:$0x1], $0x1, s14, s10, $0xb8;
	[tilespmem:$0x980] =	vst v63  }
0x7e: {  	_ = 	snop  }
0x7f: {  	[spmem:s2] =	stream.indirect.scatter.add.f32 [tilespmem:s11], [sflag:$0x1], $0x1, s15, s10, $0xb8;
	[tilespmem:$0x980] =	vst v63  }
0x80: {  	_ = 	snop  }
0x81: {  	[spmem:s2] =	stream.indirect.scatter.add.f32 [tilespmem:s11], [sflag:$0x1], $0x1, s16, s10, $0xb8;
	[tilespmem:$0x980] =	vst v63  }
0x82: {  	_ = 	snop  }
0x83: {  	[spmem:s2] =	stream.indirect.scatter.add.f32 [tilespmem:s11], [sflag:$0x1], $0x1, s17, s10, $0xb8;
	[tilespmem:$0x980] =	vst v63  }
0x84: {  	_ =	swait.ge [sflag:s18], $0x80  }
0x85: {  	[sflag:s18] =	ssyncset.done $0x0  }
0x86: {  	[sflag:s18] =	ssyncadd.s32 $0xFFFFFF80  }
0x87: {  	_ =	swait.ge [sflag:s18], $0x80  }
0x88: {  	[sflag:s18] =	ssyncset.done $0x0  }
0x89: {  	[sflag:s18] =	ssyncadd.s32 $0xFFFFFF80  }
0x8a: {  	_ =	swait.ge [sflag:s18], $0x80  }
0x8b: {  	[sflag:s18] =	ssyncset.done $0x0  }
0x8c: {  	[sflag:s18] =	ssyncadd.s32 $0xFFFFFF80  }
0x8d: {  	_ =	swait.ge [sflag:s18], $0x80  }
0x8e: {  	[sflag:s18] =	ssyncset.done $0x0  }
0x8f: {  	[sflag:s18] =	ssyncadd.s32 $0xFFFFFF80  }
0x90: {  	_ =	swait.ge [sflag:s18], $0x80  }
0x91: {  	[sflag:s18] =	ssyncset.done $0x0  }
0x92: {  	[sflag:s18] =	ssyncadd.s32 $0xFFFFFF80  }
0x93: {  	_ =	swait.ge [sflag:s18], $0x80  }
0x94: {  	[sflag:s18] =	ssyncset.done $0x0  }
0x95: {  	[sflag:s18] =	ssyncadd.s32 $0xFFFFFF80  }
.Ltmp0:
0x96: {  	_ =	swait.ge [sflag:s18], $0x80;
	(pc) =	sbr.rel @p0 .LBB2_2-.Ltmp0, $4  }
0x97: {  	[sflag:s18] =	ssyncset.done $0x0  }
0x98: {  	[sflag:s18] =	ssyncadd.s32 $0xFFFFFF80  }
0x99: {  	_ =	swait.ge [sflag:s18], $0x80  }
0x9a: {  	s24 =	smov.u32 s23;
	[sflag:s18] =	ssyncset.done $0x0  }
0x9b: {  	s22 =	sadd.s32 s22, s7;
	[sflag:s18] =	ssyncadd.s32 $0xFFFFFF80  }
0x9c: {  	[tilespmem:s3], [sflag:$0x2] =	stream.linear.gather [hbm4b:s22+s3], $0x400, $0x38;
	[tilespmem:$0x980] =	vst v63  }
0x9d: {  	_ =	swait.ge [sflag:s9], $0x400  }
0x9e: {  	[sflag:s9] =	ssyncset.done $0x0  }
0x9f: {  	[sflag:s9] =	ssyncadd.s32 $0xFFFFFC00  }
0xa0: {  	[spmem:s2] =	stream.indirect.scatter.add.f32 [tilespmem:s11], [sflag:$0x1], $0x1, s3, s10, $0xb8;
	[tilespmem:$0x980] =	vst v63  }
0xa1: {  	_ = 	snop  }
0xa2: {  	[spmem:s2] =	stream.indirect.scatter.add.f32 [tilespmem:s11], [sflag:$0x1], $0x1, s10, s10, $0xb8;
	[tilespmem:$0x980] =	vst v63  }
0xa3: {  	_ = 	snop  }
0xa4: {  	[spmem:s2] =	stream.indirect.scatter.add.f32 [tilespmem:s11], [sflag:$0x1], $0x1, s12, s10, $0xb8;
	[tilespmem:$0x980] =	vst v63  }
0xa5: {  	_ = 	snop  }
0xa6: {  	[spmem:s2] =	stream.indirect.scatter.add.f32 [tilespmem:s11], [sflag:$0x1], $0x1, s13, s10, $0xb8;
	[tilespmem:$0x980] =	vst v63  }
0xa7: {  	_ = 	snop  }
0xa8: {  	[spmem:s2] =	stream.indirect.scatter.add.f32 [tilespmem:s11], [sflag:$0x1], $0x1, s14, s10, $0xb8;
	[tilespmem:$0x980] =	vst v63  }
0xa9: {  	_ = 	snop  }
0xaa: {  	[spmem:s2] =	stream.indirect.scatter.add.f32 [tilespmem:s11], [sflag:$0x1], $0x1, s15, s10, $0xb8;
	[tilespmem:$0x980] =	vst v63  }
0xab: {  	_ = 	snop  }
0xac: {  	[spmem:s2] =	stream.indirect.scatter.add.f32 [tilespmem:s11], [sflag:$0x1], $0x1, s16, s10, $0xb8;
	[tilespmem:$0x980] =	vst v63  }
0xad: {  	_ = 	snop  }
0xae: {  	[spmem:s2] =	stream.indirect.scatter.add.f32 [tilespmem:s11], [sflag:$0x1], $0x1, s17, s10, $0xb8;
	[tilespmem:$0x980] =	vst v63  }
0xaf: {  	_ =	swait.ge [sflag:s18], $0x80  }
0xb0: {  	[sflag:s18] =	ssyncset.done $0x0  }
0xb1: {  	[sflag:s18] =	ssyncadd.s32 $0xFFFFFF80  }
0xb2: {  	_ =	swait.ge [sflag:s18], $0x80  }
0xb3: {  	[sflag:s18] =	ssyncset.done $0x0  }
0xb4: {  	[sflag:s18] =	ssyncadd.s32 $0xFFFFFF80  }
0xb5: {  	_ =	swait.ge [sflag:s18], $0x80  }
0xb6: {  	[sflag:s18] =	ssyncset.done $0x0  }
0xb7: {  	[sflag:s18] =	ssyncadd.s32 $0xFFFFFF80  }
0xb8: {  	_ =	swait.ge [sflag:s18], $0x80  }
0xb9: {  	[sflag:s18] =	ssyncset.done $0x0  }
0xba: {  	[sflag:s18] =	ssyncadd.s32 $0xFFFFFF80  }
0xbb: {  	_ =	swait.ge [sflag:s18], $0x80  }
0xbc: {  	[sflag:s18] =	ssyncset.done $0x0  }
0xbd: {  	[sflag:s18] =	ssyncadd.s32 $0xFFFFFF80  }
0xbe: {  	_ =	swait.ge [sflag:s18], $0x80  }
0xbf: {  	[sflag:s18] =	ssyncset.done $0x0  }
0xc0: {  	[sflag:s18] =	ssyncadd.s32 $0xFFFFFF80  }
0xc1: {  	_ =	swait.ge [sflag:s18], $0x80  }
0xc2: {  	[sflag:s18] =	ssyncset.done $0x0  }
0xc3: {  	[sflag:s18] =	ssyncadd.s32 $0xFFFFFF80  }
0xc4: {  	_ =	swait.ge [sflag:s18], $0x80  }
0xc5: {  	s21 =	sadd.s32 $0x1, s21;
	[sflag:s18] =	ssyncset.done $0x0  }
0xc6: {  	p0 =	sne.s32 s21, s6;
	[sflag:s18] =	ssyncadd.s32 $0xFFFFFF80  }
.Ltmp1:
0xc7: {  	[bflag:$0x0] =	sbarrier.arrive $0xFFFF;
	(pc) =	sbr.rel @p0 .LBB2_1-.Ltmp1, $4  }
0xc8: {  	[hbm:s5], [sflag:s19] =	dma.local [spmem:s20], $0x50  }
0xc9: {  	_ =	swait.ge [sflag:s9], $0x50  }
0xca: {  	[sflag:s9] =	ssyncset.done $0x0  }
0xcb: {  	[sflag:s9] =	ssyncadd.s32 $0xFFFFFFB0  }
0xcc: {  	_ =	sfence.sel $0x180000  }
0xcd: {  	[bflag:$0x0] =	sbarrier.arrive $0xFFFF  }
0xce: {  	p0 =	sne.s32 s0, $0x0;
	_ =	strace $0x90000047  }
0xcf: {  	s0 =	sadd.s32 @!p0 $0x100000, s1;
	[bflag:$0x2] =	sbarrier.arrive $0xFFFF  }
0xd0: {  	[sflag:s0] =	ssyncadd.tile.s32 @!p0 $0x1;
	_ =	shalt  }
.Lfunc_end2:
_tile_overlayer_lowered:
.L_overlay_start_2:
0xd1: {  	(tag) =	ssettag $0x2  }
0xd2: {  	s0 =	rddreg [dreg:$0x0];
	s2 =	stileid.u32  }
0xd3: {  	s1 =	rddreg [dreg:$0x1];
	p0 =	sne.s32 s2, $0x0  }
0xd4: {  	s3 =	rddreg [dreg:$0x2];
	[bflag:$0x3] =	sbarrier.arrive $0xFFFF;
	s2 =	simm.s32 @!p0 $0x1C02  }
0xd5: {  	[timem:s3], [sflag:s2] =	dma.local @!p0 [hbm:s0], s1  }
0xd6: {  	s0 =	simm.s32 @!p0 $0x2  }
0xd7: {  	_ =	swait.ge @!p0 [sflag:s0], s1  }
0xd8: {  	s1 =	ssub.s32 @!p0 $0x0, s1;
	[sflag:s0] =	ssyncset.done @!p0 $0x0  }
0xd9: {  	[sflag:s0] =	ssyncadd.s32 @!p0 s1  }
0xda: {  	[bflag:$0x3] =	sbarrier.arrive $0xFFFF  }
0xdb: {  	_ =	shalt  }

// kernel: kernel.14.cloned.1.call-start
scs
__scs_entry_jumppad:
0x0: {  	(pc) =	sbr.rel $0x88, $3  }
0x1: {  	(tag) =	ssettag $0x0;
	lr =	simm.s32 $0x1  }
0x2: {  	[smem:$0x3F95] =	sst lr;
	_ =	strace $0xD0000000  }
0x3: {  	_ = 	snop  }
0x4: {  	_ = 	snop  }
0x5: {  	_ = 	snop  }
0x6: {  	_ = 	snop  }
0x7: {  	_ = 	snop  }
__scs_overlays_trampoline_lowered:
0x8: {  	[smem:$0x3FA4] =	sst s0  }
0x9: {  	[smem:$0x3FA5] =	sst s1  }
0xa: {  	[smem:$0x3FA6] =	sst s2  }
0xb: {  	[smem:$0x3FA7] =	sst s3  }
0xc: {  	[smem:$0x3FA8] =	sst s4  }
0xd: {  	[smem:$0x3FA9] =	sst s5  }
0xe: {  	[smem:$0x3FAA] =	sst s6  }
0xf: {  	[smem:$0x3FAB] =	sst s7  }
0x10: {  	[smem:$0x3FAC] =	sst s8  }
0x11: {  	[smem:$0x3FAD] =	sst s9;
	s0 =	simm.s32 @!p0 $0x0  }
0x12: {  	s1 =	sld [smem:$0x3F93];
	s0 =	simm.s32 @p0 $0x1  }
0x13: {  	[smem:$0x3FAE] =	sst s0;
	s0 =	simm.s32 @!p1 $0x0  }
0x14: {  	s2 =	sld [smem:$0x3F92];
	s0 =	simm.s32 @p1 $0x1  }
0x15: {  	[smem:$0x3FAF] =	sst s0;
	s0 =	simm.s32 @!p2 $0x0  }
0x16: {  	s3 =	sld [smem:$0x3FDB];
	s0 =	simm.s32 @p2 $0x1  }
0x17: {  	s4 =	simm.s32 $0x1BF5;
	[smem:$0x3FB1] =	sst s0  }
0x18: {  	s0 =	sld [smem:$0x3F94];
	_ =	swait.ge [sflag:s4], $0x0  }
0x19: {  	s7 =	sld [smem:$0x3F95]  }
0x1a: {  	s8 =	sadd.s32 $0xFFFFE003, lr  }
0x1b: {  	s9 =	sadd.s32 $0xFFFFFEF7, lr;
	s5 =	simm.s32 $0xFFFFFFFF;
	p2 =	slt.u32 s8, $0xFFFFF086  }
0x1c: {  	p1 =	slt.u32 s9, $0xF7A;
	s5 =	simm.s32 @!p2 $0x0  }
0x1d: {  	s5 =	simm.s32 @p1 $0x1;
	p0 =	seq.s32 s7, s2  }
0x1e: {  	s7 =	smul.u32 @!p0 $0xF7A, s2;
	p2 =	seq.s32 @!p0 s5, $0x0  }
0x1f: {  	s9 =	smul.u32 $0xF7A, s1;
	s8 =	simm.s32 @!p0 $0x1BF5;
	p2 =	por !p2, p0  }
0x20: {  	[sflag:s8] =	ssyncset.s32 @!p0 $0xFFFFF086;
	s6 =	sadd.s32 @!p0 s3, s7;
	s7 =	simm.s32 @!p0 $0x108  }
0x21: {  	s3 =	sadd.s32 s3, s9;
	s6 =	sadd.s32 @!p0 $0x88, s6;
	s7 =	simm.s32 @p2 $0x1082  }
0x22: {  	[simem:s7], [sflag:s8] =	dma.local @!p0 [hbm:s6], $0xF7A  }
0x23: {  	s9 =	sor.u32 $0xD0000000, s2;
	s6 =	simm.s32 $0x108;
	_ =	swait.ge @!p0 [sflag:s8], $0x0  }
0x24: {  	s3 =	sadd.s32 $0x88, s3;
	s6 =	simm.s32 @!p1 $0x1082;
	[sflag:s4] =	ssyncset.s32 $0xFFFFF086  }
0x25: {  	[simem:s6], [sflag:s4] =	dma.local [hbm:s3], $0xF7A  }
0x26: {  	[smem:$0x3F95] =	sst s1;
	(tag) =	ssettag s2;
	_ =	strace s9  }
0x27: {  	s1 =	sld [smem:$0x3FA5]  }
0x28: {  	s2 =	sld [smem:$0x3FA6]  }
0x29: {  	s4 =	sld [smem:$0x3FA8]  }
0x2a: {  	p0 =	seq.s32 s5, $0x0;
	s5 =	sld [smem:$0x3FA9]  }
0x2b: {  	s6 =	sld [smem:$0x3FAA]  }
0x2c: {  	s7 =	sld [smem:$0x3FAB]  }
0x2d: {  	s3 =	simm.s32 $0x108;
	s8 =	sld [smem:$0x3FAC]  }
0x2e: {  	s3 =	simm.s32 @!p0 $0x1082;
	s9 =	sld [smem:$0x3FAD]  }
0x2f: {  	lr =	sadd.s32 s0, s3;
	s0 =	sld [smem:$0x3FA4]  }
0x30: {  	s3 =	sld [smem:$0x3FA7]  }
0x31: {  	[smem:$0x3FB0] =	sst s10  }
0x32: {  	s10 =	sld [smem:$0x3FAE];
	_ =	sdelay $0x3  }
0x33: {  	p0 =	seq.s32 s10, $0x1;
	s10 =	sld [smem:$0x3FB0];
	_ =	sdelay $0x3  }
0x34: {  	[smem:$0x3FB0] =	sst s10  }
0x35: {  	s10 =	sld [smem:$0x3FAF];
	_ =	sdelay $0x3  }
0x36: {  	p1 =	seq.s32 s10, $0x1;
	s10 =	sld [smem:$0x3FB0];
	_ =	sdelay $0x3  }
0x37: {  	[smem:$0x3FB0] =	sst s10  }
0x38: {  	s10 =	sld [smem:$0x3FB1]  }
0x39: {  	_ = 	snop;
	(pc) =	sbr.ind lr, $3  }
0x3a: {  	_ = 	snop  }
0x3b: {  	_ = 	snop  }
0x3c: {  	p2 =	seq.s32 s10, $0x1;
	s10 =	sld [smem:$0x3FB0]  }
0x3d: {  	_ =	shalt  }
0x3e: {  	_ =	shalt  }
0x3f: {  	_ =	shalt  }
0x40: {  	_ =	shalt  }
0x41: {  	_ =	shalt  }
0x42: {  	_ =	shalt  }
0x43: {  	_ =	shalt  }
0x44: {  	_ =	shalt  }
0x45: {  	_ =	shalt  }
0x46: {  	_ =	shalt  }
0x47: {  	_ =	shalt  }
0x48: {  	_ =	shalt  }
0x49: {  	_ =	shalt  }
0x4a: {  	_ =	shalt  }
0x4b: {  	_ =	shalt  }
0x4c: {  	_ =	shalt  }
0x4d: {  	_ =	shalt  }
0x4e: {  	_ =	shalt  }
0x4f: {  	_ =	shalt  }
0x50: {  	_ =	shalt  }
0x51: {  	_ =	shalt  }
0x52: {  	_ =	shalt  }
0x53: {  	_ =	shalt  }
0x54: {  	_ =	shalt  }
0x55: {  	_ =	shalt  }
0x56: {  	_ =	shalt  }
0x57: {  	_ =	shalt  }
0x58: {  	_ =	shalt  }
0x59: {  	_ =	shalt  }
0x5a: {  	_ =	shalt  }
0x5b: {  	_ =	shalt  }
0x5c: {  	_ =	shalt  }
0x5d: {  	_ =	shalt  }
0x5e: {  	_ =	shalt  }
0x5f: {  	_ =	shalt  }
0x60: {  	_ =	shalt  }
0x61: {  	_ =	shalt  }
0x62: {  	_ =	shalt  }
0x63: {  	_ =	shalt  }
0x64: {  	_ =	shalt  }
0x65: {  	_ =	shalt  }
0x66: {  	_ =	shalt  }
0x67: {  	_ =	shalt  }
0x68: {  	_ =	shalt  }
0x69: {  	_ =	shalt  }
0x6a: {  	_ =	shalt  }
0x6b: {  	_ =	shalt  }
0x6c: {  	_ =	shalt  }
0x6d: {  	_ =	shalt  }
0x6e: {  	_ =	shalt  }
0x6f: {  	_ =	shalt  }
0x70: {  	_ =	shalt  }
0x71: {  	_ =	shalt  }
0x72: {  	_ =	shalt  }
0x73: {  	_ =	shalt  }
0x74: {  	_ =	shalt  }
0x75: {  	_ =	shalt  }
0x76: {  	_ =	shalt  }
0x77: {  	_ =	shalt  }
0x78: {  	_ =	shalt  }
0x79: {  	_ =	shalt  }
0x7a: {  	_ =	shalt  }
0x7b: {  	_ =	shalt  }
0x7c: {  	_ =	shalt  }
0x7d: {  	_ =	shalt  }
0x7e: {  	_ =	shalt  }
0x7f: {  	_ =	shalt  }
0x80: {  	_ =	shalt  }
0x81: {  	_ =	shalt  }
0x82: {  	_ =	shalt  }
0x83: {  	_ =	shalt  }
0x84: {  	_ =	shalt  }
0x85: {  	_ =	shalt  }
0x86: {  	_ =	shalt  }
0x87: {  	_ =	shalt  }
.Lfunc_end0:
.L_simem_size_0:
called_computation.1_lowered:
.L_overlay_start_0:
0x88: {  	s2 =	sld [smem:$0x3FD9]  }
0x89: {  	s3 =	sld [smem:$0x3FFE];
	_ =	sdelay $0x1  }
0x8a: {  	s1 =	srdreg.scid  }
0x8b: {  	s0 =	sand.u32 $0x1, s1  }
0x8c: {  	s17 =	sshll.u32 s0, $0xA;
	s2 =	sadd.s32 s3, s2  }
0x8d: {  	s2 =	sadd.s32 s2, s17  }
0x8e: {  	[smem:$0x3FBC] =	sst s2  }
0x8f: {  	_ = 	snop  }
0x90: {  	s2 =	sld [smem:$0x3FD0];
	(tm) =	ssettm $0x1  }
0x91: {  	s18 =	sld [smem:$0x3FFB];
	_ =	sdelay $0x3  }
0x92: {  	_ =	strace s18  }
0x93: {  	s3 =	sld [smem:$0x3FFC];
	_ =	sdelay $0x3  }
0x94: {  	_ =	strace s3  }
0x95: {  	s3 =	sld [smem:$0x3FFD];
	_ =	sdelay $0x3  }
0x96: {  	_ =	strace s3  }
0x97: {  	_ =	strace $0x8FFFFFFF  }
0x98: {  	s19 =	sld [smem:$0x3FDB];
	_ =	sdelay $0x1  }
0x99: {  	s4 =	simm.s32 $_scs_section_size  }
0x9a: {  	s5 =	simm.s32 $_size__tile_overlayer_lowered;
	s6 =	simm.s32 $_tile_overlayer_lowered  }
0x9b: {  	s22 =	simm.s32 $0x1BFF;
	s21 =	sshll.u32 s6, $0x1;
	s3 =	sadd.s32 s4, s19  }
0x9c: {  	s7 =	simm.s32 $0x0;
	s20 =	sshll.u32 s5, $0x1;
	s5 =	sadd.s32 s21, s3  }
0x9d: {  	[timem:s7], [sflag:s22] =	dma.local [hbm:s5], s20  }
0x9e: {  	_ =	swait.ge [sflag:s22], s20  }
0x9f: {  	s4 =	ssub.s32 $0x0, s20;
	[sflag:s22] =	ssyncset.done $0x0  }
0xa0: {  	[sflag:s22] =	ssyncadd.s32 s4;
	_ =	sdelay $0x1  }
0xa1: {  	s23 =	simm.s32 $0x1B8B  }
0xa2: {  	_ =	swait.ge [sflag:s23], $0x1  }
0xa3: {  	[sflag:s23] =	ssyncset.done $0x0  }
0xa4: {  	s25 =	simm.s32 $0x1B8E;
	s24 =	sld [smem:$0x3FFE];
	[sflag:s23] =	ssyncadd.s32 $0xFFFFFFFF  }
0xa5: {  	s26 =	simm.s32 $execute0_lowered;
	[smem:$0x3FD2] =	sst s25  }
0xa6: {  	s5 =	sshll.u32 s26, $0x1;
	_ =	strace $0x80000049;
	[dreg:$0x1] =	wrdreg $0xFFFFFFFF  }
0xa7: {  	s28 =	simm.s32 $_size_execute0_lowered;
	s3 =	sadd.s32 s3, s5;
	[dreg:$0x0] =	wrdreg $0x0  }
0xa8: {  	s5 =	sshll.u32 s28, $0x1;
	[dreg:$0x2] =	wrdreg s3  }
0xa9: {  	[dreg:$0x3] =	wrdreg s5  }
0xaa: {  	[dreg:$0x4] =	wrdreg $0xC0  }
0xab: {  	_ =	task [dreg:s7], $0x5FFFF  }
0xac: {  	[dreg:$0x1] =	wrdreg $0xFFFFFFFF  }
0xad: {  	[dreg:$0x0] =	wrdreg $0x60  }
0xae: {  	[dreg:$0x2] =	wrdreg s24  }
0xaf: {  	[dreg:$0x3] =	wrdreg s2  }
0xb0: {  	[dreg:$0x4] =	wrdreg $0x36800  }
0xb1: {  	[dreg:$0x5] =	wrdreg $0x9  }
0xb2: {  	_ =	task.clear_ibuf [dreg:s7], $0x6FFFF;
	_ =	strace $0x90000049  }
0xb3: {  	s29 =	simm.s32 $0x9;
	_ =	strace $0x8000004B  }
0xb4: {  	_ =	swait.ge [sflag:s29], $0x1  }
0xb5: {  	[sflag:s29] =	ssyncadd.s32 $0xFFFFFFFF  }
0xb6: {  	_ =	strace $0x9000004B  }
0xb7: {  	_ =	sfence  }
0xb8: {  	s30 =	sld [smem:$0x0];
	_ =	sdelay $0x2  }
0xb9: {  	s31 =	sshll.u32 s1, $0xD;
	s1 =	sshrl.u32 s1, $0x2  }
0xba: {  	s3 =	sand.u32 $0x4000, s31;
	s1 =	sadd.s32 s1, s30  }
0xbb: {  	s0 =	sor.u32 s3, s0;
	s1 =	sshll.u32 s1, $0x11  }
0xbc: {  	s0 =	sor.u32 s1, s0  }
0xbd: {  	s0 =	sadd.s32 $0x8F2B, s0  }
0xbe: {  	[sflag:s0] =	ssyncadd.remote.s32 $0x1  }
0xbf: {  	_ =	sfence.sel $0xFFFF  }
0xc0: {  	[dreg:$0x0] =	wrdreg $0xFFFFFFFF;
	(pc) =	sbr.abs _section_cstart, $3  }
0xc1: {  	[dreg:$0x1] =	wrdreg $0xFFFFFFFF  }
0xc2: {  	_ =	task.clear_ibuf [dreg:s7], $0x2FFFF;
	_ =	strace $0x9FFFFFFF  }
0xc3: {  	(tm) =	ssettm $0x7FFFFFFF  }
tec
execute0_lowered:
.L_overlay_start_1:
0x0: {  	(tag) =	ssettag $0x1  }
0x1: {  	s1 =	rddreg [dreg:$0x0];
	s0 =	srdreg.scid  }
0x2: {  	s8 =	rddreg [dreg:$0x1];
	s24 =	stileid.u32  }
0x3: {  	s2 =	rddreg [dreg:$0x2];
	s3 =	simm.s32 $0x0;
	s12 =	simm.s32 $0xE80  }
0x4: {  	s13 =	simm.s32 $0x400;
	s14 =	simm.s32 $0x80;
	s15 =	simm.s32 $0x800  }
0x5: {  	s16 =	simm.s32 $0x480;
	s17 =	simm.s32 $0x880;
	s18 =	simm.s32 $0x500  }
0x6: {  	s19 =	simm.s32 $0x900;
	s20 =	simm.s32 $0x580;
	s21 =	simm.s32 $0x980  }
0x7: {  	s22 =	simm.s32 $0x600;
	s23 =	simm.s32 $0xA00;
	s6 =	smul.u32 $0x280, s24  }
0x8: {  	s28 =	simm.s32 $0xB00;
	s5 =	sand.u32 $0x1, s0;
	s11 =	smul.u32 $0xA00, s24  }
0x9: {  	s29 =	simm.s32 $0x780;
	s30 =	simm.s32 $0xB80;
	s9 =	smul.u32 $0xA000, s5  }
0xa: {  	s31 =	simm.s32 $0x1;
	[smem:$0x7FF] =	sst s3;
	s4 =	smul.u32 $0x2800, s5  }
0xb: {  	s24 =	simm.s32 $0x680;
	_ =	strace $0x8000004A;
	s5 =	ssub.s32 $0x2, s5  }
0xc: {  	s25 =	sshrl.u32 s5, $0x1;
	s10 =	sadd.s32 s9, s1;
	s7 =	sadd.s32 s6, s4  }
0xd: {  	s4 =	sadd.s32 $0x2A600, s1;
	s9 =	sadd.s32 s9, s8;
	s7 =	sshrl.u32 s7, $0x3  }
0xe: {  	s26 =	sadd.s32 s11, s10;
	s9 =	sadd.s32 s11, s9;
	s11 =	simm.s32 $0x2  }
0xf: {  	s1 =	sadd.s32 s7, s1;
	s7 =	ssub.s32 s5, s25;
	s5 =	sadd.s32 s6, s2  }
0x10: {  	s8 =	sadd.s32 $0x2B000, s26;
	s25 =	simm.s32 $0xA80;
	s26 =	simm.s32 $0x700  }
0x11: {  	v0 =	vimm.f32 $0.0e+00;
	s6 =	sadd.s32 $0x3F000, s1;
	s7 =	smax.u32 s7, $0x1;
	s1 =	simm.s32 $0x0  }
.LBB2_1:
0x12: {  	[tilespmem:$0xC00] =	vst v0  }
0x13: {  	[tilespmem:$0xC10] =	vst v0  }
0x14: {  	[tilespmem:$0xC20] =	vst v0  }
0x15: {  	[tilespmem:$0xC30] =	vst v0  }
0x16: {  	[tilespmem:$0xC40] =	vst v0  }
0x17: {  	[tilespmem:$0xC50] =	vst v0  }
0x18: {  	[tilespmem:$0xC60] =	vst v0  }
0x19: {  	[tilespmem:$0xC70] =	vst v0  }
0x1a: {  	[tilespmem:$0xC80] =	vst v0  }
0x1b: {  	[tilespmem:$0xC90] =	vst v0  }
0x1c: {  	[tilespmem:$0xCA0] =	vst v0  }
0x1d: {  	[tilespmem:$0xCB0] =	vst v0  }
0x1e: {  	[tilespmem:$0xCC0] =	vst v0  }
0x1f: {  	[tilespmem:$0xCD0] =	vst v0  }
0x20: {  	[tilespmem:$0xCE0] =	vst v0  }
0x21: {  	[tilespmem:$0xCF0] =	vst v0  }
0x22: {  	[tilespmem:$0xD00] =	vst v0  }
0x23: {  	[tilespmem:$0xD10] =	vst v0  }
0x24: {  	[tilespmem:$0xD20] =	vst v0  }
0x25: {  	[tilespmem:$0xD30] =	vst v0  }
0x26: {  	[tilespmem:$0xD40] =	vst v0  }
0x27: {  	[tilespmem:$0xD50] =	vst v0  }
0x28: {  	[tilespmem:$0xD60] =	vst v0  }
0x29: {  	[tilespmem:$0xD70] =	vst v0  }
0x2a: {  	[tilespmem:$0xD80] =	vst v0  }
0x2b: {  	[tilespmem:$0xD90] =	vst v0  }
0x2c: {  	[tilespmem:$0xDA0] =	vst v0  }
0x2d: {  	[tilespmem:$0xDB0] =	vst v0  }
0x2e: {  	[tilespmem:$0xDC0] =	vst v0  }
0x2f: {  	[tilespmem:$0xDD0] =	vst v0  }
0x30: {  	[tilespmem:$0xDE0] =	vst v0  }
0x31: {  	[tilespmem:$0xDF0] =	vst v0  }
0x32: {  	[tilespmem:$0xE00] =	vst v0  }
0x33: {  	[tilespmem:$0xE10] =	vst v0  }
0x34: {  	[tilespmem:$0xE20] =	vst v0  }
0x35: {  	[tilespmem:$0xE30] =	vst v0  }
0x36: {  	[tilespmem:$0xE40] =	vst v0  }
0x37: {  	[tilespmem:$0xE50] =	vst v0  }
0x38: {  	[tilespmem:$0xE60] =	vst v0  }
0x39: {  	[tilespmem:$0xE70] =	vst v0;
	s0 =	simm.s32 $0xC00  }
0x3a: {  	[spmem:s5] =	stream.linear.scatter [tilespmem:s0], [sflag:$0x2], $0x280, $0x38;
	[tilespmem:$0x3900] =	vst v63  }
0x3b: {  	_ =	swait.ge [sflag:s11], $0x280  }
0x3c: {  	[sflag:s11] =	ssyncset.done $0x0  }
0x3d: {  	[sflag:s11] =	ssyncadd.s32 $0xFFFFFD80  }
0x3e: {  	[tilespmem:s12], [sflag:$0x2] =	stream.linear.gather [hbm4b:s4+s3], $0x2800, $0x38;
	[tilespmem:$0x3900] =	vst v63  }
0x3f: {  	_ =	swait.ge [sflag:s11], $0x2800  }
0x40: {  	[sflag:s11] =	ssyncset.done $0x0  }
0x41: {  	[sflag:s11] =	ssyncadd.s32 $0xFFFFD800  }
0x42: {  	s10 =	simm.s32 $0x0;
	[bflag:$0x0] =	sbarrier.arrive $0xFFFF  }
.LBB2_2:
0x43: {  	s0 =	sadd.s32 s10, s8  }
0x44: {  	[tilespmem:s3], [sflag:$0x2] =	stream.linear.gather [hbm4b:s0+s3], $0x400, $0x38;
	[tilespmem:$0x3900] =	vst v63  }
0x45: {  	_ =	swait.ge [sflag:s11], $0x400  }
0x46: {  	[sflag:s11] =	ssyncset.done $0x0  }
0x47: {  	s0 =	sadd.s32 s10, s9;
	[sflag:s11] =	ssyncadd.s32 $0xFFFFFC00  }
0x48: {  	[tilespmem:s13], [sflag:$0x2] =	stream.linear.gather [hbm4b:s0+s3], $0x400, $0x38;
	[tilespmem:$0x3900] =	vst v63  }
0x49: {  	_ =	swait.ge [sflag:s11], $0x400  }
0x4a: {  	[sflag:s11] =	ssyncset.done $0x0  }
0x4b: {  	[sflag:s11] =	ssyncadd.s32 $0xFFFFFC00  }
0x4c: {  	v1 =	vld [tilespmem:$0x0];
	_ =	sdelay $0x5  }
0x4d: {  	v2 =	vld [tilespmem:$0x10];
	_ =	sdelay $0x1  }
0x4e: {  	v1 =	vld.idx.msk [tilespmem:v1+s12+$0x0], $0xffff;
	_ =	sdelay $0x3  }
0x4f: {  	v3 =	vld [tilespmem:$0x20]  }
0x50: {  	[tilespmem:$0x800] =	vst v1  }
0x51: {  	v1 =	vld.idx.msk [tilespmem:v2+s12+$0x0], $0xffff;
	_ =	sdelay $0x3  }
0x52: {  	v2 =	vld [tilespmem:$0x30]  }
0x53: {  	[tilespmem:$0x810] =	vst v1  }
0x54: {  	v1 =	vld.idx.msk [tilespmem:v3+s12+$0x0], $0xffff;
	_ =	sdelay $0x3  }
0x55: {  	v3 =	vld [tilespmem:$0x40]  }
0x56: {  	[tilespmem:$0x820] =	vst v1  }
0x57: {  	v1 =	vld.idx.msk [tilespmem:v2+s12+$0x0], $0xffff;
	_ =	sdelay $0x3  }
0x58: {  	v2 =	vld [tilespmem:$0x50]  }
0x59: {  	[tilespmem:$0x830] =	vst v1  }
0x5a: {  	v1 =	vld.idx.msk [tilespmem:v3+s12+$0x0], $0xffff;
	_ =	sdelay $0x3  }
0x5b: {  	v3 =	vld [tilespmem:$0x60]  }
0x5c: {  	[tilespmem:$0x840] =	vst v1  }
0x5d: {  	v1 =	vld.idx.msk [tilespmem:v2+s12+$0x0], $0xffff;
	_ =	sdelay $0x3  }
0x5e: {  	v2 =	vld [tilespmem:$0x70]  }
0x5f: {  	[tilespmem:$0x850] =	vst v1  }
0x60: {  	v1 =	vld.idx.msk [tilespmem:v3+s12+$0x0], $0xffff;
	_ =	sdelay $0x3  }
0x61: {  	v3 =	vld [tilespmem:$0x80]  }
0x62: {  	[tilespmem:$0x860] =	vst v1  }
0x63: {  	v1 =	vld.idx.msk [tilespmem:v2+s12+$0x0], $0xffff;
	_ =	sdelay $0x3  }
0x64: {  	v2 =	vld [tilespmem:$0x90]  }
0x65: {  	[tilespmem:$0x870] =	vst v1  }
0x66: {  	v1 =	vld.idx.msk [tilespmem:v3+s12+$0x0], $0xffff;
	_ =	sdelay $0x3  }
0x67: {  	v3 =	vld [tilespmem:$0xA0]  }
0x68: {  	[tilespmem:$0x880] =	vst v1  }
0x69: {  	v1 =	vld.idx.msk [tilespmem:v2+s12+$0x0], $0xffff;
	_ =	sdelay $0x3  }
0x6a: {  	v2 =	vld [tilespmem:$0xB0]  }
0x6b: {  	[tilespmem:$0x890] =	vst v1  }
0x6c: {  	v1 =	vld.idx.msk [tilespmem:v3+s12+$0x0], $0xffff;
	_ =	sdelay $0x3  }
0x6d: {  	v3 =	vld [tilespmem:$0xC0]  }
0x6e: {  	[tilespmem:$0x8A0] =	vst v1  }
0x6f: {  	v1 =	vld.idx.msk [tilespmem:v2+s12+$0x0], $0xffff;
	_ =	sdelay $0x3  }
0x70: {  	v2 =	vld [tilespmem:$0xD0]  }
0x71: {  	[tilespmem:$0x8B0] =	vst v1  }
0x72: {  	v1 =	vld.idx.msk [tilespmem:v3+s12+$0x0], $0xffff;
	_ =	sdelay $0x3  }
0x73: {  	v3 =	vld [tilespmem:$0xE0]  }
0x74: {  	[tilespmem:$0x8C0] =	vst v1  }
0x75: {  	v1 =	vld.idx.msk [tilespmem:v2+s12+$0x0], $0xffff;
	_ =	sdelay $0x3  }
0x76: {  	v2 =	vld [tilespmem:$0xF0]  }
0x77: {  	[tilespmem:$0x8D0] =	vst v1  }
0x78: {  	v1 =	vld.idx.msk [tilespmem:v3+s12+$0x0], $0xffff;
	_ =	sdelay $0x3  }
0x79: {  	v3 =	vld [tilespmem:$0x100]  }
0x7a: {  	[tilespmem:$0x8E0] =	vst v1  }
0x7b: {  	v1 =	vld.idx.msk [tilespmem:v2+s12+$0x0], $0xffff;
	_ =	sdelay $0x3  }
0x7c: {  	v2 =	vld [tilespmem:$0x110]  }
0x7d: {  	[tilespmem:$0x8F0] =	vst v1  }
0x7e: {  	v1 =	vld.idx.msk [tilespmem:v3+s12+$0x0], $0xffff;
	_ =	sdelay $0x3  }
0x7f: {  	v3 =	vld [tilespmem:$0x120]  }
0x80: {  	[tilespmem:$0x900] =	vst v1  }
0x81: {  	v1 =	vld.idx.msk [tilespmem:v2+s12+$0x0], $0xffff;
	_ =	sdelay $0x3  }
0x82: {  	v2 =	vld [tilespmem:$0x130]  }
0x83: {  	[tilespmem:$0x910] =	vst v1  }
0x84: {  	v1 =	vld.idx.msk [tilespmem:v3+s12+$0x0], $0xffff;
	_ =	sdelay $0x3  }
0x85: {  	v3 =	vld [tilespmem:$0x140]  }
0x86: {  	[tilespmem:$0x920] =	vst v1  }
0x87: {  	v1 =	vld.idx.msk [tilespmem:v2+s12+$0x0], $0xffff;
	_ =	sdelay $0x3  }
0x88: {  	v2 =	vld [tilespmem:$0x150]  }
0x89: {  	[tilespmem:$0x930] =	vst v1  }
0x8a: {  	v1 =	vld.idx.msk [tilespmem:v3+s12+$0x0], $0xffff;
	_ =	sdelay $0x3  }
0x8b: {  	v3 =	vld [tilespmem:$0x160]  }
0x8c: {  	[tilespmem:$0x940] =	vst v1  }
0x8d: {  	v1 =	vld.idx.msk [tilespmem:v2+s12+$0x0], $0xffff;
	_ =	sdelay $0x3  }
0x8e: {  	v2 =	vld [tilespmem:$0x170]  }
0x8f: {  	[tilespmem:$0x950] =	vst v1  }
0x90: {  	v1 =	vld.idx.msk [tilespmem:v3+s12+$0x0], $0xffff;
	_ =	sdelay $0x3  }
0x91: {  	v3 =	vld [tilespmem:$0x180]  }
0x92: {  	[tilespmem:$0x960] =	vst v1  }
0x93: {  	v1 =	vld.idx.msk [tilespmem:v2+s12+$0x0], $0xffff;
	_ =	sdelay $0x3  }
0x94: {  	v2 =	vld [tilespmem:$0x190]  }
0x95: {  	[tilespmem:$0x970] =	vst v1  }
0x96: {  	v1 =	vld.idx.msk [tilespmem:v3+s12+$0x0], $0xffff;
	_ =	sdelay $0x3  }
0x97: {  	v3 =	vld [tilespmem:$0x1A0]  }
0x98: {  	[tilespmem:$0x980] =	vst v1  }
0x99: {  	v1 =	vld.idx.msk [tilespmem:v2+s12+$0x0], $0xffff;
	_ =	sdelay $0x3  }
0x9a: {  	v2 =	vld [tilespmem:$0x1B0]  }
0x9b: {  	[tilespmem:$0x990] =	vst v1  }
0x9c: {  	v1 =	vld.idx.msk [tilespmem:v3+s12+$0x0], $0xffff;
	_ =	sdelay $0x3  }
0x9d: {  	v3 =	vld [tilespmem:$0x1C0]  }
0x9e: {  	[tilespmem:$0x9A0] =	vst v1  }
0x9f: {  	v1 =	vld.idx.msk [tilespmem:v2+s12+$0x0], $0xffff;
	_ =	sdelay $0x3  }
0xa0: {  	v2 =	vld [tilespmem:$0x1D0]  }
0xa1: {  	[tilespmem:$0x9B0] =	vst v1  }
0xa2: {  	v1 =	vld.idx.msk [tilespmem:v3+s12+$0x0], $0xffff;
	_ =	sdelay $0x3  }
0xa3: {  	v3 =	vld [tilespmem:$0x1E0]  }
0xa4: {  	[tilespmem:$0x9C0] =	vst v1  }
0xa5: {  	v1 =	vld.idx.msk [tilespmem:v2+s12+$0x0], $0xffff;
	_ =	sdelay $0x3  }
0xa6: {  	v2 =	vld [tilespmem:$0x1F0]  }
0xa7: {  	[tilespmem:$0x9D0] =	vst v1  }
0xa8: {  	v1 =	vld.idx.msk [tilespmem:v3+s12+$0x0], $0xffff;
	_ =	sdelay $0x3  }
0xa9: {  	v3 =	vld [tilespmem:$0x200]  }
0xaa: {  	[tilespmem:$0x9E0] =	vst v1  }
0xab: {  	v1 =	vld.idx.msk [tilespmem:v2+s12+$0x0], $0xffff;
	_ =	sdelay $0x3  }
0xac: {  	v2 =	vld [tilespmem:$0x210]  }
0xad: {  	[tilespmem:$0x9F0] =	vst v1  }
0xae: {  	v1 =	vld.idx.msk [tilespmem:v3+s12+$0x0], $0xffff;
	_ =	sdelay $0x3  }
0xaf: {  	v3 =	vld [tilespmem:$0x220]  }
0xb0: {  	[tilespmem:$0xA00] =	vst v1  }
0xb1: {  	v1 =	vld.idx.msk [tilespmem:v2+s12+$0x0], $0xffff;
	_ =	sdelay $0x3  }
0xb2: {  	v2 =	vld [tilespmem:$0x230]  }
0xb3: {  	[tilespmem:$0xA10] =	vst v1  }
0xb4: {  	v1 =	vld.idx.msk [tilespmem:v3+s12+$0x0], $0xffff;
	_ =	sdelay $0x3  }
0xb5: {  	v3 =	vld [tilespmem:$0x240]  }
0xb6: {  	[tilespmem:$0xA20] =	vst v1  }
0xb7: {  	v1 =	vld.idx.msk [tilespmem:v2+s12+$0x0], $0xffff;
	_ =	sdelay $0x3  }
0xb8: {  	v2 =	vld [tilespmem:$0x250]  }
0xb9: {  	[tilespmem:$0xA30] =	vst v1  }
0xba: {  	v1 =	vld.idx.msk [tilespmem:v3+s12+$0x0], $0xffff;
	_ =	sdelay $0x3  }
0xbb: {  	v3 =	vld [tilespmem:$0x260]  }
0xbc: {  	[tilespmem:$0xA40] =	vst v1  }
0xbd: {  	v1 =	vld.idx.msk [tilespmem:v2+s12+$0x0], $0xffff;
	_ =	sdelay $0x3  }
0xbe: {  	v2 =	vld [tilespmem:$0x270]  }
0xbf: {  	[tilespmem:$0xA50] =	vst v1  }
0xc0: {  	v1 =	vld.idx.msk [tilespmem:v3+s12+$0x0], $0xffff;
	_ =	sdelay $0x3  }
0xc1: {  	v3 =	vld [tilespmem:$0x280]  }
0xc2: {  	[tilespmem:$0xA60] =	vst v1  }
0xc3: {  	v1 =	vld.idx.msk [tilespmem:v2+s12+$0x0], $0xffff;
	_ =	sdelay $0x3  }
0xc4: {  	v2 =	vld [tilespmem:$0x290]  }
0xc5: {  	[tilespmem:$0xA70] =	vst v1  }
0xc6: {  	v1 =	vld.idx.msk [tilespmem:v3+s12+$0x0], $0xffff;
	_ =	sdelay $0x3  }
0xc7: {  	v3 =	vld [tilespmem:$0x2A0]  }
0xc8: {  	[tilespmem:$0xA80] =	vst v1  }
0xc9: {  	v1 =	vld.idx.msk [tilespmem:v2+s12+$0x0], $0xffff;
	_ =	sdelay $0x3  }
0xca: {  	v2 =	vld [tilespmem:$0x2B0]  }
0xcb: {  	[tilespmem:$0xA90] =	vst v1  }
0xcc: {  	v1 =	vld.idx.msk [tilespmem:v3+s12+$0x0], $0xffff;
	_ =	sdelay $0x3  }
0xcd: {  	v3 =	vld [tilespmem:$0x2C0]  }
0xce: {  	[tilespmem:$0xAA0] =	vst v1  }
0xcf: {  	v1 =	vld.idx.msk [tilespmem:v2+s12+$0x0], $0xffff;
	_ =	sdelay $0x3  }
0xd0: {  	v2 =	vld [tilespmem:$0x2D0]  }
0xd1: {  	[tilespmem:$0xAB0] =	vst v1  }
0xd2: {  	v1 =	vld.idx.msk [tilespmem:v3+s12+$0x0], $0xffff;
	_ =	sdelay $0x3  }
0xd3: {  	v3 =	vld [tilespmem:$0x2E0]  }
0xd4: {  	[tilespmem:$0xAC0] =	vst v1  }
0xd5: {  	v1 =	vld.idx.msk [tilespmem:v2+s12+$0x0], $0xffff;
	_ =	sdelay $0x3  }
0xd6: {  	v2 =	vld [tilespmem:$0x2F0]  }
0xd7: {  	[tilespmem:$0xAD0] =	vst v1  }
0xd8: {  	v1 =	vld.idx.msk [tilespmem:v3+s12+$0x0], $0xffff;
	_ =	sdelay $0x3  }
0xd9: {  	v3 =	vld [tilespmem:$0x300]  }
0xda: {  	[tilespmem:$0xAE0] =	vst v1  }
0xdb: {  	v1 =	vld.idx.msk [tilespmem:v2+s12+$0x0], $0xffff;
	_ =	sdelay $0x3  }
0xdc: {  	v2 =	vld [tilespmem:$0x310]  }
0xdd: {  	[tilespmem:$0xAF0] =	vst v1  }
0xde: {  	v1 =	vld.idx.msk [tilespmem:v3+s12+$0x0], $0xffff;
	_ =	sdelay $0x3  }
0xdf: {  	v3 =	vld [tilespmem:$0x320]  }
0xe0: {  	[tilespmem:$0xB00] =	vst v1  }
0xe1: {  	v1 =	vld.idx.msk [tilespmem:v2+s12+$0x0], $0xffff;
	_ =	sdelay $0x3  }
0xe2: {  	v2 =	vld [tilespmem:$0x330]  }
0xe3: {  	[tilespmem:$0xB10] =	vst v1  }
0xe4: {  	v1 =	vld.idx.msk [tilespmem:v3+s12+$0x0], $0xffff;
	_ =	sdelay $0x3  }
0xe5: {  	v3 =	vld [tilespmem:$0x340]  }
0xe6: {  	[tilespmem:$0xB20] =	vst v1  }
0xe7: {  	v1 =	vld.idx.msk [tilespmem:v2+s12+$0x0], $0xffff;
	_ =	sdelay $0x3  }
0xe8: {  	v2 =	vld [tilespmem:$0x350]  }
0xe9: {  	[tilespmem:$0xB30] =	vst v1  }
0xea: {  	v1 =	vld.idx.msk [tilespmem:v3+s12+$0x0], $0xffff;
	_ =	sdelay $0x3  }
0xeb: {  	v3 =	vld [tilespmem:$0x360]  }
0xec: {  	[tilespmem:$0xB40] =	vst v1  }
0xed: {  	v1 =	vld.idx.msk [tilespmem:v2+s12+$0x0], $0xffff;
	_ =	sdelay $0x3  }
0xee: {  	v2 =	vld [tilespmem:$0x370]  }
0xef: {  	[tilespmem:$0xB50] =	vst v1  }
0xf0: {  	v1 =	vld.idx.msk [tilespmem:v3+s12+$0x0], $0xffff;
	_ =	sdelay $0x3  }
0xf1: {  	v3 =	vld [tilespmem:$0x380]  }
0xf2: {  	[tilespmem:$0xB60] =	vst v1  }
0xf3: {  	v1 =	vld.idx.msk [tilespmem:v2+s12+$0x0], $0xffff;
	_ =	sdelay $0x3  }
0xf4: {  	v2 =	vld [tilespmem:$0x390]  }
0xf5: {  	[tilespmem:$0xB70] =	vst v1  }
0xf6: {  	v1 =	vld.idx.msk [tilespmem:v3+s12+$0x0], $0xffff;
	_ =	sdelay $0x3  }
0xf7: {  	v3 =	vld [tilespmem:$0x3A0]  }
0xf8: {  	[tilespmem:$0xB80] =	vst v1  }
0xf9: {  	v1 =	vld.idx.msk [tilespmem:v2+s12+$0x0], $0xffff;
	_ =	sdelay $0x3  }
0xfa: {  	v2 =	vld [tilespmem:$0x3B0]  }
0xfb: {  	[tilespmem:$0xB90] =	vst v1  }
0xfc: {  	v1 =	vld.idx.msk [tilespmem:v3+s12+$0x0], $0xffff;
	_ =	sdelay $0x3  }
0xfd: {  	v3 =	vld [tilespmem:$0x3C0]  }
0xfe: {  	[tilespmem:$0xBA0] =	vst v1  }
0xff: {  	v1 =	vld.idx.msk [tilespmem:v2+s12+$0x0], $0xffff;
	_ =	sdelay $0x3  }
0x100: {  	v2 =	vld [tilespmem:$0x3D0]  }
0x101: {  	[tilespmem:$0xBB0] =	vst v1  }
0x102: {  	v1 =	vld.idx.msk [tilespmem:v3+s12+$0x0], $0xffff;
	_ =	sdelay $0x3  }
0x103: {  	v3 =	vld [tilespmem:$0x3E0]  }
0x104: {  	[tilespmem:$0xBC0] =	vst v1  }
0x105: {  	v1 =	vld.idx.msk [tilespmem:v2+s12+$0x0], $0xffff;
	_ =	sdelay $0x3  }
0x106: {  	v2 =	vld [tilespmem:$0x3F0]  }
0x107: {  	[tilespmem:$0xBD0] =	vst v1  }
0x108: {  	v1 =	vld.idx.msk [tilespmem:v3+s12+$0x0], $0xffff;
	_ =	sdelay $0x4  }
0x109: {  	[tilespmem:$0xBE0] =	vst v1  }
0x10a: {  	v1 =	vld.idx.msk [tilespmem:v2+s12+$0x0], $0xffff;
	_ =	sdelay $0x4  }
0x10b: {  	[tilespmem:$0xBF0] =	vst v1  }
0x10c: {  	[spmem:s2] =	stream.indirect.scatter.add.f32 [tilespmem:s15], [sflag:$0x1], $0x1, s13, s14, $0xb8;
	[tilespmem:$0x3900] =	vst v63  }
0x10d: {  	_ = 	snop  }
0x10e: {  	[spmem:s2] =	stream.indirect.scatter.add.f32 [tilespmem:s17], [sflag:$0x1], $0x1, s16, s14, $0xb8;
	[tilespmem:$0x3900] =	vst v63  }
0x10f: {  	_ = 	snop  }
0x110: {  	[spmem:s2] =	stream.indirect.scatter.add.f32 [tilespmem:s19], [sflag:$0x1], $0x1, s18, s14, $0xb8;
	[tilespmem:$0x3900] =	vst v63  }
0x111: {  	_ = 	snop  }
0x112: {  	[spmem:s2] =	stream.indirect.scatter.add.f32 [tilespmem:s21], [sflag:$0x1], $0x1, s20, s14, $0xb8;
	[tilespmem:$0x3900] =	vst v63  }
0x113: {  	_ = 	snop  }
0x114: {  	[spmem:s2] =	stream.indirect.scatter.add.f32 [tilespmem:s23], [sflag:$0x1], $0x1, s22, s14, $0xb8;
	[tilespmem:$0x3900] =	vst v63  }
0x115: {  	_ = 	snop  }
0x116: {  	[spmem:s2] =	stream.indirect.scatter.add.f32 [tilespmem:s25], [sflag:$0x1], $0x1, s24, s14, $0xb8;
	[tilespmem:$0x3900] =	vst v63  }
0x117: {  	_ = 	snop  }
0x118: {  	[spmem:s2] =	stream.indirect.scatter.add.f32 [tilespmem:s28], [sflag:$0x1], $0x1, s26, s14, $0xb8;
	[tilespmem:$0x3900] =	vst v63  }
0x119: {  	_ = 	snop  }
0x11a: {  	[spmem:s2] =	stream.indirect.scatter.add.f32 [tilespmem:s30], [sflag:$0x1], $0x1, s29, s14, $0xb8;
	[tilespmem:$0x3900] =	vst v63  }
0x11b: {  	_ =	swait.ge [sflag:s31], $0x80  }
0x11c: {  	[sflag:s31] =	ssyncset.done $0x0  }
0x11d: {  	[sflag:s31] =	ssyncadd.s32 $0xFFFFFF80  }
0x11e: {  	_ =	swait.ge [sflag:s31], $0x80  }
0x11f: {  	[sflag:s31] =	ssyncset.done $0x0  }
0x120: {  	[sflag:s31] =	ssyncadd.s32 $0xFFFFFF80  }
0x121: {  	_ =	swait.ge [sflag:s31], $0x80  }
0x122: {  	[sflag:s31] =	ssyncset.done $0x0  }
0x123: {  	[sflag:s31] =	ssyncadd.s32 $0xFFFFFF80  }
0x124: {  	_ =	swait.ge [sflag:s31], $0x80  }
0x125: {  	[sflag:s31] =	ssyncset.done $0x0  }
0x126: {  	[sflag:s31] =	ssyncadd.s32 $0xFFFFFF80  }
0x127: {  	_ =	swait.ge [sflag:s31], $0x80  }
0x128: {  	[sflag:s31] =	ssyncset.done $0x0  }
0x129: {  	[sflag:s31] =	ssyncadd.s32 $0xFFFFFF80  }
0x12a: {  	_ =	swait.ge [sflag:s31], $0x80  }
0x12b: {  	[sflag:s31] =	ssyncset.done $0x0  }
0x12c: {  	[sflag:s31] =	ssyncadd.s32 $0xFFFFFF80  }
0x12d: {  	p0 =	sne.s32 s10, $0x980;
	_ =	swait.ge [sflag:s31], $0x80  }
.Ltmp0:
0x12e: {  	[sflag:s31] =	ssyncset.done $0x0;
	(pc) =	sbr.rel @p0 .LBB2_2-.Ltmp0, $4  }
0x12f: {  	[sflag:s31] =	ssyncadd.s32 $0xFFFFFF80  }
0x130: {  	_ =	swait.ge [sflag:s31], $0x80  }
0x131: {  	[sflag:s31] =	ssyncset.done $0x0  }
0x132: {  	s10 =	sadd.s32 $0x80, s10;
	[sflag:s31] =	ssyncadd.s32 $0xFFFFFF80  }
0x133: {  	s0 =	stileid.u32;
	s1 =	sadd.s32 $0x1, s1  }
0x134: {  	[bflag:$0x0] =	sbarrier.arrive $0xFFFF;
	s0 =	sshll.u32 s0, $0x6;
	p0 =	sne.s32 s1, s7  }
.Ltmp1:
0x135: {  	s10 =	sshrl.u32 s5, $0x3;
	s0 =	sor.u32 $0x1C02, s0;
	(pc) =	sbr.rel @p0 .LBB2_1-.Ltmp1, $4  }
0x136: {  	[hbm:s6], [sflag:s0] =	dma.local [spmem:s10], $0x50  }
0x137: {  	_ =	swait.ge [sflag:s11], $0x50  }
0x138: {  	[sflag:s11] =	ssyncset.done $0x0  }
0x139: {  	[sflag:s11] =	ssyncadd.s32 $0xFFFFFFB0  }
0x13a: {  	_ =	sfence.sel $0x180000  }
0x13b: {  	[bflag:$0x0] =	sbarrier.arrive $0xFFFF  }
0x13c: {  	_ =	strace $0x9000004A  }
0x13d: {  	s0 =	stileid.u32;
	[bflag:$0x2] =	sbarrier.arrive $0xFFFF  }
0x13e: {  	p0 =	sne.s32 s0, $0x0;
	s0 =	rddreg [dreg:$0x3]  }
0x13f: {  	s0 =	sadd.s32 @!p0 $0x100000, s0  }
0x140: {  	[sflag:s0] =	ssyncadd.tile.s32 @!p0 $0x1;
	_ =	shalt  }
.Lfunc_end2:
_tile_overlayer_lowered:
.L_overlay_start_2:
0x141: {  	(tag) =	ssettag $0x2  }
0x142: {  	s0 =	rddreg [dreg:$0x0];
	s2 =	stileid.u32  }
0x143: {  	s1 =	rddreg [dreg:$0x1];
	p0 =	sne.s32 s2, $0x0  }
0x144: {  	s3 =	rddreg [dreg:$0x2];
	[bflag:$0x3] =	sbarrier.arrive $0xFFFF;
	s2 =	simm.s32 @!p0 $0x1C02  }
0x145: {  	[timem:s3], [sflag:s2] =	dma.local @!p0 [hbm:s0], s1  }
0x146: {  	s0 =	simm.s32 @!p0 $0x2  }
0x147: {  	_ =	swait.ge @!p0 [sflag:s0], s1  }
0x148: {  	s1 =	ssub.s32 @!p0 $0x0, s1;
	[sflag:s0] =	ssyncset.done @!p0 $0x0  }
0x149: {  	[sflag:s0] =	ssyncadd.s32 @!p0 s1  }
0x14a: {  	[bflag:$0x3] =	sbarrier.arrive $0xFFFF  }
0x14b: {  	_ =	shalt  }

// kernel: kernel.17.cloned.1.call-start
scs
__scs_entry_jumppad:
0x0: {  	(pc) =	sbr.rel $0x88, $3  }
0x1: {  	(tag) =	ssettag $0x0;
	lr =	simm.s32 $0x1  }
0x2: {  	[smem:$0x3F95] =	sst lr;
	_ =	strace $0xD0000000  }
0x3: {  	_ = 	snop  }
0x4: {  	_ = 	snop  }
0x5: {  	_ = 	snop  }
0x6: {  	_ = 	snop  }
0x7: {  	_ = 	snop  }
__scs_overlays_trampoline_lowered:
0x8: {  	[smem:$0x3FA4] =	sst s0  }
0x9: {  	[smem:$0x3FA5] =	sst s1  }
0xa: {  	[smem:$0x3FA6] =	sst s2  }
0xb: {  	[smem:$0x3FA7] =	sst s3  }
0xc: {  	[smem:$0x3FA8] =	sst s4  }
0xd: {  	[smem:$0x3FA9] =	sst s5  }
0xe: {  	[smem:$0x3FAA] =	sst s6  }
0xf: {  	[smem:$0x3FAB] =	sst s7  }
0x10: {  	[smem:$0x3FAC] =	sst s8  }
0x11: {  	[smem:$0x3FAD] =	sst s9;
	s0 =	simm.s32 @!p0 $0x0  }
0x12: {  	s1 =	sld [smem:$0x3F93];
	s0 =	simm.s32 @p0 $0x1  }
0x13: {  	[smem:$0x3FAE] =	sst s0;
	s0 =	simm.s32 @!p1 $0x0  }
0x14: {  	s2 =	sld [smem:$0x3F92];
	s0 =	simm.s32 @p1 $0x1  }
0x15: {  	[smem:$0x3FAF] =	sst s0;
	s0 =	simm.s32 @!p2 $0x0  }
0x16: {  	s3 =	sld [smem:$0x3FDB];
	s0 =	simm.s32 @p2 $0x1  }
0x17: {  	s4 =	simm.s32 $0x1BF5;
	[smem:$0x3FB1] =	sst s0  }
0x18: {  	s0 =	sld [smem:$0x3F94];
	_ =	swait.ge [sflag:s4], $0x0  }
0x19: {  	s7 =	sld [smem:$0x3F95]  }
0x1a: {  	s8 =	sadd.s32 $0xFFFFE003, lr  }
0x1b: {  	s9 =	sadd.s32 $0xFFFFFEF7, lr;
	s5 =	simm.s32 $0xFFFFFFFF;
	p2 =	slt.u32 s8, $0xFFFFF086  }
0x1c: {  	p1 =	slt.u32 s9, $0xF7A;
	s5 =	simm.s32 @!p2 $0x0  }
0x1d: {  	s5 =	simm.s32 @p1 $0x1;
	p0 =	seq.s32 s7, s2  }
0x1e: {  	s7 =	smul.u32 @!p0 $0xF7A, s2;
	p2 =	seq.s32 @!p0 s5, $0x0  }
0x1f: {  	s9 =	smul.u32 $0xF7A, s1;
	s8 =	simm.s32 @!p0 $0x1BF5;
	p2 =	por !p2, p0  }
0x20: {  	[sflag:s8] =	ssyncset.s32 @!p0 $0xFFFFF086;
	s6 =	sadd.s32 @!p0 s3, s7;
	s7 =	simm.s32 @!p0 $0x108  }
0x21: {  	s3 =	sadd.s32 s3, s9;
	s6 =	sadd.s32 @!p0 $0x88, s6;
	s7 =	simm.s32 @p2 $0x1082  }
0x22: {  	[simem:s7], [sflag:s8] =	dma.local @!p0 [hbm:s6], $0xF7A  }
0x23: {  	s9 =	sor.u32 $0xD0000000, s2;
	s6 =	simm.s32 $0x108;
	_ =	swait.ge @!p0 [sflag:s8], $0x0  }
0x24: {  	s3 =	sadd.s32 $0x88, s3;
	s6 =	simm.s32 @!p1 $0x1082;
	[sflag:s4] =	ssyncset.s32 $0xFFFFF086  }
0x25: {  	[simem:s6], [sflag:s4] =	dma.local [hbm:s3], $0xF7A  }
0x26: {  	[smem:$0x3F95] =	sst s1;
	(tag) =	ssettag s2;
	_ =	strace s9  }
0x27: {  	s1 =	sld [smem:$0x3FA5]  }
0x28: {  	s2 =	sld [smem:$0x3FA6]  }
0x29: {  	s4 =	sld [smem:$0x3FA8]  }
0x2a: {  	p0 =	seq.s32 s5, $0x0;
	s5 =	sld [smem:$0x3FA9]  }
0x2b: {  	s6 =	sld [smem:$0x3FAA]  }
0x2c: {  	s7 =	sld [smem:$0x3FAB]  }
0x2d: {  	s3 =	simm.s32 $0x108;
	s8 =	sld [smem:$0x3FAC]  }
0x2e: {  	s3 =	simm.s32 @!p0 $0x1082;
	s9 =	sld [smem:$0x3FAD]  }
0x2f: {  	lr =	sadd.s32 s0, s3;
	s0 =	sld [smem:$0x3FA4]  }
0x30: {  	s3 =	sld [smem:$0x3FA7]  }
0x31: {  	[smem:$0x3FB0] =	sst s10  }
0x32: {  	s10 =	sld [smem:$0x3FAE];
	_ =	sdelay $0x3  }
0x33: {  	p0 =	seq.s32 s10, $0x1;
	s10 =	sld [smem:$0x3FB0];
	_ =	sdelay $0x3  }
0x34: {  	[smem:$0x3FB0] =	sst s10  }
0x35: {  	s10 =	sld [smem:$0x3FAF];
	_ =	sdelay $0x3  }
0x36: {  	p1 =	seq.s32 s10, $0x1;
	s10 =	sld [smem:$0x3FB0];
	_ =	sdelay $0x3  }
0x37: {  	[smem:$0x3FB0] =	sst s10  }
0x38: {  	s10 =	sld [smem:$0x3FB1]  }
0x39: {  	_ = 	snop;
	(pc) =	sbr.ind lr, $3  }
0x3a: {  	_ = 	snop  }
0x3b: {  	_ = 	snop  }
0x3c: {  	p2 =	seq.s32 s10, $0x1;
	s10 =	sld [smem:$0x3FB0]  }
0x3d: {  	_ =	shalt  }
0x3e: {  	_ =	shalt  }
0x3f: {  	_ =	shalt  }
0x40: {  	_ =	shalt  }
0x41: {  	_ =	shalt  }
0x42: {  	_ =	shalt  }
0x43: {  	_ =	shalt  }
0x44: {  	_ =	shalt  }
0x45: {  	_ =	shalt  }
0x46: {  	_ =	shalt  }
0x47: {  	_ =	shalt  }
0x48: {  	_ =	shalt  }
0x49: {  	_ =	shalt  }
0x4a: {  	_ =	shalt  }
0x4b: {  	_ =	shalt  }
0x4c: {  	_ =	shalt  }
0x4d: {  	_ =	shalt  }
0x4e: {  	_ =	shalt  }
0x4f: {  	_ =	shalt  }
0x50: {  	_ =	shalt  }
0x51: {  	_ =	shalt  }
0x52: {  	_ =	shalt  }
0x53: {  	_ =	shalt  }
0x54: {  	_ =	shalt  }
0x55: {  	_ =	shalt  }
0x56: {  	_ =	shalt  }
0x57: {  	_ =	shalt  }
0x58: {  	_ =	shalt  }
0x59: {  	_ =	shalt  }
0x5a: {  	_ =	shalt  }
0x5b: {  	_ =	shalt  }
0x5c: {  	_ =	shalt  }
0x5d: {  	_ =	shalt  }
0x5e: {  	_ =	shalt  }
0x5f: {  	_ =	shalt  }
0x60: {  	_ =	shalt  }
0x61: {  	_ =	shalt  }
0x62: {  	_ =	shalt  }
0x63: {  	_ =	shalt  }
0x64: {  	_ =	shalt  }
0x65: {  	_ =	shalt  }
0x66: {  	_ =	shalt  }
0x67: {  	_ =	shalt  }
0x68: {  	_ =	shalt  }
0x69: {  	_ =	shalt  }
0x6a: {  	_ =	shalt  }
0x6b: {  	_ =	shalt  }
0x6c: {  	_ =	shalt  }
0x6d: {  	_ =	shalt  }
0x6e: {  	_ =	shalt  }
0x6f: {  	_ =	shalt  }
0x70: {  	_ =	shalt  }
0x71: {  	_ =	shalt  }
0x72: {  	_ =	shalt  }
0x73: {  	_ =	shalt  }
0x74: {  	_ =	shalt  }
0x75: {  	_ =	shalt  }
0x76: {  	_ =	shalt  }
0x77: {  	_ =	shalt  }
0x78: {  	_ =	shalt  }
0x79: {  	_ =	shalt  }
0x7a: {  	_ =	shalt  }
0x7b: {  	_ =	shalt  }
0x7c: {  	_ =	shalt  }
0x7d: {  	_ =	shalt  }
0x7e: {  	_ =	shalt  }
0x7f: {  	_ =	shalt  }
0x80: {  	_ =	shalt  }
0x81: {  	_ =	shalt  }
0x82: {  	_ =	shalt  }
0x83: {  	_ =	shalt  }
0x84: {  	_ =	shalt  }
0x85: {  	_ =	shalt  }
0x86: {  	_ =	shalt  }
0x87: {  	_ =	shalt  }
.Lfunc_end0:
.L_simem_size_0:
called_computation.2_lowered:
.L_overlay_start_0:
0x88: {  	s2 =	sld [smem:$0x3FD9]  }
0x89: {  	s3 =	sld [smem:$0x3FFE];
	_ =	sdelay $0x1  }
0x8a: {  	s1 =	srdreg.scid  }
0x8b: {  	s0 =	sand.u32 $0x1, s1  }
0x8c: {  	s17 =	sshll.u32 s0, $0xA;
	s2 =	sadd.s32 s3, s2  }
0x8d: {  	s2 =	sadd.s32 s2, s17  }
0x8e: {  	[smem:$0x3FBC] =	sst s2  }
0x8f: {  	_ = 	snop  }
0x90: {  	s2 =	sld [smem:$0x3FD0];
	(tm) =	ssettm $0x1  }
0x91: {  	s18 =	sld [smem:$0x3FFB];
	_ =	sdelay $0x3  }
0x92: {  	_ =	strace s18  }
0x93: {  	s3 =	sld [smem:$0x3FFC];
	_ =	sdelay $0x3  }
0x94: {  	_ =	strace s3  }
0x95: {  	s3 =	sld [smem:$0x3FFD];
	_ =	sdelay $0x3  }
0x96: {  	_ =	strace s3  }
0x97: {  	_ =	strace $0x8FFFFFFF  }
0x98: {  	s19 =	sld [smem:$0x3FDB];
	_ =	sdelay $0x1  }
0x99: {  	s4 =	simm.s32 $_scs_section_size  }
0x9a: {  	s5 =	simm.s32 $_size__tile_overlayer_lowered;
	s6 =	simm.s32 $_tile_overlayer_lowered  }
0x9b: {  	s22 =	simm.s32 $0x1BFF;
	s21 =	sshll.u32 s6, $0x1;
	s3 =	sadd.s32 s4, s19  }
0x9c: {  	s7 =	simm.s32 $0x0;
	s20 =	sshll.u32 s5, $0x1;
	s5 =	sadd.s32 s21, s3  }
0x9d: {  	[timem:s7], [sflag:s22] =	dma.local [hbm:s5], s20  }
0x9e: {  	_ =	swait.ge [sflag:s22], s20  }
0x9f: {  	s4 =	ssub.s32 $0x0, s20;
	[sflag:s22] =	ssyncset.done $0x0  }
0xa0: {  	[sflag:s22] =	ssyncadd.s32 s4;
	_ =	sdelay $0x1  }
0xa1: {  	s23 =	simm.s32 $0x1B8B  }
0xa2: {  	_ =	swait.ge [sflag:s23], $0x1  }
0xa3: {  	[sflag:s23] =	ssyncset.done $0x0  }
0xa4: {  	s25 =	simm.s32 $0x1B8E;
	s24 =	sld [smem:$0x3FFE];
	[sflag:s23] =	ssyncadd.s32 $0xFFFFFFFF  }
0xa5: {  	s26 =	simm.s32 $execute0_lowered;
	[smem:$0x3FD2] =	sst s25  }
0xa6: {  	s5 =	sshll.u32 s26, $0x1;
	_ =	strace $0x8000004C;
	[dreg:$0x1] =	wrdreg $0xFFFFFFFF  }
0xa7: {  	s28 =	simm.s32 $_size_execute0_lowered;
	s3 =	sadd.s32 s3, s5;
	[dreg:$0x0] =	wrdreg $0x0  }
0xa8: {  	s5 =	sshll.u32 s28, $0x1;
	[dreg:$0x2] =	wrdreg s3  }
0xa9: {  	[dreg:$0x3] =	wrdreg s5  }
0xaa: {  	[dreg:$0x4] =	wrdreg $0xC0  }
0xab: {  	_ =	task [dreg:s7], $0x5FFFF  }
0xac: {  	[dreg:$0x1] =	wrdreg $0xFFFFFFFF  }
0xad: {  	[dreg:$0x0] =	wrdreg $0x60  }
0xae: {  	[dreg:$0x2] =	wrdreg s24  }
0xaf: {  	[dreg:$0x3] =	wrdreg s2  }
0xb0: {  	[dreg:$0x4] =	wrdreg $0x108000  }
0xb1: {  	[dreg:$0x5] =	wrdreg $0x9  }
0xb2: {  	_ =	task.clear_ibuf [dreg:s7], $0x6FFFF;
	_ =	strace $0x9000004C  }
0xb3: {  	s29 =	simm.s32 $0x9;
	_ =	strace $0x8000004E  }
0xb4: {  	_ =	swait.ge [sflag:s29], $0x1  }
0xb5: {  	[sflag:s29] =	ssyncadd.s32 $0xFFFFFFFF  }
0xb6: {  	_ =	strace $0x9000004E  }
0xb7: {  	_ =	sfence  }
0xb8: {  	s30 =	sld [smem:$0x0];
	_ =	sdelay $0x2  }
0xb9: {  	s31 =	sshll.u32 s1, $0xD;
	s1 =	sshrl.u32 s1, $0x2  }
0xba: {  	s3 =	sand.u32 $0x4000, s31;
	s1 =	sadd.s32 s1, s30  }
0xbb: {  	s0 =	sor.u32 s3, s0;
	s1 =	sshll.u32 s1, $0x11  }
0xbc: {  	s0 =	sor.u32 s1, s0  }
0xbd: {  	s0 =	sadd.s32 $0x8F2B, s0  }
0xbe: {  	[sflag:s0] =	ssyncadd.remote.s32 $0x1  }
0xbf: {  	_ =	sfence.sel $0xFFFF  }
0xc0: {  	[dreg:$0x0] =	wrdreg $0xFFFFFFFF;
	(pc) =	sbr.abs _section_cstart, $3  }
0xc1: {  	[dreg:$0x1] =	wrdreg $0xFFFFFFFF  }
0xc2: {  	_ =	task.clear_ibuf [dreg:s7], $0x2FFFF;
	_ =	strace $0x9FFFFFFF  }
0xc3: {  	(tm) =	ssettm $0x7FFFFFFF  }
tec
execute0_lowered:
.L_overlay_start_1:
0x0: {  	(tag) =	ssettag $0x1  }
0x1: {  	s0 =	rddreg [dreg:$0x0]  }
0x2: {  	s1 =	rddreg [dreg:$0x1];
	s3 =	srdreg.scid  }
0x3: {  	s11 =	stileid.u32;
	s2 =	rddreg [dreg:$0x2]  }
0x4: {  	s12 =	simm.s32 $0x800;
	s13 =	simm.s32 $0x5;
	s14 =	simm.s32 $0x400  }
0x5: {  	s15 =	simm.s32 $0x80;
	s16 =	simm.s32 $0x2800;
	s23 =	simm.s32 $0x100  }
0x6: {  	s24 =	simm.s32 $0x180;
	s25 =	simm.s32 $0x200;
	s26 =	simm.s32 $0x280  }
0x7: {  	s28 =	simm.s32 $0x500;
	s29 =	simm.s32 $0x580;
	s30 =	simm.s32 $0x2  }
0x8: {  	s5 =	sand.u32 $0x1, s3;
	s6 =	smul.u32 $0xA000, s11;
	s3 =	simm.s32 $0x0  }
0x9: {  	s31 =	simm.s32 $0x600;
	s10 =	smul.u32 $0x28000, s11;
	[smem:$0x7FF] =	sst s3  }
0xa: {  	s4 =	smul.u32 $0xA0000, s5;
	_ =	strace $0x8000004D;
	[dreg:$0x6] =	wrdreg s23  }
0xb: {  	s7 =	smul.u32 $0xA000, s5;
	s5 =	ssub.s32 $0x2, s5;
	[dreg:$0x7] =	wrdreg s24  }
0xc: {  	s11 =	smul.u32 $0xA00, s11;
	s17 =	sshrl.u32 s5, $0x1;
	[dreg:$0x8] =	wrdreg s25  }
0xd: {  	s10 =	sshrl.u32 s10, $0x2;
	[dreg:$0x9] =	wrdreg s26;
	s23 =	simm.s32 $0x380  }
0xe: {  	s24 =	simm.s32 $0xE800;
	s25 =	simm.s32 $0x1;
	s26 =	simm.s32 $0x480  }
0xf: {  	s4 =	sadd.s32 s6, s4;
	s8 =	sadd.s32 s7, s0;
	s5 =	ssub.s32 s5, s17  }
0x10: {  	s6 =	sadd.s32 s6, s2;
	s18 =	sadd.s32 s10, s2;
	s1 =	sadd.s32 s7, s1  }
0x11: {  	s17 =	simm.s32 $0x4800;
	[dreg:$0xa] =	wrdreg s6;
	s19 =	sadd.s32 $0x2000, s18  }
0x12: {  	s7 =	simm.s32 $0x3;
	s20 =	sadd.s32 $0x4000, s18;
	[dreg:$0xb] =	wrdreg s19  }
0x13: {  	s9 =	sshrl.u32 s4, $0x3;
	s21 =	sadd.s32 $0x6000, s18;
	[dreg:$0xc] =	wrdreg s20  }
0x14: {  	s4 =	sadd.s32 $0x67000, s0;
	s6 =	sadd.s32 $0x8000, s18;
	[dreg:$0xd] =	wrdreg s21  }
0x15: {  	s8 =	sadd.s32 s11, s8;
	s22 =	smax.u32 s5, $0x1;
	[dreg:$0xe] =	wrdreg s6  }
0x16: {  	s1 =	sadd.s32 s11, s1;
	s18 =	simm.s32 $0x6800;
	[dreg:$0x10] =	wrdreg s22  }
0x17: {  	s0 =	sadd.s32 s9, s0;
	s8 =	sadd.s32 $0x2B000, s8;
	[dreg:$0x5] =	wrdreg s1  }
0x18: {  	s19 =	simm.s32 $0x8800;
	s20 =	simm.s32 $0xA800;
	s21 =	simm.s32 $0x300  }
0x19: {  	s22 =	simm.s32 $0xC800;
	s1 =	simm.s32 $0x680;
	s6 =	simm.s32 $0x780  }
0x1a: {  	s9 =	simm.s32 $0x0;
	[dreg:$0x4] =	wrdreg s8;
	s0 =	sadd.s32 $0x7B000, s0  }
0x1b: {  	v0 =	vimm.f32 $0.0e+00;
	s8 =	simm.s32 $0x4;
	[dreg:$0xf] =	wrdreg s0;
	s0 =	simm.s32 $0x700  }
.LBB2_1:
0x1c: {  	s11 =	simm.s32 $0x100;
	s10 =	simm.s32 $0x0  }
.LBB2_2:
0x1d: {  	p0 =	sne.s32 s11, $0x7F00;
	[tilespmem:s10+$0x830] =	vst v0;
	s5 =	smov.u32 s11;
	s11 =	sadd.s32 $0x100, s11  }
.Ltmp0:
0x1e: {  	[tilespmem:s10+$0x820] =	vst v0;
	(pc) =	sbr.rel @p0 .LBB2_2-.Ltmp0, $3  }
0x1f: {  	[tilespmem:s10+$0x800] =	vst v0  }
0x20: {  	[tilespmem:s10+$0x810] =	vst v0;
	_ =	sdelay $0x1  }
0x21: {  	s10 =	sshra.s32 s5, $0x2  }
0x22: {  	[tilespmem:s10+$0x830] =	vst v0  }
0x23: {  	[tilespmem:s10+$0x820] =	vst v0  }
0x24: {  	[dreg:$0x11] =	wrdreg s9;
	[tilespmem:s10+$0x800] =	vst v0  }
0x25: {  	[tilespmem:s10+$0x810] =	vst v0;
	s5 =	rddreg [dreg:$0xa]  }
0x26: {  	[spmem:s5] =	stream.linear.scatter [tilespmem:s12], [sflag:$0x5], $0x2000, $0x38;
	[tilespmem:$0x1A800] =	vst v63  }
0x27: {  	_ =	swait.ge [sflag:s13], $0x2000  }
0x28: {  	[sflag:s13] =	ssyncset.done $0x0  }
0x29: {  	s10 =	rddreg [dreg:$0xb];
	[sflag:s13] =	ssyncadd.s32 $0xFFFFE000  }
0x2a: {  	[spmem:s10] =	stream.linear.scatter [tilespmem:s12], [sflag:$0x5], $0x2000, $0x38;
	[tilespmem:$0x1A800] =	vst v63  }
0x2b: {  	_ =	swait.ge [sflag:s13], $0x2000  }
0x2c: {  	[sflag:s13] =	ssyncset.done $0x0  }
0x2d: {  	s11 =	rddreg [dreg:$0xc];
	[sflag:s13] =	ssyncadd.s32 $0xFFFFE000  }
0x2e: {  	[spmem:s11] =	stream.linear.scatter [tilespmem:s12], [sflag:$0x5], $0x2000, $0x38;
	[tilespmem:$0x1A800] =	vst v63  }
0x2f: {  	_ =	swait.ge [sflag:s13], $0x2000  }
0x30: {  	[sflag:s13] =	ssyncset.done $0x0  }
0x31: {  	s9 =	rddreg [dreg:$0xd];
	[sflag:s13] =	ssyncadd.s32 $0xFFFFE000  }
0x32: {  	[spmem:s9] =	stream.linear.scatter [tilespmem:s12], [sflag:$0x5], $0x2000, $0x38;
	[tilespmem:$0x1A800] =	vst v63  }
0x33: {  	_ =	swait.ge [sflag:s13], $0x2000  }
0x34: {  	[sflag:s13] =	ssyncset.done $0x0  }
0x35: {  	s10 =	rddreg [dreg:$0xe];
	[sflag:s13] =	ssyncadd.s32 $0xFFFFE000  }
0x36: {  	[spmem:s10] =	stream.linear.scatter [tilespmem:s12], [sflag:$0x5], $0x2000, $0x38;
	[tilespmem:$0x1A800] =	vst v63  }
0x37: {  	_ =	swait.ge [sflag:s13], $0x2000  }
0x38: {  	[sflag:s13] =	ssyncset.done $0x0  }
0x39: {  	[sflag:s13] =	ssyncadd.s32 $0xFFFFE000  }
0x3a: {  	[bflag:$0x0] =	sbarrier.arrive $0xFFFF  }
0x3b: {  	s11 =	rddreg [dreg:$0x4]  }
0x3c: {  	s5 =	sadd.s32 $0x0, s11  }
0x3d: {  	[tilespmem:s3], [sflag:$0x5] =	stream.linear.gather [hbm4b:s5+s3], $0x400, $0x38;
	[tilespmem:$0x1A800] =	vst v63  }
0x3e: {  	_ =	swait.ge [sflag:s13], $0x400  }
0x3f: {  	s9 =	rddreg [dreg:$0x5];
	[sflag:s13] =	ssyncset.done $0x0  }
0x40: {  	[sflag:s13] =	ssyncadd.s32 $0xFFFFFC00;
	s5 =	sadd.s32 $0x0, s9  }
0x41: {  	[tilespmem:s14], [sflag:$0x5] =	stream.linear.gather [hbm4b:s5+s3], $0x400, $0x38;
	[tilespmem:$0x1A800] =	vst v63  }
0x42: {  	_ =	swait.ge [sflag:s13], $0x400  }
0x43: {  	[sflag:s13] =	ssyncset.done $0x0  }
0x44: {  	[sflag:s13] =	ssyncadd.s32 $0xFFFFFC00  }
0x45: {  	[tilespmem:s12], [sflag:$0x1] =	stream.indirect.gather [hbm4b:s4+s15], $0x40, s3, s15, $0xb8;
	[tilespmem:$0x1A800] =	vst v63  }
0x46: {  	_ = 	snop  }
0x47: {  	[tilespmem:s16], [sflag:$0x1] =	stream.indirect.gather [hbm4b:s4+s15], $0x40, s15, s15, $0xb8;
	[tilespmem:$0x1A800] =	vst v63  }
0x48: {  	s10 =	rddreg [dreg:$0x6]  }
0x49: {  	[tilespmem:s17], [sflag:$0x1] =	stream.indirect.gather [hbm4b:s4+s15], $0x40, s10, s15, $0xb8;
	[tilespmem:$0x1A800] =	vst v63  }
0x4a: {  	s11 =	rddreg [dreg:$0x7]  }
0x4b: {  	[tilespmem:s18], [sflag:$0x1] =	stream.indirect.gather [hbm4b:s4+s15], $0x40, s11, s15, $0xb8;
	[tilespmem:$0x1A800] =	vst v63  }
0x4c: {  	s9 =	rddreg [dreg:$0x8]  }
0x4d: {  	[tilespmem:s19], [sflag:$0x2] =	stream.indirect.gather [hbm4b:s4+s15], $0x40, s9, s15, $0xb8;
	[tilespmem:$0x1A800] =	vst v63  }
0x4e: {  	s11 =	rddreg [dreg:$0x9]  }
0x4f: {  	[tilespmem:s20], [sflag:$0x2] =	stream.indirect.gather [hbm4b:s4+s15], $0x40, s11, s15, $0xb8;
	[tilespmem:$0x1A800] =	vst v63  }
0x50: {  	_ = 	snop  }
0x51: {  	[tilespmem:s22], [sflag:$0x2] =	stream.indirect.gather [hbm4b:s4+s15], $0x40, s21, s15, $0xb8;
	[tilespmem:$0x1A800] =	vst v63  }
0x52: {  	_ = 	snop  }
0x53: {  	[tilespmem:s24], [sflag:$0x2] =	stream.indirect.gather [hbm4b:s4+s15], $0x40, s23, s15, $0xb8;
	[tilespmem:$0x1A800] =	vst v63  }
0x54: {  	_ =	swait.ge [sflag:s25], $0x2000  }
0x55: {  	[sflag:s25] =	ssyncset.done $0x0  }
0x56: {  	[sflag:s25] =	ssyncadd.s32 $0xFFFFE000  }
0x57: {  	_ =	swait.ge [sflag:s25], $0x2000  }
0x58: {  	[sflag:s25] =	ssyncset.done $0x0  }
0x59: {  	[sflag:s25] =	ssyncadd.s32 $0xFFFFE000  }
0x5a: {  	_ =	swait.ge [sflag:s25], $0x2000  }
0x5b: {  	[sflag:s25] =	ssyncset.done $0x0  }
0x5c: {  	[sflag:s25] =	ssyncadd.s32 $0xFFFFE000  }
0x5d: {  	_ =	swait.ge [sflag:s25], $0x2000  }
0x5e: {  	[sflag:s25] =	ssyncset.done $0x0  }
0x5f: {  	[sflag:s25] =	ssyncadd.s32 $0xFFFFE000  }
0x60: {  	[spmem:s2] =	stream.indirect.scatter.add.f32 [tilespmem:s12], [sflag:$0x3], $0x40, s14, s15, $0xb8;
	[tilespmem:$0x1A800] =	vst v63  }
0x61: {  	_ = 	snop  }
0x62: {  	[spmem:s2] =	stream.indirect.scatter.add.f32 [tilespmem:s16], [sflag:$0x3], $0x40, s26, s15, $0xb8;
	[tilespmem:$0x1A800] =	vst v63  }
0x63: {  	_ = 	snop  }
0x64: {  	[spmem:s2] =	stream.indirect.scatter.add.f32 [tilespmem:s17], [sflag:$0x3], $0x40, s28, s15, $0xb8;
	[tilespmem:$0x1A800] =	vst v63  }
0x65: {  	_ = 	snop  }
0x66: {  	[spmem:s2] =	stream.indirect.scatter.add.f32 [tilespmem:s18], [sflag:$0x3], $0x40, s29, s15, $0xb8;
	[tilespmem:$0x1A800] =	vst v63  }
0x67: {  	_ =	swait.ge [sflag:s30], $0x2000  }
0x68: {  	[sflag:s30] =	ssyncset.done $0x0  }
0x69: {  	[sflag:s30] =	ssyncadd.s32 $0xFFFFE000  }
0x6a: {  	_ =	swait.ge [sflag:s30], $0x2000  }
0x6b: {  	[sflag:s30] =	ssyncset.done $0x0  }
0x6c: {  	[sflag:s30] =	ssyncadd.s32 $0xFFFFE000  }
0x6d: {  	_ =	swait.ge [sflag:s30], $0x2000  }
0x6e: {  	[sflag:s30] =	ssyncset.done $0x0  }
0x6f: {  	[sflag:s30] =	ssyncadd.s32 $0xFFFFE000  }
0x70: {  	_ =	swait.ge [sflag:s30], $0x2000  }
0x71: {  	[sflag:s30] =	ssyncset.done $0x0  }
0x72: {  	[sflag:s30] =	ssyncadd.s32 $0xFFFFE000  }
0x73: {  	[spmem:s2] =	stream.indirect.scatter.add.f32 [tilespmem:s19], [sflag:$0x4], $0x40, s31, s15, $0xb8;
	[tilespmem:$0x1A800] =	vst v63  }
0x74: {  	_ = 	snop  }
0x75: {  	[spmem:s2] =	stream.indirect.scatter.add.f32 [tilespmem:s20], [sflag:$0x4], $0x40, s1, s15, $0xb8;
	[tilespmem:$0x1A800] =	vst v63  }
0x76: {  	_ = 	snop  }
0x77: {  	[spmem:s2] =	stream.indirect.scatter.add.f32 [tilespmem:s22], [sflag:$0x4], $0x40, s0, s15, $0xb8;
	[tilespmem:$0x1A800] =	vst v63  }
0x78: {  	_ = 	snop  }
0x79: {  	[spmem:s2] =	stream.indirect.scatter.add.f32 [tilespmem:s24], [sflag:$0x4], $0x40, s6, s15, $0xb8;
	[tilespmem:$0x1A800] =	vst v63  }
0x7a: {  	_ =	swait.ge [sflag:s7], $0x2000  }
0x7b: {  	[sflag:s7] =	ssyncset.done $0x0  }
0x7c: {  	[sflag:s7] =	ssyncadd.s32 $0xFFFFE000  }
0x7d: {  	_ =	swait.ge [sflag:s7], $0x2000  }
0x7e: {  	[sflag:s7] =	ssyncset.done $0x0  }
0x7f: {  	[sflag:s7] =	ssyncadd.s32 $0xFFFFE000  }
0x80: {  	_ =	swait.ge [sflag:s7], $0x2000  }
0x81: {  	[sflag:s7] =	ssyncset.done $0x0  }
0x82: {  	[sflag:s7] =	ssyncadd.s32 $0xFFFFE000  }
0x83: {  	_ =	swait.ge [sflag:s7], $0x2000  }
0x84: {  	[sflag:s7] =	ssyncset.done $0x0  }
0x85: {  	[sflag:s7] =	ssyncadd.s32 $0xFFFFE000  }
0x86: {  	_ =	swait.ge [sflag:s8], $0x2000  }
0x87: {  	[sflag:s8] =	ssyncset.done $0x0  }
0x88: {  	[sflag:s8] =	ssyncadd.s32 $0xFFFFE000  }
0x89: {  	_ =	swait.ge [sflag:s8], $0x2000  }
0x8a: {  	[sflag:s8] =	ssyncset.done $0x0  }
0x8b: {  	[sflag:s8] =	ssyncadd.s32 $0xFFFFE000  }
0x8c: {  	_ =	swait.ge [sflag:s8], $0x2000  }
0x8d: {  	[sflag:s8] =	ssyncset.done $0x0  }
0x8e: {  	[sflag:s8] =	ssyncadd.s32 $0xFFFFE000  }
0x8f: {  	s10 =	simm.s32 $0x80;
	_ =	swait.ge [sflag:s8], $0x2000  }
0x90: {  	s11 =	simm.s32 $0x100;
	s5 =	rddreg [dreg:$0x4];
	[sflag:s8] =	ssyncset.done $0x0  }
.LBB2_4:
0x91: {  	[sflag:s8] =	ssyncadd.s32 $0xFFFFE000;
	s5 =	sadd.s32 s10, s5  }
0x92: {  	[tilespmem:s3], [sflag:$0x5] =	stream.linear.gather [hbm4b:s5+s3], $0x400, $0x38;
	[tilespmem:$0x1A800] =	vst v63  }
0x93: {  	_ =	swait.ge [sflag:s13], $0x400  }
0x94: {  	s5 =	rddreg [dreg:$0x5];
	[sflag:s13] =	ssyncset.done $0x0  }
0x95: {  	[sflag:s13] =	ssyncadd.s32 $0xFFFFFC00;
	s5 =	sadd.s32 s10, s5  }
0x96: {  	[tilespmem:s14], [sflag:$0x5] =	stream.linear.gather [hbm4b:s5+s3], $0x400, $0x38;
	[tilespmem:$0x1A800] =	vst v63  }
0x97: {  	_ =	swait.ge [sflag:s13], $0x400  }
0x98: {  	[sflag:s13] =	ssyncset.done $0x0  }
0x99: {  	[sflag:s13] =	ssyncadd.s32 $0xFFFFFC00  }
0x9a: {  	[tilespmem:s12], [sflag:$0x1] =	stream.indirect.gather [hbm4b:s4+s15], $0x40, s3, s15, $0xb8;
	[tilespmem:$0x1A800] =	vst v63  }
0x9b: {  	_ = 	snop  }
0x9c: {  	[tilespmem:s16], [sflag:$0x1] =	stream.indirect.gather [hbm4b:s4+s15], $0x40, s15, s15, $0xb8;
	[tilespmem:$0x1A800] =	vst v63  }
0x9d: {  	s9 =	smov.u32 s11;
	s5 =	rddreg [dreg:$0x6]  }
0x9e: {  	[tilespmem:s17], [sflag:$0x1] =	stream.indirect.gather [hbm4b:s4+s15], $0x40, s5, s15, $0xb8;
	[tilespmem:$0x1A800] =	vst v63  }
0x9f: {  	s10 =	smov.u32 s9;
	s9 =	rddreg [dreg:$0x7]  }
0xa0: {  	[tilespmem:s18], [sflag:$0x1] =	stream.indirect.gather [hbm4b:s4+s15], $0x40, s9, s15, $0xb8;
	[tilespmem:$0x1A800] =	vst v63  }
0xa1: {  	s5 =	rddreg [dreg:$0x8]  }
0xa2: {  	[tilespmem:s19], [sflag:$0x2] =	stream.indirect.gather [hbm4b:s4+s15], $0x40, s5, s15, $0xb8;
	[tilespmem:$0x1A800] =	vst v63  }
0xa3: {  	s9 =	rddreg [dreg:$0x9]  }
0xa4: {  	[tilespmem:s20], [sflag:$0x2] =	stream.indirect.gather [hbm4b:s4+s15], $0x40, s9, s15, $0xb8;
	[tilespmem:$0x1A800] =	vst v63  }
0xa5: {  	_ = 	snop  }
0xa6: {  	[tilespmem:s22], [sflag:$0x2] =	stream.indirect.gather [hbm4b:s4+s15], $0x40, s21, s15, $0xb8;
	[tilespmem:$0x1A800] =	vst v63  }
0xa7: {  	_ = 	snop  }
0xa8: {  	[tilespmem:s24], [sflag:$0x2] =	stream.indirect.gather [hbm4b:s4+s15], $0x40, s23, s15, $0xb8;
	[tilespmem:$0x1A800] =	vst v63  }
0xa9: {  	_ =	swait.ge [sflag:s25], $0x2000  }
0xaa: {  	[sflag:s25] =	ssyncset.done $0x0  }
0xab: {  	[sflag:s25] =	ssyncadd.s32 $0xFFFFE000  }
0xac: {  	_ =	swait.ge [sflag:s25], $0x2000  }
0xad: {  	[sflag:s25] =	ssyncset.done $0x0  }
0xae: {  	[sflag:s25] =	ssyncadd.s32 $0xFFFFE000  }
0xaf: {  	_ =	swait.ge [sflag:s25], $0x2000  }
0xb0: {  	[sflag:s25] =	ssyncset.done $0x0  }
0xb1: {  	[sflag:s25] =	ssyncadd.s32 $0xFFFFE000  }
0xb2: {  	_ =	swait.ge [sflag:s25], $0x2000  }
0xb3: {  	[sflag:s25] =	ssyncset.done $0x0  }
0xb4: {  	[sflag:s25] =	ssyncadd.s32 $0xFFFFE000  }
0xb5: {  	[spmem:s2] =	stream.indirect.scatter.add.f32 [tilespmem:s12], [sflag:$0x3], $0x40, s14, s15, $0xb8;
	[tilespmem:$0x1A800] =	vst v63  }
0xb6: {  	_ = 	snop  }
0xb7: {  	[spmem:s2] =	stream.indirect.scatter.add.f32 [tilespmem:s16], [sflag:$0x3], $0x40, s26, s15, $0xb8;
	[tilespmem:$0x1A800] =	vst v63  }
0xb8: {  	_ = 	snop  }
0xb9: {  	[spmem:s2] =	stream.indirect.scatter.add.f32 [tilespmem:s17], [sflag:$0x3], $0x40, s28, s15, $0xb8;
	[tilespmem:$0x1A800] =	vst v63  }
0xba: {  	_ = 	snop  }
0xbb: {  	[spmem:s2] =	stream.indirect.scatter.add.f32 [tilespmem:s18], [sflag:$0x3], $0x40, s29, s15, $0xb8;
	[tilespmem:$0x1A800] =	vst v63  }
0xbc: {  	_ =	swait.ge [sflag:s30], $0x2000  }
0xbd: {  	[sflag:s30] =	ssyncset.done $0x0  }
0xbe: {  	[sflag:s30] =	ssyncadd.s32 $0xFFFFE000  }
0xbf: {  	_ =	swait.ge [sflag:s30], $0x2000  }
0xc0: {  	[sflag:s30] =	ssyncset.done $0x0  }
0xc1: {  	[sflag:s30] =	ssyncadd.s32 $0xFFFFE000  }
0xc2: {  	_ =	swait.ge [sflag:s30], $0x2000  }
0xc3: {  	[sflag:s30] =	ssyncset.done $0x0  }
0xc4: {  	[sflag:s30] =	ssyncadd.s32 $0xFFFFE000  }
0xc5: {  	_ =	swait.ge [sflag:s30], $0x2000  }
0xc6: {  	[sflag:s30] =	ssyncset.done $0x0  }
0xc7: {  	[sflag:s30] =	ssyncadd.s32 $0xFFFFE000  }
0xc8: {  	[spmem:s2] =	stream.indirect.scatter.add.f32 [tilespmem:s19], [sflag:$0x4], $0x40, s31, s15, $0xb8;
	[tilespmem:$0x1A800] =	vst v63  }
0xc9: {  	_ = 	snop  }
0xca: {  	[spmem:s2] =	stream.indirect.scatter.add.f32 [tilespmem:s20], [sflag:$0x4], $0x40, s1, s15, $0xb8;
	[tilespmem:$0x1A800] =	vst v63  }
0xcb: {  	_ = 	snop  }
0xcc: {  	[spmem:s2] =	stream.indirect.scatter.add.f32 [tilespmem:s22], [sflag:$0x4], $0x40, s0, s15, $0xb8;
	[tilespmem:$0x1A800] =	vst v63  }
0xcd: {  	_ = 	snop  }
0xce: {  	[spmem:s2] =	stream.indirect.scatter.add.f32 [tilespmem:s24], [sflag:$0x4], $0x40, s6, s15, $0xb8;
	[tilespmem:$0x1A800] =	vst v63  }
0xcf: {  	_ =	swait.ge [sflag:s7], $0x2000  }
0xd0: {  	[sflag:s7] =	ssyncset.done $0x0  }
0xd1: {  	[sflag:s7] =	ssyncadd.s32 $0xFFFFE000  }
0xd2: {  	_ =	swait.ge [sflag:s7], $0x2000  }
0xd3: {  	[sflag:s7] =	ssyncset.done $0x0  }
0xd4: {  	[sflag:s7] =	ssyncadd.s32 $0xFFFFE000  }
0xd5: {  	_ =	swait.ge [sflag:s7], $0x2000  }
0xd6: {  	[sflag:s7] =	ssyncset.done $0x0  }
0xd7: {  	[sflag:s7] =	ssyncadd.s32 $0xFFFFE000  }
0xd8: {  	_ =	swait.ge [sflag:s7], $0x2000  }
0xd9: {  	[sflag:s7] =	ssyncset.done $0x0  }
0xda: {  	[sflag:s7] =	ssyncadd.s32 $0xFFFFE000  }
0xdb: {  	_ =	swait.ge [sflag:s8], $0x2000  }
0xdc: {  	[sflag:s8] =	ssyncset.done $0x0  }
0xdd: {  	[sflag:s8] =	ssyncadd.s32 $0xFFFFE000  }
0xde: {  	_ =	swait.ge [sflag:s8], $0x2000  }
0xdf: {  	[sflag:s8] =	ssyncset.done $0x0  }
0xe0: {  	p0 =	sne.s32 s11, $0x980;
	[sflag:s8] =	ssyncadd.s32 $0xFFFFE000  }
.Ltmp1:
0xe1: {  	_ =	swait.ge [sflag:s8], $0x2000;
	(pc) =	sbr.rel @p0 .LBB2_4-.Ltmp1, $4  }
0xe2: {  	[sflag:s8] =	ssyncset.done $0x0  }
0xe3: {  	[sflag:s8] =	ssyncadd.s32 $0xFFFFE000  }
0xe4: {  	_ =	swait.ge [sflag:s8], $0x2000  }
0xe5: {  	s11 =	sadd.s32 $0x80, s11;
	s5 =	rddreg [dreg:$0x4];
	[sflag:s8] =	ssyncset.done $0x0  }
0xe6: {  	[sflag:s8] =	ssyncadd.s32 $0xFFFFE000;
	s5 =	sadd.s32 s10, s5  }
0xe7: {  	[tilespmem:s3], [sflag:$0x5] =	stream.linear.gather [hbm4b:s5+s3], $0x400, $0x38;
	[tilespmem:$0x1A800] =	vst v63  }
0xe8: {  	_ =	swait.ge [sflag:s13], $0x400  }
0xe9: {  	s9 =	rddreg [dreg:$0x5];
	[sflag:s13] =	ssyncset.done $0x0  }
0xea: {  	[sflag:s13] =	ssyncadd.s32 $0xFFFFFC00;
	s5 =	sadd.s32 s10, s9  }
0xeb: {  	[tilespmem:s14], [sflag:$0x5] =	stream.linear.gather [hbm4b:s5+s3], $0x400, $0x38;
	[tilespmem:$0x1A800] =	vst v63  }
0xec: {  	_ =	swait.ge [sflag:s13], $0x400  }
0xed: {  	[sflag:s13] =	ssyncset.done $0x0  }
0xee: {  	[sflag:s13] =	ssyncadd.s32 $0xFFFFFC00  }
0xef: {  	[tilespmem:s12], [sflag:$0x1] =	stream.indirect.gather [hbm4b:s4+s15], $0x40, s3, s15, $0xb8;
	[tilespmem:$0x1A800] =	vst v63  }
0xf0: {  	_ = 	snop  }
0xf1: {  	[tilespmem:s16], [sflag:$0x1] =	stream.indirect.gather [hbm4b:s4+s15], $0x40, s15, s15, $0xb8;
	[tilespmem:$0x1A800] =	vst v63  }
0xf2: {  	s11 =	rddreg [dreg:$0x6]  }
0xf3: {  	[tilespmem:s17], [sflag:$0x1] =	stream.indirect.gather [hbm4b:s4+s15], $0x40, s11, s15, $0xb8;
	[tilespmem:$0x1A800] =	vst v63  }
0xf4: {  	s9 =	rddreg [dreg:$0x7]  }
0xf5: {  	[tilespmem:s18], [sflag:$0x1] =	stream.indirect.gather [hbm4b:s4+s15], $0x40, s9, s15, $0xb8;
	[tilespmem:$0x1A800] =	vst v63  }
0xf6: {  	s10 =	rddreg [dreg:$0x8]  }
0xf7: {  	[tilespmem:s19], [sflag:$0x2] =	stream.indirect.gather [hbm4b:s4+s15], $0x40, s10, s15, $0xb8;
	[tilespmem:$0x1A800] =	vst v63  }
0xf8: {  	s11 =	rddreg [dreg:$0x9]  }
0xf9: {  	[tilespmem:s20], [sflag:$0x2] =	stream.indirect.gather [hbm4b:s4+s15], $0x40, s11, s15, $0xb8;
	[tilespmem:$0x1A800] =	vst v63  }
0xfa: {  	_ = 	snop  }
0xfb: {  	[tilespmem:s22], [sflag:$0x2] =	stream.indirect.gather [hbm4b:s4+s15], $0x40, s21, s15, $0xb8;
	[tilespmem:$0x1A800] =	vst v63  }
0xfc: {  	_ = 	snop  }
0xfd: {  	[tilespmem:s24], [sflag:$0x2] =	stream.indirect.gather [hbm4b:s4+s15], $0x40, s23, s15, $0xb8;
	[tilespmem:$0x1A800] =	vst v63  }
0xfe: {  	_ =	swait.ge [sflag:s25], $0x2000  }
0xff: {  	[sflag:s25] =	ssyncset.done $0x0  }
0x100: {  	[sflag:s25] =	ssyncadd.s32 $0xFFFFE000  }
0x101: {  	_ =	swait.ge [sflag:s25], $0x2000  }
0x102: {  	[sflag:s25] =	ssyncset.done $0x0  }
0x103: {  	[sflag:s25] =	ssyncadd.s32 $0xFFFFE000  }
0x104: {  	_ =	swait.ge [sflag:s25], $0x2000  }
0x105: {  	[sflag:s25] =	ssyncset.done $0x0  }
0x106: {  	[sflag:s25] =	ssyncadd.s32 $0xFFFFE000  }
0x107: {  	_ =	swait.ge [sflag:s25], $0x2000  }
0x108: {  	[sflag:s25] =	ssyncset.done $0x0  }
0x109: {  	[sflag:s25] =	ssyncadd.s32 $0xFFFFE000  }
0x10a: {  	[spmem:s2] =	stream.indirect.scatter.add.f32 [tilespmem:s12], [sflag:$0x3], $0x40, s14, s15, $0xb8;
	[tilespmem:$0x1A800] =	vst v63  }
0x10b: {  	_ = 	snop  }
0x10c: {  	[spmem:s2] =	stream.indirect.scatter.add.f32 [tilespmem:s16], [sflag:$0x3], $0x40, s26, s15, $0xb8;
	[tilespmem:$0x1A800] =	vst v63  }
0x10d: {  	_ = 	snop  }
0x10e: {  	[spmem:s2] =	stream.indirect.scatter.add.f32 [tilespmem:s17], [sflag:$0x3], $0x40, s28, s15, $0xb8;
	[tilespmem:$0x1A800] =	vst v63  }
0x10f: {  	_ = 	snop  }
0x110: {  	[spmem:s2] =	stream.indirect.scatter.add.f32 [tilespmem:s18], [sflag:$0x3], $0x40, s29, s15, $0xb8;
	[tilespmem:$0x1A800] =	vst v63  }
0x111: {  	_ =	swait.ge [sflag:s30], $0x2000  }
0x112: {  	[sflag:s30] =	ssyncset.done $0x0  }
0x113: {  	[sflag:s30] =	ssyncadd.s32 $0xFFFFE000  }
0x114: {  	_ =	swait.ge [sflag:s30], $0x2000  }
0x115: {  	[sflag:s30] =	ssyncset.done $0x0  }
0x116: {  	[sflag:s30] =	ssyncadd.s32 $0xFFFFE000  }
0x117: {  	_ =	swait.ge [sflag:s30], $0x2000  }
0x118: {  	[sflag:s30] =	ssyncset.done $0x0  }
0x119: {  	[sflag:s30] =	ssyncadd.s32 $0xFFFFE000  }
0x11a: {  	_ =	swait.ge [sflag:s30], $0x2000  }
0x11b: {  	[sflag:s30] =	ssyncset.done $0x0  }
0x11c: {  	[sflag:s30] =	ssyncadd.s32 $0xFFFFE000  }
0x11d: {  	[spmem:s2] =	stream.indirect.scatter.add.f32 [tilespmem:s19], [sflag:$0x4], $0x40, s31, s15, $0xb8;
	[tilespmem:$0x1A800] =	vst v63  }
0x11e: {  	_ = 	snop  }
0x11f: {  	[spmem:s2] =	stream.indirect.scatter.add.f32 [tilespmem:s20], [sflag:$0x4], $0x40, s1, s15, $0xb8;
	[tilespmem:$0x1A800] =	vst v63  }
0x120: {  	_ = 	snop  }
0x121: {  	[spmem:s2] =	stream.indirect.scatter.add.f32 [tilespmem:s22], [sflag:$0x4], $0x40, s0, s15, $0xb8;
	[tilespmem:$0x1A800] =	vst v63  }
0x122: {  	_ = 	snop  }
0x123: {  	[spmem:s2] =	stream.indirect.scatter.add.f32 [tilespmem:s24], [sflag:$0x4], $0x40, s6, s15, $0xb8;
	[tilespmem:$0x1A800] =	vst v63  }
0x124: {  	_ =	swait.ge [sflag:s7], $0x2000  }
0x125: {  	[sflag:s7] =	ssyncset.done $0x0  }
0x126: {  	[sflag:s7] =	ssyncadd.s32 $0xFFFFE000  }
0x127: {  	_ =	swait.ge [sflag:s7], $0x2000  }
0x128: {  	[sflag:s7] =	ssyncset.done $0x0  }
0x129: {  	[sflag:s7] =	ssyncadd.s32 $0xFFFFE000  }
0x12a: {  	_ =	swait.ge [sflag:s7], $0x2000  }
0x12b: {  	[sflag:s7] =	ssyncset.done $0x0  }
0x12c: {  	[sflag:s7] =	ssyncadd.s32 $0xFFFFE000  }
0x12d: {  	_ =	swait.ge [sflag:s7], $0x2000  }
0x12e: {  	[sflag:s7] =	ssyncset.done $0x0  }
0x12f: {  	[sflag:s7] =	ssyncadd.s32 $0xFFFFE000  }
0x130: {  	_ =	swait.ge [sflag:s8], $0x2000  }
0x131: {  	[sflag:s8] =	ssyncset.done $0x0  }
0x132: {  	[sflag:s8] =	ssyncadd.s32 $0xFFFFE000  }
0x133: {  	_ =	swait.ge [sflag:s8], $0x2000  }
0x134: {  	[sflag:s8] =	ssyncset.done $0x0  }
0x135: {  	[sflag:s8] =	ssyncadd.s32 $0xFFFFE000  }
0x136: {  	_ =	swait.ge [sflag:s8], $0x2000  }
0x137: {  	[sflag:s8] =	ssyncset.done $0x0  }
0x138: {  	[sflag:s8] =	ssyncadd.s32 $0xFFFFE000  }
0x139: {  	_ =	swait.ge [sflag:s8], $0x2000  }
0x13a: {  	[sflag:s8] =	ssyncset.done $0x0  }
0x13b: {  	[sflag:s8] =	ssyncadd.s32 $0xFFFFE000  }
0x13c: {  	s9 =	stileid.u32;
	[bflag:$0x0] =	sbarrier.arrive $0xFFFF  }
0x13d: {  	s5 =	sshll.u32 s9, $0x6;
	s10 =	rddreg [dreg:$0xa]  }
0x13e: {  	s5 =	sor.u32 $0x1C05, s5;
	s11 =	rddreg [dreg:$0xf];
	s9 =	sshrl.u32 s10, $0x3  }
0x13f: {  	[hbm:s11], [sflag:s5] =	dma.local [spmem:s9], $0x1400  }
0x140: {  	_ =	swait.ge [sflag:s13], $0x1400  }
0x141: {  	s10 =	rddreg [dreg:$0x11]  }
0x142: {  	s11 =	rddreg [dreg:$0x10];
	s9 =	sadd.s32 $0x1, s10  }
0x143: {  	p0 =	sne.s32 s9, s11  }
.Ltmp2:
0x144: {  	_ = 	snop;
	(pc) =	sbr.rel @p0 .LBB2_1-.Ltmp2, $3  }
0x145: {  	_ =	sdelay $0x1  }
0x146: {  	[sflag:s13] =	ssyncset.done $0x0  }
0x147: {  	[sflag:s13] =	ssyncadd.s32 $0xFFFFEC00  }
0x148: {  	_ =	sfence.sel $0x180000  }
0x149: {  	[bflag:$0x0] =	sbarrier.arrive $0xFFFF  }
0x14a: {  	_ =	strace $0x9000004D  }
0x14b: {  	s0 =	stileid.u32;
	[bflag:$0x2] =	sbarrier.arrive $0xFFFF  }
0x14c: {  	p0 =	sne.s32 s0, $0x0;
	s0 =	rddreg [dreg:$0x3]  }
0x14d: {  	s0 =	sadd.s32 @!p0 $0x100000, s0  }
0x14e: {  	[sflag:s0] =	ssyncadd.tile.s32 @!p0 $0x1;
	_ =	shalt  }
.Lfunc_end2:
_tile_overlayer_lowered:
.L_overlay_start_2:
0x14f: {  	(tag) =	ssettag $0x2  }
0x150: {  	s0 =	rddreg [dreg:$0x0];
	s2 =	stileid.u32  }
0x151: {  	s1 =	rddreg [dreg:$0x1];
	p0 =	sne.s32 s2, $0x0  }
0x152: {  	s3 =	rddreg [dreg:$0x2];
	[bflag:$0x3] =	sbarrier.arrive $0xFFFF;
	s2 =	simm.s32 @!p0 $0x1C05  }
0x153: {  	[timem:s3], [sflag:s2] =	dma.local @!p0 [hbm:s0], s1  }
0x154: {  	s0 =	simm.s32 @!p0 $0x5  }
0x155: {  	_ =	swait.ge @!p0 [sflag:s0], s1  }
0x156: {  	s1 =	ssub.s32 @!p0 $0x0, s1;
	[sflag:s0] =	ssyncset.done @!p0 $0x0  }
0x157: {  	[sflag:s0] =	ssyncadd.s32 @!p0 s1  }
0x158: {  	[bflag:$0x3] =	sbarrier.arrive $0xFFFF  }
0x159: {  	_ =	shalt  }

// kernel: kernel.20.cloned.1.call-start
scs
__scs_entry_jumppad:
0x0: {  	(pc) =	sbr.rel $0x88, $3  }
0x1: {  	(tag) =	ssettag $0x0;
	lr =	simm.s32 $0x1  }
0x2: {  	[smem:$0x3F95] =	sst lr;
	_ =	strace $0xD0000000  }
0x3: {  	_ = 	snop  }
0x4: {  	_ = 	snop  }
0x5: {  	_ = 	snop  }
0x6: {  	_ = 	snop  }
0x7: {  	_ = 	snop  }
__scs_overlays_trampoline_lowered:
0x8: {  	[smem:$0x3FA4] =	sst s0  }
0x9: {  	[smem:$0x3FA5] =	sst s1  }
0xa: {  	[smem:$0x3FA6] =	sst s2  }
0xb: {  	[smem:$0x3FA7] =	sst s3  }
0xc: {  	[smem:$0x3FA8] =	sst s4  }
0xd: {  	[smem:$0x3FA9] =	sst s5  }
0xe: {  	[smem:$0x3FAA] =	sst s6  }
0xf: {  	[smem:$0x3FAB] =	sst s7  }
0x10: {  	[smem:$0x3FAC] =	sst s8  }
0x11: {  	[smem:$0x3FAD] =	sst s9;
	s0 =	simm.s32 @!p0 $0x0  }
0x12: {  	s1 =	sld [smem:$0x3F93];
	s0 =	simm.s32 @p0 $0x1  }
0x13: {  	[smem:$0x3FAE] =	sst s0;
	s0 =	simm.s32 @!p1 $0x0  }
0x14: {  	s2 =	sld [smem:$0x3F92];
	s0 =	simm.s32 @p1 $0x1  }
0x15: {  	[smem:$0x3FAF] =	sst s0;
	s0 =	simm.s32 @!p2 $0x0  }
0x16: {  	s3 =	sld [smem:$0x3FDB];
	s0 =	simm.s32 @p2 $0x1  }
0x17: {  	s4 =	simm.s32 $0x1BF5;
	[smem:$0x3FB1] =	sst s0  }
0x18: {  	s0 =	sld [smem:$0x3F94];
	_ =	swait.ge [sflag:s4], $0x0  }
0x19: {  	s7 =	sld [smem:$0x3F95]  }
0x1a: {  	s8 =	sadd.s32 $0xFFFFE003, lr  }
0x1b: {  	s9 =	sadd.s32 $0xFFFFFEF7, lr;
	s5 =	simm.s32 $0xFFFFFFFF;
	p2 =	slt.u32 s8, $0xFFFFF086  }
0x1c: {  	p1 =	slt.u32 s9, $0xF7A;
	s5 =	simm.s32 @!p2 $0x0  }
0x1d: {  	s5 =	simm.s32 @p1 $0x1;
	p0 =	seq.s32 s7, s2  }
0x1e: {  	s7 =	smul.u32 @!p0 $0xF7A, s2;
	p2 =	seq.s32 @!p0 s5, $0x0  }
0x1f: {  	s9 =	smul.u32 $0xF7A, s1;
	s8 =	simm.s32 @!p0 $0x1BF5;
	p2 =	por !p2, p0  }
0x20: {  	[sflag:s8] =	ssyncset.s32 @!p0 $0xFFFFF086;
	s6 =	sadd.s32 @!p0 s3, s7;
	s7 =	simm.s32 @!p0 $0x108  }
0x21: {  	s3 =	sadd.s32 s3, s9;
	s6 =	sadd.s32 @!p0 $0x88, s6;
	s7 =	simm.s32 @p2 $0x1082  }
0x22: {  	[simem:s7], [sflag:s8] =	dma.local @!p0 [hbm:s6], $0xF7A  }
0x23: {  	s9 =	sor.u32 $0xD0000000, s2;
	s6 =	simm.s32 $0x108;
	_ =	swait.ge @!p0 [sflag:s8], $0x0  }
0x24: {  	s3 =	sadd.s32 $0x88, s3;
	s6 =	simm.s32 @!p1 $0x1082;
	[sflag:s4] =	ssyncset.s32 $0xFFFFF086  }
0x25: {  	[simem:s6], [sflag:s4] =	dma.local [hbm:s3], $0xF7A  }
0x26: {  	[smem:$0x3F95] =	sst s1;
	(tag) =	ssettag s2;
	_ =	strace s9  }
0x27: {  	s1 =	sld [smem:$0x3FA5]  }
0x28: {  	s2 =	sld [smem:$0x3FA6]  }
0x29: {  	s4 =	sld [smem:$0x3FA8]  }
0x2a: {  	p0 =	seq.s32 s5, $0x0;
	s5 =	sld [smem:$0x3FA9]  }
0x2b: {  	s6 =	sld [smem:$0x3FAA]  }
0x2c: {  	s7 =	sld [smem:$0x3FAB]  }
0x2d: {  	s3 =	simm.s32 $0x108;
	s8 =	sld [smem:$0x3FAC]  }
0x2e: {  	s3 =	simm.s32 @!p0 $0x1082;
	s9 =	sld [smem:$0x3FAD]  }
0x2f: {  	lr =	sadd.s32 s0, s3;
	s0 =	sld [smem:$0x3FA4]  }
0x30: {  	s3 =	sld [smem:$0x3FA7]  }
0x31: {  	[smem:$0x3FB0] =	sst s10  }
0x32: {  	s10 =	sld [smem:$0x3FAE];
	_ =	sdelay $0x3  }
0x33: {  	p0 =	seq.s32 s10, $0x1;
	s10 =	sld [smem:$0x3FB0];
	_ =	sdelay $0x3  }
0x34: {  	[smem:$0x3FB0] =	sst s10  }
0x35: {  	s10 =	sld [smem:$0x3FAF];
	_ =	sdelay $0x3  }
0x36: {  	p1 =	seq.s32 s10, $0x1;
	s10 =	sld [smem:$0x3FB0];
	_ =	sdelay $0x3  }
0x37: {  	[smem:$0x3FB0] =	sst s10  }
0x38: {  	s10 =	sld [smem:$0x3FB1]  }
0x39: {  	_ = 	snop;
	(pc) =	sbr.ind lr, $3  }
0x3a: {  	_ = 	snop  }
0x3b: {  	_ = 	snop  }
0x3c: {  	p2 =	seq.s32 s10, $0x1;
	s10 =	sld [smem:$0x3FB0]  }
0x3d: {  	_ =	shalt  }
0x3e: {  	_ =	shalt  }
0x3f: {  	_ =	shalt  }
0x40: {  	_ =	shalt  }
0x41: {  	_ =	shalt  }
0x42: {  	_ =	shalt  }
0x43: {  	_ =	shalt  }
0x44: {  	_ =	shalt  }
0x45: {  	_ =	shalt  }
0x46: {  	_ =	shalt  }
0x47: {  	_ =	shalt  }
0x48: {  	_ =	shalt  }
0x49: {  	_ =	shalt  }
0x4a: {  	_ =	shalt  }
0x4b: {  	_ =	shalt  }
0x4c: {  	_ =	shalt  }
0x4d: {  	_ =	shalt  }
0x4e: {  	_ =	shalt  }
0x4f: {  	_ =	shalt  }
0x50: {  	_ =	shalt  }
0x51: {  	_ =	shalt  }
0x52: {  	_ =	shalt  }
0x53: {  	_ =	shalt  }
0x54: {  	_ =	shalt  }
0x55: {  	_ =	shalt  }
0x56: {  	_ =	shalt  }
0x57: {  	_ =	shalt  }
0x58: {  	_ =	shalt  }
0x59: {  	_ =	shalt  }
0x5a: {  	_ =	shalt  }
0x5b: {  	_ =	shalt  }
0x5c: {  	_ =	shalt  }
0x5d: {  	_ =	shalt  }
0x5e: {  	_ =	shalt  }
0x5f: {  	_ =	shalt  }
0x60: {  	_ =	shalt  }
0x61: {  	_ =	shalt  }
0x62: {  	_ =	shalt  }
0x63: {  	_ =	shalt  }
0x64: {  	_ =	shalt  }
0x65: {  	_ =	shalt  }
0x66: {  	_ =	shalt  }
0x67: {  	_ =	shalt  }
0x68: {  	_ =	shalt  }
0x69: {  	_ =	shalt  }
0x6a: {  	_ =	shalt  }
0x6b: {  	_ =	shalt  }
0x6c: {  	_ =	shalt  }
0x6d: {  	_ =	shalt  }
0x6e: {  	_ =	shalt  }
0x6f: {  	_ =	shalt  }
0x70: {  	_ =	shalt  }
0x71: {  	_ =	shalt  }
0x72: {  	_ =	shalt  }
0x73: {  	_ =	shalt  }
0x74: {  	_ =	shalt  }
0x75: {  	_ =	shalt  }
0x76: {  	_ =	shalt  }
0x77: {  	_ =	shalt  }
0x78: {  	_ =	shalt  }
0x79: {  	_ =	shalt  }
0x7a: {  	_ =	shalt  }
0x7b: {  	_ =	shalt  }
0x7c: {  	_ =	shalt  }
0x7d: {  	_ =	shalt  }
0x7e: {  	_ =	shalt  }
0x7f: {  	_ =	shalt  }
0x80: {  	_ =	shalt  }
0x81: {  	_ =	shalt  }
0x82: {  	_ =	shalt  }
0x83: {  	_ =	shalt  }
0x84: {  	_ =	shalt  }
0x85: {  	_ =	shalt  }
0x86: {  	_ =	shalt  }
0x87: {  	_ =	shalt  }
.Lfunc_end0:
.L_simem_size_0:
called_computation.3_lowered:
.L_overlay_start_0:
0x88: {  	s2 =	sld [smem:$0x3FD9]  }
0x89: {  	s3 =	sld [smem:$0x3FFE];
	_ =	sdelay $0x1  }
0x8a: {  	s1 =	srdreg.scid  }
0x8b: {  	s0 =	sand.u32 $0x1, s1  }
0x8c: {  	s17 =	sshll.u32 s0, $0xA;
	s2 =	sadd.s32 s3, s2  }
0x8d: {  	s2 =	sadd.s32 s2, s17  }
0x8e: {  	[smem:$0x3FBC] =	sst s2  }
0x8f: {  	_ = 	snop  }
0x90: {  	s2 =	sld [smem:$0x3FD0];
	(tm) =	ssettm $0x1  }
0x91: {  	s18 =	sld [smem:$0x3FFB];
	_ =	sdelay $0x3  }
0x92: {  	_ =	strace s18  }
0x93: {  	s3 =	sld [smem:$0x3FFC];
	_ =	sdelay $0x3  }
0x94: {  	_ =	strace s3  }
0x95: {  	s3 =	sld [smem:$0x3FFD];
	_ =	sdelay $0x3  }
0x96: {  	_ =	strace s3  }
0x97: {  	_ =	strace $0x8FFFFFFF  }
0x98: {  	s19 =	sld [smem:$0x3FDB];
	_ =	sdelay $0x1  }
0x99: {  	s4 =	simm.s32 $_scs_section_size  }
0x9a: {  	s5 =	simm.s32 $_size__tile_overlayer_lowered;
	s6 =	simm.s32 $_tile_overlayer_lowered  }
0x9b: {  	s22 =	simm.s32 $0x1BFF;
	s21 =	sshll.u32 s6, $0x1;
	s3 =	sadd.s32 s4, s19  }
0x9c: {  	s7 =	simm.s32 $0x0;
	s20 =	sshll.u32 s5, $0x1;
	s5 =	sadd.s32 s21, s3  }
0x9d: {  	[timem:s7], [sflag:s22] =	dma.local [hbm:s5], s20  }
0x9e: {  	_ =	swait.ge [sflag:s22], s20  }
0x9f: {  	s4 =	ssub.s32 $0x0, s20;
	[sflag:s22] =	ssyncset.done $0x0  }
0xa0: {  	[sflag:s22] =	ssyncadd.s32 s4;
	_ =	sdelay $0x1  }
0xa1: {  	s23 =	simm.s32 $0x1B8B  }
0xa2: {  	_ =	swait.ge [sflag:s23], $0x1  }
0xa3: {  	[sflag:s23] =	ssyncset.done $0x0  }
0xa4: {  	s25 =	simm.s32 $0x1B8E;
	s24 =	sld [smem:$0x3FFE];
	[sflag:s23] =	ssyncadd.s32 $0xFFFFFFFF  }
0xa5: {  	s26 =	simm.s32 $execute0_lowered;
	[smem:$0x3FD2] =	sst s25  }
0xa6: {  	s5 =	sshll.u32 s26, $0x1;
	_ =	strace $0x8000004F;
	[dreg:$0x1] =	wrdreg $0xFFFFFFFF  }
0xa7: {  	s28 =	simm.s32 $_size_execute0_lowered;
	s3 =	sadd.s32 s3, s5;
	[dreg:$0x0] =	wrdreg $0x0  }
0xa8: {  	s5 =	sshll.u32 s28, $0x1;
	[dreg:$0x2] =	wrdreg s3  }
0xa9: {  	[dreg:$0x3] =	wrdreg s5  }
0xaa: {  	[dreg:$0x4] =	wrdreg $0xC0  }
0xab: {  	_ =	task [dreg:s7], $0x5FFFF  }
0xac: {  	[dreg:$0x1] =	wrdreg $0xFFFFFFFF  }
0xad: {  	[dreg:$0x0] =	wrdreg $0x60  }
0xae: {  	[dreg:$0x2] =	wrdreg s24  }
0xaf: {  	[dreg:$0x3] =	wrdreg s2  }
0xb0: {  	[dreg:$0x4] =	wrdreg $0x9  }
0xb1: {  	_ =	task.clear_ibuf [dreg:s7], $0x5FFFF;
	_ =	strace $0x9000004F  }
0xb2: {  	s29 =	simm.s32 $0x9;
	_ =	strace $0x80000051  }
0xb3: {  	_ =	swait.ge [sflag:s29], $0x1  }
0xb4: {  	[sflag:s29] =	ssyncadd.s32 $0xFFFFFFFF  }
0xb5: {  	_ =	strace $0x90000051  }
0xb6: {  	_ =	sfence  }
0xb7: {  	s30 =	sld [smem:$0x0];
	_ =	sdelay $0x2  }
0xb8: {  	s31 =	sshll.u32 s1, $0xD;
	s1 =	sshrl.u32 s1, $0x2  }
0xb9: {  	s3 =	sand.u32 $0x4000, s31;
	s1 =	sadd.s32 s1, s30  }
0xba: {  	s0 =	sor.u32 s3, s0;
	s1 =	sshll.u32 s1, $0x11  }
0xbb: {  	s0 =	sor.u32 s1, s0  }
0xbc: {  	s0 =	sadd.s32 $0x8F2B, s0  }
0xbd: {  	[sflag:s0] =	ssyncadd.remote.s32 $0x1  }
0xbe: {  	_ =	sfence.sel $0xFFFF  }
0xbf: {  	[dreg:$0x0] =	wrdreg $0xFFFFFFFF;
	(pc) =	sbr.abs _section_cstart, $3  }
0xc0: {  	[dreg:$0x1] =	wrdreg $0xFFFFFFFF  }
0xc1: {  	_ =	task.clear_ibuf [dreg:s7], $0x2FFFF;
	_ =	strace $0x9FFFFFFF  }
0xc2: {  	(tm) =	ssettm $0x7FFFFFFF  }
0xc3: {  	_ =	shalt  }
tec
execute0_lowered:
.L_overlay_start_1:
0x0: {  	(tag) =	ssettag $0x1  }
0x1: {  	s0 =	rddreg [dreg:$0x0];
	s1 =	srdreg.scid  }
0x2: {  	s3 =	stileid.u32;
	s2 =	rddreg [dreg:$0x1]  }
0x3: {  	s13 =	simm.s32 $0x4;
	s14 =	simm.s32 $0xC80;
	s15 =	simm.s32 $0x80  }
0x4: {  	s16 =	simm.s32 $0x1900;
	s17 =	simm.s32 $0xB900;
	s18 =	simm.s32 $0x3900  }
0x5: {  	s20 =	simm.s32 $0xD900;
	s22 =	simm.s32 $0x5900;
	s24 =	simm.s32 $0xF900  }
0x6: {  	s26 =	simm.s32 $0x7900;
	s29 =	simm.s32 $0x11900;
	s31 =	simm.s32 $0x9900  }
0x7: {  	s19 =	simm.s32 $0x1;
	s21 =	simm.s32 $0x2;
	s23 =	simm.s32 $0x3  }
0x8: {  	s25 =	simm.s32 $0x0;
	s1 =	sand.u32 $0x1, s1;
	s4 =	sshll.u32 s3, $0x1  }
0x9: {  	s3 =	simm.s32 $0x0;
	s8 =	sadd.s32 $0xA9800, s0;
	s5 =	sor.u32 s1, s4  }
0xa: {  	s9 =	sadd.s32 $0xA9C00, s0;
	s10 =	sadd.s32 $0xAA000, s0;
	s4 =	smul.u32 $0x190, s5  }
.Ltmp0:
0xb: {  	[smem:$0x7FF] =	sst s3;
	s1 =	ssub.s32 $0x2, s1;
	(pc) =	sbr.rel .LBB2_1-.Ltmp0, $4  }
0xc: {  	s11 =	sadd.s32 $0xAA400, s0;
	_ =	strace $0x80000050;
	s6 =	sshrl.u32 s1, $0x1  }
0xd: {  	s5 =	smul.u32 $0x19, s5;
	s1 =	ssub.s32 s1, s6;
	s7 =	sadd.s32 s4, s0  }
0xe: {  	s4 =	sadd.s32 $0xA9400, s0;
	s12 =	smax.u32 s1, $0x1;
	s30 =	sadd.s32 $0xA6200, s7  }
0xf: {  	s0 =	simm.s32 $0x13900;
	s7 =	sadd.s32 $0xA3000, s7;
	[dreg:$0x3] =	wrdreg s30  }
.LBB2_6:
0x10: {  	s25 =	sadd.s32 $0x1, s25  }
0x11: {  	p0 =	sne.s32 s25, s12  }
.Ltmp1:
0x12: {  	_ = 	snop;
	(pc) =	sbr.rel @!p0 .LBB2_7-.Ltmp1, $1  }
0x13: {  	_ =	sdelay $0x3  }
.LBB2_1:
0x14: {  	s1 =	rddreg [dreg:$0x3]  }
0x15: {  	[tilespmem:s3], [sflag:$0x4] =	stream.linear.gather [hbm4b:s1+s3], $0xC80, $0x38;
	[tilespmem:$0x15900] =	vst v63  }
0x16: {  	_ =	swait.ge [sflag:s13], $0xC80  }
0x17: {  	[sflag:s13] =	ssyncset.done $0x0  }
0x18: {  	[sflag:s13] =	ssyncadd.s32 $0xFFFFF380  }
0x19: {  	[tilespmem:s14], [sflag:$0x4] =	stream.linear.gather [hbm4b:s7+s3], $0xC80, $0x38;
	[tilespmem:$0x15900] =	vst v63  }
0x1a: {  	_ =	swait.ge [sflag:s13], $0xC80  }
0x1b: {  	[sflag:s13] =	ssyncset.done $0x0  }
0x1c: {  	[sflag:s13] =	ssyncadd.s32 $0xFFFFF380  }
0x1d: {  	[tilespmem:s16], [sflag:$0x1] =	stream.indirect.gather [hbm4b:s2+s15], $0x40, s3, s15, $0xb8;
	[tilespmem:$0x15900] =	vst v63  }
0x1e: {  	_ = 	snop  }
0x1f: {  	[tilespmem:s17], [sflag:$0x2] =	stream.indirect.gather [hbm4b:s2+s15], $0x40, s14, s15, $0xb8;
	[tilespmem:$0x15900] =	vst v63  }
0x20: {  	_ = 	snop  }
0x21: {  	[tilespmem:s18], [sflag:$0x1] =	stream.indirect.gather [hbm4b:s2+s15], $0x40, s15, s15, $0xb8;
	[tilespmem:$0x15900] =	vst v63  }
0x22: {  	s30 =	simm.s32 $0xD00  }
0x23: {  	[tilespmem:s20], [sflag:$0x2] =	stream.indirect.gather [hbm4b:s2+s15], $0x40, s30, s15, $0xb8;
	[tilespmem:$0x15900] =	vst v63  }
0x24: {  	s6 =	simm.s32 $0x100  }
0x25: {  	[tilespmem:s22], [sflag:$0x1] =	stream.indirect.gather [hbm4b:s2+s15], $0x40, s6, s15, $0xb8;
	[tilespmem:$0x15900] =	vst v63  }
0x26: {  	s30 =	simm.s32 $0xD80  }
0x27: {  	[tilespmem:s24], [sflag:$0x2] =	stream.indirect.gather [hbm4b:s2+s15], $0x40, s30, s15, $0xb8;
	[tilespmem:$0x15900] =	vst v63  }
0x28: {  	s6 =	simm.s32 $0x180  }
0x29: {  	[tilespmem:s26], [sflag:$0x1] =	stream.indirect.gather [hbm4b:s2+s15], $0x40, s6, s15, $0xb8;
	[tilespmem:$0x15900] =	vst v63  }
0x2a: {  	s30 =	simm.s32 $0xE00  }
0x2b: {  	[tilespmem:s29], [sflag:$0x2] =	stream.indirect.gather [hbm4b:s2+s15], $0x40, s30, s15, $0xb8;
	[tilespmem:$0x15900] =	vst v63  }
0x2c: {  	s6 =	simm.s32 $0x200  }
0x2d: {  	[tilespmem:s31], [sflag:$0x1] =	stream.indirect.gather [hbm4b:s2+s15], $0x40, s6, s15, $0xb8;
	[tilespmem:$0x15900] =	vst v63  }
0x2e: {  	s28 =	simm.s32 $0x0;
	s30 =	simm.s32 $0xE80  }
0x2f: {  	[tilespmem:s0], [sflag:$0x2] =	stream.indirect.gather [hbm4b:s2+s15], $0x40, s30, s15, $0xb8;
	[tilespmem:$0x15900] =	vst v63  }
.LBB2_2:
0x30: {  	_ =	swait.ge [sflag:s19], $0x2000  }
0x31: {  	[sflag:s19] =	ssyncset.done $0x0  }
0x32: {  	[sflag:s19] =	ssyncadd.s32 $0xFFFFE000  }
0x33: {  	_ =	swait.ge [sflag:s21], $0x2000  }
0x34: {  	[sflag:s21] =	ssyncset.done $0x0  }
0x35: {  	[sflag:s21] =	ssyncadd.s32 $0xFFFFE000  }
0x36: {  	_ =	swait.ge [sflag:s19], $0x2000  }
0x37: {  	[sflag:s19] =	ssyncset.done $0x0  }
0x38: {  	[sflag:s19] =	ssyncadd.s32 $0xFFFFE000  }
0x39: {  	_ =	swait.ge [sflag:s21], $0x2000  }
0x3a: {  	[sflag:s21] =	ssyncset.done $0x0  }
0x3b: {  	[sflag:s21] =	ssyncadd.s32 $0xFFFFE000  }
0x3c: {  	_ =	swait.ge [sflag:s19], $0x2000  }
0x3d: {  	[sflag:s19] =	ssyncset.done $0x0  }
0x3e: {  	[sflag:s19] =	ssyncadd.s32 $0xFFFFE000  }
0x3f: {  	_ =	swait.ge [sflag:s21], $0x2000  }
0x40: {  	[sflag:s21] =	ssyncset.done $0x0  }
0x41: {  	[sflag:s21] =	ssyncadd.s32 $0xFFFFE000  }
0x42: {  	_ =	swait.ge [sflag:s19], $0x2000  }
0x43: {  	[sflag:s19] =	ssyncset.done $0x0  }
0x44: {  	[sflag:s19] =	ssyncadd.s32 $0xFFFFE000  }
0x45: {  	_ =	swait.ge [sflag:s21], $0x2000  }
0x46: {  	[sflag:s21] =	ssyncset.done $0x0  }
0x47: {  	[sflag:s21] =	ssyncadd.s32 $0xFFFFE000  }
0x48: {  	_ =	swait.ge [sflag:s19], $0x2000  }
0x49: {  	[sflag:s19] =	ssyncset.done $0x0  }
0x4a: {  	[sflag:s19] =	ssyncadd.s32 $0xFFFFE000  }
0x4b: {  	_ =	swait.ge [sflag:s21], $0x2000  }
0x4c: {  	[sflag:s21] =	ssyncset.done $0x0  }
0x4d: {  	s30 =	simm.s32 $0x0;
	[sflag:s21] =	ssyncadd.s32 $0xFFFFE000  }
0x4e: {  	v6 =	vld [tilespmem:s30+$0xB900]  }
0x4f: {  	v7 =	vld [tilespmem:s30+$0xB910]  }
0x50: {  	v8 =	vld [tilespmem:s30+$0xB920]  }
0x51: {  	v9 =	vld [tilespmem:s30+$0xB930]  }
0x52: {  	v10 =	vld [tilespmem:s30+$0xD900]  }
0x53: {  	v11 =	vld [tilespmem:s30+$0xD910]  }
0x54: {  	v12 =	vld [tilespmem:s30+$0xD920]  }
0x55: {  	v13 =	vld [tilespmem:s30+$0xD930]  }
0x56: {  	v14 =	vld [tilespmem:s30+$0xF900]  }
0x57: {  	v15 =	vld [tilespmem:s30+$0xF910]  }
0x58: {  	v16 =	vld [tilespmem:s30+$0xF920]  }
0x59: {  	v17 =	vld [tilespmem:s30+$0xF930]  }
0x5a: {  	v18 =	vld [tilespmem:s30+$0x11900]  }
0x5b: {  	v19 =	vld [tilespmem:s30+$0x11910]  }
0x5c: {  	v5 =	vld [tilespmem:s30+$0x11920]  }
0x5d: {  	v4 =	vld [tilespmem:s30+$0x11930]  }
0x5e: {  	v3 =	vld [tilespmem:s30+$0x13900]  }
0x5f: {  	v2 =	vld [tilespmem:s30+$0x13910]  }
0x60: {  	v1 =	vld [tilespmem:s30+$0x13920]  }
0x61: {  	v0 =	vld [tilespmem:s30+$0x13930]  }
0x62: {  	v20 =	vld [tilespmem:s30+$0x1900]  }
0x63: {  	v21 =	vld [tilespmem:s30+$0x1910]  }
0x64: {  	v22 =	vld [tilespmem:s30+$0x1920]  }
0x65: {  	v23 =	vld [tilespmem:s30+$0x1930]  }
0x66: {  	v24 =	vld [tilespmem:s30+$0x3900]  }
0x67: {  	v63 =	vld [tilespmem:s30+$0x3910];
	v6 =	vmul.f32 v6, v20  }
0x68: {  	v25 =	vld [tilespmem:s30+$0x3920];
	v7 =	vmul.f32 v7, v21  }
0x69: {  	v8 =	vmul.f32 v8, v22;
	[tilespmem:s30+$0x1900] =	vst v6;
	v6 =	vld [tilespmem:s30+$0x3930]  }
0x6a: {  	v9 =	vmul.f32 v9, v23;
	[tilespmem:s30+$0x1910] =	vst v7;
	v7 =	vld [tilespmem:s30+$0x5900]  }
0x6b: {  	v10 =	vmul.f32 v10, v24;
	[tilespmem:s30+$0x1920] =	vst v8;
	v8 =	vld [tilespmem:s30+$0x5910]  }
0x6c: {  	v11 =	vmul.f32 v11, v63;
	[tilespmem:s30+$0x1930] =	vst v9;
	v9 =	vld [tilespmem:s30+$0x5920]  }
0x6d: {  	v12 =	vmul.f32 v12, v25;
	[tilespmem:s30+$0x3900] =	vst v10;
	v10 =	vld [tilespmem:s30+$0x5930]  }
0x6e: {  	[tilespmem:s30+$0x3910] =	vst v11;
	v11 =	vld [tilespmem:s30+$0x7900];
	v6 =	vmul.f32 v13, v6  }
0x6f: {  	[tilespmem:s30+$0x3920] =	vst v12;
	v13 =	vld [tilespmem:s30+$0x7910];
	v12 =	vmul.f32 v14, v7  }
0x70: {  	v7 =	vld [tilespmem:s30+$0x7920];
	v8 =	vmul.f32 v15, v8;
	[tilespmem:s30+$0x3930] =	vst v6  }
0x71: {  	v9 =	vmul.f32 v16, v9;
	[tilespmem:s30+$0x5900] =	vst v12;
	v6 =	vld [tilespmem:s30+$0x7930]  }
0x72: {  	v10 =	vmul.f32 v17, v10;
	[tilespmem:s30+$0x5910] =	vst v8;
	v8 =	vld [tilespmem:s30+$0x9900]  }
0x73: {  	[tilespmem:s30+$0x5920] =	vst v9;
	v9 =	vld [tilespmem:s30+$0x9910];
	v12 =	vmul.f32 v18, v11  }
0x74: {  	s1 =	simm.s32 $0x100;
	[tilespmem:s30+$0x5930] =	vst v10;
	v10 =	vld [tilespmem:s30+$0x9920];
	v11 =	vmul.f32 v19, v13  }
.LBB2_3:
0x75: {  	s6 =	sshra.s32 s1, $0x2;
	p0 =	sne.s32 s1, $0x7F00;
	[tilespmem:s30+$0x7900] =	vst v12;
	v5 =	vmul.f32 v5, v7;
	v7 =	vld [tilespmem:s30+$0x9930]  }
0x76: {  	v12 =	vld [tilespmem:s6+$0xB900];
	[tilespmem:s30+$0x7910] =	vst v11;
	v4 =	vmul.f32 v4, v6  }
0x77: {  	v6 =	vld [tilespmem:s6+$0xB910];
	[tilespmem:s30+$0x7920] =	vst v5;
	v3 =	vmul.f32 v3, v8  }
0x78: {  	v8 =	vld [tilespmem:s6+$0xB920];
	[tilespmem:s30+$0x7930] =	vst v4;
	v2 =	vmul.f32 v2, v9  }
0x79: {  	v9 =	vld [tilespmem:s6+$0xB930];
	[tilespmem:s30+$0x9900] =	vst v3;
	v1 =	vmul.f32 v1, v10  }
0x7a: {  	v10 =	vld [tilespmem:s6+$0xD900];
	[tilespmem:s30+$0x9910] =	vst v2;
	v0 =	vmul.f32 v0, v7  }
0x7b: {  	v7 =	vld [tilespmem:s6+$0xD910];
	[tilespmem:s30+$0x9920] =	vst v1  }
0x7c: {  	v11 =	vld [tilespmem:s6+$0xD920];
	[tilespmem:s30+$0x9930] =	vst v0;
	s30 =	smov.u32 s6  }
0x7d: {  	v13 =	vld [tilespmem:s30+$0xD930]  }
0x7e: {  	v14 =	vld [tilespmem:s30+$0xF900]  }
0x7f: {  	v15 =	vld [tilespmem:s30+$0xF910]  }
0x80: {  	v16 =	vld [tilespmem:s30+$0xF920]  }
0x81: {  	v17 =	vld [tilespmem:s30+$0xF930]  }
0x82: {  	v18 =	vld [tilespmem:s30+$0x11900]  }
0x83: {  	v19 =	vld [tilespmem:s30+$0x11910]  }
0x84: {  	v5 =	vld [tilespmem:s30+$0x11920]  }
0x85: {  	v4 =	vld [tilespmem:s30+$0x11930]  }
0x86: {  	v3 =	vld [tilespmem:s30+$0x13900]  }
0x87: {  	v2 =	vld [tilespmem:s30+$0x13910]  }
0x88: {  	v1 =	vld [tilespmem:s30+$0x13920]  }
0x89: {  	v0 =	vld [tilespmem:s30+$0x13930]  }
0x8a: {  	v20 =	vld [tilespmem:s30+$0x1900]  }
0x8b: {  	v21 =	vld [tilespmem:s30+$0x1910]  }
0x8c: {  	v22 =	vld [tilespmem:s30+$0x1920]  }
0x8d: {  	v23 =	vld [tilespmem:s30+$0x1930]  }
0x8e: {  	v24 =	vld [tilespmem:s30+$0x3900]  }
0x8f: {  	v12 =	vmul.f32 v12, v20;
	v20 =	vld [tilespmem:s30+$0x3910]  }
0x90: {  	v6 =	vmul.f32 v6, v21;
	v21 =	vld [tilespmem:s30+$0x3920]  }
0x91: {  	[tilespmem:s30+$0x1900] =	vst v12;
	v8 =	vmul.f32 v8, v22;
	v12 =	vld [tilespmem:s30+$0x3930]  }
0x92: {  	[tilespmem:s30+$0x1910] =	vst v6;
	v6 =	vmul.f32 v9, v23;
	v9 =	vld [tilespmem:s30+$0x5900]  }
0x93: {  	[tilespmem:s30+$0x1920] =	vst v8;
	v8 =	vmul.f32 v10, v24;
	v10 =	vld [tilespmem:s30+$0x5910]  }
0x94: {  	[tilespmem:s30+$0x1930] =	vst v6;
	v6 =	vmul.f32 v7, v20;
	v20 =	vld [tilespmem:s30+$0x5920]  }
0x95: {  	[tilespmem:s30+$0x3900] =	vst v8;
	v7 =	vmul.f32 v11, v21;
	v8 =	vld [tilespmem:s30+$0x5930]  }
0x96: {  	[tilespmem:s30+$0x3910] =	vst v6;
	v6 =	vmul.f32 v13, v12;
	v11 =	vld [tilespmem:s30+$0x7900]  }
0x97: {  	[tilespmem:s30+$0x3920] =	vst v7;
	v9 =	vmul.f32 v14, v9;
	v13 =	vld [tilespmem:s30+$0x7910]  }
.Ltmp2:
0x98: {  	[tilespmem:s30+$0x3930] =	vst v6;
	v10 =	vmul.f32 v15, v10;
	v7 =	vld [tilespmem:s30+$0x7920];
	(pc) =	sbr.rel @p0 .LBB2_3-.Ltmp2, $4  }
0x99: {  	[tilespmem:s30+$0x5900] =	vst v9;
	v9 =	vmul.f32 v16, v20;
	v6 =	vld [tilespmem:s30+$0x7930]  }
0x9a: {  	[tilespmem:s30+$0x5910] =	vst v10;
	v10 =	vmul.f32 v17, v8;
	v8 =	vld [tilespmem:s30+$0x9900]  }
0x9b: {  	[tilespmem:s30+$0x5920] =	vst v9;
	v12 =	vmul.f32 v18, v11;
	v9 =	vld [tilespmem:s30+$0x9910]  }
0x9c: {  	s1 =	sadd.s32 $0x100, s1;
	[tilespmem:s30+$0x5930] =	vst v10;
	v11 =	vmul.f32 v19, v13;
	v10 =	vld [tilespmem:s30+$0x9920]  }
0x9d: {  	[tilespmem:s30+$0x7900] =	vst v12;
	v5 =	vmul.f32 v5, v7;
	v63 =	vld [tilespmem:s30+$0x9930]  }
0x9e: {  	[tilespmem:s30+$0x7910] =	vst v11;
	v4 =	vmul.f32 v4, v6  }
0x9f: {  	[tilespmem:s30+$0x7920] =	vst v5;
	v3 =	vmul.f32 v3, v8  }
0xa0: {  	s1 =	smul.u32 $0x5, s28;
	[tilespmem:s30+$0x7930] =	vst v4;
	v2 =	vmul.f32 v2, v9  }
0xa1: {  	[tilespmem:s30+$0x9900] =	vst v3;
	v1 =	vmul.f32 v1, v10  }
0xa2: {  	s1 =	sadd.s32 s5, s1;
	[tilespmem:s30+$0x9910] =	vst v2;
	v0 =	vmul.f32 v0, v63  }
0xa3: {  	s1 =	sshll.u32 s1, $0xA;
	[tilespmem:s30+$0x9920] =	vst v1  }
0xa4: {  	s6 =	sadd.s32 s4, s1;
	[tilespmem:s30+$0x9930] =	vst v0  }
0xa5: {  	[hbm4b:s6+s3] =	stream.linear.scatter [tilespmem:s16], [sflag:$0x3], $0x2000, $0x38;
	[tilespmem:$0x15900] =	vst v63  }
0xa6: {  	s30 =	sadd.s32 s1, s8  }
0xa7: {  	[hbm4b:s30+s3] =	stream.linear.scatter [tilespmem:s18], [sflag:$0x3], $0x2000, $0x38;
	[tilespmem:$0x15900] =	vst v63  }
0xa8: {  	s30 =	sadd.s32 s1, s9  }
0xa9: {  	[hbm4b:s30+s3] =	stream.linear.scatter [tilespmem:s22], [sflag:$0x3], $0x2000, $0x38;
	[tilespmem:$0x15900] =	vst v63  }
0xaa: {  	s30 =	sadd.s32 s1, s10  }
0xab: {  	[hbm4b:s30+s3] =	stream.linear.scatter [tilespmem:s26], [sflag:$0x3], $0x2000, $0x38;
	[tilespmem:$0x15900] =	vst v63  }
0xac: {  	s1 =	sadd.s32 s1, s11  }
0xad: {  	[hbm4b:s1+s3] =	stream.linear.scatter [tilespmem:s31], [sflag:$0x3], $0x2000, $0x38;
	[tilespmem:$0x15900] =	vst v63  }
0xae: {  	_ =	swait.ge [sflag:s23], $0x2000  }
0xaf: {  	[sflag:s23] =	ssyncset.done $0x0  }
0xb0: {  	[sflag:s23] =	ssyncadd.s32 $0xFFFFE000  }
0xb1: {  	_ =	swait.ge [sflag:s23], $0x2000  }
0xb2: {  	[sflag:s23] =	ssyncset.done $0x0  }
0xb3: {  	[sflag:s23] =	ssyncadd.s32 $0xFFFFE000  }
0xb4: {  	_ =	swait.ge [sflag:s23], $0x2000  }
0xb5: {  	[sflag:s23] =	ssyncset.done $0x0  }
0xb6: {  	[sflag:s23] =	ssyncadd.s32 $0xFFFFE000  }
0xb7: {  	p0 =	seq.s32 s28, $0x4;
	_ =	swait.ge [sflag:s23], $0x2000  }
.Ltmp3:
0xb8: {  	[sflag:s23] =	ssyncset.done $0x0;
	(pc) =	sbr.rel @p0 .LBB2_6-.Ltmp3, $4  }
0xb9: {  	[sflag:s23] =	ssyncadd.s32 $0xFFFFE000  }
0xba: {  	_ =	swait.ge [sflag:s23], $0x2000  }
0xbb: {  	[sflag:s23] =	ssyncset.done $0x0  }
0xbc: {  	[sflag:s23] =	ssyncadd.s32 $0xFFFFE000  }
0xbd: {  	s1 =	smul.u32 $0x280, s28;
	_ =	sdelay $0x1  }
0xbe: {  	s6 =	sadd.s32 $0x280, s1  }
0xbf: {  	[tilespmem:s16], [sflag:$0x1] =	stream.indirect.gather [hbm4b:s2+s15], $0x40, s6, s15, $0xb8;
	[tilespmem:$0x15900] =	vst v63  }
0xc0: {  	s30 =	sadd.s32 $0xF00, s1  }
0xc1: {  	[tilespmem:s17], [sflag:$0x2] =	stream.indirect.gather [hbm4b:s2+s15], $0x40, s30, s15, $0xb8;
	[tilespmem:$0x15900] =	vst v63  }
0xc2: {  	s30 =	sadd.s32 $0x300, s1  }
0xc3: {  	[tilespmem:s18], [sflag:$0x1] =	stream.indirect.gather [hbm4b:s2+s15], $0x40, s30, s15, $0xb8;
	[tilespmem:$0x15900] =	vst v63  }
0xc4: {  	s30 =	sadd.s32 $0xF80, s1  }
0xc5: {  	[tilespmem:s20], [sflag:$0x2] =	stream.indirect.gather [hbm4b:s2+s15], $0x40, s30, s15, $0xb8;
	[tilespmem:$0x15900] =	vst v63  }
0xc6: {  	s30 =	sadd.s32 $0x380, s1  }
0xc7: {  	[tilespmem:s22], [sflag:$0x1] =	stream.indirect.gather [hbm4b:s2+s15], $0x40, s30, s15, $0xb8;
	[tilespmem:$0x15900] =	vst v63  }
0xc8: {  	s30 =	sadd.s32 $0x1000, s1  }
0xc9: {  	[tilespmem:s24], [sflag:$0x2] =	stream.indirect.gather [hbm4b:s2+s15], $0x40, s30, s15, $0xb8;
	[tilespmem:$0x15900] =	vst v63  }
0xca: {  	s30 =	sadd.s32 $0x400, s1  }
0xcb: {  	[tilespmem:s26], [sflag:$0x1] =	stream.indirect.gather [hbm4b:s2+s15], $0x40, s30, s15, $0xb8;
	[tilespmem:$0x15900] =	vst v63  }
0xcc: {  	s30 =	sadd.s32 $0x1080, s1  }
0xcd: {  	[tilespmem:s29], [sflag:$0x2] =	stream.indirect.gather [hbm4b:s2+s15], $0x40, s30, s15, $0xb8;
	[tilespmem:$0x15900] =	vst v63  }
.Ltmp4:
0xce: {  	_ = 	snop;
	(pc) =	sbr.rel .LBB2_2-.Ltmp4, $4  }
0xcf: {  	s30 =	sadd.s32 $0x480, s1  }
0xd0: {  	[tilespmem:s31], [sflag:$0x1] =	stream.indirect.gather [hbm4b:s2+s15], $0x40, s30, s15, $0xb8;
	[tilespmem:$0x15900] =	vst v63  }
0xd1: {  	s28 =	sadd.s32 $0x1, s28;
	s1 =	sadd.s32 $0x1100, s1  }
0xd2: {  	[tilespmem:s0], [sflag:$0x2] =	stream.indirect.gather [hbm4b:s2+s15], $0x40, s1, s15, $0xb8;
	[tilespmem:$0x15900] =	vst v63  }
.LBB2_7:
0xd3: {  	_ =	sfence.sel $0x180000  }
0xd4: {  	[bflag:$0x0] =	sbarrier.arrive $0xFFFF  }
0xd5: {  	_ =	strace $0x90000050  }
0xd6: {  	s0 =	stileid.u32;
	[bflag:$0x2] =	sbarrier.arrive $0xFFFF  }
0xd7: {  	p0 =	sne.s32 s0, $0x0;
	s0 =	rddreg [dreg:$0x2]  }
0xd8: {  	s0 =	sadd.s32 @!p0 $0x100000, s0  }
0xd9: {  	[sflag:s0] =	ssyncadd.tile.s32 @!p0 $0x1;
	_ =	shalt  }
.Lfunc_end2:
_tile_overlayer_lowered:
.L_overlay_start_2:
0xda: {  	(tag) =	ssettag $0x2  }
0xdb: {  	s0 =	rddreg [dreg:$0x0];
	s2 =	stileid.u32  }
0xdc: {  	s1 =	rddreg [dreg:$0x1];
	p0 =	sne.s32 s2, $0x0  }
0xdd: {  	s3 =	rddreg [dreg:$0x2];
	[bflag:$0x3] =	sbarrier.arrive $0xFFFF;
	s2 =	simm.s32 @!p0 $0x1C04  }
0xde: {  	[timem:s3], [sflag:s2] =	dma.local @!p0 [hbm:s0], s1  }
0xdf: {  	s0 =	simm.s32 @!p0 $0x4  }
0xe0: {  	_ =	swait.ge @!p0 [sflag:s0], s1  }
0xe1: {  	s1 =	ssub.s32 @!p0 $0x0, s1;
	[sflag:s0] =	ssyncset.done @!p0 $0x0  }
0xe2: {  	[sflag:s0] =	ssyncadd.s32 @!p0 s1  }
0xe3: {  	[bflag:$0x3] =	sbarrier.arrive $0xFFFF  }
0xe4: {  	_ =	shalt  }

</sc_bundles>
